<compile_context>
chip_gen: v7x
topology: tpu7x:2x2x1
jax: 0.10.2.dev20260603
libtpu: 0.0.44.dev20260713+nightly
codegen_flags: <defaults>
</compile_context>

<pallas_src>
import jax
import jax.numpy as jnp
from jax import lax
from jax.experimental import pallas as pl
from jax.experimental.pallas import tpu as pltpu
from jax.experimental.pallas import tpu_sc as plsc

_D = 50
_DP = 56
_B = 4096
_S = 128
_NC = 2
_NS = 16
_NW = _NC * _NS
_N = _B * _S
_PER_W = _N // _NW
_GN = 512
_CPG = _GN // _S
_NG = _PER_W // _GN
_NB = _GN // 16


def _fire_gathers(table_hbm, idx_v, rows_v, gsem, g, buf):
    for i in range(_CPG):
        pltpu.async_copy(table_hbm.at[idx_v.at[g * _CPG + i]],
                         rows_v.at[buf, pl.ds(i * _S, _S)], gsem)


def _drain_gathers(table_hbm, idx_v, rows_v, gsem, buf):
    for i in range(_CPG):
        pltpu.make_async_copy(table_hbm.at[idx_v.at[0]],
                              rows_v.at[buf, pl.ds(i * _S, _S)], gsem).wait()


def _transpose(rows_v, outT_v, buf):
    iota = lax.iota(jnp.int32, 16)

    @plsc.parallel_loop(0, _NB, 1, unroll=4)
    def blk(n0):
        row_ids = n0 * 16 + iota
        for d0 in range(0, _D, 25):
            vals = [plsc.load_gather(rows_v.at[buf],
                                     [row_ids, jnp.full((16,), d, jnp.int32)])
                    for d in range(d0, d0 + 25)]
            for k, d in enumerate(range(d0, d0 + 25)):
                outT_v[buf, d, pl.ds(n0 * 16, 16)] = vals[k]


def _body(idx_hbm, table_hbm, out_hbm, idx_v, rows_v, outT_v, isem, gsem,
          wsem0, wsem1):
    wid = lax.axis_index("s") * _NC + lax.axis_index("c")
    wbase = wid * _PER_W
    wsems = (wsem0, wsem1)

    pltpu.async_copy(idx_hbm.at[pl.ds(wid * (_PER_W // _S), _PER_W // _S)],
                     idx_v, isem).wait()
    _fire_gathers(table_hbm, idx_v, rows_v, gsem, 0, 0)

    def pair(p, carry):
        for half in range(2):
            g = p * 2 + half
            _drain_gathers(table_hbm, idx_v, rows_v, gsem, half)
            if half == 0:
                _fire_gathers(table_hbm, idx_v, rows_v, gsem, g + 1, 1)
            else:
                @pl.when(p < _NG // 2 - 1)
                def _():
                    _fire_gathers(table_hbm, idx_v, rows_v, gsem, g + 1, 0)

            @pl.when(p > 0)
            def _():
                pltpu.make_async_copy(
                    outT_v.at[half], out_hbm.at[:, pl.ds(0, _GN)],
                    wsems[half]).wait()

            _transpose(rows_v, outT_v, half)
            pltpu.async_copy(outT_v.at[half],
                             out_hbm.at[:, pl.ds(wbase + g * _GN, _GN)],
                             wsems[half])
        return carry

    lax.fori_loop(0, _NG // 2, pair, 0)

    pltpu.make_async_copy(outT_v.at[0], out_hbm.at[:, pl.ds(0, _GN)],
                          wsems[0]).wait()
    pltpu.make_async_copy(outT_v.at[1], out_hbm.at[:, pl.ds(0, _GN)],
                          wsems[1]).wait()


@jax.jit
def _gather(idx, table):
    mesh = plsc.VectorSubcoreMesh(core_axis_name="c", subcore_axis_name="s")
    f = pl.kernel(
        _body,
        out_type=jax.ShapeDtypeStruct((_D, _N), jnp.float32),
        mesh=mesh,
        scratch_types=[
            pltpu.VMEM((_PER_W // _S, _S), jnp.int32),
            pltpu.VMEM((2, _GN, _DP), jnp.float32),
            pltpu.VMEM((2, _D, _GN), jnp.float32),
            pltpu.SemaphoreType.DMA,
            pltpu.SemaphoreType.DMA,
            pltpu.SemaphoreType.DMA,
            pltpu.SemaphoreType.DMA,
        ],
        compiler_params=pltpu.CompilerParams(use_tc_tiling_on_sc=False,
                                             needs_layout_passes=False),
    )
    return f(idx, table)


def kernel(input, table):
    idx = input.astype(jnp.int32)
    table_p = jnp.pad(table, ((0, 0), (0, _DP - _D)))
    out = _gather(idx, table_p)
    return jnp.transpose(out.reshape(_D, _B, _S), (1, 2, 0))

# --- scband reference (transcript-rebuilt; emitter-appended) ---
"""Pipeline reference for scband-mymodel-5257039970910 (READ-ONLY COPY).

The authoritative reference and input builder live on the scoring server;
editing this copy changes nothing except your own understanding.
"""

import jax, jax.numpy as jnp
import numpy as np

VOCAB_SIZE = 10000
EMBED_DIM = 50
BATCH = 4096
SEQ_LEN = 128


def setup_inputs(seed: int = 0) -> dict:
    key = jax.random.key(seed)
    k_idx, k_tab = jax.random.split(key)
    inp = jax.random.randint(k_idx, (BATCH, SEQ_LEN), 0, VOCAB_SIZE, dtype=jnp.int64 if jax.config.jax_enable_x64 else jnp.int32)
    table = jax.random.normal(k_tab, (VOCAB_SIZE, EMBED_DIM), dtype=jnp.float32) * 0.05
    return {"input": inp, "table": table}


def reference(input, table):
    # tf.keras.layers.Embedding: pure gather of rows from the embedding matrix
    return jnp.take(table, input, axis=0)

if __name__ == "__main__":
    import jax
    _d = setup_inputs()
    print(jax.jit(kernel)(*tuple(_d.values())))

</pallas_src>

<mosaic_0001>
#map = affine_map<(d0, d1) -> (0, 0)>
module attributes {stable_mosaic.version = 14 : i64} {
  func.func @_body(%arg0: i32, %arg1: i32, %arg2: memref<4096x128xi32, #tpu.memory_space<hbm>>, %arg3: memref<10000x56xf32, #tpu.memory_space<hbm>>, %arg4: memref<50x524288xf32, #tpu.memory_space<hbm>>, %arg5: memref<128x128xi32, #tpu.memory_space<vmem>>, %arg6: memref<2x512x56xf32, #tpu.memory_space<vmem>>, %arg7: memref<2x50x512xf32, #tpu.memory_space<vmem>>, %arg8: memref<!tpu.dma_semaphore, #tpu.memory_space<semaphore_mem>>, %arg9: memref<!tpu.dma_semaphore, #tpu.memory_space<semaphore_mem>>, %arg10: memref<!tpu.dma_semaphore, #tpu.memory_space<semaphore_mem>>, %arg11: memref<!tpu.dma_semaphore, #tpu.memory_space<semaphore_mem>>) attributes {dimension_semantics = [#tpu.dimension_semantics<core_parallel>, #tpu.dimension_semantics<subcore_parallel>], iteration_bounds = array<i64: 2, 16>, scalar_prefetch = 0 : i64, scratch_operands = 7 : i64, tpu.core_type = #tpu.core_type<sc_vector_subcore>, window_params = [{transform_indices = #map}, {transform_indices = #map}, {transform_indices = #map}]} {
    %mul3A = arith.constant 2 : i32
    %mul3A_0 = arith.muli %arg1, %mul3A : i32
    %add3A = arith.addi %mul3A_0, %arg0 : i32
    %mul3A_1 = arith.constant 16384 : i32
    %mul3A_2 = arith.muli %add3A, %mul3A_1 : i32
    %mul3A_3 = arith.constant 128 : i32
    %mul3A_4 = arith.muli %add3A, %mul3A_3 : i32
    %dma_start3A = arith.constant 0 : i32
    %dma_start3A_5 = tpu.memref_slice %arg2[%mul3A_4, %dma_start3A] : memref<4096x128xi32, #tpu.memory_space<hbm>> -> memref<128x128xi32, #tpu.memory_space<hbm>>
    %dma_start3A_6 = arith.constant 0 : i32
    %dma_start3A_7 = tpu.memref_slice %arg2[%mul3A_4, %dma_start3A_6] : memref<4096x128xi32, #tpu.memory_space<hbm>> -> memref<128x128xi32, #tpu.memory_space<hbm>>
    tpu.enqueue_dma source(%dma_start3A_7 : memref<128x128xi32, #tpu.memory_space<hbm>>) target(%arg5 : memref<128x128xi32, #tpu.memory_space<vmem>>) target_semaphore(%arg8 : memref<!tpu.dma_semaphore, #tpu.memory_space<semaphore_mem>>)
    %dma_wait3A = arith.constant 0 : i32
    %dma_wait3A_8 = tpu.memref_slice %arg2[%mul3A_4, %dma_wait3A] : memref<4096x128xi32, #tpu.memory_space<hbm>> -> memref<128x128xi32, #tpu.memory_space<hbm>>
    %dma_wait3A_9 = arith.constant 0 : i32
    %dma_wait3A_10 = tpu.memref_slice %arg2[%mul3A_4, %dma_wait3A_9] : memref<4096x128xi32, #tpu.memory_space<hbm>> -> memref<128x128xi32, #tpu.memory_space<hbm>>
    tpu.wait_dma2 semaphore(%arg8 : memref<!tpu.dma_semaphore, #tpu.memory_space<semaphore_mem>>) src(%dma_wait3A_10 : memref<128x128xi32, #tpu.memory_space<hbm>>) dst(%arg5 : memref<128x128xi32, #tpu.memory_space<vmem>>)
    %dma_start3A_11 = arith.constant 0 : i32
    %dma_start3A_12 = arith.constant 0 : i32
    %dma_start3A_13 = arith.constant 0 : i32
    %dma_start3A_14 = arith.constant 0 : i32
    %dma_start3A_15 = tpu.memref_slice %arg6[%dma_start3A_12, %dma_start3A_13, %dma_start3A_14] : memref<2x512x56xf32, #tpu.memory_space<vmem>> -> memref<1x128x56xf32, #tpu.memory_space<vmem>>
    %dma_start3A_16 = tpu.memref_squeeze %dma_start3A_15 : memref<1x128x56xf32, #tpu.memory_space<vmem>> -> memref<128x56xf32, #tpu.memory_space<vmem>>
    %dma_start3A_17 = arith.constant 0 : i32
    %dma_start3A_18 = tpu.memref_slice %arg5[%dma_start3A_11, %dma_start3A_17] : memref<128x128xi32, #tpu.memory_space<vmem>> -> memref<1x128xi32, #tpu.memory_space<vmem>>
    %dma_start3A_19 = tpu.memref_squeeze %dma_start3A_18 : memref<1x128xi32, #tpu.memory_space<vmem>> -> memref<128xi32, #tpu.memory_space<vmem>>
    %dma_start3A_20 = arith.constant 0 : i32
    %dma_start3A_21 = arith.constant 0 : i32
    %dma_start3A_22 = tpu.memref_slice %arg3[%dma_start3A_20, %dma_start3A_21] : memref<10000x56xf32, #tpu.memory_space<hbm>> -> memref<10000x56xf32, #tpu.memory_space<hbm>>
    tpu.enqueue_indirect_dma source(%dma_start3A_22 : memref<10000x56xf32, #tpu.memory_space<hbm>>) target(%dma_start3A_16 : memref<128x56xf32, #tpu.memory_space<vmem>>) offsets(%dma_start3A_19 : memref<128xi32, #tpu.memory_space<vmem>>) semaphore(%arg9 : memref<!tpu.dma_semaphore, #tpu.memory_space<semaphore_mem>>)
    %dma_start3A_23 = arith.constant 1 : i32
    %dma_start3A_24 = arith.constant 0 : i32
    %dma_start3A_25 = arith.constant 128 : i32
    %dma_start3A_26 = arith.constant 0 : i32
    %dma_start3A_27 = tpu.memref_slice %arg6[%dma_start3A_24, %dma_start3A_25, %dma_start3A_26] : memref<2x512x56xf32, #tpu.memory_space<vmem>> -> memref<1x128x56xf32, #tpu.memory_space<vmem>>
    %dma_start3A_28 = tpu.memref_squeeze %dma_start3A_27 : memref<1x128x56xf32, #tpu.memory_space<vmem>> -> memref<128x56xf32, #tpu.memory_space<vmem>>
    %dma_start3A_29 = arith.constant 0 : i32
    %dma_start3A_30 = tpu.memref_slice %arg5[%dma_start3A_23, %dma_start3A_29] : memref<128x128xi32, #tpu.memory_space<vmem>> -> memref<1x128xi32, #tpu.memory_space<vmem>>
    %dma_start3A_31 = tpu.memref_squeeze %dma_start3A_30 : memref<1x128xi32, #tpu.memory_space<vmem>> -> memref<128xi32, #tpu.memory_space<vmem>>
    %dma_start3A_32 = arith.constant 0 : i32
    %dma_start3A_33 = arith.constant 0 : i32
    %dma_start3A_34 = tpu.memref_slice %arg3[%dma_start3A_32, %dma_start3A_33] : memref<10000x56xf32, #tpu.memory_space<hbm>> -> memref<10000x56xf32, #tpu.memory_space<hbm>>
    tpu.enqueue_indirect_dma source(%dma_start3A_34 : memref<10000x56xf32, #tpu.memory_space<hbm>>) target(%dma_start3A_28 : memref<128x56xf32, #tpu.memory_space<vmem>>) offsets(%dma_start3A_31 : memref<128xi32, #tpu.memory_space<vmem>>) semaphore(%arg9 : memref<!tpu.dma_semaphore, #tpu.memory_space<semaphore_mem>>)
    %dma_start3A_35 = arith.constant 2 : i32
    %dma_start3A_36 = arith.constant 0 : i32
    %dma_start3A_37 = arith.constant 256 : i32
    %dma_start3A_38 = arith.constant 0 : i32
    %dma_start3A_39 = tpu.memref_slice %arg6[%dma_start3A_36, %dma_start3A_37, %dma_start3A_38] : memref<2x512x56xf32, #tpu.memory_space<vmem>> -> memref<1x128x56xf32, #tpu.memory_space<vmem>>
    %dma_start3A_40 = tpu.memref_squeeze %dma_start3A_39 : memref<1x128x56xf32, #tpu.memory_space<vmem>> -> memref<128x56xf32, #tpu.memory_space<vmem>>
    %dma_start3A_41 = arith.constant 0 : i32
    %dma_start3A_42 = tpu.memref_slice %arg5[%dma_start3A_35, %dma_start3A_41] : memref<128x128xi32, #tpu.memory_space<vmem>> -> memref<1x128xi32, #tpu.memory_space<vmem>>
    %dma_start3A_43 = tpu.memref_squeeze %dma_start3A_42 : memref<1x128xi32, #tpu.memory_space<vmem>> -> memref<128xi32, #tpu.memory_space<vmem>>
    %dma_start3A_44 = arith.constant 0 : i32
    %dma_start3A_45 = arith.constant 0 : i32
    %dma_start3A_46 = tpu.memref_slice %arg3[%dma_start3A_44, %dma_start3A_45] : memref<10000x56xf32, #tpu.memory_space<hbm>> -> memref<10000x56xf32, #tpu.memory_space<hbm>>
    tpu.enqueue_indirect_dma source(%dma_start3A_46 : memref<10000x56xf32, #tpu.memory_space<hbm>>) target(%dma_start3A_40 : memref<128x56xf32, #tpu.memory_space<vmem>>) offsets(%dma_start3A_43 : memref<128xi32, #tpu.memory_space<vmem>>) semaphore(%arg9 : memref<!tpu.dma_semaphore, #tpu.memory_space<semaphore_mem>>)
    %dma_start3A_47 = arith.constant 3 : i32
    %dma_start3A_48 = arith.constant 0 : i32
    %dma_start3A_49 = arith.constant 384 : i32
    %dma_start3A_50 = arith.constant 0 : i32
    %dma_start3A_51 = tpu.memref_slice %arg6[%dma_start3A_48, %dma_start3A_49, %dma_start3A_50] : memref<2x512x56xf32, #tpu.memory_space<vmem>> -> memref<1x128x56xf32, #tpu.memory_space<vmem>>
    %dma_start3A_52 = tpu.memref_squeeze %dma_start3A_51 : memref<1x128x56xf32, #tpu.memory_space<vmem>> -> memref<128x56xf32, #tpu.memory_space<vmem>>
    %dma_start3A_53 = arith.constant 0 : i32
    %dma_start3A_54 = tpu.memref_slice %arg5[%dma_start3A_47, %dma_start3A_53] : memref<128x128xi32, #tpu.memory_space<vmem>> -> memref<1x128xi32, #tpu.memory_space<vmem>>
    %dma_start3A_55 = tpu.memref_squeeze %dma_start3A_54 : memref<1x128xi32, #tpu.memory_space<vmem>> -> memref<128xi32, #tpu.memory_space<vmem>>
    %dma_start3A_56 = arith.constant 0 : i32
    %dma_start3A_57 = arith.constant 0 : i32
    %dma_start3A_58 = tpu.memref_slice %arg3[%dma_start3A_56, %dma_start3A_57] : memref<10000x56xf32, #tpu.memory_space<hbm>> -> memref<10000x56xf32, #tpu.memory_space<hbm>>
    tpu.enqueue_indirect_dma source(%dma_start3A_58 : memref<10000x56xf32, #tpu.memory_space<hbm>>) target(%dma_start3A_52 : memref<128x56xf32, #tpu.memory_space<vmem>>) offsets(%dma_start3A_55 : memref<128xi32, #tpu.memory_space<vmem>>) semaphore(%arg9 : memref<!tpu.dma_semaphore, #tpu.memory_space<semaphore_mem>>)
    %scan3A = arith.constant 0 : i32
    %scan3A_59 = arith.constant 0 : i32
    %scan3A_60 = arith.constant 16 : i32
    %scan3A_61 = arith.addi %scan3A_59, %scan3A_60 : i32
    %scan3A_62 = arith.constant 1 : i32
    scf.for %scan3A_94 = %scan3A_59 to %scan3A_61 step %scan3A_62  : i32 {
      %mul3A_95 = arith.constant 2 : i32
      %mul3A_96 = arith.muli %scan3A_94, %mul3A_95 : i32
      %add3A_97 = arith.constant 0 : i32
      %add3A_98 = arith.addi %mul3A_96, %add3A_97 : i32
      %dma_wait3A_99 = arith.constant 0 : i32
      %dma_wait3A_100 = arith.constant 0 : i32
      %dma_wait3A_101 = arith.constant 0 : i32
      %dma_wait3A_102 = arith.constant 0 : i32
      %dma_wait3A_103 = tpu.memref_slice %arg6[%dma_wait3A_100, %dma_wait3A_101, %dma_wait3A_102] : memref<2x512x56xf32, #tpu.memory_space<vmem>> -> memref<1x128x56xf32, #tpu.memory_space<vmem>>
      %dma_wait3A_104 = tpu.memref_squeeze %dma_wait3A_103 : memref<1x128x56xf32, #tpu.memory_space<vmem>> -> memref<128x56xf32, #tpu.memory_space<vmem>>
      %dma_wait3A_105 = arith.constant 0 : i32
      %dma_wait3A_106 = tpu.memref_slice %arg5[%dma_wait3A_99, %dma_wait3A_105] : memref<128x128xi32, #tpu.memory_space<vmem>> -> memref<1x128xi32, #tpu.memory_space<vmem>>
      %dma_wait3A_107 = tpu.memref_squeeze %dma_wait3A_106 : memref<1x128xi32, #tpu.memory_space<vmem>> -> memref<128xi32, #tpu.memory_space<vmem>>
      %dma_wait3A_108 = arith.constant 0 : i32
      %dma_wait3A_109 = arith.constant 0 : i32
      %dma_wait3A_110 = tpu.memref_slice %arg3[%dma_wait3A_108, %dma_wait3A_109] : memref<10000x56xf32, #tpu.memory_space<hbm>> -> memref<10000x56xf32, #tpu.memory_space<hbm>>
      tpu.wait_indirect_dma semaphore(%arg9 : memref<!tpu.dma_semaphore, #tpu.memory_space<semaphore_mem>>) src(%dma_wait3A_110 : memref<10000x56xf32, #tpu.memory_space<hbm>>) dst(%dma_wait3A_104 : memref<128x56xf32, #tpu.memory_space<vmem>>)
      %dma_wait3A_111 = arith.constant 0 : i32
      %dma_wait3A_112 = arith.constant 0 : i32
      %dma_wait3A_113 = arith.constant 128 : i32
      %dma_wait3A_114 = arith.constant 0 : i32
      %dma_wait3A_115 = tpu.memref_slice %arg6[%dma_wait3A_112, %dma_wait3A_113, %dma_wait3A_114] : memref<2x512x56xf32, #tpu.memory_space<vmem>> -> memref<1x128x56xf32, #tpu.memory_space<vmem>>
      %dma_wait3A_116 = tpu.memref_squeeze %dma_wait3A_115 : memref<1x128x56xf32, #tpu.memory_space<vmem>> -> memref<128x56xf32, #tpu.memory_space<vmem>>
      %dma_wait3A_117 = arith.constant 0 : i32
      %dma_wait3A_118 = tpu.memref_slice %arg5[%dma_wait3A_111, %dma_wait3A_117] : memref<128x128xi32, #tpu.memory_space<vmem>> -> memref<1x128xi32, #tpu.memory_space<vmem>>
      %dma_wait3A_119 = tpu.memref_squeeze %dma_wait3A_118 : memref<1x128xi32, #tpu.memory_space<vmem>> -> memref<128xi32, #tpu.memory_space<vmem>>
      %dma_wait3A_120 = arith.constant 0 : i32
      %dma_wait3A_121 = arith.constant 0 : i32
      %dma_wait3A_122 = tpu.memref_slice %arg3[%dma_wait3A_120, %dma_wait3A_121] : memref<10000x56xf32, #tpu.memory_space<hbm>> -> memref<10000x56xf32, #tpu.memory_space<hbm>>
      tpu.wait_indirect_dma semaphore(%arg9 : memref<!tpu.dma_semaphore, #tpu.memory_space<semaphore_mem>>) src(%dma_wait3A_122 : memref<10000x56xf32, #tpu.memory_space<hbm>>) dst(%dma_wait3A_116 : memref<128x56xf32, #tpu.memory_space<vmem>>)
      %dma_wait3A_123 = arith.constant 0 : i32
      %dma_wait3A_124 = arith.constant 0 : i32
      %dma_wait3A_125 = arith.constant 256 : i32
      %dma_wait3A_126 = arith.constant 0 : i32
      %dma_wait3A_127 = tpu.memref_slice %arg6[%dma_wait3A_124, %dma_wait3A_125, %dma_wait3A_126] : memref<2x512x56xf32, #tpu.memory_space<vmem>> -> memref<1x128x56xf32, #tpu.memory_space<vmem>>
      %dma_wait3A_128 = tpu.memref_squeeze %dma_wait3A_127 : memref<1x128x56xf32, #tpu.memory_space<vmem>> -> memref<128x56xf32, #tpu.memory_space<vmem>>
      %dma_wait3A_129 = arith.constant 0 : i32
      %dma_wait3A_130 = tpu.memref_slice %arg5[%dma_wait3A_123, %dma_wait3A_129] : memref<128x128xi32, #tpu.memory_space<vmem>> -> memref<1x128xi32, #tpu.memory_space<vmem>>
      %dma_wait3A_131 = tpu.memref_squeeze %dma_wait3A_130 : memref<1x128xi32, #tpu.memory_space<vmem>> -> memref<128xi32, #tpu.memory_space<vmem>>
      %dma_wait3A_132 = arith.constant 0 : i32
      %dma_wait3A_133 = arith.constant 0 : i32
      %dma_wait3A_134 = tpu.memref_slice %arg3[%dma_wait3A_132, %dma_wait3A_133] : memref<10000x56xf32, #tpu.memory_space<hbm>> -> memref<10000x56xf32, #tpu.memory_space<hbm>>
      tpu.wait_indirect_dma semaphore(%arg9 : memref<!tpu.dma_semaphore, #tpu.memory_space<semaphore_mem>>) src(%dma_wait3A_134 : memref<10000x56xf32, #tpu.memory_space<hbm>>) dst(%dma_wait3A_128 : memref<128x56xf32, #tpu.memory_space<vmem>>)
      %dma_wait3A_135 = arith.constant 0 : i32
      %dma_wait3A_136 = arith.constant 0 : i32
      %dma_wait3A_137 = arith.constant 384 : i32
      %dma_wait3A_138 = arith.constant 0 : i32
      %dma_wait3A_139 = tpu.memref_slice %arg6[%dma_wait3A_136, %dma_wait3A_137, %dma_wait3A_138] : memref<2x512x56xf32, #tpu.memory_space<vmem>> -> memref<1x128x56xf32, #tpu.memory_space<vmem>>
      %dma_wait3A_140 = tpu.memref_squeeze %dma_wait3A_139 : memref<1x128x56xf32, #tpu.memory_space<vmem>> -> memref<128x56xf32, #tpu.memory_space<vmem>>
      %dma_wait3A_141 = arith.constant 0 : i32
      %dma_wait3A_142 = tpu.memref_slice %arg5[%dma_wait3A_135, %dma_wait3A_141] : memref<128x128xi32, #tpu.memory_space<vmem>> -> memref<1x128xi32, #tpu.memory_space<vmem>>
      %dma_wait3A_143 = tpu.memref_squeeze %dma_wait3A_142 : memref<1x128xi32, #tpu.memory_space<vmem>> -> memref<128xi32, #tpu.memory_space<vmem>>
      %dma_wait3A_144 = arith.constant 0 : i32
      %dma_wait3A_145 = arith.constant 0 : i32
      %dma_wait3A_146 = tpu.memref_slice %arg3[%dma_wait3A_144, %dma_wait3A_145] : memref<10000x56xf32, #tpu.memory_space<hbm>> -> memref<10000x56xf32, #tpu.memory_space<hbm>>
      tpu.wait_indirect_dma semaphore(%arg9 : memref<!tpu.dma_semaphore, #tpu.memory_space<semaphore_mem>>) src(%dma_wait3A_146 : memref<10000x56xf32, #tpu.memory_space<hbm>>) dst(%dma_wait3A_140 : memref<128x56xf32, #tpu.memory_space<vmem>>)
      %add3A_147 = arith.constant 1 : i32
      %add3A_148 = arith.addi %add3A_98, %add3A_147 : i32
      %mul3A_149 = arith.constant 4 : i32
      %mul3A_150 = arith.muli %add3A_148, %mul3A_149 : i32
      %add3A_151 = arith.constant 0 : i32
      %add3A_152 = arith.addi %mul3A_150, %add3A_151 : i32
      %dma_start3A_153 = arith.constant 1 : i32
      %dma_start3A_154 = arith.constant 0 : i32
      %dma_start3A_155 = arith.constant 0 : i32
      %dma_start3A_156 = tpu.memref_slice %arg6[%dma_start3A_153, %dma_start3A_154, %dma_start3A_155] : memref<2x512x56xf32, #tpu.memory_space<vmem>> -> memref<1x128x56xf32, #tpu.memory_space<vmem>>
      %dma_start3A_157 = tpu.memref_squeeze %dma_start3A_156 : memref<1x128x56xf32, #tpu.memory_space<vmem>> -> memref<128x56xf32, #tpu.memory_space<vmem>>
      %dma_start3A_158 = arith.constant 0 : i32
      %dma_start3A_159 = tpu.memref_slice %arg5[%add3A_152, %dma_start3A_158] : memref<128x128xi32, #tpu.memory_space<vmem>> -> memref<1x128xi32, #tpu.memory_space<vmem>>
      %dma_start3A_160 = tpu.memref_squeeze %dma_start3A_159 : memref<1x128xi32, #tpu.memory_space<vmem>> -> memref<128xi32, #tpu.memory_space<vmem>>
      %dma_start3A_161 = arith.constant 0 : i32
      %dma_start3A_162 = arith.constant 0 : i32
      %dma_start3A_163 = tpu.memref_slice %arg3[%dma_start3A_161, %dma_start3A_162] : memref<10000x56xf32, #tpu.memory_space<hbm>> -> memref<10000x56xf32, #tpu.memory_space<hbm>>
      tpu.enqueue_indirect_dma source(%dma_start3A_163 : memref<10000x56xf32, #tpu.memory_space<hbm>>) target(%dma_start3A_157 : memref<128x56xf32, #tpu.memory_space<vmem>>) offsets(%dma_start3A_160 : memref<128xi32, #tpu.memory_space<vmem>>) semaphore(%arg9 : memref<!tpu.dma_semaphore, #tpu.memory_space<semaphore_mem>>)
      %mul3A_164 = arith.constant 4 : i32
      %mul3A_165 = arith.muli %add3A_148, %mul3A_164 : i32
      %add3A_166 = arith.constant 1 : i32
      %add3A_167 = arith.addi %mul3A_165, %add3A_166 : i32
      %dma_start3A_168 = arith.constant 1 : i32
      %dma_start3A_169 = arith.constant 128 : i32
      %dma_start3A_170 = arith.constant 0 : i32
      %dma_start3A_171 = tpu.memref_slice %arg6[%dma_start3A_168, %dma_start3A_169, %dma_start3A_170] : memref<2x512x56xf32, #tpu.memory_space<vmem>> -> memref<1x128x56xf32, #tpu.memory_space<vmem>>
      %dma_start3A_172 = tpu.memref_squeeze %dma_start3A_171 : memref<1x128x56xf32, #tpu.memory_space<vmem>> -> memref<128x56xf32, #tpu.memory_space<vmem>>
      %dma_start3A_173 = arith.constant 0 : i32
      %dma_start3A_174 = tpu.memref_slice %arg5[%add3A_167, %dma_start3A_173] : memref<128x128xi32, #tpu.memory_space<vmem>> -> memref<1x128xi32, #tpu.memory_space<vmem>>
      %dma_start3A_175 = tpu.memref_squeeze %dma_start3A_174 : memref<1x128xi32, #tpu.memory_space<vmem>> -> memref<128xi32, #tpu.memory_space<vmem>>
      %dma_start3A_176 = arith.constant 0 : i32
      %dma_start3A_177 = arith.constant 0 : i32
      %dma_start3A_178 = tpu.memref_slice %arg3[%dma_start3A_176, %dma_start3A_177] : memref<10000x56xf32, #tpu.memory_space<hbm>> -> memref<10000x56xf32, #tpu.memory_space<hbm>>
      tpu.enqueue_indirect_dma source(%dma_start3A_178 : memref<10000x56xf32, #tpu.memory_space<hbm>>) target(%dma_start3A_172 : memref<128x56xf32, #tpu.memory_space<vmem>>) offsets(%dma_start3A_175 : memref<128xi32, #tpu.memory_space<vmem>>) semaphore(%arg9 : memref<!tpu.dma_semaphore, #tpu.memory_space<semaphore_mem>>)
      %mul3A_179 = arith.constant 4 : i32
      %mul3A_180 = arith.muli %add3A_148, %mul3A_179 : i32
      %add3A_181 = arith.constant 2 : i32
      %add3A_182 = arith.addi %mul3A_180, %add3A_181 : i32
      %dma_start3A_183 = arith.constant 1 : i32
      %dma_start3A_184 = arith.constant 256 : i32
      %dma_start3A_185 = arith.constant 0 : i32
      %dma_start3A_186 = tpu.memref_slice %arg6[%dma_start3A_183, %dma_start3A_184, %dma_start3A_185] : memref<2x512x56xf32, #tpu.memory_space<vmem>> -> memref<1x128x56xf32, #tpu.memory_space<vmem>>
      %dma_start3A_187 = tpu.memref_squeeze %dma_start3A_186 : memref<1x128x56xf32, #tpu.memory_space<vmem>> -> memref<128x56xf32, #tpu.memory_space<vmem>>
      %dma_start3A_188 = arith.constant 0 : i32
      %dma_start3A_189 = tpu.memref_slice %arg5[%add3A_182, %dma_start3A_188] : memref<128x128xi32, #tpu.memory_space<vmem>> -> memref<1x128xi32, #tpu.memory_space<vmem>>
      %dma_start3A_190 = tpu.memref_squeeze %dma_start3A_189 : memref<1x128xi32, #tpu.memory_space<vmem>> -> memref<128xi32, #tpu.memory_space<vmem>>
      %dma_start3A_191 = arith.constant 0 : i32
      %dma_start3A_192 = arith.constant 0 : i32
      %dma_start3A_193 = tpu.memref_slice %arg3[%dma_start3A_191, %dma_start3A_192] : memref<10000x56xf32, #tpu.memory_space<hbm>> -> memref<10000x56xf32, #tpu.memory_space<hbm>>
      tpu.enqueue_indirect_dma source(%dma_start3A_193 : memref<10000x56xf32, #tpu.memory_space<hbm>>) target(%dma_start3A_187 : memref<128x56xf32, #tpu.memory_space<vmem>>) offsets(%dma_start3A_190 : memref<128xi32, #tpu.memory_space<vmem>>) semaphore(%arg9 : memref<!tpu.dma_semaphore, #tpu.memory_space<semaphore_mem>>)
      %mul3A_194 = arith.constant 4 : i32
      %mul3A_195 = arith.muli %add3A_148, %mul3A_194 : i32
      %add3A_196 = arith.constant 3 : i32
      %add3A_197 = arith.addi %mul3A_195, %add3A_196 : i32
      %dma_start3A_198 = arith.constant 1 : i32
      %dma_start3A_199 = arith.constant 384 : i32
      %dma_start3A_200 = arith.constant 0 : i32
      %dma_start3A_201 = tpu.memref_slice %arg6[%dma_start3A_198, %dma_start3A_199, %dma_start3A_200] : memref<2x512x56xf32, #tpu.memory_space<vmem>> -> memref<1x128x56xf32, #tpu.memory_space<vmem>>
      %dma_start3A_202 = tpu.memref_squeeze %dma_start3A_201 : memref<1x128x56xf32, #tpu.memory_space<vmem>> -> memref<128x56xf32, #tpu.memory_space<vmem>>
      %dma_start3A_203 = arith.constant 0 : i32
      %dma_start3A_204 = tpu.memref_slice %arg5[%add3A_197, %dma_start3A_203] : memref<128x128xi32, #tpu.memory_space<vmem>> -> memref<1x128xi32, #tpu.memory_space<vmem>>
      %dma_start3A_205 = tpu.memref_squeeze %dma_start3A_204 : memref<1x128xi32, #tpu.memory_space<vmem>> -> memref<128xi32, #tpu.memory_space<vmem>>
      %dma_start3A_206 = arith.constant 0 : i32
      %dma_start3A_207 = arith.constant 0 : i32
      %dma_start3A_208 = tpu.memref_slice %arg3[%dma_start3A_206, %dma_start3A_207] : memref<10000x56xf32, #tpu.memory_space<hbm>> -> memref<10000x56xf32, #tpu.memory_space<hbm>>
      tpu.enqueue_indirect_dma source(%dma_start3A_208 : memref<10000x56xf32, #tpu.memory_space<hbm>>) target(%dma_start3A_202 : memref<128x56xf32, #tpu.memory_space<vmem>>) offsets(%dma_start3A_205 : memref<128xi32, #tpu.memory_space<vmem>>) semaphore(%arg9 : memref<!tpu.dma_semaphore, #tpu.memory_space<semaphore_mem>>)
      %gt3A = arith.constant 0 : i32
      %gt3A_209 = arith.cmpi sgt, %scan3A_94, %gt3A : i32
      %convert_element_type3A = arith.extui %gt3A_209 : i1 to i32
      %cond3A = arith.constant 0 : i32
      %cond3A_210 = arith.cmpi ne, %convert_element_type3A, %cond3A : i32
      scf.if %cond3A_210 {
        %dma_wait3A_310 = arith.constant 0 : i32
        %dma_wait3A_311 = arith.constant 0 : i32
        %dma_wait3A_312 = arith.constant 0 : i32
        %dma_wait3A_313 = tpu.memref_slice %arg7[%dma_wait3A_310, %dma_wait3A_311, %dma_wait3A_312] : memref<2x50x512xf32, #tpu.memory_space<vmem>> -> memref<1x50x512xf32, #tpu.memory_space<vmem>>
        %dma_wait3A_314 = tpu.memref_squeeze %dma_wait3A_313 : memref<1x50x512xf32, #tpu.memory_space<vmem>> -> memref<50x512xf32, #tpu.memory_space<vmem>>
        %dma_wait3A_315 = arith.constant 0 : i32
        %dma_wait3A_316 = arith.constant 0 : i32
        %dma_wait3A_317 = tpu.memref_slice %arg4[%dma_wait3A_315, %dma_wait3A_316] : memref<50x524288xf32, #tpu.memory_space<hbm>> -> memref<50x512xf32, #tpu.memory_space<hbm>>
        %dma_wait3A_318 = arith.constant 0 : i32
        %dma_wait3A_319 = arith.constant 0 : i32
        %dma_wait3A_320 = tpu.memref_slice %arg4[%dma_wait3A_318, %dma_wait3A_319] : memref<50x524288xf32, #tpu.memory_space<hbm>> -> memref<50x512xf32, #tpu.memory_space<hbm>>
        %dma_wait3A_321 = arith.constant 0 : i32
        %dma_wait3A_322 = arith.constant 0 : i32
        %dma_wait3A_323 = tpu.memref_slice %arg7[%dma_wait3A_310, %dma_wait3A_321, %dma_wait3A_322] : memref<2x50x512xf32, #tpu.memory_space<vmem>> -> memref<1x50x512xf32, #tpu.memory_space<vmem>>
        %dma_wait3A_324 = tpu.memref_squeeze %dma_wait3A_323 : memref<1x50x512xf32, #tpu.memory_space<vmem>> -> memref<50x512xf32, #tpu.memory_space<vmem>>
        tpu.wait_dma2 semaphore(%arg10 : memref<!tpu.dma_semaphore, #tpu.memory_space<semaphore_mem>>) src(%dma_wait3A_324 : memref<50x512xf32, #tpu.memory_space<vmem>>) dst(%dma_wait3A_320 : memref<50x512xf32, #tpu.memory_space<hbm>>)
      } else {
      }
      %iota3A = tpu.iota {dimensions = array<i32: 0>} : vector<16xi32>
      %parallel_loop3A = arith.constant 0 : i32
      %parallel_loop3A_211 = arith.constant 32 : i32
      %parallel_loop3A_212 = arith.constant 1 : i32
      scf.for %parallel_loop3A_310 = %parallel_loop3A to %parallel_loop3A_211 step %parallel_loop3A_212  : i32 {
        %parallel_loop3A_311 = arith.constant 16 : i32
        %parallel_loop3A_312 = arith.muli %parallel_loop3A_310, %parallel_loop3A_311 : i32
        %parallel_loop3A_313 = vector.broadcast %parallel_loop3A_312 : i32 to vector<16xi32>
        %parallel_loop3A_314 = arith.addi %parallel_loop3A_313, %iota3A : vector<16xi32>
        %parallel_loop3A_315 = arith.constant 0 : i32
        %parallel_loop3A_316 = vector.broadcast %parallel_loop3A_315 : i32 to vector<16xi32>
        %parallel_loop3A_317 = arith.constant 0 : i32
        %parallel_loop3A_318 = arith.constant 0 : i32
        %parallel_loop3A_319 = arith.constant 0 : i32
        %parallel_loop3A_320 = tpu.memref_slice %arg6[%parallel_loop3A_317, %parallel_loop3A_318, %parallel_loop3A_319] : memref<2x512x56xf32, #tpu.memory_space<vmem>> -> memref<1x512x56xf32, #tpu.memory_space<vmem>>
        %parallel_loop3A_321 = tpu.memref_squeeze %parallel_loop3A_320 : memref<1x512x56xf32, #tpu.memory_space<vmem>> -> memref<512x56xf32, #tpu.memory_space<vmem>>
        %parallel_loop3A_322 = tpu.vector_load_idx %parallel_loop3A_321[%parallel_loop3A_314, %parallel_loop3A_316] : memref<512x56xf32, #tpu.memory_space<vmem>>[vector<16xi32>, vector<16xi32>], vector<16xf32>,
        %parallel_loop3A_323 = arith.constant 1 : i32
        %parallel_loop3A_324 = vector.broadcast %parallel_loop3A_323 : i32 to vector<16xi32>
        %parallel_loop3A_325 = arith.constant 0 : i32
        %parallel_loop3A_326 = arith.constant 0 : i32
        %parallel_loop3A_327 = arith.constant 0 : i32
        %parallel_loop3A_328 = tpu.memref_slice %arg6[%parallel_loop3A_325, %parallel_loop3A_326, %parallel_loop3A_327] : memref<2x512x56xf32, #tpu.memory_space<vmem>> -> memref<1x512x56xf32, #tpu.memory_space<vmem>>
        %parallel_loop3A_329 = tpu.memref_squeeze %parallel_loop3A_328 : memref<1x512x56xf32, #tpu.memory_space<vmem>> -> memref<512x56xf32, #tpu.memory_space<vmem>>
        %parallel_loop3A_330 = tpu.vector_load_idx %parallel_loop3A_329[%parallel_loop3A_314, %parallel_loop3A_324] : memref<512x56xf32, #tpu.memory_space<vmem>>[vector<16xi32>, vector<16xi32>], vector<16xf32>,
        %parallel_loop3A_331 = arith.constant 2 : i32
        %parallel_loop3A_332 = vector.broadcast %parallel_loop3A_331 : i32 to vector<16xi32>
        %parallel_loop3A_333 = arith.constant 0 : i32
        %parallel_loop3A_334 = arith.constant 0 : i32
        %parallel_loop3A_335 = arith.constant 0 : i32
        %parallel_loop3A_336 = tpu.memref_slice %arg6[%parallel_loop3A_333, %parallel_loop3A_334, %parallel_loop3A_335] : memref<2x512x56xf32, #tpu.memory_space<vmem>> -> memref<1x512x56xf32, #tpu.memory_space<vmem>>
        %parallel_loop3A_337 = tpu.memref_squeeze %parallel_loop3A_336 : memref<1x512x56xf32, #tpu.memory_space<vmem>> -> memref<512x56xf32, #tpu.memory_space<vmem>>
        %parallel_loop3A_338 = tpu.vector_load_idx %parallel_loop3A_337[%parallel_loop3A_314, %parallel_loop3A_332] : memref<512x56xf32, #tpu.memory_space<vmem>>[vector<16xi32>, vector<16xi32>], vector<16xf32>,
        %parallel_loop3A_339 = arith.constant 3 : i32
        %parallel_loop3A_340 = vector.broadcast %parallel_loop3A_339 : i32 to vector<16xi32>
        %parallel_loop3A_341 = arith.constant 0 : i32
        %parallel_loop3A_342 = arith.constant 0 : i32
        %parallel_loop3A_343 = arith.constant 0 : i32
        %parallel_loop3A_344 = tpu.memref_slice %arg6[%parallel_loop3A_341, %parallel_loop3A_342, %parallel_loop3A_343] : memref<2x512x56xf32, #tpu.memory_space<vmem>> -> memref<1x512x56xf32, #tpu.memory_space<vmem>>
        %parallel_loop3A_345 = tpu.memref_squeeze %parallel_loop3A_344 : memref<1x512x56xf32, #tpu.memory_space<vmem>> -> memref<512x56xf32, #tpu.memory_space<vmem>>
        %parallel_loop3A_346 = tpu.vector_load_idx %parallel_loop3A_345[%parallel_loop3A_314, %parallel_loop3A_340] : memref<512x56xf32, #tpu.memory_space<vmem>>[vector<16xi32>, vector<16xi32>], vector<16xf32>,
        %parallel_loop3A_347 = arith.constant 4 : i32
        %parallel_loop3A_348 = vector.broadcast %parallel_loop3A_347 : i32 to vector<16xi32>
        %parallel_loop3A_349 = arith.constant 0 : i32
        %parallel_loop3A_350 = arith.constant 0 : i32
        %parallel_loop3A_351 = arith.constant 0 : i32
        %parallel_loop3A_352 = tpu.memref_slice %arg6[%parallel_loop3A_349, %parallel_loop3A_350, %parallel_loop3A_351] : memref<2x512x56xf32, #tpu.memory_space<vmem>> -> memref<1x512x56xf32, #tpu.memory_space<vmem>>
        %parallel_loop3A_353 = tpu.memref_squeeze %parallel_loop3A_352 : memref<1x512x56xf32, #tpu.memory_space<vmem>> -> memref<512x56xf32, #tpu.memory_space<vmem>>
        %parallel_loop3A_354 = tpu.vector_load_idx %parallel_loop3A_353[%parallel_loop3A_314, %parallel_loop3A_348] : memref<512x56xf32, #tpu.memory_space<vmem>>[vector<16xi32>, vector<16xi32>], vector<16xf32>,
        %parallel_loop3A_355 = arith.constant 5 : i32
        %parallel_loop3A_356 = vector.broadcast %parallel_loop3A_355 : i32 to vector<16xi32>
        %parallel_loop3A_357 = arith.constant 0 : i32
        %parallel_loop3A_358 = arith.constant 0 : i32
        %parallel_loop3A_359 = arith.constant 0 : i32
        %parallel_loop3A_360 = tpu.memref_slice %arg6[%parallel_loop3A_357, %parallel_loop3A_358, %parallel_loop3A_359] : memref<2x512x56xf32, #tpu.memory_space<vmem>> -> memref<1x512x56xf32, #tpu.memory_space<vmem>>
        %parallel_loop3A_361 = tpu.memref_squeeze %parallel_loop3A_360 : memref<1x512x56xf32, #tpu.memory_space<vmem>> -> memref<512x56xf32, #tpu.memory_space<vmem>>
        %parallel_loop3A_362 = tpu.vector_load_idx %parallel_loop3A_361[%parallel_loop3A_314, %parallel_loop3A_356] : memref<512x56xf32, #tpu.memory_space<vmem>>[vector<16xi32>, vector<16xi32>], vector<16xf32>,
        %parallel_loop3A_363 = arith.constant 6 : i32
        %parallel_loop3A_364 = vector.broadcast %parallel_loop3A_363 : i32 to vector<16xi32>
        %parallel_loop3A_365 = arith.constant 0 : i32
        %parallel_loop3A_366 = arith.constant 0 : i32
        %parallel_loop3A_367 = arith.constant 0 : i32
        %parallel_loop3A_368 = tpu.memref_slice %arg6[%parallel_loop3A_365, %parallel_loop3A_366, %parallel_loop3A_367] : memref<2x512x56xf32, #tpu.memory_space<vmem>> -> memref<1x512x56xf32, #tpu.memory_space<vmem>>
        %parallel_loop3A_369 = tpu.memref_squeeze %parallel_loop3A_368 : memref<1x512x56xf32, #tpu.memory_space<vmem>> -> memref<512x56xf32, #tpu.memory_space<vmem>>
        %parallel_loop3A_370 = tpu.vector_load_idx %parallel_loop3A_369[%parallel_loop3A_314, %parallel_loop3A_364] : memref<512x56xf32, #tpu.memory_space<vmem>>[vector<16xi32>, vector<16xi32>], vector<16xf32>,
        %parallel_loop3A_371 = arith.constant 7 : i32
        %parallel_loop3A_372 = vector.broadcast %parallel_loop3A_371 : i32 to vector<16xi32>
        %parallel_loop3A_373 = arith.constant 0 : i32
        %parallel_loop3A_374 = arith.constant 0 : i32
        %parallel_loop3A_375 = arith.constant 0 : i32
        %parallel_loop3A_376 = tpu.memref_slice %arg6[%parallel_loop3A_373, %parallel_loop3A_374, %parallel_loop3A_375] : memref<2x512x56xf32, #tpu.memory_space<vmem>> -> memref<1x512x56xf32, #tpu.memory_space<vmem>>
        %parallel_loop3A_377 = tpu.memref_squeeze %parallel_loop3A_376 : memref<1x512x56xf32, #tpu.memory_space<vmem>> -> memref<512x56xf32, #tpu.memory_space<vmem>>
        %parallel_loop3A_378 = tpu.vector_load_idx %parallel_loop3A_377[%parallel_loop3A_314, %parallel_loop3A_372] : memref<512x56xf32, #tpu.memory_space<vmem>>[vector<16xi32>, vector<16xi32>], vector<16xf32>,
        %parallel_loop3A_379 = arith.constant 8 : i32
        %parallel_loop3A_380 = vector.broadcast %parallel_loop3A_379 : i32 to vector<16xi32>
        %parallel_loop3A_381 = arith.constant 0 : i32
        %parallel_loop3A_382 = arith.constant 0 : i32
        %parallel_loop3A_383 = arith.constant 0 : i32
        %parallel_loop3A_384 = tpu.memref_slice %arg6[%parallel_loop3A_381, %parallel_loop3A_382, %parallel_loop3A_383] : memref<2x512x56xf32, #tpu.memory_space<vmem>> -> memref<1x512x56xf32, #tpu.memory_space<vmem>>
        %parallel_loop3A_385 = tpu.memref_squeeze %parallel_loop3A_384 : memref<1x512x56xf32, #tpu.memory_space<vmem>> -> memref<512x56xf32, #tpu.memory_space<vmem>>
        %parallel_loop3A_386 = tpu.vector_load_idx %parallel_loop3A_385[%parallel_loop3A_314, %parallel_loop3A_380] : memref<512x56xf32, #tpu.memory_space<vmem>>[vector<16xi32>, vector<16xi32>], vector<16xf32>,
        %parallel_loop3A_387 = arith.constant 9 : i32
        %parallel_loop3A_388 = vector.broadcast %parallel_loop3A_387 : i32 to vector<16xi32>
        %parallel_loop3A_389 = arith.constant 0 : i32
        %parallel_loop3A_390 = arith.constant 0 : i32
        %parallel_loop3A_391 = arith.constant 0 : i32
        %parallel_loop3A_392 = tpu.memref_slice %arg6[%parallel_loop3A_389, %parallel_loop3A_390, %parallel_loop3A_391] : memref<2x512x56xf32, #tpu.memory_space<vmem>> -> memref<1x512x56xf32, #tpu.memory_space<vmem>>
        %parallel_loop3A_393 = tpu.memref_squeeze %parallel_loop3A_392 : memref<1x512x56xf32, #tpu.memory_space<vmem>> -> memref<512x56xf32, #tpu.memory_space<vmem>>
        %parallel_loop3A_394 = tpu.vector_load_idx %parallel_loop3A_393[%parallel_loop3A_314, %parallel_loop3A_388] : memref<512x56xf32, #tpu.memory_space<vmem>>[vector<16xi32>, vector<16xi32>], vector<16xf32>,
        %parallel_loop3A_395 = arith.constant 10 : i32
        %parallel_loop3A_396 = vector.broadcast %parallel_loop3A_395 : i32 to vector<16xi32>
        %parallel_loop3A_397 = arith.constant 0 : i32
        %parallel_loop3A_398 = arith.constant 0 : i32
        %parallel_loop3A_399 = arith.constant 0 : i32
        %parallel_loop3A_400 = tpu.memref_slice %arg6[%parallel_loop3A_397, %parallel_loop3A_398, %parallel_loop3A_399] : memref<2x512x56xf32, #tpu.memory_space<vmem>> -> memref<1x512x56xf32, #tpu.memory_space<vmem>>
        %parallel_loop3A_401 = tpu.memref_squeeze %parallel_loop3A_400 : memref<1x512x56xf32, #tpu.memory_space<vmem>> -> memref<512x56xf32, #tpu.memory_space<vmem>>
        %parallel_loop3A_402 = tpu.vector_load_idx %parallel_loop3A_401[%parallel_loop3A_314, %parallel_loop3A_396] : memref<512x56xf32, #tpu.memory_space<vmem>>[vector<16xi32>, vector<16xi32>], vector<16xf32>,
        %parallel_loop3A_403 = arith.constant 11 : i32
        %parallel_loop3A_404 = vector.broadcast %parallel_loop3A_403 : i32 to vector<16xi32>
        %parallel_loop3A_405 = arith.constant 0 : i32
        %parallel_loop3A_406 = arith.constant 0 : i32
        %parallel_loop3A_407 = arith.constant 0 : i32
        %parallel_loop3A_408 = tpu.memref_slice %arg6[%parallel_loop3A_405, %parallel_loop3A_406, %parallel_loop3A_407] : memref<2x512x56xf32, #tpu.memory_space<vmem>> -> memref<1x512x56xf32, #tpu.memory_space<vmem>>
        %parallel_loop3A_409 = tpu.memref_squeeze %parallel_loop3A_408 : memref<1x512x56xf32, #tpu.memory_space<vmem>> -> memref<512x56xf32, #tpu.memory_space<vmem>>
        %parallel_loop3A_410 = tpu.vector_load_idx %parallel_loop3A_409[%parallel_loop3A_314, %parallel_loop3A_404] : memref<512x56xf32, #tpu.memory_space<vmem>>[vector<16xi32>, vector<16xi32>], vector<16xf32>,
        %parallel_loop3A_411 = arith.constant 12 : i32
        %parallel_loop3A_412 = vector.broadcast %parallel_loop3A_411 : i32 to vector<16xi32>
        %parallel_loop3A_413 = arith.constant 0 : i32
        %parallel_loop3A_414 = arith.constant 0 : i32
        %parallel_loop3A_415 = arith.constant 0 : i32
        %parallel_loop3A_416 = tpu.memref_slice %arg6[%parallel_loop3A_413, %parallel_loop3A_414, %parallel_loop3A_415] : memref<2x512x56xf32, #tpu.memory_space<vmem>> -> memref<1x512x56xf32, #tpu.memory_space<vmem>>
        %parallel_loop3A_417 = tpu.memref_squeeze %parallel_loop3A_416 : memref<1x512x56xf32, #tpu.memory_space<vmem>> -> memref<512x56xf32, #tpu.memory_space<vmem>>
        %parallel_loop3A_418 = tpu.vector_load_idx %parallel_loop3A_417[%parallel_loop3A_314, %parallel_loop3A_412] : memref<512x56xf32, #tpu.memory_space<vmem>>[vector<16xi32>, vector<16xi32>], vector<16xf32>,
        %parallel_loop3A_419 = arith.constant 13 : i32
        %parallel_loop3A_420 = vector.broadcast %parallel_loop3A_419 : i32 to vector<16xi32>
        %parallel_loop3A_421 = arith.constant 0 : i32
        %parallel_loop3A_422 = arith.constant 0 : i32
        %parallel_loop3A_423 = arith.constant 0 : i32
        %parallel_loop3A_424 = tpu.memref_slice %arg6[%parallel_loop3A_421, %parallel_loop3A_422, %parallel_loop3A_423] : memref<2x512x56xf32, #tpu.memory_space<vmem>> -> memref<1x512x56xf32, #tpu.memory_space<vmem>>
        %parallel_loop3A_425 = tpu.memref_squeeze %parallel_loop3A_424 : memref<1x512x56xf32, #tpu.memory_space<vmem>> -> memref<512x56xf32, #tpu.memory_space<vmem>>
        %parallel_loop3A_426 = tpu.vector_load_idx %parallel_loop3A_425[%parallel_loop3A_314, %parallel_loop3A_420] : memref<512x56xf32, #tpu.memory_space<vmem>>[vector<16xi32>, vector<16xi32>], vector<16xf32>,
        %parallel_loop3A_427 = arith.constant 14 : i32
        %parallel_loop3A_428 = vector.broadcast %parallel_loop3A_427 : i32 to vector<16xi32>
        %parallel_loop3A_429 = arith.constant 0 : i32
        %parallel_loop3A_430 = arith.constant 0 : i32
        %parallel_loop3A_431 = arith.constant 0 : i32
        %parallel_loop3A_432 = tpu.memref_slice %arg6[%parallel_loop3A_429, %parallel_loop3A_430, %parallel_loop3A_431] : memref<2x512x56xf32, #tpu.memory_space<vmem>> -> memref<1x512x56xf32, #tpu.memory_space<vmem>>
        %parallel_loop3A_433 = tpu.memref_squeeze %parallel_loop3A_432 : memref<1x512x56xf32, #tpu.memory_space<vmem>> -> memref<512x56xf32, #tpu.memory_space<vmem>>
        %parallel_loop3A_434 = tpu.vector_load_idx %parallel_loop3A_433[%parallel_loop3A_314, %parallel_loop3A_428] : memref<512x56xf32, #tpu.memory_space<vmem>>[vector<16xi32>, vector<16xi32>], vector<16xf32>,
        %parallel_loop3A_435 = arith.constant 15 : i32
        %parallel_loop3A_436 = vector.broadcast %parallel_loop3A_435 : i32 to vector<16xi32>
        %parallel_loop3A_437 = arith.constant 0 : i32
        %parallel_loop3A_438 = arith.constant 0 : i32
        %parallel_loop3A_439 = arith.constant 0 : i32
        %parallel_loop3A_440 = tpu.memref_slice %arg6[%parallel_loop3A_437, %parallel_loop3A_438, %parallel_loop3A_439] : memref<2x512x56xf32, #tpu.memory_space<vmem>> -> memref<1x512x56xf32, #tpu.memory_space<vmem>>
        %parallel_loop3A_441 = tpu.memref_squeeze %parallel_loop3A_440 : memref<1x512x56xf32, #tpu.memory_space<vmem>> -> memref<512x56xf32, #tpu.memory_space<vmem>>
        %parallel_loop3A_442 = tpu.vector_load_idx %parallel_loop3A_441[%parallel_loop3A_314, %parallel_loop3A_436] : memref<512x56xf32, #tpu.memory_space<vmem>>[vector<16xi32>, vector<16xi32>], vector<16xf32>,
        %parallel_loop3A_443 = arith.constant 16 : i32
        %parallel_loop3A_444 = vector.broadcast %parallel_loop3A_443 : i32 to vector<16xi32>
        %parallel_loop3A_445 = arith.constant 0 : i32
        %parallel_loop3A_446 = arith.constant 0 : i32
        %parallel_loop3A_447 = arith.constant 0 : i32
        %parallel_loop3A_448 = tpu.memref_slice %arg6[%parallel_loop3A_445, %parallel_loop3A_446, %parallel_loop3A_447] : memref<2x512x56xf32, #tpu.memory_space<vmem>> -> memref<1x512x56xf32, #tpu.memory_space<vmem>>
        %parallel_loop3A_449 = tpu.memref_squeeze %parallel_loop3A_448 : memref<1x512x56xf32, #tpu.memory_space<vmem>> -> memref<512x56xf32, #tpu.memory_space<vmem>>
        %parallel_loop3A_450 = tpu.vector_load_idx %parallel_loop3A_449[%parallel_loop3A_314, %parallel_loop3A_444] : memref<512x56xf32, #tpu.memory_space<vmem>>[vector<16xi32>, vector<16xi32>], vector<16xf32>,
        %parallel_loop3A_451 = arith.constant 17 : i32
        %parallel_loop3A_452 = vector.broadcast %parallel_loop3A_451 : i32 to vector<16xi32>
        %parallel_loop3A_453 = arith.constant 0 : i32
        %parallel_loop3A_454 = arith.constant 0 : i32
        %parallel_loop3A_455 = arith.constant 0 : i32
        %parallel_loop3A_456 = tpu.memref_slice %arg6[%parallel_loop3A_453, %parallel_loop3A_454, %parallel_loop3A_455] : memref<2x512x56xf32, #tpu.memory_space<vmem>> -> memref<1x512x56xf32, #tpu.memory_space<vmem>>
        %parallel_loop3A_457 = tpu.memref_squeeze %parallel_loop3A_456 : memref<1x512x56xf32, #tpu.memory_space<vmem>> -> memref<512x56xf32, #tpu.memory_space<vmem>>
        %parallel_loop3A_458 = tpu.vector_load_idx %parallel_loop3A_457[%parallel_loop3A_314, %parallel_loop3A_452] : memref<512x56xf32, #tpu.memory_space<vmem>>[vector<16xi32>, vector<16xi32>], vector<16xf32>,
        %parallel_loop3A_459 = arith.constant 18 : i32
        %parallel_loop3A_460 = vector.broadcast %parallel_loop3A_459 : i32 to vector<16xi32>
        %parallel_loop3A_461 = arith.constant 0 : i32
        %parallel_loop3A_462 = arith.constant 0 : i32
        %parallel_loop3A_463 = arith.constant 0 : i32
        %parallel_loop3A_464 = tpu.memref_slice %arg6[%parallel_loop3A_461, %parallel_loop3A_462, %parallel_loop3A_463] : memref<2x512x56xf32, #tpu.memory_space<vmem>> -> memref<1x512x56xf32, #tpu.memory_space<vmem>>
        %parallel_loop3A_465 = tpu.memref_squeeze %parallel_loop3A_464 : memref<1x512x56xf32, #tpu.memory_space<vmem>> -> memref<512x56xf32, #tpu.memory_space<vmem>>
        %parallel_loop3A_466 = tpu.vector_load_idx %parallel_loop3A_465[%parallel_loop3A_314, %parallel_loop3A_460] : memref<512x56xf32, #tpu.memory_space<vmem>>[vector<16xi32>, vector<16xi32>], vector<16xf32>,
        %parallel_loop3A_467 = arith.constant 19 : i32
        %parallel_loop3A_468 = vector.broadcast %parallel_loop3A_467 : i32 to vector<16xi32>
        %parallel_loop3A_469 = arith.constant 0 : i32
        %parallel_loop3A_470 = arith.constant 0 : i32
        %parallel_loop3A_471 = arith.constant 0 : i32
        %parallel_loop3A_472 = tpu.memref_slice %arg6[%parallel_loop3A_469, %parallel_loop3A_470, %parallel_loop3A_471] : memref<2x512x56xf32, #tpu.memory_space<vmem>> -> memref<1x512x56xf32, #tpu.memory_space<vmem>>
        %parallel_loop3A_473 = tpu.memref_squeeze %parallel_loop3A_472 : memref<1x512x56xf32, #tpu.memory_space<vmem>> -> memref<512x56xf32, #tpu.memory_space<vmem>>
        %parallel_loop3A_474 = tpu.vector_load_idx %parallel_loop3A_473[%parallel_loop3A_314, %parallel_loop3A_468] : memref<512x56xf32, #tpu.memory_space<vmem>>[vector<16xi32>, vector<16xi32>], vector<16xf32>,
        %parallel_loop3A_475 = arith.constant 20 : i32
        %parallel_loop3A_476 = vector.broadcast %parallel_loop3A_475 : i32 to vector<16xi32>
        %parallel_loop3A_477 = arith.constant 0 : i32
        %parallel_loop3A_478 = arith.constant 0 : i32
        %parallel_loop3A_479 = arith.constant 0 : i32
        %parallel_loop3A_480 = tpu.memref_slice %arg6[%parallel_loop3A_477, %parallel_loop3A_478, %parallel_loop3A_479] : memref<2x512x56xf32, #tpu.memory_space<vmem>> -> memref<1x512x56xf32, #tpu.memory_space<vmem>>
        %parallel_loop3A_481 = tpu.memref_squeeze %parallel_loop3A_480 : memref<1x512x56xf32, #tpu.memory_space<vmem>> -> memref<512x56xf32, #tpu.memory_space<vmem>>
        %parallel_loop3A_482 = tpu.vector_load_idx %parallel_loop3A_481[%parallel_loop3A_314, %parallel_loop3A_476] : memref<512x56xf32, #tpu.memory_space<vmem>>[vector<16xi32>, vector<16xi32>], vector<16xf32>,
        %parallel_loop3A_483 = arith.constant 21 : i32
        %parallel_loop3A_484 = vector.broadcast %parallel_loop3A_483 : i32 to vector<16xi32>
        %parallel_loop3A_485 = arith.constant 0 : i32
        %parallel_loop3A_486 = arith.constant 0 : i32
        %parallel_loop3A_487 = arith.constant 0 : i32
        %parallel_loop3A_488 = tpu.memref_slice %arg6[%parallel_loop3A_485, %parallel_loop3A_486, %parallel_loop3A_487] : memref<2x512x56xf32, #tpu.memory_space<vmem>> -> memref<1x512x56xf32, #tpu.memory_space<vmem>>
        %parallel_loop3A_489 = tpu.memref_squeeze %parallel_loop3A_488 : memref<1x512x56xf32, #tpu.memory_space<vmem>> -> memref<512x56xf32, #tpu.memory_space<vmem>>
        %parallel_loop3A_490 = tpu.vector_load_idx %parallel_loop3A_489[%parallel_loop3A_314, %parallel_loop3A_484] : memref<512x56xf32, #tpu.memory_space<vmem>>[vector<16xi32>, vector<16xi32>], vector<16xf32>,
        %parallel_loop3A_491 = arith.constant 22 : i32
        %parallel_loop3A_492 = vector.broadcast %parallel_loop3A_491 : i32 to vector<16xi32>
        %parallel_loop3A_493 = arith.constant 0 : i32
        %parallel_loop3A_494 = arith.constant 0 : i32
        %parallel_loop3A_495 = arith.constant 0 : i32
        %parallel_loop3A_496 = tpu.memref_slice %arg6[%parallel_loop3A_493, %parallel_loop3A_494, %parallel_loop3A_495] : memref<2x512x56xf32, #tpu.memory_space<vmem>> -> memref<1x512x56xf32, #tpu.memory_space<vmem>>
        %parallel_loop3A_497 = tpu.memref_squeeze %parallel_loop3A_496 : memref<1x512x56xf32, #tpu.memory_space<vmem>> -> memref<512x56xf32, #tpu.memory_space<vmem>>
        %parallel_loop3A_498 = tpu.vector_load_idx %parallel_loop3A_497[%parallel_loop3A_314, %parallel_loop3A_492] : memref<512x56xf32, #tpu.memory_space<vmem>>[vector<16xi32>, vector<16xi32>], vector<16xf32>,
        %parallel_loop3A_499 = arith.constant 23 : i32
        %parallel_loop3A_500 = vector.broadcast %parallel_loop3A_499 : i32 to vector<16xi32>
        %parallel_loop3A_501 = arith.constant 0 : i32
        %parallel_loop3A_502 = arith.constant 0 : i32
        %parallel_loop3A_503 = arith.constant 0 : i32
        %parallel_loop3A_504 = tpu.memref_slice %arg6[%parallel_loop3A_501, %parallel_loop3A_502, %parallel_loop3A_503] : memref<2x512x56xf32, #tpu.memory_space<vmem>> -> memref<1x512x56xf32, #tpu.memory_space<vmem>>
        %parallel_loop3A_505 = tpu.memref_squeeze %parallel_loop3A_504 : memref<1x512x56xf32, #tpu.memory_space<vmem>> -> memref<512x56xf32, #tpu.memory_space<vmem>>
        %parallel_loop3A_506 = tpu.vector_load_idx %parallel_loop3A_505[%parallel_loop3A_314, %parallel_loop3A_500] : memref<512x56xf32, #tpu.memory_space<vmem>>[vector<16xi32>, vector<16xi32>], vector<16xf32>,
        %parallel_loop3A_507 = arith.constant 24 : i32
        %parallel_loop3A_508 = vector.broadcast %parallel_loop3A_507 : i32 to vector<16xi32>
        %parallel_loop3A_509 = arith.constant 0 : i32
        %parallel_loop3A_510 = arith.constant 0 : i32
        %parallel_loop3A_511 = arith.constant 0 : i32
        %parallel_loop3A_512 = tpu.memref_slice %arg6[%parallel_loop3A_509, %parallel_loop3A_510, %parallel_loop3A_511] : memref<2x512x56xf32, #tpu.memory_space<vmem>> -> memref<1x512x56xf32, #tpu.memory_space<vmem>>
        %parallel_loop3A_513 = tpu.memref_squeeze %parallel_loop3A_512 : memref<1x512x56xf32, #tpu.memory_space<vmem>> -> memref<512x56xf32, #tpu.memory_space<vmem>>
        %parallel_loop3A_514 = tpu.vector_load_idx %parallel_loop3A_513[%parallel_loop3A_314, %parallel_loop3A_508] : memref<512x56xf32, #tpu.memory_space<vmem>>[vector<16xi32>, vector<16xi32>], vector<16xf32>,
        %parallel_loop3A_515 = arith.constant 16 : i32
        %parallel_loop3A_516 = arith.muli %parallel_loop3A_310, %parallel_loop3A_515 : i32
        %parallel_loop3A_517 = arith.constant 0 : i32
        %parallel_loop3A_518 = arith.constant 0 : i32
        %parallel_loop3A_519 = arith.index_cast %parallel_loop3A_517 : i32 to index
        %parallel_loop3A_520 = arith.index_cast %parallel_loop3A_518 : i32 to index
        %parallel_loop3A_521 = arith.index_cast %parallel_loop3A_516 : i32 to index
        %parallel_loop3A_522 = tpu.vector_load %arg7[%parallel_loop3A_519, %parallel_loop3A_520, %parallel_loop3A_521] {strides = array<i32>} : memref<2x50x512xf32, #tpu.memory_space<vmem>>, vector<16xf32>,
        tpu.vector_store %arg7[%parallel_loop3A_519, %parallel_loop3A_520, %parallel_loop3A_521], %parallel_loop3A_322 {strides = array<i32>} : memref<2x50x512xf32, #tpu.memory_space<vmem>>, vector<16xf32>,
        %parallel_loop3A_523 = arith.constant 16 : i32
        %parallel_loop3A_524 = arith.muli %parallel_loop3A_310, %parallel_loop3A_523 : i32
        %parallel_loop3A_525 = arith.constant 0 : i32
        %parallel_loop3A_526 = arith.constant 1 : i32
        %parallel_loop3A_527 = arith.index_cast %parallel_loop3A_525 : i32 to index
        %parallel_loop3A_528 = arith.index_cast %parallel_loop3A_526 : i32 to index
        %parallel_loop3A_529 = arith.index_cast %parallel_loop3A_524 : i32 to index
        %parallel_loop3A_530 = tpu.vector_load %arg7[%parallel_loop3A_527, %parallel_loop3A_528, %parallel_loop3A_529] {strides = array<i32>} : memref<2x50x512xf32, #tpu.memory_space<vmem>>, vector<16xf32>,
        tpu.vector_store %arg7[%parallel_loop3A_527, %parallel_loop3A_528, %parallel_loop3A_529], %parallel_loop3A_330 {strides = array<i32>} : memref<2x50x512xf32, #tpu.memory_space<vmem>>, vector<16xf32>,
        %parallel_loop3A_531 = arith.constant 16 : i32
        %parallel_loop3A_532 = arith.muli %parallel_loop3A_310, %parallel_loop3A_531 : i32
        %parallel_loop3A_533 = arith.constant 0 : i32
        %parallel_loop3A_534 = arith.constant 2 : i32
        %parallel_loop3A_535 = arith.index_cast %parallel_loop3A_533 : i32 to index
        %parallel_loop3A_536 = arith.index_cast %parallel_loop3A_534 : i32 to index
        %parallel_loop3A_537 = arith.index_cast %parallel_loop3A_532 : i32 to index
        %parallel_loop3A_538 = tpu.vector_load %arg7[%parallel_loop3A_535, %parallel_loop3A_536, %parallel_loop3A_537] {strides = array<i32>} : memref<2x50x512xf32, #tpu.memory_space<vmem>>, vector<16xf32>,
        tpu.vector_store %arg7[%parallel_loop3A_535, %parallel_loop3A_536, %parallel_loop3A_537], %parallel_loop3A_338 {strides = array<i32>} : memref<2x50x512xf32, #tpu.memory_space<vmem>>, vector<16xf32>,
        %parallel_loop3A_539 = arith.constant 16 : i32
        %parallel_loop3A_540 = arith.muli %parallel_loop3A_310, %parallel_loop3A_539 : i32
        %parallel_loop3A_541 = arith.constant 0 : i32
        %parallel_loop3A_542 = arith.constant 3 : i32
        %parallel_loop3A_543 = arith.index_cast %parallel_loop3A_541 : i32 to index
        %parallel_loop3A_544 = arith.index_cast %parallel_loop3A_542 : i32 to index
        %parallel_loop3A_545 = arith.index_cast %parallel_loop3A_540 : i32 to index
        %parallel_loop3A_546 = tpu.vector_load %arg7[%parallel_loop3A_543, %parallel_loop3A_544, %parallel_loop3A_545] {strides = array<i32>} : memref<2x50x512xf32, #tpu.memory_space<vmem>>, vector<16xf32>,
        tpu.vector_store %arg7[%parallel_loop3A_543, %parallel_loop3A_544, %parallel_loop3A_545], %parallel_loop3A_346 {strides = array<i32>} : memref<2x50x512xf32, #tpu.memory_space<vmem>>, vector<16xf32>,
        %parallel_loop3A_547 = arith.constant 16 : i32
        %parallel_loop3A_548 = arith.muli %parallel_loop3A_310, %parallel_loop3A_547 : i32
        %parallel_loop3A_549 = arith.constant 0 : i32
        %parallel_loop3A_550 = arith.constant 4 : i32
        %parallel_loop3A_551 = arith.index_cast %parallel_loop3A_549 : i32 to index
        %parallel_loop3A_552 = arith.index_cast %parallel_loop3A_550 : i32 to index
        %parallel_loop3A_553 = arith.index_cast %parallel_loop3A_548 : i32 to index
        %parallel_loop3A_554 = tpu.vector_load %arg7[%parallel_loop3A_551, %parallel_loop3A_552, %parallel_loop3A_553] {strides = array<i32>} : memref<2x50x512xf32, #tpu.memory_space<vmem>>, vector<16xf32>,
        tpu.vector_store %arg7[%parallel_loop3A_551, %parallel_loop3A_552, %parallel_loop3A_553], %parallel_loop3A_354 {strides = array<i32>} : memref<2x50x512xf32, #tpu.memory_space<vmem>>, vector<16xf32>,
        %parallel_loop3A_555 = arith.constant 16 : i32
        %parallel_loop3A_556 = arith.muli %parallel_loop3A_310, %parallel_loop3A_555 : i32
        %parallel_loop3A_557 = arith.constant 0 : i32
        %parallel_loop3A_558 = arith.constant 5 : i32
        %parallel_loop3A_559 = arith.index_cast %parallel_loop3A_557 : i32 to index
        %parallel_loop3A_560 = arith.index_cast %parallel_loop3A_558 : i32 to index
        %parallel_loop3A_561 = arith.index_cast %parallel_loop3A_556 : i32 to index
        %parallel_loop3A_562 = tpu.vector_load %arg7[%parallel_loop3A_559, %parallel_loop3A_560, %parallel_loop3A_561] {strides = array<i32>} : memref<2x50x512xf32, #tpu.memory_space<vmem>>, vector<16xf32>,
        tpu.vector_store %arg7[%parallel_loop3A_559, %parallel_loop3A_560, %parallel_loop3A_561], %parallel_loop3A_362 {strides = array<i32>} : memref<2x50x512xf32, #tpu.memory_space<vmem>>, vector<16xf32>,
        %parallel_loop3A_563 = arith.constant 16 : i32
        %parallel_loop3A_564 = arith.muli %parallel_loop3A_310, %parallel_loop3A_563 : i32
        %parallel_loop3A_565 = arith.constant 0 : i32
        %parallel_loop3A_566 = arith.constant 6 : i32
        %parallel_loop3A_567 = arith.index_cast %parallel_loop3A_565 : i32 to index
        %parallel_loop3A_568 = arith.index_cast %parallel_loop3A_566 : i32 to index
        %parallel_loop3A_569 = arith.index_cast %parallel_loop3A_564 : i32 to index
        %parallel_loop3A_570 = tpu.vector_load %arg7[%parallel_loop3A_567, %parallel_loop3A_568, %parallel_loop3A_569] {strides = array<i32>} : memref<2x50x512xf32, #tpu.memory_space<vmem>>, vector<16xf32>,
        tpu.vector_store %arg7[%parallel_loop3A_567, %parallel_loop3A_568, %parallel_loop3A_569], %parallel_loop3A_370 {strides = array<i32>} : memref<2x50x512xf32, #tpu.memory_space<vmem>>, vector<16xf32>,
        %parallel_loop3A_571 = arith.constant 16 : i32
        %parallel_loop3A_572 = arith.muli %parallel_loop3A_310, %parallel_loop3A_571 : i32
        %parallel_loop3A_573 = arith.constant 0 : i32
        %parallel_loop3A_574 = arith.constant 7 : i32
        %parallel_loop3A_575 = arith.index_cast %parallel_loop3A_573 : i32 to index
        %parallel_loop3A_576 = arith.index_cast %parallel_loop3A_574 : i32 to index
        %parallel_loop3A_577 = arith.index_cast %parallel_loop3A_572 : i32 to index
        %parallel_loop3A_578 = tpu.vector_load %arg7[%parallel_loop3A_575, %parallel_loop3A_576, %parallel_loop3A_577] {strides = array<i32>} : memref<2x50x512xf32, #tpu.memory_space<vmem>>, vector<16xf32>,
        tpu.vector_store %arg7[%parallel_loop3A_575, %parallel_loop3A_576, %parallel_loop3A_577], %parallel_loop3A_378 {strides = array<i32>} : memref<2x50x512xf32, #tpu.memory_space<vmem>>, vector<16xf32>,
        %parallel_loop3A_579 = arith.constant 16 : i32
        %parallel_loop3A_580 = arith.muli %parallel_loop3A_310, %parallel_loop3A_579 : i32
        %parallel_loop3A_581 = arith.constant 0 : i32
        %parallel_loop3A_582 = arith.constant 8 : i32
        %parallel_loop3A_583 = arith.index_cast %parallel_loop3A_581 : i32 to index
        %parallel_loop3A_584 = arith.index_cast %parallel_loop3A_582 : i32 to index
        %parallel_loop3A_585 = arith.index_cast %parallel_loop3A_580 : i32 to index
        %parallel_loop3A_586 = tpu.vector_load %arg7[%parallel_loop3A_583, %parallel_loop3A_584, %parallel_loop3A_585] {strides = array<i32>} : memref<2x50x512xf32, #tpu.memory_space<vmem>>, vector<16xf32>,
        tpu.vector_store %arg7[%parallel_loop3A_583, %parallel_loop3A_584, %parallel_loop3A_585], %parallel_loop3A_386 {strides = array<i32>} : memref<2x50x512xf32, #tpu.memory_space<vmem>>, vector<16xf32>,
        %parallel_loop3A_587 = arith.constant 16 : i32
        %parallel_loop3A_588 = arith.muli %parallel_loop3A_310, %parallel_loop3A_587 : i32
        %parallel_loop3A_589 = arith.constant 0 : i32
        %parallel_loop3A_590 = arith.constant 9 : i32
        %parallel_loop3A_591 = arith.index_cast %parallel_loop3A_589 : i32 to index
        %parallel_loop3A_592 = arith.index_cast %parallel_loop3A_590 : i32 to index
        %parallel_loop3A_593 = arith.index_cast %parallel_loop3A_588 : i32 to index
        %parallel_loop3A_594 = tpu.vector_load %arg7[%parallel_loop3A_591, %parallel_loop3A_592, %parallel_loop3A_593] {strides = array<i32>} : memref<2x50x512xf32, #tpu.memory_space<vmem>>, vector<16xf32>,
        tpu.vector_store %arg7[%parallel_loop3A_591, %parallel_loop3A_592, %parallel_loop3A_593], %parallel_loop3A_394 {strides = array<i32>} : memref<2x50x512xf32, #tpu.memory_space<vmem>>, vector<16xf32>,
        %parallel_loop3A_595 = arith.constant 16 : i32
        %parallel_loop3A_596 = arith.muli %parallel_loop3A_310, %parallel_loop3A_595 : i32
        %parallel_loop3A_597 = arith.constant 0 : i32
        %parallel_loop3A_598 = arith.constant 10 : i32
        %parallel_loop3A_599 = arith.index_cast %parallel_loop3A_597 : i32 to index
        %parallel_loop3A_600 = arith.index_cast %parallel_loop3A_598 : i32 to index
        %parallel_loop3A_601 = arith.index_cast %parallel_loop3A_596 : i32 to index
        %parallel_loop3A_602 = tpu.vector_load %arg7[%parallel_loop3A_599, %parallel_loop3A_600, %parallel_loop3A_601] {strides = array<i32>} : memref<2x50x512xf32, #tpu.memory_space<vmem>>, vector<16xf32>,
        tpu.vector_store %arg7[%parallel_loop3A_599, %parallel_loop3A_600, %parallel_loop3A_601], %parallel_loop3A_402 {strides = array<i32>} : memref<2x50x512xf32, #tpu.memory_space<vmem>>, vector<16xf32>,
        %parallel_loop3A_603 = arith.constant 16 : i32
        %parallel_loop3A_604 = arith.muli %parallel_loop3A_310, %parallel_loop3A_603 : i32
        %parallel_loop3A_605 = arith.constant 0 : i32
        %parallel_loop3A_606 = arith.constant 11 : i32
        %parallel_loop3A_607 = arith.index_cast %parallel_loop3A_605 : i32 to index
        %parallel_loop3A_608 = arith.index_cast %parallel_loop3A_606 : i32 to index
        %parallel_loop3A_609 = arith.index_cast %parallel_loop3A_604 : i32 to index
        %parallel_loop3A_610 = tpu.vector_load %arg7[%parallel_loop3A_607, %parallel_loop3A_608, %parallel_loop3A_609] {strides = array<i32>} : memref<2x50x512xf32, #tpu.memory_space<vmem>>, vector<16xf32>,
        tpu.vector_store %arg7[%parallel_loop3A_607, %parallel_loop3A_608, %parallel_loop3A_609], %parallel_loop3A_410 {strides = array<i32>} : memref<2x50x512xf32, #tpu.memory_space<vmem>>, vector<16xf32>,
        %parallel_loop3A_611 = arith.constant 16 : i32
        %parallel_loop3A_612 = arith.muli %parallel_loop3A_310, %parallel_loop3A_611 : i32
        %parallel_loop3A_613 = arith.constant 0 : i32
        %parallel_loop3A_614 = arith.constant 12 : i32
        %parallel_loop3A_615 = arith.index_cast %parallel_loop3A_613 : i32 to index
        %parallel_loop3A_616 = arith.index_cast %parallel_loop3A_614 : i32 to index
        %parallel_loop3A_617 = arith.index_cast %parallel_loop3A_612 : i32 to index
        %parallel_loop3A_618 = tpu.vector_load %arg7[%parallel_loop3A_615, %parallel_loop3A_616, %parallel_loop3A_617] {strides = array<i32>} : memref<2x50x512xf32, #tpu.memory_space<vmem>>, vector<16xf32>,
        tpu.vector_store %arg7[%parallel_loop3A_615, %parallel_loop3A_616, %parallel_loop3A_617], %parallel_loop3A_418 {strides = array<i32>} : memref<2x50x512xf32, #tpu.memory_space<vmem>>, vector<16xf32>,
        %parallel_loop3A_619 = arith.constant 16 : i32
        %parallel_loop3A_620 = arith.muli %parallel_loop3A_310, %parallel_loop3A_619 : i32
        %parallel_loop3A_621 = arith.constant 0 : i32
        %parallel_loop3A_622 = arith.constant 13 : i32
        %parallel_loop3A_623 = arith.index_cast %parallel_loop3A_621 : i32 to index
        %parallel_loop3A_624 = arith.index_cast %parallel_loop3A_622 : i32 to index
        %parallel_loop3A_625 = arith.index_cast %parallel_loop3A_620 : i32 to index
        %parallel_loop3A_626 = tpu.vector_load %arg7[%parallel_loop3A_623, %parallel_loop3A_624, %parallel_loop3A_625] {strides = array<i32>} : memref<2x50x512xf32, #tpu.memory_space<vmem>>, vector<16xf32>,
        tpu.vector_store %arg7[%parallel_loop3A_623, %parallel_loop3A_624, %parallel_loop3A_625], %parallel_loop3A_426 {strides = array<i32>} : memref<2x50x512xf32, #tpu.memory_space<vmem>>, vector<16xf32>,
        %parallel_loop3A_627 = arith.constant 16 : i32
        %parallel_loop3A_628 = arith.muli %parallel_loop3A_310, %parallel_loop3A_627 : i32
        %parallel_loop3A_629 = arith.constant 0 : i32
        %parallel_loop3A_630 = arith.constant 14 : i32
        %parallel_loop3A_631 = arith.index_cast %parallel_loop3A_629 : i32 to index
        %parallel_loop3A_632 = arith.index_cast %parallel_loop3A_630 : i32 to index
        %parallel_loop3A_633 = arith.index_cast %parallel_loop3A_628 : i32 to index
        %parallel_loop3A_634 = tpu.vector_load %arg7[%parallel_loop3A_631, %parallel_loop3A_632, %parallel_loop3A_633] {strides = array<i32>} : memref<2x50x512xf32, #tpu.memory_space<vmem>>, vector<16xf32>,
        tpu.vector_store %arg7[%parallel_loop3A_631, %parallel_loop3A_632, %parallel_loop3A_633], %parallel_loop3A_434 {strides = array<i32>} : memref<2x50x512xf32, #tpu.memory_space<vmem>>, vector<16xf32>,
        %parallel_loop3A_635 = arith.constant 16 : i32
        %parallel_loop3A_636 = arith.muli %parallel_loop3A_310, %parallel_loop3A_635 : i32
        %parallel_loop3A_637 = arith.constant 0 : i32
        %parallel_loop3A_638 = arith.constant 15 : i32
        %parallel_loop3A_639 = arith.index_cast %parallel_loop3A_637 : i32 to index
        %parallel_loop3A_640 = arith.index_cast %parallel_loop3A_638 : i32 to index
        %parallel_loop3A_641 = arith.index_cast %parallel_loop3A_636 : i32 to index
        %parallel_loop3A_642 = tpu.vector_load %arg7[%parallel_loop3A_639, %parallel_loop3A_640, %parallel_loop3A_641] {strides = array<i32>} : memref<2x50x512xf32, #tpu.memory_space<vmem>>, vector<16xf32>,
        tpu.vector_store %arg7[%parallel_loop3A_639, %parallel_loop3A_640, %parallel_loop3A_641], %parallel_loop3A_442 {strides = array<i32>} : memref<2x50x512xf32, #tpu.memory_space<vmem>>, vector<16xf32>,
        %parallel_loop3A_643 = arith.constant 16 : i32
        %parallel_loop3A_644 = arith.muli %parallel_loop3A_310, %parallel_loop3A_643 : i32
        %parallel_loop3A_645 = arith.constant 0 : i32
        %parallel_loop3A_646 = arith.constant 16 : i32
        %parallel_loop3A_647 = arith.index_cast %parallel_loop3A_645 : i32 to index
        %parallel_loop3A_648 = arith.index_cast %parallel_loop3A_646 : i32 to index
        %parallel_loop3A_649 = arith.index_cast %parallel_loop3A_644 : i32 to index
        %parallel_loop3A_650 = tpu.vector_load %arg7[%parallel_loop3A_647, %parallel_loop3A_648, %parallel_loop3A_649] {strides = array<i32>} : memref<2x50x512xf32, #tpu.memory_space<vmem>>, vector<16xf32>,
        tpu.vector_store %arg7[%parallel_loop3A_647, %parallel_loop3A_648, %parallel_loop3A_649], %parallel_loop3A_450 {strides = array<i32>} : memref<2x50x512xf32, #tpu.memory_space<vmem>>, vector<16xf32>,
        %parallel_loop3A_651 = arith.constant 16 : i32
        %parallel_loop3A_652 = arith.muli %parallel_loop3A_310, %parallel_loop3A_651 : i32
        %parallel_loop3A_653 = arith.constant 0 : i32
        %parallel_loop3A_654 = arith.constant 17 : i32
        %parallel_loop3A_655 = arith.index_cast %parallel_loop3A_653 : i32 to index
        %parallel_loop3A_656 = arith.index_cast %parallel_loop3A_654 : i32 to index
        %parallel_loop3A_657 = arith.index_cast %parallel_loop3A_652 : i32 to index
        %parallel_loop3A_658 = tpu.vector_load %arg7[%parallel_loop3A_655, %parallel_loop3A_656, %parallel_loop3A_657] {strides = array<i32>} : memref<2x50x512xf32, #tpu.memory_space<vmem>>, vector<16xf32>,
        tpu.vector_store %arg7[%parallel_loop3A_655, %parallel_loop3A_656, %parallel_loop3A_657], %parallel_loop3A_458 {strides = array<i32>} : memref<2x50x512xf32, #tpu.memory_space<vmem>>, vector<16xf32>,
        %parallel_loop3A_659 = arith.constant 16 : i32
        %parallel_loop3A_660 = arith.muli %parallel_loop3A_310, %parallel_loop3A_659 : i32
        %parallel_loop3A_661 = arith.constant 0 : i32
        %parallel_loop3A_662 = arith.constant 18 : i32
        %parallel_loop3A_663 = arith.index_cast %parallel_loop3A_661 : i32 to index
        %parallel_loop3A_664 = arith.index_cast %parallel_loop3A_662 : i32 to index
        %parallel_loop3A_665 = arith.index_cast %parallel_loop3A_660 : i32 to index
        %parallel_loop3A_666 = tpu.vector_load %arg7[%parallel_loop3A_663, %parallel_loop3A_664, %parallel_loop3A_665] {strides = array<i32>} : memref<2x50x512xf32, #tpu.memory_space<vmem>>, vector<16xf32>,
        tpu.vector_store %arg7[%parallel_loop3A_663, %parallel_loop3A_664, %parallel_loop3A_665], %parallel_loop3A_466 {strides = array<i32>} : memref<2x50x512xf32, #tpu.memory_space<vmem>>, vector<16xf32>,
        %parallel_loop3A_667 = arith.constant 16 : i32
        %parallel_loop3A_668 = arith.muli %parallel_loop3A_310, %parallel_loop3A_667 : i32
        %parallel_loop3A_669 = arith.constant 0 : i32
        %parallel_loop3A_670 = arith.constant 19 : i32
        %parallel_loop3A_671 = arith.index_cast %parallel_loop3A_669 : i32 to index
        %parallel_loop3A_672 = arith.index_cast %parallel_loop3A_670 : i32 to index
        %parallel_loop3A_673 = arith.index_cast %parallel_loop3A_668 : i32 to index
        %parallel_loop3A_674 = tpu.vector_load %arg7[%parallel_loop3A_671, %parallel_loop3A_672, %parallel_loop3A_673] {strides = array<i32>} : memref<2x50x512xf32, #tpu.memory_space<vmem>>, vector<16xf32>,
        tpu.vector_store %arg7[%parallel_loop3A_671, %parallel_loop3A_672, %parallel_loop3A_673], %parallel_loop3A_474 {strides = array<i32>} : memref<2x50x512xf32, #tpu.memory_space<vmem>>, vector<16xf32>,
        %parallel_loop3A_675 = arith.constant 16 : i32
        %parallel_loop3A_676 = arith.muli %parallel_loop3A_310, %parallel_loop3A_675 : i32
        %parallel_loop3A_677 = arith.constant 0 : i32
        %parallel_loop3A_678 = arith.constant 20 : i32
        %parallel_loop3A_679 = arith.index_cast %parallel_loop3A_677 : i32 to index
        %parallel_loop3A_680 = arith.index_cast %parallel_loop3A_678 : i32 to index
        %parallel_loop3A_681 = arith.index_cast %parallel_loop3A_676 : i32 to index
        %parallel_loop3A_682 = tpu.vector_load %arg7[%parallel_loop3A_679, %parallel_loop3A_680, %parallel_loop3A_681] {strides = array<i32>} : memref<2x50x512xf32, #tpu.memory_space<vmem>>, vector<16xf32>,
        tpu.vector_store %arg7[%parallel_loop3A_679, %parallel_loop3A_680, %parallel_loop3A_681], %parallel_loop3A_482 {strides = array<i32>} : memref<2x50x512xf32, #tpu.memory_space<vmem>>, vector<16xf32>,
        %parallel_loop3A_683 = arith.constant 16 : i32
        %parallel_loop3A_684 = arith.muli %parallel_loop3A_310, %parallel_loop3A_683 : i32
        %parallel_loop3A_685 = arith.constant 0 : i32
        %parallel_loop3A_686 = arith.constant 21 : i32
        %parallel_loop3A_687 = arith.index_cast %parallel_loop3A_685 : i32 to index
        %parallel_loop3A_688 = arith.index_cast %parallel_loop3A_686 : i32 to index
        %parallel_loop3A_689 = arith.index_cast %parallel_loop3A_684 : i32 to index
        %parallel_loop3A_690 = tpu.vector_load %arg7[%parallel_loop3A_687, %parallel_loop3A_688, %parallel_loop3A_689] {strides = array<i32>} : memref<2x50x512xf32, #tpu.memory_space<vmem>>, vector<16xf32>,
        tpu.vector_store %arg7[%parallel_loop3A_687, %parallel_loop3A_688, %parallel_loop3A_689], %parallel_loop3A_490 {strides = array<i32>} : memref<2x50x512xf32, #tpu.memory_space<vmem>>, vector<16xf32>,
        %parallel_loop3A_691 = arith.constant 16 : i32
        %parallel_loop3A_692 = arith.muli %parallel_loop3A_310, %parallel_loop3A_691 : i32
        %parallel_loop3A_693 = arith.constant 0 : i32
        %parallel_loop3A_694 = arith.constant 22 : i32
        %parallel_loop3A_695 = arith.index_cast %parallel_loop3A_693 : i32 to index
        %parallel_loop3A_696 = arith.index_cast %parallel_loop3A_694 : i32 to index
        %parallel_loop3A_697 = arith.index_cast %parallel_loop3A_692 : i32 to index
        %parallel_loop3A_698 = tpu.vector_load %arg7[%parallel_loop3A_695, %parallel_loop3A_696, %parallel_loop3A_697] {strides = array<i32>} : memref<2x50x512xf32, #tpu.memory_space<vmem>>, vector<16xf32>,
        tpu.vector_store %arg7[%parallel_loop3A_695, %parallel_loop3A_696, %parallel_loop3A_697], %parallel_loop3A_498 {strides = array<i32>} : memref<2x50x512xf32, #tpu.memory_space<vmem>>, vector<16xf32>,
        %parallel_loop3A_699 = arith.constant 16 : i32
        %parallel_loop3A_700 = arith.muli %parallel_loop3A_310, %parallel_loop3A_699 : i32
        %parallel_loop3A_701 = arith.constant 0 : i32
        %parallel_loop3A_702 = arith.constant 23 : i32
        %parallel_loop3A_703 = arith.index_cast %parallel_loop3A_701 : i32 to index
        %parallel_loop3A_704 = arith.index_cast %parallel_loop3A_702 : i32 to index
        %parallel_loop3A_705 = arith.index_cast %parallel_loop3A_700 : i32 to index
        %parallel_loop3A_706 = tpu.vector_load %arg7[%parallel_loop3A_703, %parallel_loop3A_704, %parallel_loop3A_705] {strides = array<i32>} : memref<2x50x512xf32, #tpu.memory_space<vmem>>, vector<16xf32>,
        tpu.vector_store %arg7[%parallel_loop3A_703, %parallel_loop3A_704, %parallel_loop3A_705], %parallel_loop3A_506 {strides = array<i32>} : memref<2x50x512xf32, #tpu.memory_space<vmem>>, vector<16xf32>,
        %parallel_loop3A_707 = arith.constant 16 : i32
        %parallel_loop3A_708 = arith.muli %parallel_loop3A_310, %parallel_loop3A_707 : i32
        %parallel_loop3A_709 = arith.constant 0 : i32
        %parallel_loop3A_710 = arith.constant 24 : i32
        %parallel_loop3A_711 = arith.index_cast %parallel_loop3A_709 : i32 to index
        %parallel_loop3A_712 = arith.index_cast %parallel_loop3A_710 : i32 to index
        %parallel_loop3A_713 = arith.index_cast %parallel_loop3A_708 : i32 to index
        %parallel_loop3A_714 = tpu.vector_load %arg7[%parallel_loop3A_711, %parallel_loop3A_712, %parallel_loop3A_713] {strides = array<i32>} : memref<2x50x512xf32, #tpu.memory_space<vmem>>, vector<16xf32>,
        tpu.vector_store %arg7[%parallel_loop3A_711, %parallel_loop3A_712, %parallel_loop3A_713], %parallel_loop3A_514 {strides = array<i32>} : memref<2x50x512xf32, #tpu.memory_space<vmem>>, vector<16xf32>,
        %parallel_loop3A_715 = arith.constant 25 : i32
        %parallel_loop3A_716 = vector.broadcast %parallel_loop3A_715 : i32 to vector<16xi32>
        %parallel_loop3A_717 = arith.constant 0 : i32
        %parallel_loop3A_718 = arith.constant 0 : i32
        %parallel_loop3A_719 = arith.constant 0 : i32
        %parallel_loop3A_720 = tpu.memref_slice %arg6[%parallel_loop3A_717, %parallel_loop3A_718, %parallel_loop3A_719] : memref<2x512x56xf32, #tpu.memory_space<vmem>> -> memref<1x512x56xf32, #tpu.memory_space<vmem>>
        %parallel_loop3A_721 = tpu.memref_squeeze %parallel_loop3A_720 : memref<1x512x56xf32, #tpu.memory_space<vmem>> -> memref<512x56xf32, #tpu.memory_space<vmem>>
        %parallel_loop3A_722 = tpu.vector_load_idx %parallel_loop3A_721[%parallel_loop3A_314, %parallel_loop3A_716] : memref<512x56xf32, #tpu.memory_space<vmem>>[vector<16xi32>, vector<16xi32>], vector<16xf32>,
        %parallel_loop3A_723 = arith.constant 26 : i32
        %parallel_loop3A_724 = vector.broadcast %parallel_loop3A_723 : i32 to vector<16xi32>
        %parallel_loop3A_725 = arith.constant 0 : i32
        %parallel_loop3A_726 = arith.constant 0 : i32
        %parallel_loop3A_727 = arith.constant 0 : i32
        %parallel_loop3A_728 = tpu.memref_slice %arg6[%parallel_loop3A_725, %parallel_loop3A_726, %parallel_loop3A_727] : memref<2x512x56xf32, #tpu.memory_space<vmem>> -> memref<1x512x56xf32, #tpu.memory_space<vmem>>
        %parallel_loop3A_729 = tpu.memref_squeeze %parallel_loop3A_728 : memref<1x512x56xf32, #tpu.memory_space<vmem>> -> memref<512x56xf32, #tpu.memory_space<vmem>>
        %parallel_loop3A_730 = tpu.vector_load_idx %parallel_loop3A_729[%parallel_loop3A_314, %parallel_loop3A_724] : memref<512x56xf32, #tpu.memory_space<vmem>>[vector<16xi32>, vector<16xi32>], vector<16xf32>,
        %parallel_loop3A_731 = arith.constant 27 : i32
        %parallel_loop3A_732 = vector.broadcast %parallel_loop3A_731 : i32 to vector<16xi32>
        %parallel_loop3A_733 = arith.constant 0 : i32
        %parallel_loop3A_734 = arith.constant 0 : i32
        %parallel_loop3A_735 = arith.constant 0 : i32
        %parallel_loop3A_736 = tpu.memref_slice %arg6[%parallel_loop3A_733, %parallel_loop3A_734, %parallel_loop3A_735] : memref<2x512x56xf32, #tpu.memory_space<vmem>> -> memref<1x512x56xf32, #tpu.memory_space<vmem>>
        %parallel_loop3A_737 = tpu.memref_squeeze %parallel_loop3A_736 : memref<1x512x56xf32, #tpu.memory_space<vmem>> -> memref<512x56xf32, #tpu.memory_space<vmem>>
        %parallel_loop3A_738 = tpu.vector_load_idx %parallel_loop3A_737[%parallel_loop3A_314, %parallel_loop3A_732] : memref<512x56xf32, #tpu.memory_space<vmem>>[vector<16xi32>, vector<16xi32>], vector<16xf32>,
        %parallel_loop3A_739 = arith.constant 28 : i32
        %parallel_loop3A_740 = vector.broadcast %parallel_loop3A_739 : i32 to vector<16xi32>
        %parallel_loop3A_741 = arith.constant 0 : i32
        %parallel_loop3A_742 = arith.constant 0 : i32
        %parallel_loop3A_743 = arith.constant 0 : i32
        %parallel_loop3A_744 = tpu.memref_slice %arg6[%parallel_loop3A_741, %parallel_loop3A_742, %parallel_loop3A_743] : memref<2x512x56xf32, #tpu.memory_space<vmem>> -> memref<1x512x56xf32, #tpu.memory_space<vmem>>
        %parallel_loop3A_745 = tpu.memref_squeeze %parallel_loop3A_744 : memref<1x512x56xf32, #tpu.memory_space<vmem>> -> memref<512x56xf32, #tpu.memory_space<vmem>>
        %parallel_loop3A_746 = tpu.vector_load_idx %parallel_loop3A_745[%parallel_loop3A_314, %parallel_loop3A_740] : memref<512x56xf32, #tpu.memory_space<vmem>>[vector<16xi32>, vector<16xi32>], vector<16xf32>,
        %parallel_loop3A_747 = arith.constant 29 : i32
        %parallel_loop3A_748 = vector.broadcast %parallel_loop3A_747 : i32 to vector<16xi32>
        %parallel_loop3A_749 = arith.constant 0 : i32
        %parallel_loop3A_750 = arith.constant 0 : i32
        %parallel_loop3A_751 = arith.constant 0 : i32
        %parallel_loop3A_752 = tpu.memref_slice %arg6[%parallel_loop3A_749, %parallel_loop3A_750, %parallel_loop3A_751] : memref<2x512x56xf32, #tpu.memory_space<vmem>> -> memref<1x512x56xf32, #tpu.memory_space<vmem>>
        %parallel_loop3A_753 = tpu.memref_squeeze %parallel_loop3A_752 : memref<1x512x56xf32, #tpu.memory_space<vmem>> -> memref<512x56xf32, #tpu.memory_space<vmem>>
        %parallel_loop3A_754 = tpu.vector_load_idx %parallel_loop3A_753[%parallel_loop3A_314, %parallel_loop3A_748] : memref<512x56xf32, #tpu.memory_space<vmem>>[vector<16xi32>, vector<16xi32>], vector<16xf32>,
        %parallel_loop3A_755 = arith.constant 30 : i32
        %parallel_loop3A_756 = vector.broadcast %parallel_loop3A_755 : i32 to vector<16xi32>
        %parallel_loop3A_757 = arith.constant 0 : i32
        %parallel_loop3A_758 = arith.constant 0 : i32
        %parallel_loop3A_759 = arith.constant 0 : i32
        %parallel_loop3A_760 = tpu.memref_slice %arg6[%parallel_loop3A_757, %parallel_loop3A_758, %parallel_loop3A_759] : memref<2x512x56xf32, #tpu.memory_space<vmem>> -> memref<1x512x56xf32, #tpu.memory_space<vmem>>
        %parallel_loop3A_761 = tpu.memref_squeeze %parallel_loop3A_760 : memref<1x512x56xf32, #tpu.memory_space<vmem>> -> memref<512x56xf32, #tpu.memory_space<vmem>>
        %parallel_loop3A_762 = tpu.vector_load_idx %parallel_loop3A_761[%parallel_loop3A_314, %parallel_loop3A_756] : memref<512x56xf32, #tpu.memory_space<vmem>>[vector<16xi32>, vector<16xi32>], vector<16xf32>,
        %parallel_loop3A_763 = arith.constant 31 : i32
        %parallel_loop3A_764 = vector.broadcast %parallel_loop3A_763 : i32 to vector<16xi32>
        %parallel_loop3A_765 = arith.constant 0 : i32
        %parallel_loop3A_766 = arith.constant 0 : i32
        %parallel_loop3A_767 = arith.constant 0 : i32
        %parallel_loop3A_768 = tpu.memref_slice %arg6[%parallel_loop3A_765, %parallel_loop3A_766, %parallel_loop3A_767] : memref<2x512x56xf32, #tpu.memory_space<vmem>> -> memref<1x512x56xf32, #tpu.memory_space<vmem>>
        %parallel_loop3A_769 = tpu.memref_squeeze %parallel_loop3A_768 : memref<1x512x56xf32, #tpu.memory_space<vmem>> -> memref<512x56xf32, #tpu.memory_space<vmem>>
        %parallel_loop3A_770 = tpu.vector_load_idx %parallel_loop3A_769[%parallel_loop3A_314, %parallel_loop3A_764] : memref<512x56xf32, #tpu.memory_space<vmem>>[vector<16xi32>, vector<16xi32>], vector<16xf32>,
        %parallel_loop3A_771 = arith.constant 32 : i32
        %parallel_loop3A_772 = vector.broadcast %parallel_loop3A_771 : i32 to vector<16xi32>
        %parallel_loop3A_773 = arith.constant 0 : i32
        %parallel_loop3A_774 = arith.constant 0 : i32
        %parallel_loop3A_775 = arith.constant 0 : i32
        %parallel_loop3A_776 = tpu.memref_slice %arg6[%parallel_loop3A_773, %parallel_loop3A_774, %parallel_loop3A_775] : memref<2x512x56xf32, #tpu.memory_space<vmem>> -> memref<1x512x56xf32, #tpu.memory_space<vmem>>
        %parallel_loop3A_777 = tpu.memref_squeeze %parallel_loop3A_776 : memref<1x512x56xf32, #tpu.memory_space<vmem>> -> memref<512x56xf32, #tpu.memory_space<vmem>>
        %parallel_loop3A_778 = tpu.vector_load_idx %parallel_loop3A_777[%parallel_loop3A_314, %parallel_loop3A_772] : memref<512x56xf32, #tpu.memory_space<vmem>>[vector<16xi32>, vector<16xi32>], vector<16xf32>,
        %parallel_loop3A_779 = arith.constant 33 : i32
        %parallel_loop3A_780 = vector.broadcast %parallel_loop3A_779 : i32 to vector<16xi32>
        %parallel_loop3A_781 = arith.constant 0 : i32
        %parallel_loop3A_782 = arith.constant 0 : i32
        %parallel_loop3A_783 = arith.constant 0 : i32
        %parallel_loop3A_784 = tpu.memref_slice %arg6[%parallel_loop3A_781, %parallel_loop3A_782, %parallel_loop3A_783] : memref<2x512x56xf32, #tpu.memory_space<vmem>> -> memref<1x512x56xf32, #tpu.memory_space<vmem>>
        %parallel_loop3A_785 = tpu.memref_squeeze %parallel_loop3A_784 : memref<1x512x56xf32, #tpu.memory_space<vmem>> -> memref<512x56xf32, #tpu.memory_space<vmem>>
        %parallel_loop3A_786 = tpu.vector_load_idx %parallel_loop3A_785[%parallel_loop3A_314, %parallel_loop3A_780] : memref<512x56xf32, #tpu.memory_space<vmem>>[vector<16xi32>, vector<16xi32>], vector<16xf32>,
        %parallel_loop3A_787 = arith.constant 34 : i32
        %parallel_loop3A_788 = vector.broadcast %parallel_loop3A_787 : i32 to vector<16xi32>
        %parallel_loop3A_789 = arith.constant 0 : i32
        %parallel_loop3A_790 = arith.constant 0 : i32
        %parallel_loop3A_791 = arith.constant 0 : i32
        %parallel_loop3A_792 = tpu.memref_slice %arg6[%parallel_loop3A_789, %parallel_loop3A_790, %parallel_loop3A_791] : memref<2x512x56xf32, #tpu.memory_space<vmem>> -> memref<1x512x56xf32, #tpu.memory_space<vmem>>
        %parallel_loop3A_793 = tpu.memref_squeeze %parallel_loop3A_792 : memref<1x512x56xf32, #tpu.memory_space<vmem>> -> memref<512x56xf32, #tpu.memory_space<vmem>>
        %parallel_loop3A_794 = tpu.vector_load_idx %parallel_loop3A_793[%parallel_loop3A_314, %parallel_loop3A_788] : memref<512x56xf32, #tpu.memory_space<vmem>>[vector<16xi32>, vector<16xi32>], vector<16xf32>,
        %parallel_loop3A_795 = arith.constant 35 : i32
        %parallel_loop3A_796 = vector.broadcast %parallel_loop3A_795 : i32 to vector<16xi32>
        %parallel_loop3A_797 = arith.constant 0 : i32
        %parallel_loop3A_798 = arith.constant 0 : i32
        %parallel_loop3A_799 = arith.constant 0 : i32
        %parallel_loop3A_800 = tpu.memref_slice %arg6[%parallel_loop3A_797, %parallel_loop3A_798, %parallel_loop3A_799] : memref<2x512x56xf32, #tpu.memory_space<vmem>> -> memref<1x512x56xf32, #tpu.memory_space<vmem>>
        %parallel_loop3A_801 = tpu.memref_squeeze %parallel_loop3A_800 : memref<1x512x56xf32, #tpu.memory_space<vmem>> -> memref<512x56xf32, #tpu.memory_space<vmem>>
        %parallel_loop3A_802 = tpu.vector_load_idx %parallel_loop3A_801[%parallel_loop3A_314, %parallel_loop3A_796] : memref<512x56xf32, #tpu.memory_space<vmem>>[vector<16xi32>, vector<16xi32>], vector<16xf32>,
        %parallel_loop3A_803 = arith.constant 36 : i32
        %parallel_loop3A_804 = vector.broadcast %parallel_loop3A_803 : i32 to vector<16xi32>
        %parallel_loop3A_805 = arith.constant 0 : i32
        %parallel_loop3A_806 = arith.constant 0 : i32
        %parallel_loop3A_807 = arith.constant 0 : i32
        %parallel_loop3A_808 = tpu.memref_slice %arg6[%parallel_loop3A_805, %parallel_loop3A_806, %parallel_loop3A_807] : memref<2x512x56xf32, #tpu.memory_space<vmem>> -> memref<1x512x56xf32, #tpu.memory_space<vmem>>
        %parallel_loop3A_809 = tpu.memref_squeeze %parallel_loop3A_808 : memref<1x512x56xf32, #tpu.memory_space<vmem>> -> memref<512x56xf32, #tpu.memory_space<vmem>>
        %parallel_loop3A_810 = tpu.vector_load_idx %parallel_loop3A_809[%parallel_loop3A_314, %parallel_loop3A_804] : memref<512x56xf32, #tpu.memory_space<vmem>>[vector<16xi32>, vector<16xi32>], vector<16xf32>,
        %parallel_loop3A_811 = arith.constant 37 : i32
        %parallel_loop3A_812 = vector.broadcast %parallel_loop3A_811 : i32 to vector<16xi32>
        %parallel_loop3A_813 = arith.constant 0 : i32
        %parallel_loop3A_814 = arith.constant 0 : i32
        %parallel_loop3A_815 = arith.constant 0 : i32
        %parallel_loop3A_816 = tpu.memref_slice %arg6[%parallel_loop3A_813, %parallel_loop3A_814, %parallel_loop3A_815] : memref<2x512x56xf32, #tpu.memory_space<vmem>> -> memref<1x512x56xf32, #tpu.memory_space<vmem>>
        %parallel_loop3A_817 = tpu.memref_squeeze %parallel_loop3A_816 : memref<1x512x56xf32, #tpu.memory_space<vmem>> -> memref<512x56xf32, #tpu.memory_space<vmem>>
        %parallel_loop3A_818 = tpu.vector_load_idx %parallel_loop3A_817[%parallel_loop3A_314, %parallel_loop3A_812] : memref<512x56xf32, #tpu.memory_space<vmem>>[vector<16xi32>, vector<16xi32>], vector<16xf32>,
        %parallel_loop3A_819 = arith.constant 38 : i32
        %parallel_loop3A_820 = vector.broadcast %parallel_loop3A_819 : i32 to vector<16xi32>
        %parallel_loop3A_821 = arith.constant 0 : i32
        %parallel_loop3A_822 = arith.constant 0 : i32
        %parallel_loop3A_823 = arith.constant 0 : i32
        %parallel_loop3A_824 = tpu.memref_slice %arg6[%parallel_loop3A_821, %parallel_loop3A_822, %parallel_loop3A_823] : memref<2x512x56xf32, #tpu.memory_space<vmem>> -> memref<1x512x56xf32, #tpu.memory_space<vmem>>
        %parallel_loop3A_825 = tpu.memref_squeeze %parallel_loop3A_824 : memref<1x512x56xf32, #tpu.memory_space<vmem>> -> memref<512x56xf32, #tpu.memory_space<vmem>>
        %parallel_loop3A_826 = tpu.vector_load_idx %parallel_loop3A_825[%parallel_loop3A_314, %parallel_loop3A_820] : memref<512x56xf32, #tpu.memory_space<vmem>>[vector<16xi32>, vector<16xi32>], vector<16xf32>,
        %parallel_loop3A_827 = arith.constant 39 : i32
        %parallel_loop3A_828 = vector.broadcast %parallel_loop3A_827 : i32 to vector<16xi32>
        %parallel_loop3A_829 = arith.constant 0 : i32
        %parallel_loop3A_830 = arith.constant 0 : i32
        %parallel_loop3A_831 = arith.constant 0 : i32
        %parallel_loop3A_832 = tpu.memref_slice %arg6[%parallel_loop3A_829, %parallel_loop3A_830, %parallel_loop3A_831] : memref<2x512x56xf32, #tpu.memory_space<vmem>> -> memref<1x512x56xf32, #tpu.memory_space<vmem>>
        %parallel_loop3A_833 = tpu.memref_squeeze %parallel_loop3A_832 : memref<1x512x56xf32, #tpu.memory_space<vmem>> -> memref<512x56xf32, #tpu.memory_space<vmem>>
        %parallel_loop3A_834 = tpu.vector_load_idx %parallel_loop3A_833[%parallel_loop3A_314, %parallel_loop3A_828] : memref<512x56xf32, #tpu.memory_space<vmem>>[vector<16xi32>, vector<16xi32>], vector<16xf32>,
        %parallel_loop3A_835 = arith.constant 40 : i32
        %parallel_loop3A_836 = vector.broadcast %parallel_loop3A_835 : i32 to vector<16xi32>
        %parallel_loop3A_837 = arith.constant 0 : i32
        %parallel_loop3A_838 = arith.constant 0 : i32
        %parallel_loop3A_839 = arith.constant 0 : i32
        %parallel_loop3A_840 = tpu.memref_slice %arg6[%parallel_loop3A_837, %parallel_loop3A_838, %parallel_loop3A_839] : memref<2x512x56xf32, #tpu.memory_space<vmem>> -> memref<1x512x56xf32, #tpu.memory_space<vmem>>
        %parallel_loop3A_841 = tpu.memref_squeeze %parallel_loop3A_840 : memref<1x512x56xf32, #tpu.memory_space<vmem>> -> memref<512x56xf32, #tpu.memory_space<vmem>>
        %parallel_loop3A_842 = tpu.vector_load_idx %parallel_loop3A_841[%parallel_loop3A_314, %parallel_loop3A_836] : memref<512x56xf32, #tpu.memory_space<vmem>>[vector<16xi32>, vector<16xi32>], vector<16xf32>,
        %parallel_loop3A_843 = arith.constant 41 : i32
        %parallel_loop3A_844 = vector.broadcast %parallel_loop3A_843 : i32 to vector<16xi32>
        %parallel_loop3A_845 = arith.constant 0 : i32
        %parallel_loop3A_846 = arith.constant 0 : i32
        %parallel_loop3A_847 = arith.constant 0 : i32
        %parallel_loop3A_848 = tpu.memref_slice %arg6[%parallel_loop3A_845, %parallel_loop3A_846, %parallel_loop3A_847] : memref<2x512x56xf32, #tpu.memory_space<vmem>> -> memref<1x512x56xf32, #tpu.memory_space<vmem>>
        %parallel_loop3A_849 = tpu.memref_squeeze %parallel_loop3A_848 : memref<1x512x56xf32, #tpu.memory_space<vmem>> -> memref<512x56xf32, #tpu.memory_space<vmem>>
        %parallel_loop3A_850 = tpu.vector_load_idx %parallel_loop3A_849[%parallel_loop3A_314, %parallel_loop3A_844] : memref<512x56xf32, #tpu.memory_space<vmem>>[vector<16xi32>, vector<16xi32>], vector<16xf32>,
        %parallel_loop3A_851 = arith.constant 42 : i32
        %parallel_loop3A_852 = vector.broadcast %parallel_loop3A_851 : i32 to vector<16xi32>
        %parallel_loop3A_853 = arith.constant 0 : i32
        %parallel_loop3A_854 = arith.constant 0 : i32
        %parallel_loop3A_855 = arith.constant 0 : i32
        %parallel_loop3A_856 = tpu.memref_slice %arg6[%parallel_loop3A_853, %parallel_loop3A_854, %parallel_loop3A_855] : memref<2x512x56xf32, #tpu.memory_space<vmem>> -> memref<1x512x56xf32, #tpu.memory_space<vmem>>
        %parallel_loop3A_857 = tpu.memref_squeeze %parallel_loop3A_856 : memref<1x512x56xf32, #tpu.memory_space<vmem>> -> memref<512x56xf32, #tpu.memory_space<vmem>>
        %parallel_loop3A_858 = tpu.vector_load_idx %parallel_loop3A_857[%parallel_loop3A_314, %parallel_loop3A_852] : memref<512x56xf32, #tpu.memory_space<vmem>>[vector<16xi32>, vector<16xi32>], vector<16xf32>,
        %parallel_loop3A_859 = arith.constant 43 : i32
        %parallel_loop3A_860 = vector.broadcast %parallel_loop3A_859 : i32 to vector<16xi32>
        %parallel_loop3A_861 = arith.constant 0 : i32
        %parallel_loop3A_862 = arith.constant 0 : i32
        %parallel_loop3A_863 = arith.constant 0 : i32
        %parallel_loop3A_864 = tpu.memref_slice %arg6[%parallel_loop3A_861, %parallel_loop3A_862, %parallel_loop3A_863] : memref<2x512x56xf32, #tpu.memory_space<vmem>> -> memref<1x512x56xf32, #tpu.memory_space<vmem>>
        %parallel_loop3A_865 = tpu.memref_squeeze %parallel_loop3A_864 : memref<1x512x56xf32, #tpu.memory_space<vmem>> -> memref<512x56xf32, #tpu.memory_space<vmem>>
        %parallel_loop3A_866 = tpu.vector_load_idx %parallel_loop3A_865[%parallel_loop3A_314, %parallel_loop3A_860] : memref<512x56xf32, #tpu.memory_space<vmem>>[vector<16xi32>, vector<16xi32>], vector<16xf32>,
        %parallel_loop3A_867 = arith.constant 44 : i32
        %parallel_loop3A_868 = vector.broadcast %parallel_loop3A_867 : i32 to vector<16xi32>
        %parallel_loop3A_869 = arith.constant 0 : i32
        %parallel_loop3A_870 = arith.constant 0 : i32
        %parallel_loop3A_871 = arith.constant 0 : i32
        %parallel_loop3A_872 = tpu.memref_slice %arg6[%parallel_loop3A_869, %parallel_loop3A_870, %parallel_loop3A_871] : memref<2x512x56xf32, #tpu.memory_space<vmem>> -> memref<1x512x56xf32, #tpu.memory_space<vmem>>
        %parallel_loop3A_873 = tpu.memref_squeeze %parallel_loop3A_872 : memref<1x512x56xf32, #tpu.memory_space<vmem>> -> memref<512x56xf32, #tpu.memory_space<vmem>>
        %parallel_loop3A_874 = tpu.vector_load_idx %parallel_loop3A_873[%parallel_loop3A_314, %parallel_loop3A_868] : memref<512x56xf32, #tpu.memory_space<vmem>>[vector<16xi32>, vector<16xi32>], vector<16xf32>,
        %parallel_loop3A_875 = arith.constant 45 : i32
        %parallel_loop3A_876 = vector.broadcast %parallel_loop3A_875 : i32 to vector<16xi32>
        %parallel_loop3A_877 = arith.constant 0 : i32
        %parallel_loop3A_878 = arith.constant 0 : i32
        %parallel_loop3A_879 = arith.constant 0 : i32
        %parallel_loop3A_880 = tpu.memref_slice %arg6[%parallel_loop3A_877, %parallel_loop3A_878, %parallel_loop3A_879] : memref<2x512x56xf32, #tpu.memory_space<vmem>> -> memref<1x512x56xf32, #tpu.memory_space<vmem>>
        %parallel_loop3A_881 = tpu.memref_squeeze %parallel_loop3A_880 : memref<1x512x56xf32, #tpu.memory_space<vmem>> -> memref<512x56xf32, #tpu.memory_space<vmem>>
        %parallel_loop3A_882 = tpu.vector_load_idx %parallel_loop3A_881[%parallel_loop3A_314, %parallel_loop3A_876] : memref<512x56xf32, #tpu.memory_space<vmem>>[vector<16xi32>, vector<16xi32>], vector<16xf32>,
        %parallel_loop3A_883 = arith.constant 46 : i32
        %parallel_loop3A_884 = vector.broadcast %parallel_loop3A_883 : i32 to vector<16xi32>
        %parallel_loop3A_885 = arith.constant 0 : i32
        %parallel_loop3A_886 = arith.constant 0 : i32
        %parallel_loop3A_887 = arith.constant 0 : i32
        %parallel_loop3A_888 = tpu.memref_slice %arg6[%parallel_loop3A_885, %parallel_loop3A_886, %parallel_loop3A_887] : memref<2x512x56xf32, #tpu.memory_space<vmem>> -> memref<1x512x56xf32, #tpu.memory_space<vmem>>
        %parallel_loop3A_889 = tpu.memref_squeeze %parallel_loop3A_888 : memref<1x512x56xf32, #tpu.memory_space<vmem>> -> memref<512x56xf32, #tpu.memory_space<vmem>>
        %parallel_loop3A_890 = tpu.vector_load_idx %parallel_loop3A_889[%parallel_loop3A_314, %parallel_loop3A_884] : memref<512x56xf32, #tpu.memory_space<vmem>>[vector<16xi32>, vector<16xi32>], vector<16xf32>,
        %parallel_loop3A_891 = arith.constant 47 : i32
        %parallel_loop3A_892 = vector.broadcast %parallel_loop3A_891 : i32 to vector<16xi32>
        %parallel_loop3A_893 = arith.constant 0 : i32
        %parallel_loop3A_894 = arith.constant 0 : i32
        %parallel_loop3A_895 = arith.constant 0 : i32
        %parallel_loop3A_896 = tpu.memref_slice %arg6[%parallel_loop3A_893, %parallel_loop3A_894, %parallel_loop3A_895] : memref<2x512x56xf32, #tpu.memory_space<vmem>> -> memref<1x512x56xf32, #tpu.memory_space<vmem>>
        %parallel_loop3A_897 = tpu.memref_squeeze %parallel_loop3A_896 : memref<1x512x56xf32, #tpu.memory_space<vmem>> -> memref<512x56xf32, #tpu.memory_space<vmem>>
        %parallel_loop3A_898 = tpu.vector_load_idx %parallel_loop3A_897[%parallel_loop3A_314, %parallel_loop3A_892] : memref<512x56xf32, #tpu.memory_space<vmem>>[vector<16xi32>, vector<16xi32>], vector<16xf32>,
        %parallel_loop3A_899 = arith.constant 48 : i32
        %parallel_loop3A_900 = vector.broadcast %parallel_loop3A_899 : i32 to vector<16xi32>
        %parallel_loop3A_901 = arith.constant 0 : i32
        %parallel_loop3A_902 = arith.constant 0 : i32
        %parallel_loop3A_903 = arith.constant 0 : i32
        %parallel_loop3A_904 = tpu.memref_slice %arg6[%parallel_loop3A_901, %parallel_loop3A_902, %parallel_loop3A_903] : memref<2x512x56xf32, #tpu.memory_space<vmem>> -> memref<1x512x56xf32, #tpu.memory_space<vmem>>
        %parallel_loop3A_905 = tpu.memref_squeeze %parallel_loop3A_904 : memref<1x512x56xf32, #tpu.memory_space<vmem>> -> memref<512x56xf32, #tpu.memory_space<vmem>>
        %parallel_loop3A_906 = tpu.vector_load_idx %parallel_loop3A_905[%parallel_loop3A_314, %parallel_loop3A_900] : memref<512x56xf32, #tpu.memory_space<vmem>>[vector<16xi32>, vector<16xi32>], vector<16xf32>,
        %parallel_loop3A_907 = arith.constant 49 : i32
        %parallel_loop3A_908 = vector.broadcast %parallel_loop3A_907 : i32 to vector<16xi32>
        %parallel_loop3A_909 = arith.constant 0 : i32
        %parallel_loop3A_910 = arith.constant 0 : i32
        %parallel_loop3A_911 = arith.constant 0 : i32
        %parallel_loop3A_912 = tpu.memref_slice %arg6[%parallel_loop3A_909, %parallel_loop3A_910, %parallel_loop3A_911] : memref<2x512x56xf32, #tpu.memory_space<vmem>> -> memref<1x512x56xf32, #tpu.memory_space<vmem>>
        %parallel_loop3A_913 = tpu.memref_squeeze %parallel_loop3A_912 : memref<1x512x56xf32, #tpu.memory_space<vmem>> -> memref<512x56xf32, #tpu.memory_space<vmem>>
        %parallel_loop3A_914 = tpu.vector_load_idx %parallel_loop3A_913[%parallel_loop3A_314, %parallel_loop3A_908] : memref<512x56xf32, #tpu.memory_space<vmem>>[vector<16xi32>, vector<16xi32>], vector<16xf32>,
        %parallel_loop3A_915 = arith.constant 16 : i32
        %parallel_loop3A_916 = arith.muli %parallel_loop3A_310, %parallel_loop3A_915 : i32
        %parallel_loop3A_917 = arith.constant 0 : i32
        %parallel_loop3A_918 = arith.constant 25 : i32
        %parallel_loop3A_919 = arith.index_cast %parallel_loop3A_917 : i32 to index
        %parallel_loop3A_920 = arith.index_cast %parallel_loop3A_918 : i32 to index
        %parallel_loop3A_921 = arith.index_cast %parallel_loop3A_916 : i32 to index
        %parallel_loop3A_922 = tpu.vector_load %arg7[%parallel_loop3A_919, %parallel_loop3A_920, %parallel_loop3A_921] {strides = array<i32>} : memref<2x50x512xf32, #tpu.memory_space<vmem>>, vector<16xf32>,
        tpu.vector_store %arg7[%parallel_loop3A_919, %parallel_loop3A_920, %parallel_loop3A_921], %parallel_loop3A_722 {strides = array<i32>} : memref<2x50x512xf32, #tpu.memory_space<vmem>>, vector<16xf32>,
        %parallel_loop3A_923 = arith.constant 16 : i32
        %parallel_loop3A_924 = arith.muli %parallel_loop3A_310, %parallel_loop3A_923 : i32
        %parallel_loop3A_925 = arith.constant 0 : i32
        %parallel_loop3A_926 = arith.constant 26 : i32
        %parallel_loop3A_927 = arith.index_cast %parallel_loop3A_925 : i32 to index
        %parallel_loop3A_928 = arith.index_cast %parallel_loop3A_926 : i32 to index
        %parallel_loop3A_929 = arith.index_cast %parallel_loop3A_924 : i32 to index
        %parallel_loop3A_930 = tpu.vector_load %arg7[%parallel_loop3A_927, %parallel_loop3A_928, %parallel_loop3A_929] {strides = array<i32>} : memref<2x50x512xf32, #tpu.memory_space<vmem>>, vector<16xf32>,
        tpu.vector_store %arg7[%parallel_loop3A_927, %parallel_loop3A_928, %parallel_loop3A_929], %parallel_loop3A_730 {strides = array<i32>} : memref<2x50x512xf32, #tpu.memory_space<vmem>>, vector<16xf32>,
        %parallel_loop3A_931 = arith.constant 16 : i32
        %parallel_loop3A_932 = arith.muli %parallel_loop3A_310, %parallel_loop3A_931 : i32
        %parallel_loop3A_933 = arith.constant 0 : i32
        %parallel_loop3A_934 = arith.constant 27 : i32
        %parallel_loop3A_935 = arith.index_cast %parallel_loop3A_933 : i32 to index
        %parallel_loop3A_936 = arith.index_cast %parallel_loop3A_934 : i32 to index
        %parallel_loop3A_937 = arith.index_cast %parallel_loop3A_932 : i32 to index
        %parallel_loop3A_938 = tpu.vector_load %arg7[%parallel_loop3A_935, %parallel_loop3A_936, %parallel_loop3A_937] {strides = array<i32>} : memref<2x50x512xf32, #tpu.memory_space<vmem>>, vector<16xf32>,
        tpu.vector_store %arg7[%parallel_loop3A_935, %parallel_loop3A_936, %parallel_loop3A_937], %parallel_loop3A_738 {strides = array<i32>} : memref<2x50x512xf32, #tpu.memory_space<vmem>>, vector<16xf32>,
        %parallel_loop3A_939 = arith.constant 16 : i32
        %parallel_loop3A_940 = arith.muli %parallel_loop3A_310, %parallel_loop3A_939 : i32
        %parallel_loop3A_941 = arith.constant 0 : i32
        %parallel_loop3A_942 = arith.constant 28 : i32
        %parallel_loop3A_943 = arith.index_cast %parallel_loop3A_941 : i32 to index
        %parallel_loop3A_944 = arith.index_cast %parallel_loop3A_942 : i32 to index
        %parallel_loop3A_945 = arith.index_cast %parallel_loop3A_940 : i32 to index
        %parallel_loop3A_946 = tpu.vector_load %arg7[%parallel_loop3A_943, %parallel_loop3A_944, %parallel_loop3A_945] {strides = array<i32>} : memref<2x50x512xf32, #tpu.memory_space<vmem>>, vector<16xf32>,
        tpu.vector_store %arg7[%parallel_loop3A_943, %parallel_loop3A_944, %parallel_loop3A_945], %parallel_loop3A_746 {strides = array<i32>} : memref<2x50x512xf32, #tpu.memory_space<vmem>>, vector<16xf32>,
        %parallel_loop3A_947 = arith.constant 16 : i32
        %parallel_loop3A_948 = arith.muli %parallel_loop3A_310, %parallel_loop3A_947 : i32
        %parallel_loop3A_949 = arith.constant 0 : i32
        %parallel_loop3A_950 = arith.constant 29 : i32
        %parallel_loop3A_951 = arith.index_cast %parallel_loop3A_949 : i32 to index
        %parallel_loop3A_952 = arith.index_cast %parallel_loop3A_950 : i32 to index
        %parallel_loop3A_953 = arith.index_cast %parallel_loop3A_948 : i32 to index
        %parallel_loop3A_954 = tpu.vector_load %arg7[%parallel_loop3A_951, %parallel_loop3A_952, %parallel_loop3A_953] {strides = array<i32>} : memref<2x50x512xf32, #tpu.memory_space<vmem>>, vector<16xf32>,
        tpu.vector_store %arg7[%parallel_loop3A_951, %parallel_loop3A_952, %parallel_loop3A_953], %parallel_loop3A_754 {strides = array<i32>} : memref<2x50x512xf32, #tpu.memory_space<vmem>>, vector<16xf32>,
        %parallel_loop3A_955 = arith.constant 16 : i32
        %parallel_loop3A_956 = arith.muli %parallel_loop3A_310, %parallel_loop3A_955 : i32
        %parallel_loop3A_957 = arith.constant 0 : i32
        %parallel_loop3A_958 = arith.constant 30 : i32
        %parallel_loop3A_959 = arith.index_cast %parallel_loop3A_957 : i32 to index
        %parallel_loop3A_960 = arith.index_cast %parallel_loop3A_958 : i32 to index
        %parallel_loop3A_961 = arith.index_cast %parallel_loop3A_956 : i32 to index
        %parallel_loop3A_962 = tpu.vector_load %arg7[%parallel_loop3A_959, %parallel_loop3A_960, %parallel_loop3A_961] {strides = array<i32>} : memref<2x50x512xf32, #tpu.memory_space<vmem>>, vector<16xf32>,
        tpu.vector_store %arg7[%parallel_loop3A_959, %parallel_loop3A_960, %parallel_loop3A_961], %parallel_loop3A_762 {strides = array<i32>} : memref<2x50x512xf32, #tpu.memory_space<vmem>>, vector<16xf32>,
        %parallel_loop3A_963 = arith.constant 16 : i32
        %parallel_loop3A_964 = arith.muli %parallel_loop3A_310, %parallel_loop3A_963 : i32
        %parallel_loop3A_965 = arith.constant 0 : i32
        %parallel_loop3A_966 = arith.constant 31 : i32
        %parallel_loop3A_967 = arith.index_cast %parallel_loop3A_965 : i32 to index
        %parallel_loop3A_968 = arith.index_cast %parallel_loop3A_966 : i32 to index
        %parallel_loop3A_969 = arith.index_cast %parallel_loop3A_964 : i32 to index
        %parallel_loop3A_970 = tpu.vector_load %arg7[%parallel_loop3A_967, %parallel_loop3A_968, %parallel_loop3A_969] {strides = array<i32>} : memref<2x50x512xf32, #tpu.memory_space<vmem>>, vector<16xf32>,
        tpu.vector_store %arg7[%parallel_loop3A_967, %parallel_loop3A_968, %parallel_loop3A_969], %parallel_loop3A_770 {strides = array<i32>} : memref<2x50x512xf32, #tpu.memory_space<vmem>>, vector<16xf32>,
        %parallel_loop3A_971 = arith.constant 16 : i32
        %parallel_loop3A_972 = arith.muli %parallel_loop3A_310, %parallel_loop3A_971 : i32
        %parallel_loop3A_973 = arith.constant 0 : i32
        %parallel_loop3A_974 = arith.constant 32 : i32
        %parallel_loop3A_975 = arith.index_cast %parallel_loop3A_973 : i32 to index
        %parallel_loop3A_976 = arith.index_cast %parallel_loop3A_974 : i32 to index
        %parallel_loop3A_977 = arith.index_cast %parallel_loop3A_972 : i32 to index
        %parallel_loop3A_978 = tpu.vector_load %arg7[%parallel_loop3A_975, %parallel_loop3A_976, %parallel_loop3A_977] {strides = array<i32>} : memref<2x50x512xf32, #tpu.memory_space<vmem>>, vector<16xf32>,
        tpu.vector_store %arg7[%parallel_loop3A_975, %parallel_loop3A_976, %parallel_loop3A_977], %parallel_loop3A_778 {strides = array<i32>} : memref<2x50x512xf32, #tpu.memory_space<vmem>>, vector<16xf32>,
        %parallel_loop3A_979 = arith.constant 16 : i32
        %parallel_loop3A_980 = arith.muli %parallel_loop3A_310, %parallel_loop3A_979 : i32
        %parallel_loop3A_981 = arith.constant 0 : i32
        %parallel_loop3A_982 = arith.constant 33 : i32
        %parallel_loop3A_983 = arith.index_cast %parallel_loop3A_981 : i32 to index
        %parallel_loop3A_984 = arith.index_cast %parallel_loop3A_982 : i32 to index
        %parallel_loop3A_985 = arith.index_cast %parallel_loop3A_980 : i32 to index
        %parallel_loop3A_986 = tpu.vector_load %arg7[%parallel_loop3A_983, %parallel_loop3A_984, %parallel_loop3A_985] {strides = array<i32>} : memref<2x50x512xf32, #tpu.memory_space<vmem>>, vector<16xf32>,
        tpu.vector_store %arg7[%parallel_loop3A_983, %parallel_loop3A_984, %parallel_loop3A_985], %parallel_loop3A_786 {strides = array<i32>} : memref<2x50x512xf32, #tpu.memory_space<vmem>>, vector<16xf32>,
        %parallel_loop3A_987 = arith.constant 16 : i32
        %parallel_loop3A_988 = arith.muli %parallel_loop3A_310, %parallel_loop3A_987 : i32
        %parallel_loop3A_989 = arith.constant 0 : i32
        %parallel_loop3A_990 = arith.constant 34 : i32
        %parallel_loop3A_991 = arith.index_cast %parallel_loop3A_989 : i32 to index
        %parallel_loop3A_992 = arith.index_cast %parallel_loop3A_990 : i32 to index
        %parallel_loop3A_993 = arith.index_cast %parallel_loop3A_988 : i32 to index
        %parallel_loop3A_994 = tpu.vector_load %arg7[%parallel_loop3A_991, %parallel_loop3A_992, %parallel_loop3A_993] {strides = array<i32>} : memref<2x50x512xf32, #tpu.memory_space<vmem>>, vector<16xf32>,
        tpu.vector_store %arg7[%parallel_loop3A_991, %parallel_loop3A_992, %parallel_loop3A_993], %parallel_loop3A_794 {strides = array<i32>} : memref<2x50x512xf32, #tpu.memory_space<vmem>>, vector<16xf32>,
        %parallel_loop3A_995 = arith.constant 16 : i32
        %parallel_loop3A_996 = arith.muli %parallel_loop3A_310, %parallel_loop3A_995 : i32
        %parallel_loop3A_997 = arith.constant 0 : i32
        %parallel_loop3A_998 = arith.constant 35 : i32
        %parallel_loop3A_999 = arith.index_cast %parallel_loop3A_997 : i32 to index
        %parallel_loop3A_1000 = arith.index_cast %parallel_loop3A_998 : i32 to index
        %parallel_loop3A_1001 = arith.index_cast %parallel_loop3A_996 : i32 to index
        %parallel_loop3A_1002 = tpu.vector_load %arg7[%parallel_loop3A_999, %parallel_loop3A_1000, %parallel_loop3A_1001] {strides = array<i32>} : memref<2x50x512xf32, #tpu.memory_space<vmem>>, vector<16xf32>,
        tpu.vector_store %arg7[%parallel_loop3A_999, %parallel_loop3A_1000, %parallel_loop3A_1001], %parallel_loop3A_802 {strides = array<i32>} : memref<2x50x512xf32, #tpu.memory_space<vmem>>, vector<16xf32>,
        %parallel_loop3A_1003 = arith.constant 16 : i32
        %parallel_loop3A_1004 = arith.muli %parallel_loop3A_310, %parallel_loop3A_1003 : i32
        %parallel_loop3A_1005 = arith.constant 0 : i32
        %parallel_loop3A_1006 = arith.constant 36 : i32
        %parallel_loop3A_1007 = arith.index_cast %parallel_loop3A_1005 : i32 to index
        %parallel_loop3A_1008 = arith.index_cast %parallel_loop3A_1006 : i32 to index
        %parallel_loop3A_1009 = arith.index_cast %parallel_loop3A_1004 : i32 to index
        %parallel_loop3A_1010 = tpu.vector_load %arg7[%parallel_loop3A_1007, %parallel_loop3A_1008, %parallel_loop3A_1009] {strides = array<i32>} : memref<2x50x512xf32, #tpu.memory_space<vmem>>, vector<16xf32>,
        tpu.vector_store %arg7[%parallel_loop3A_1007, %parallel_loop3A_1008, %parallel_loop3A_1009], %parallel_loop3A_810 {strides = array<i32>} : memref<2x50x512xf32, #tpu.memory_space<vmem>>, vector<16xf32>,
        %parallel_loop3A_1011 = arith.constant 16 : i32
        %parallel_loop3A_1012 = arith.muli %parallel_loop3A_310, %parallel_loop3A_1011 : i32
        %parallel_loop3A_1013 = arith.constant 0 : i32
        %parallel_loop3A_1014 = arith.constant 37 : i32
        %parallel_loop3A_1015 = arith.index_cast %parallel_loop3A_1013 : i32 to index
        %parallel_loop3A_1016 = arith.index_cast %parallel_loop3A_1014 : i32 to index
        %parallel_loop3A_1017 = arith.index_cast %parallel_loop3A_1012 : i32 to index
        %parallel_loop3A_1018 = tpu.vector_load %arg7[%parallel_loop3A_1015, %parallel_loop3A_1016, %parallel_loop3A_1017] {strides = array<i32>} : memref<2x50x512xf32, #tpu.memory_space<vmem>>, vector<16xf32>,
        tpu.vector_store %arg7[%parallel_loop3A_1015, %parallel_loop3A_1016, %parallel_loop3A_1017], %parallel_loop3A_818 {strides = array<i32>} : memref<2x50x512xf32, #tpu.memory_space<vmem>>, vector<16xf32>,
        %parallel_loop3A_1019 = arith.constant 16 : i32
        %parallel_loop3A_1020 = arith.muli %parallel_loop3A_310, %parallel_loop3A_1019 : i32
        %parallel_loop3A_1021 = arith.constant 0 : i32
        %parallel_loop3A_1022 = arith.constant 38 : i32
        %parallel_loop3A_1023 = arith.index_cast %parallel_loop3A_1021 : i32 to index
        %parallel_loop3A_1024 = arith.index_cast %parallel_loop3A_1022 : i32 to index
        %parallel_loop3A_1025 = arith.index_cast %parallel_loop3A_1020 : i32 to index
        %parallel_loop3A_1026 = tpu.vector_load %arg7[%parallel_loop3A_1023, %parallel_loop3A_1024, %parallel_loop3A_1025] {strides = array<i32>} : memref<2x50x512xf32, #tpu.memory_space<vmem>>, vector<16xf32>,
        tpu.vector_store %arg7[%parallel_loop3A_1023, %parallel_loop3A_1024, %parallel_loop3A_1025], %parallel_loop3A_826 {strides = array<i32>} : memref<2x50x512xf32, #tpu.memory_space<vmem>>, vector<16xf32>,
        %parallel_loop3A_1027 = arith.constant 16 : i32
        %parallel_loop3A_1028 = arith.muli %parallel_loop3A_310, %parallel_loop3A_1027 : i32
        %parallel_loop3A_1029 = arith.constant 0 : i32
        %parallel_loop3A_1030 = arith.constant 39 : i32
        %parallel_loop3A_1031 = arith.index_cast %parallel_loop3A_1029 : i32 to index
        %parallel_loop3A_1032 = arith.index_cast %parallel_loop3A_1030 : i32 to index
        %parallel_loop3A_1033 = arith.index_cast %parallel_loop3A_1028 : i32 to index
        %parallel_loop3A_1034 = tpu.vector_load %arg7[%parallel_loop3A_1031, %parallel_loop3A_1032, %parallel_loop3A_1033] {strides = array<i32>} : memref<2x50x512xf32, #tpu.memory_space<vmem>>, vector<16xf32>,
        tpu.vector_store %arg7[%parallel_loop3A_1031, %parallel_loop3A_1032, %parallel_loop3A_1033], %parallel_loop3A_834 {strides = array<i32>} : memref<2x50x512xf32, #tpu.memory_space<vmem>>, vector<16xf32>,
        %parallel_loop3A_1035 = arith.constant 16 : i32
        %parallel_loop3A_1036 = arith.muli %parallel_loop3A_310, %parallel_loop3A_1035 : i32
        %parallel_loop3A_1037 = arith.constant 0 : i32
        %parallel_loop3A_1038 = arith.constant 40 : i32
        %parallel_loop3A_1039 = arith.index_cast %parallel_loop3A_1037 : i32 to index
        %parallel_loop3A_1040 = arith.index_cast %parallel_loop3A_1038 : i32 to index
        %parallel_loop3A_1041 = arith.index_cast %parallel_loop3A_1036 : i32 to index
        %parallel_loop3A_1042 = tpu.vector_load %arg7[%parallel_loop3A_1039, %parallel_loop3A_1040, %parallel_loop3A_1041] {strides = array<i32>} : memref<2x50x512xf32, #tpu.memory_space<vmem>>, vector<16xf32>,
        tpu.vector_store %arg7[%parallel_loop3A_1039, %parallel_loop3A_1040, %parallel_loop3A_1041], %parallel_loop3A_842 {strides = array<i32>} : memref<2x50x512xf32, #tpu.memory_space<vmem>>, vector<16xf32>,
        %parallel_loop3A_1043 = arith.constant 16 : i32
        %parallel_loop3A_1044 = arith.muli %parallel_loop3A_310, %parallel_loop3A_1043 : i32
        %parallel_loop3A_1045 = arith.constant 0 : i32
        %parallel_loop3A_1046 = arith.constant 41 : i32
        %parallel_loop3A_1047 = arith.index_cast %parallel_loop3A_1045 : i32 to index
        %parallel_loop3A_1048 = arith.index_cast %parallel_loop3A_1046 : i32 to index
        %parallel_loop3A_1049 = arith.index_cast %parallel_loop3A_1044 : i32 to index
        %parallel_loop3A_1050 = tpu.vector_load %arg7[%parallel_loop3A_1047, %parallel_loop3A_1048, %parallel_loop3A_1049] {strides = array<i32>} : memref<2x50x512xf32, #tpu.memory_space<vmem>>, vector<16xf32>,
        tpu.vector_store %arg7[%parallel_loop3A_1047, %parallel_loop3A_1048, %parallel_loop3A_1049], %parallel_loop3A_850 {strides = array<i32>} : memref<2x50x512xf32, #tpu.memory_space<vmem>>, vector<16xf32>,
        %parallel_loop3A_1051 = arith.constant 16 : i32
        %parallel_loop3A_1052 = arith.muli %parallel_loop3A_310, %parallel_loop3A_1051 : i32
        %parallel_loop3A_1053 = arith.constant 0 : i32
        %parallel_loop3A_1054 = arith.constant 42 : i32
        %parallel_loop3A_1055 = arith.index_cast %parallel_loop3A_1053 : i32 to index
        %parallel_loop3A_1056 = arith.index_cast %parallel_loop3A_1054 : i32 to index
        %parallel_loop3A_1057 = arith.index_cast %parallel_loop3A_1052 : i32 to index
        %parallel_loop3A_1058 = tpu.vector_load %arg7[%parallel_loop3A_1055, %parallel_loop3A_1056, %parallel_loop3A_1057] {strides = array<i32>} : memref<2x50x512xf32, #tpu.memory_space<vmem>>, vector<16xf32>,
        tpu.vector_store %arg7[%parallel_loop3A_1055, %parallel_loop3A_1056, %parallel_loop3A_1057], %parallel_loop3A_858 {strides = array<i32>} : memref<2x50x512xf32, #tpu.memory_space<vmem>>, vector<16xf32>,
        %parallel_loop3A_1059 = arith.constant 16 : i32
        %parallel_loop3A_1060 = arith.muli %parallel_loop3A_310, %parallel_loop3A_1059 : i32
        %parallel_loop3A_1061 = arith.constant 0 : i32
        %parallel_loop3A_1062 = arith.constant 43 : i32
        %parallel_loop3A_1063 = arith.index_cast %parallel_loop3A_1061 : i32 to index
        %parallel_loop3A_1064 = arith.index_cast %parallel_loop3A_1062 : i32 to index
        %parallel_loop3A_1065 = arith.index_cast %parallel_loop3A_1060 : i32 to index
        %parallel_loop3A_1066 = tpu.vector_load %arg7[%parallel_loop3A_1063, %parallel_loop3A_1064, %parallel_loop3A_1065] {strides = array<i32>} : memref<2x50x512xf32, #tpu.memory_space<vmem>>, vector<16xf32>,
        tpu.vector_store %arg7[%parallel_loop3A_1063, %parallel_loop3A_1064, %parallel_loop3A_1065], %parallel_loop3A_866 {strides = array<i32>} : memref<2x50x512xf32, #tpu.memory_space<vmem>>, vector<16xf32>,
        %parallel_loop3A_1067 = arith.constant 16 : i32
        %parallel_loop3A_1068 = arith.muli %parallel_loop3A_310, %parallel_loop3A_1067 : i32
        %parallel_loop3A_1069 = arith.constant 0 : i32
        %parallel_loop3A_1070 = arith.constant 44 : i32
        %parallel_loop3A_1071 = arith.index_cast %parallel_loop3A_1069 : i32 to index
        %parallel_loop3A_1072 = arith.index_cast %parallel_loop3A_1070 : i32 to index
        %parallel_loop3A_1073 = arith.index_cast %parallel_loop3A_1068 : i32 to index
        %parallel_loop3A_1074 = tpu.vector_load %arg7[%parallel_loop3A_1071, %parallel_loop3A_1072, %parallel_loop3A_1073] {strides = array<i32>} : memref<2x50x512xf32, #tpu.memory_space<vmem>>, vector<16xf32>,
        tpu.vector_store %arg7[%parallel_loop3A_1071, %parallel_loop3A_1072, %parallel_loop3A_1073], %parallel_loop3A_874 {strides = array<i32>} : memref<2x50x512xf32, #tpu.memory_space<vmem>>, vector<16xf32>,
        %parallel_loop3A_1075 = arith.constant 16 : i32
        %parallel_loop3A_1076 = arith.muli %parallel_loop3A_310, %parallel_loop3A_1075 : i32
        %parallel_loop3A_1077 = arith.constant 0 : i32
        %parallel_loop3A_1078 = arith.constant 45 : i32
        %parallel_loop3A_1079 = arith.index_cast %parallel_loop3A_1077 : i32 to index
        %parallel_loop3A_1080 = arith.index_cast %parallel_loop3A_1078 : i32 to index
        %parallel_loop3A_1081 = arith.index_cast %parallel_loop3A_1076 : i32 to index
        %parallel_loop3A_1082 = tpu.vector_load %arg7[%parallel_loop3A_1079, %parallel_loop3A_1080, %parallel_loop3A_1081] {strides = array<i32>} : memref<2x50x512xf32, #tpu.memory_space<vmem>>, vector<16xf32>,
        tpu.vector_store %arg7[%parallel_loop3A_1079, %parallel_loop3A_1080, %parallel_loop3A_1081], %parallel_loop3A_882 {strides = array<i32>} : memref<2x50x512xf32, #tpu.memory_space<vmem>>, vector<16xf32>,
        %parallel_loop3A_1083 = arith.constant 16 : i32
        %parallel_loop3A_1084 = arith.muli %parallel_loop3A_310, %parallel_loop3A_1083 : i32
        %parallel_loop3A_1085 = arith.constant 0 : i32
        %parallel_loop3A_1086 = arith.constant 46 : i32
        %parallel_loop3A_1087 = arith.index_cast %parallel_loop3A_1085 : i32 to index
        %parallel_loop3A_1088 = arith.index_cast %parallel_loop3A_1086 : i32 to index
        %parallel_loop3A_1089 = arith.index_cast %parallel_loop3A_1084 : i32 to index
        %parallel_loop3A_1090 = tpu.vector_load %arg7[%parallel_loop3A_1087, %parallel_loop3A_1088, %parallel_loop3A_1089] {strides = array<i32>} : memref<2x50x512xf32, #tpu.memory_space<vmem>>, vector<16xf32>,
        tpu.vector_store %arg7[%parallel_loop3A_1087, %parallel_loop3A_1088, %parallel_loop3A_1089], %parallel_loop3A_890 {strides = array<i32>} : memref<2x50x512xf32, #tpu.memory_space<vmem>>, vector<16xf32>,
        %parallel_loop3A_1091 = arith.constant 16 : i32
        %parallel_loop3A_1092 = arith.muli %parallel_loop3A_310, %parallel_loop3A_1091 : i32
        %parallel_loop3A_1093 = arith.constant 0 : i32
        %parallel_loop3A_1094 = arith.constant 47 : i32
        %parallel_loop3A_1095 = arith.index_cast %parallel_loop3A_1093 : i32 to index
        %parallel_loop3A_1096 = arith.index_cast %parallel_loop3A_1094 : i32 to index
        %parallel_loop3A_1097 = arith.index_cast %parallel_loop3A_1092 : i32 to index
        %parallel_loop3A_1098 = tpu.vector_load %arg7[%parallel_loop3A_1095, %parallel_loop3A_1096, %parallel_loop3A_1097] {strides = array<i32>} : memref<2x50x512xf32, #tpu.memory_space<vmem>>, vector<16xf32>,
        tpu.vector_store %arg7[%parallel_loop3A_1095, %parallel_loop3A_1096, %parallel_loop3A_1097], %parallel_loop3A_898 {strides = array<i32>} : memref<2x50x512xf32, #tpu.memory_space<vmem>>, vector<16xf32>,
        %parallel_loop3A_1099 = arith.constant 16 : i32
        %parallel_loop3A_1100 = arith.muli %parallel_loop3A_310, %parallel_loop3A_1099 : i32
        %parallel_loop3A_1101 = arith.constant 0 : i32
        %parallel_loop3A_1102 = arith.constant 48 : i32
        %parallel_loop3A_1103 = arith.index_cast %parallel_loop3A_1101 : i32 to index
        %parallel_loop3A_1104 = arith.index_cast %parallel_loop3A_1102 : i32 to index
        %parallel_loop3A_1105 = arith.index_cast %parallel_loop3A_1100 : i32 to index
        %parallel_loop3A_1106 = tpu.vector_load %arg7[%parallel_loop3A_1103, %parallel_loop3A_1104, %parallel_loop3A_1105] {strides = array<i32>} : memref<2x50x512xf32, #tpu.memory_space<vmem>>, vector<16xf32>,
        tpu.vector_store %arg7[%parallel_loop3A_1103, %parallel_loop3A_1104, %parallel_loop3A_1105], %parallel_loop3A_906 {strides = array<i32>} : memref<2x50x512xf32, #tpu.memory_space<vmem>>, vector<16xf32>,
        %parallel_loop3A_1107 = arith.constant 16 : i32
        %parallel_loop3A_1108 = arith.muli %parallel_loop3A_310, %parallel_loop3A_1107 : i32
        %parallel_loop3A_1109 = arith.constant 0 : i32
        %parallel_loop3A_1110 = arith.constant 49 : i32
        %parallel_loop3A_1111 = arith.index_cast %parallel_loop3A_1109 : i32 to index
        %parallel_loop3A_1112 = arith.index_cast %parallel_loop3A_1110 : i32 to index
        %parallel_loop3A_1113 = arith.index_cast %parallel_loop3A_1108 : i32 to index
        %parallel_loop3A_1114 = tpu.vector_load %arg7[%parallel_loop3A_1111, %parallel_loop3A_1112, %parallel_loop3A_1113] {strides = array<i32>} : memref<2x50x512xf32, #tpu.memory_space<vmem>>, vector<16xf32>,
        tpu.vector_store %arg7[%parallel_loop3A_1111, %parallel_loop3A_1112, %parallel_loop3A_1113], %parallel_loop3A_914 {strides = array<i32>} : memref<2x50x512xf32, #tpu.memory_space<vmem>>, vector<16xf32>,
      } {sc.loop_unroll_factor = 4 : i64, sc.parallel_access}
      %mul3A_213 = arith.constant 512 : i32
      %mul3A_214 = arith.muli %add3A_98, %mul3A_213 : i32
      %add3A_215 = arith.addi %mul3A_2, %mul3A_214 : i32
      %dma_start3A_216 = arith.constant 0 : i32
      %dma_start3A_217 = arith.constant 0 : i32
      %dma_start3A_218 = arith.constant 0 : i32
      %dma_start3A_219 = tpu.memref_slice %arg7[%dma_start3A_216, %dma_start3A_217, %dma_start3A_218] : memref<2x50x512xf32, #tpu.memory_space<vmem>> -> memref<1x50x512xf32, #tpu.memory_space<vmem>>
      %dma_start3A_220 = tpu.memref_squeeze %dma_start3A_219 : memref<1x50x512xf32, #tpu.memory_space<vmem>> -> memref<50x512xf32, #tpu.memory_space<vmem>>
      %dma_start3A_221 = arith.constant 0 : i32
      %dma_start3A_222 = tpu.memref_slice %arg4[%dma_start3A_221, %add3A_215] : memref<50x524288xf32, #tpu.memory_space<hbm>> -> memref<50x512xf32, #tpu.memory_space<hbm>>
      %dma_start3A_223 = arith.constant 0 : i32
      %dma_start3A_224 = tpu.memref_slice %arg4[%dma_start3A_223, %add3A_215] : memref<50x524288xf32, #tpu.memory_space<hbm>> -> memref<50x512xf32, #tpu.memory_space<hbm>>
      %dma_start3A_225 = arith.constant 0 : i32
      %dma_start3A_226 = arith.constant 0 : i32
      %dma_start3A_227 = tpu.memref_slice %arg7[%dma_start3A_216, %dma_start3A_225, %dma_start3A_226] : memref<2x50x512xf32, #tpu.memory_space<vmem>> -> memref<1x50x512xf32, #tpu.memory_space<vmem>>
      %dma_start3A_228 = tpu.memref_squeeze %dma_start3A_227 : memref<1x50x512xf32, #tpu.memory_space<vmem>> -> memref<50x512xf32, #tpu.memory_space<vmem>>
      tpu.enqueue_dma source(%dma_start3A_228 : memref<50x512xf32, #tpu.memory_space<vmem>>) target(%dma_start3A_224 : memref<50x512xf32, #tpu.memory_space<hbm>>) target_semaphore(%arg10 : memref<!tpu.dma_semaphore, #tpu.memory_space<semaphore_mem>>)
      %mul3A_229 = arith.constant 2 : i32
      %mul3A_230 = arith.muli %scan3A_94, %mul3A_229 : i32
      %add3A_231 = arith.constant 1 : i32
      %add3A_232 = arith.addi %mul3A_230, %add3A_231 : i32
      %dma_wait3A_233 = arith.constant 0 : i32
      %dma_wait3A_234 = arith.constant 1 : i32
      %dma_wait3A_235 = arith.constant 0 : i32
      %dma_wait3A_236 = arith.constant 0 : i32
      %dma_wait3A_237 = tpu.memref_slice %arg6[%dma_wait3A_234, %dma_wait3A_235, %dma_wait3A_236] : memref<2x512x56xf32, #tpu.memory_space<vmem>> -> memref<1x128x56xf32, #tpu.memory_space<vmem>>
      %dma_wait3A_238 = tpu.memref_squeeze %dma_wait3A_237 : memref<1x128x56xf32, #tpu.memory_space<vmem>> -> memref<128x56xf32, #tpu.memory_space<vmem>>
      %dma_wait3A_239 = arith.constant 0 : i32
      %dma_wait3A_240 = tpu.memref_slice %arg5[%dma_wait3A_233, %dma_wait3A_239] : memref<128x128xi32, #tpu.memory_space<vmem>> -> memref<1x128xi32, #tpu.memory_space<vmem>>
      %dma_wait3A_241 = tpu.memref_squeeze %dma_wait3A_240 : memref<1x128xi32, #tpu.memory_space<vmem>> -> memref<128xi32, #tpu.memory_space<vmem>>
      %dma_wait3A_242 = arith.constant 0 : i32
      %dma_wait3A_243 = arith.constant 0 : i32
      %dma_wait3A_244 = tpu.memref_slice %arg3[%dma_wait3A_242, %dma_wait3A_243] : memref<10000x56xf32, #tpu.memory_space<hbm>> -> memref<10000x56xf32, #tpu.memory_space<hbm>>
      tpu.wait_indirect_dma semaphore(%arg9 : memref<!tpu.dma_semaphore, #tpu.memory_space<semaphore_mem>>) src(%dma_wait3A_244 : memref<10000x56xf32, #tpu.memory_space<hbm>>) dst(%dma_wait3A_238 : memref<128x56xf32, #tpu.memory_space<vmem>>)
      %dma_wait3A_245 = arith.constant 0 : i32
      %dma_wait3A_246 = arith.constant 1 : i32
      %dma_wait3A_247 = arith.constant 128 : i32
      %dma_wait3A_248 = arith.constant 0 : i32
      %dma_wait3A_249 = tpu.memref_slice %arg6[%dma_wait3A_246, %dma_wait3A_247, %dma_wait3A_248] : memref<2x512x56xf32, #tpu.memory_space<vmem>> -> memref<1x128x56xf32, #tpu.memory_space<vmem>>
      %dma_wait3A_250 = tpu.memref_squeeze %dma_wait3A_249 : memref<1x128x56xf32, #tpu.memory_space<vmem>> -> memref<128x56xf32, #tpu.memory_space<vmem>>
      %dma_wait3A_251 = arith.constant 0 : i32
      %dma_wait3A_252 = tpu.memref_slice %arg5[%dma_wait3A_245, %dma_wait3A_251] : memref<128x128xi32, #tpu.memory_space<vmem>> -> memref<1x128xi32, #tpu.memory_space<vmem>>
      %dma_wait3A_253 = tpu.memref_squeeze %dma_wait3A_252 : memref<1x128xi32, #tpu.memory_space<vmem>> -> memref<128xi32, #tpu.memory_space<vmem>>
      %dma_wait3A_254 = arith.constant 0 : i32
      %dma_wait3A_255 = arith.constant 0 : i32
      %dma_wait3A_256 = tpu.memref_slice %arg3[%dma_wait3A_254, %dma_wait3A_255] : memref<10000x56xf32, #tpu.memory_space<hbm>> -> memref<10000x56xf32, #tpu.memory_space<hbm>>
      tpu.wait_indirect_dma semaphore(%arg9 : memref<!tpu.dma_semaphore, #tpu.memory_space<semaphore_mem>>) src(%dma_wait3A_256 : memref<10000x56xf32, #tpu.memory_space<hbm>>) dst(%dma_wait3A_250 : memref<128x56xf32, #tpu.memory_space<vmem>>)
      %dma_wait3A_257 = arith.constant 0 : i32
      %dma_wait3A_258 = arith.constant 1 : i32
      %dma_wait3A_259 = arith.constant 256 : i32
      %dma_wait3A_260 = arith.constant 0 : i32
      %dma_wait3A_261 = tpu.memref_slice %arg6[%dma_wait3A_258, %dma_wait3A_259, %dma_wait3A_260] : memref<2x512x56xf32, #tpu.memory_space<vmem>> -> memref<1x128x56xf32, #tpu.memory_space<vmem>>
      %dma_wait3A_262 = tpu.memref_squeeze %dma_wait3A_261 : memref<1x128x56xf32, #tpu.memory_space<vmem>> -> memref<128x56xf32, #tpu.memory_space<vmem>>
      %dma_wait3A_263 = arith.constant 0 : i32
      %dma_wait3A_264 = tpu.memref_slice %arg5[%dma_wait3A_257, %dma_wait3A_263] : memref<128x128xi32, #tpu.memory_space<vmem>> -> memref<1x128xi32, #tpu.memory_space<vmem>>
      %dma_wait3A_265 = tpu.memref_squeeze %dma_wait3A_264 : memref<1x128xi32, #tpu.memory_space<vmem>> -> memref<128xi32, #tpu.memory_space<vmem>>
      %dma_wait3A_266 = arith.constant 0 : i32
      %dma_wait3A_267 = arith.constant 0 : i32
      %dma_wait3A_268 = tpu.memref_slice %arg3[%dma_wait3A_266, %dma_wait3A_267] : memref<10000x56xf32, #tpu.memory_space<hbm>> -> memref<10000x56xf32, #tpu.memory_space<hbm>>
      tpu.wait_indirect_dma semaphore(%arg9 : memref<!tpu.dma_semaphore, #tpu.memory_space<semaphore_mem>>) src(%dma_wait3A_268 : memref<10000x56xf32, #tpu.memory_space<hbm>>) dst(%dma_wait3A_262 : memref<128x56xf32, #tpu.memory_space<vmem>>)
      %dma_wait3A_269 = arith.constant 0 : i32
      %dma_wait3A_270 = arith.constant 1 : i32
      %dma_wait3A_271 = arith.constant 384 : i32
      %dma_wait3A_272 = arith.constant 0 : i32
      %dma_wait3A_273 = tpu.memref_slice %arg6[%dma_wait3A_270, %dma_wait3A_271, %dma_wait3A_272] : memref<2x512x56xf32, #tpu.memory_space<vmem>> -> memref<1x128x56xf32, #tpu.memory_space<vmem>>
      %dma_wait3A_274 = tpu.memref_squeeze %dma_wait3A_273 : memref<1x128x56xf32, #tpu.memory_space<vmem>> -> memref<128x56xf32, #tpu.memory_space<vmem>>
      %dma_wait3A_275 = arith.constant 0 : i32
      %dma_wait3A_276 = tpu.memref_slice %arg5[%dma_wait3A_269, %dma_wait3A_275] : memref<128x128xi32, #tpu.memory_space<vmem>> -> memref<1x128xi32, #tpu.memory_space<vmem>>
      %dma_wait3A_277 = tpu.memref_squeeze %dma_wait3A_276 : memref<1x128xi32, #tpu.memory_space<vmem>> -> memref<128xi32, #tpu.memory_space<vmem>>
      %dma_wait3A_278 = arith.constant 0 : i32
      %dma_wait3A_279 = arith.constant 0 : i32
      %dma_wait3A_280 = tpu.memref_slice %arg3[%dma_wait3A_278, %dma_wait3A_279] : memref<10000x56xf32, #tpu.memory_space<hbm>> -> memref<10000x56xf32, #tpu.memory_space<hbm>>
      tpu.wait_indirect_dma semaphore(%arg9 : memref<!tpu.dma_semaphore, #tpu.memory_space<semaphore_mem>>) src(%dma_wait3A_280 : memref<10000x56xf32, #tpu.memory_space<hbm>>) dst(%dma_wait3A_274 : memref<128x56xf32, #tpu.memory_space<vmem>>)
      %lt3A = arith.constant 15 : i32
      %lt3A_281 = arith.cmpi slt, %scan3A_94, %lt3A : i32
      %convert_element_type3A_282 = arith.extui %lt3A_281 : i1 to i32
      %cond3A_283 = arith.constant 0 : i32
      %cond3A_284 = arith.cmpi ne, %convert_element_type3A_282, %cond3A_283 : i32
      scf.if %cond3A_284 {
        %add3A_310 = arith.constant 1 : i32
        %add3A_311 = arith.addi %add3A_232, %add3A_310 : i32
        %mul3A_312 = arith.constant 4 : i32
        %mul3A_313 = arith.muli %add3A_311, %mul3A_312 : i32
        %add3A_314 = arith.constant 0 : i32
        %add3A_315 = arith.addi %mul3A_313, %add3A_314 : i32
        %dma_start3A_316 = arith.constant 0 : i32
        %dma_start3A_317 = arith.constant 0 : i32
        %dma_start3A_318 = arith.constant 0 : i32
        %dma_start3A_319 = tpu.memref_slice %arg6[%dma_start3A_316, %dma_start3A_317, %dma_start3A_318] : memref<2x512x56xf32, #tpu.memory_space<vmem>> -> memref<1x128x56xf32, #tpu.memory_space<vmem>>
        %dma_start3A_320 = tpu.memref_squeeze %dma_start3A_319 : memref<1x128x56xf32, #tpu.memory_space<vmem>> -> memref<128x56xf32, #tpu.memory_space<vmem>>
        %dma_start3A_321 = arith.constant 0 : i32
        %dma_start3A_322 = tpu.memref_slice %arg5[%add3A_315, %dma_start3A_321] : memref<128x128xi32, #tpu.memory_space<vmem>> -> memref<1x128xi32, #tpu.memory_space<vmem>>
        %dma_start3A_323 = tpu.memref_squeeze %dma_start3A_322 : memref<1x128xi32, #tpu.memory_space<vmem>> -> memref<128xi32, #tpu.memory_space<vmem>>
        %dma_start3A_324 = arith.constant 0 : i32
        %dma_start3A_325 = arith.constant 0 : i32
        %dma_start3A_326 = tpu.memref_slice %arg3[%dma_start3A_324, %dma_start3A_325] : memref<10000x56xf32, #tpu.memory_space<hbm>> -> memref<10000x56xf32, #tpu.memory_space<hbm>>
        tpu.enqueue_indirect_dma source(%dma_start3A_326 : memref<10000x56xf32, #tpu.memory_space<hbm>>) target(%dma_start3A_320 : memref<128x56xf32, #tpu.memory_space<vmem>>) offsets(%dma_start3A_323 : memref<128xi32, #tpu.memory_space<vmem>>) semaphore(%arg9 : memref<!tpu.dma_semaphore, #tpu.memory_space<semaphore_mem>>)
        %mul3A_327 = arith.constant 4 : i32
        %mul3A_328 = arith.muli %add3A_311, %mul3A_327 : i32
        %add3A_329 = arith.constant 1 : i32
        %add3A_330 = arith.addi %mul3A_328, %add3A_329 : i32
        %dma_start3A_331 = arith.constant 0 : i32
        %dma_start3A_332 = arith.constant 128 : i32
        %dma_start3A_333 = arith.constant 0 : i32
        %dma_start3A_334 = tpu.memref_slice %arg6[%dma_start3A_331, %dma_start3A_332, %dma_start3A_333] : memref<2x512x56xf32, #tpu.memory_space<vmem>> -> memref<1x128x56xf32, #tpu.memory_space<vmem>>
        %dma_start3A_335 = tpu.memref_squeeze %dma_start3A_334 : memref<1x128x56xf32, #tpu.memory_space<vmem>> -> memref<128x56xf32, #tpu.memory_space<vmem>>
        %dma_start3A_336 = arith.constant 0 : i32
        %dma_start3A_337 = tpu.memref_slice %arg5[%add3A_330, %dma_start3A_336] : memref<128x128xi32, #tpu.memory_space<vmem>> -> memref<1x128xi32, #tpu.memory_space<vmem>>
        %dma_start3A_338 = tpu.memref_squeeze %dma_start3A_337 : memref<1x128xi32, #tpu.memory_space<vmem>> -> memref<128xi32, #tpu.memory_space<vmem>>
        %dma_start3A_339 = arith.constant 0 : i32
        %dma_start3A_340 = arith.constant 0 : i32
        %dma_start3A_341 = tpu.memref_slice %arg3[%dma_start3A_339, %dma_start3A_340] : memref<10000x56xf32, #tpu.memory_space<hbm>> -> memref<10000x56xf32, #tpu.memory_space<hbm>>
        tpu.enqueue_indirect_dma source(%dma_start3A_341 : memref<10000x56xf32, #tpu.memory_space<hbm>>) target(%dma_start3A_335 : memref<128x56xf32, #tpu.memory_space<vmem>>) offsets(%dma_start3A_338 : memref<128xi32, #tpu.memory_space<vmem>>) semaphore(%arg9 : memref<!tpu.dma_semaphore, #tpu.memory_space<semaphore_mem>>)
        %mul3A_342 = arith.constant 4 : i32
        %mul3A_343 = arith.muli %add3A_311, %mul3A_342 : i32
        %add3A_344 = arith.constant 2 : i32
        %add3A_345 = arith.addi %mul3A_343, %add3A_344 : i32
        %dma_start3A_346 = arith.constant 0 : i32
        %dma_start3A_347 = arith.constant 256 : i32
        %dma_start3A_348 = arith.constant 0 : i32
        %dma_start3A_349 = tpu.memref_slice %arg6[%dma_start3A_346, %dma_start3A_347, %dma_start3A_348] : memref<2x512x56xf32, #tpu.memory_space<vmem>> -> memref<1x128x56xf32, #tpu.memory_space<vmem>>
        %dma_start3A_350 = tpu.memref_squeeze %dma_start3A_349 : memref<1x128x56xf32, #tpu.memory_space<vmem>> -> memref<128x56xf32, #tpu.memory_space<vmem>>
        %dma_start3A_351 = arith.constant 0 : i32
        %dma_start3A_352 = tpu.memref_slice %arg5[%add3A_345, %dma_start3A_351] : memref<128x128xi32, #tpu.memory_space<vmem>> -> memref<1x128xi32, #tpu.memory_space<vmem>>
        %dma_start3A_353 = tpu.memref_squeeze %dma_start3A_352 : memref<1x128xi32, #tpu.memory_space<vmem>> -> memref<128xi32, #tpu.memory_space<vmem>>
        %dma_start3A_354 = arith.constant 0 : i32
        %dma_start3A_355 = arith.constant 0 : i32
        %dma_start3A_356 = tpu.memref_slice %arg3[%dma_start3A_354, %dma_start3A_355] : memref<10000x56xf32, #tpu.memory_space<hbm>> -> memref<10000x56xf32, #tpu.memory_space<hbm>>
        tpu.enqueue_indirect_dma source(%dma_start3A_356 : memref<10000x56xf32, #tpu.memory_space<hbm>>) target(%dma_start3A_350 : memref<128x56xf32, #tpu.memory_space<vmem>>) offsets(%dma_start3A_353 : memref<128xi32, #tpu.memory_space<vmem>>) semaphore(%arg9 : memref<!tpu.dma_semaphore, #tpu.memory_space<semaphore_mem>>)
        %mul3A_357 = arith.constant 4 : i32
        %mul3A_358 = arith.muli %add3A_311, %mul3A_357 : i32
        %add3A_359 = arith.constant 3 : i32
        %add3A_360 = arith.addi %mul3A_358, %add3A_359 : i32
        %dma_start3A_361 = arith.constant 0 : i32
        %dma_start3A_362 = arith.constant 384 : i32
        %dma_start3A_363 = arith.constant 0 : i32
        %dma_start3A_364 = tpu.memref_slice %arg6[%dma_start3A_361, %dma_start3A_362, %dma_start3A_363] : memref<2x512x56xf32, #tpu.memory_space<vmem>> -> memref<1x128x56xf32, #tpu.memory_space<vmem>>
        %dma_start3A_365 = tpu.memref_squeeze %dma_start3A_364 : memref<1x128x56xf32, #tpu.memory_space<vmem>> -> memref<128x56xf32, #tpu.memory_space<vmem>>
        %dma_start3A_366 = arith.constant 0 : i32
        %dma_start3A_367 = tpu.memref_slice %arg5[%add3A_360, %dma_start3A_366] : memref<128x128xi32, #tpu.memory_space<vmem>> -> memref<1x128xi32, #tpu.memory_space<vmem>>
        %dma_start3A_368 = tpu.memref_squeeze %dma_start3A_367 : memref<1x128xi32, #tpu.memory_space<vmem>> -> memref<128xi32, #tpu.memory_space<vmem>>
        %dma_start3A_369 = arith.constant 0 : i32
        %dma_start3A_370 = arith.constant 0 : i32
        %dma_start3A_371 = tpu.memref_slice %arg3[%dma_start3A_369, %dma_start3A_370] : memref<10000x56xf32, #tpu.memory_space<hbm>> -> memref<10000x56xf32, #tpu.memory_space<hbm>>
        tpu.enqueue_indirect_dma source(%dma_start3A_371 : memref<10000x56xf32, #tpu.memory_space<hbm>>) target(%dma_start3A_365 : memref<128x56xf32, #tpu.memory_space<vmem>>) offsets(%dma_start3A_368 : memref<128xi32, #tpu.memory_space<vmem>>) semaphore(%arg9 : memref<!tpu.dma_semaphore, #tpu.memory_space<semaphore_mem>>)
      } else {
      }
      %gt3A_285 = arith.constant 0 : i32
      %gt3A_286 = arith.cmpi sgt, %scan3A_94, %gt3A_285 : i32
      %convert_element_type3A_287 = arith.extui %gt3A_286 : i1 to i32
      %cond3A_288 = arith.constant 0 : i32
      %cond3A_289 = arith.cmpi ne, %convert_element_type3A_287, %cond3A_288 : i32
      scf.if %cond3A_289 {
        %dma_wait3A_310 = arith.constant 1 : i32
        %dma_wait3A_311 = arith.constant 0 : i32
        %dma_wait3A_312 = arith.constant 0 : i32
        %dma_wait3A_313 = tpu.memref_slice %arg7[%dma_wait3A_310, %dma_wait3A_311, %dma_wait3A_312] : memref<2x50x512xf32, #tpu.memory_space<vmem>> -> memref<1x50x512xf32, #tpu.memory_space<vmem>>
        %dma_wait3A_314 = tpu.memref_squeeze %dma_wait3A_313 : memref<1x50x512xf32, #tpu.memory_space<vmem>> -> memref<50x512xf32, #tpu.memory_space<vmem>>
        %dma_wait3A_315 = arith.constant 0 : i32
        %dma_wait3A_316 = arith.constant 0 : i32
        %dma_wait3A_317 = tpu.memref_slice %arg4[%dma_wait3A_315, %dma_wait3A_316] : memref<50x524288xf32, #tpu.memory_space<hbm>> -> memref<50x512xf32, #tpu.memory_space<hbm>>
        %dma_wait3A_318 = arith.constant 0 : i32
        %dma_wait3A_319 = arith.constant 0 : i32
        %dma_wait3A_320 = tpu.memref_slice %arg4[%dma_wait3A_318, %dma_wait3A_319] : memref<50x524288xf32, #tpu.memory_space<hbm>> -> memref<50x512xf32, #tpu.memory_space<hbm>>
        %dma_wait3A_321 = arith.constant 0 : i32
        %dma_wait3A_322 = arith.constant 0 : i32
        %dma_wait3A_323 = tpu.memref_slice %arg7[%dma_wait3A_310, %dma_wait3A_321, %dma_wait3A_322] : memref<2x50x512xf32, #tpu.memory_space<vmem>> -> memref<1x50x512xf32, #tpu.memory_space<vmem>>
        %dma_wait3A_324 = tpu.memref_squeeze %dma_wait3A_323 : memref<1x50x512xf32, #tpu.memory_space<vmem>> -> memref<50x512xf32, #tpu.memory_space<vmem>>
        tpu.wait_dma2 semaphore(%arg11 : memref<!tpu.dma_semaphore, #tpu.memory_space<semaphore_mem>>) src(%dma_wait3A_324 : memref<50x512xf32, #tpu.memory_space<vmem>>) dst(%dma_wait3A_320 : memref<50x512xf32, #tpu.memory_space<hbm>>)
      } else {
      }
      %iota3A_290 = tpu.iota {dimensions = array<i32: 0>} : vector<16xi32>
      %parallel_loop3A_291 = arith.constant 0 : i32
      %parallel_loop3A_292 = arith.constant 32 : i32
      %parallel_loop3A_293 = arith.constant 1 : i32
      scf.for %parallel_loop3A_310 = %parallel_loop3A_291 to %parallel_loop3A_292 step %parallel_loop3A_293  : i32 {
        %parallel_loop3A_311 = arith.constant 16 : i32
        %parallel_loop3A_312 = arith.muli %parallel_loop3A_310, %parallel_loop3A_311 : i32
        %parallel_loop3A_313 = vector.broadcast %parallel_loop3A_312 : i32 to vector<16xi32>
        %parallel_loop3A_314 = arith.addi %parallel_loop3A_313, %iota3A_290 : vector<16xi32>
        %parallel_loop3A_315 = arith.constant 0 : i32
        %parallel_loop3A_316 = vector.broadcast %parallel_loop3A_315 : i32 to vector<16xi32>
        %parallel_loop3A_317 = arith.constant 1 : i32
        %parallel_loop3A_318 = arith.constant 0 : i32
        %parallel_loop3A_319 = arith.constant 0 : i32
        %parallel_loop3A_320 = tpu.memref_slice %arg6[%parallel_loop3A_317, %parallel_loop3A_318, %parallel_loop3A_319] : memref<2x512x56xf32, #tpu.memory_space<vmem>> -> memref<1x512x56xf32, #tpu.memory_space<vmem>>
        %parallel_loop3A_321 = tpu.memref_squeeze %parallel_loop3A_320 : memref<1x512x56xf32, #tpu.memory_space<vmem>> -> memref<512x56xf32, #tpu.memory_space<vmem>>
        %parallel_loop3A_322 = tpu.vector_load_idx %parallel_loop3A_321[%parallel_loop3A_314, %parallel_loop3A_316] : memref<512x56xf32, #tpu.memory_space<vmem>>[vector<16xi32>, vector<16xi32>], vector<16xf32>,
        %parallel_loop3A_323 = arith.constant 1 : i32
        %parallel_loop3A_324 = vector.broadcast %parallel_loop3A_323 : i32 to vector<16xi32>
        %parallel_loop3A_325 = arith.constant 1 : i32
        %parallel_loop3A_326 = arith.constant 0 : i32
        %parallel_loop3A_327 = arith.constant 0 : i32
        %parallel_loop3A_328 = tpu.memref_slice %arg6[%parallel_loop3A_325, %parallel_loop3A_326, %parallel_loop3A_327] : memref<2x512x56xf32, #tpu.memory_space<vmem>> -> memref<1x512x56xf32, #tpu.memory_space<vmem>>
        %parallel_loop3A_329 = tpu.memref_squeeze %parallel_loop3A_328 : memref<1x512x56xf32, #tpu.memory_space<vmem>> -> memref<512x56xf32, #tpu.memory_space<vmem>>
        %parallel_loop3A_330 = tpu.vector_load_idx %parallel_loop3A_329[%parallel_loop3A_314, %parallel_loop3A_324] : memref<512x56xf32, #tpu.memory_space<vmem>>[vector<16xi32>, vector<16xi32>], vector<16xf32>,
        %parallel_loop3A_331 = arith.constant 2 : i32
        %parallel_loop3A_332 = vector.broadcast %parallel_loop3A_331 : i32 to vector<16xi32>
        %parallel_loop3A_333 = arith.constant 1 : i32
        %parallel_loop3A_334 = arith.constant 0 : i32
        %parallel_loop3A_335 = arith.constant 0 : i32
        %parallel_loop3A_336 = tpu.memref_slice %arg6[%parallel_loop3A_333, %parallel_loop3A_334, %parallel_loop3A_335] : memref<2x512x56xf32, #tpu.memory_space<vmem>> -> memref<1x512x56xf32, #tpu.memory_space<vmem>>
        %parallel_loop3A_337 = tpu.memref_squeeze %parallel_loop3A_336 : memref<1x512x56xf32, #tpu.memory_space<vmem>> -> memref<512x56xf32, #tpu.memory_space<vmem>>
        %parallel_loop3A_338 = tpu.vector_load_idx %parallel_loop3A_337[%parallel_loop3A_314, %parallel_loop3A_332] : memref<512x56xf32, #tpu.memory_space<vmem>>[vector<16xi32>, vector<16xi32>], vector<16xf32>,
        %parallel_loop3A_339 = arith.constant 3 : i32
        %parallel_loop3A_340 = vector.broadcast %parallel_loop3A_339 : i32 to vector<16xi32>
        %parallel_loop3A_341 = arith.constant 1 : i32
        %parallel_loop3A_342 = arith.constant 0 : i32
        %parallel_loop3A_343 = arith.constant 0 : i32
        %parallel_loop3A_344 = tpu.memref_slice %arg6[%parallel_loop3A_341, %parallel_loop3A_342, %parallel_loop3A_343] : memref<2x512x56xf32, #tpu.memory_space<vmem>> -> memref<1x512x56xf32, #tpu.memory_space<vmem>>
        %parallel_loop3A_345 = tpu.memref_squeeze %parallel_loop3A_344 : memref<1x512x56xf32, #tpu.memory_space<vmem>> -> memref<512x56xf32, #tpu.memory_space<vmem>>
        %parallel_loop3A_346 = tpu.vector_load_idx %parallel_loop3A_345[%parallel_loop3A_314, %parallel_loop3A_340] : memref<512x56xf32, #tpu.memory_space<vmem>>[vector<16xi32>, vector<16xi32>], vector<16xf32>,
        %parallel_loop3A_347 = arith.constant 4 : i32
        %parallel_loop3A_348 = vector.broadcast %parallel_loop3A_347 : i32 to vector<16xi32>
        %parallel_loop3A_349 = arith.constant 1 : i32
        %parallel_loop3A_350 = arith.constant 0 : i32
        %parallel_loop3A_351 = arith.constant 0 : i32
        %parallel_loop3A_352 = tpu.memref_slice %arg6[%parallel_loop3A_349, %parallel_loop3A_350, %parallel_loop3A_351] : memref<2x512x56xf32, #tpu.memory_space<vmem>> -> memref<1x512x56xf32, #tpu.memory_space<vmem>>
        %parallel_loop3A_353 = tpu.memref_squeeze %parallel_loop3A_352 : memref<1x512x56xf32, #tpu.memory_space<vmem>> -> memref<512x56xf32, #tpu.memory_space<vmem>>
        %parallel_loop3A_354 = tpu.vector_load_idx %parallel_loop3A_353[%parallel_loop3A_314, %parallel_loop3A_348] : memref<512x56xf32, #tpu.memory_space<vmem>>[vector<16xi32>, vector<16xi32>], vector<16xf32>,
        %parallel_loop3A_355 = arith.constant 5 : i32
        %parallel_loop3A_356 = vector.broadcast %parallel_loop3A_355 : i32 to vector<16xi32>
        %parallel_loop3A_357 = arith.constant 1 : i32
        %parallel_loop3A_358 = arith.constant 0 : i32
        %parallel_loop3A_359 = arith.constant 0 : i32
        %parallel_loop3A_360 = tpu.memref_slice %arg6[%parallel_loop3A_357, %parallel_loop3A_358, %parallel_loop3A_359] : memref<2x512x56xf32, #tpu.memory_space<vmem>> -> memref<1x512x56xf32, #tpu.memory_space<vmem>>
        %parallel_loop3A_361 = tpu.memref_squeeze %parallel_loop3A_360 : memref<1x512x56xf32, #tpu.memory_space<vmem>> -> memref<512x56xf32, #tpu.memory_space<vmem>>
        %parallel_loop3A_362 = tpu.vector_load_idx %parallel_loop3A_361[%parallel_loop3A_314, %parallel_loop3A_356] : memref<512x56xf32, #tpu.memory_space<vmem>>[vector<16xi32>, vector<16xi32>], vector<16xf32>,
        %parallel_loop3A_363 = arith.constant 6 : i32
        %parallel_loop3A_364 = vector.broadcast %parallel_loop3A_363 : i32 to vector<16xi32>
        %parallel_loop3A_365 = arith.constant 1 : i32
        %parallel_loop3A_366 = arith.constant 0 : i32
        %parallel_loop3A_367 = arith.constant 0 : i32
        %parallel_loop3A_368 = tpu.memref_slice %arg6[%parallel_loop3A_365, %parallel_loop3A_366, %parallel_loop3A_367] : memref<2x512x56xf32, #tpu.memory_space<vmem>> -> memref<1x512x56xf32, #tpu.memory_space<vmem>>
        %parallel_loop3A_369 = tpu.memref_squeeze %parallel_loop3A_368 : memref<1x512x56xf32, #tpu.memory_space<vmem>> -> memref<512x56xf32, #tpu.memory_space<vmem>>
        %parallel_loop3A_370 = tpu.vector_load_idx %parallel_loop3A_369[%parallel_loop3A_314, %parallel_loop3A_364] : memref<512x56xf32, #tpu.memory_space<vmem>>[vector<16xi32>, vector<16xi32>], vector<16xf32>,
        %parallel_loop3A_371 = arith.constant 7 : i32
        %parallel_loop3A_372 = vector.broadcast %parallel_loop3A_371 : i32 to vector<16xi32>
        %parallel_loop3A_373 = arith.constant 1 : i32
        %parallel_loop3A_374 = arith.constant 0 : i32
        %parallel_loop3A_375 = arith.constant 0 : i32
        %parallel_loop3A_376 = tpu.memref_slice %arg6[%parallel_loop3A_373, %parallel_loop3A_374, %parallel_loop3A_375] : memref<2x512x56xf32, #tpu.memory_space<vmem>> -> memref<1x512x56xf32, #tpu.memory_space<vmem>>
        %parallel_loop3A_377 = tpu.memref_squeeze %parallel_loop3A_376 : memref<1x512x56xf32, #tpu.memory_space<vmem>> -> memref<512x56xf32, #tpu.memory_space<vmem>>
        %parallel_loop3A_378 = tpu.vector_load_idx %parallel_loop3A_377[%parallel_loop3A_314, %parallel_loop3A_372] : memref<512x56xf32, #tpu.memory_space<vmem>>[vector<16xi32>, vector<16xi32>], vector<16xf32>,
        %parallel_loop3A_379 = arith.constant 8 : i32
        %parallel_loop3A_380 = vector.broadcast %parallel_loop3A_379 : i32 to vector<16xi32>
        %parallel_loop3A_381 = arith.constant 1 : i32
        %parallel_loop3A_382 = arith.constant 0 : i32
        %parallel_loop3A_383 = arith.constant 0 : i32
        %parallel_loop3A_384 = tpu.memref_slice %arg6[%parallel_loop3A_381, %parallel_loop3A_382, %parallel_loop3A_383] : memref<2x512x56xf32, #tpu.memory_space<vmem>> -> memref<1x512x56xf32, #tpu.memory_space<vmem>>
        %parallel_loop3A_385 = tpu.memref_squeeze %parallel_loop3A_384 : memref<1x512x56xf32, #tpu.memory_space<vmem>> -> memref<512x56xf32, #tpu.memory_space<vmem>>
        %parallel_loop3A_386 = tpu.vector_load_idx %parallel_loop3A_385[%parallel_loop3A_314, %parallel_loop3A_380] : memref<512x56xf32, #tpu.memory_space<vmem>>[vector<16xi32>, vector<16xi32>], vector<16xf32>,
        %parallel_loop3A_387 = arith.constant 9 : i32
        %parallel_loop3A_388 = vector.broadcast %parallel_loop3A_387 : i32 to vector<16xi32>
        %parallel_loop3A_389 = arith.constant 1 : i32
        %parallel_loop3A_390 = arith.constant 0 : i32
        %parallel_loop3A_391 = arith.constant 0 : i32
        %parallel_loop3A_392 = tpu.memref_slice %arg6[%parallel_loop3A_389, %parallel_loop3A_390, %parallel_loop3A_391] : memref<2x512x56xf32, #tpu.memory_space<vmem>> -> memref<1x512x56xf32, #tpu.memory_space<vmem>>
        %parallel_loop3A_393 = tpu.memref_squeeze %parallel_loop3A_392 : memref<1x512x56xf32, #tpu.memory_space<vmem>> -> memref<512x56xf32, #tpu.memory_space<vmem>>
        %parallel_loop3A_394 = tpu.vector_load_idx %parallel_loop3A_393[%parallel_loop3A_314, %parallel_loop3A_388] : memref<512x56xf32, #tpu.memory_space<vmem>>[vector<16xi32>, vector<16xi32>], vector<16xf32>,
        %parallel_loop3A_395 = arith.constant 10 : i32
        %parallel_loop3A_396 = vector.broadcast %parallel_loop3A_395 : i32 to vector<16xi32>
        %parallel_loop3A_397 = arith.constant 1 : i32
        %parallel_loop3A_398 = arith.constant 0 : i32
        %parallel_loop3A_399 = arith.constant 0 : i32
        %parallel_loop3A_400 = tpu.memref_slice %arg6[%parallel_loop3A_397, %parallel_loop3A_398, %parallel_loop3A_399] : memref<2x512x56xf32, #tpu.memory_space<vmem>> -> memref<1x512x56xf32, #tpu.memory_space<vmem>>
        %parallel_loop3A_401 = tpu.memref_squeeze %parallel_loop3A_400 : memref<1x512x56xf32, #tpu.memory_space<vmem>> -> memref<512x56xf32, #tpu.memory_space<vmem>>
        %parallel_loop3A_402 = tpu.vector_load_idx %parallel_loop3A_401[%parallel_loop3A_314, %parallel_loop3A_396] : memref<512x56xf32, #tpu.memory_space<vmem>>[vector<16xi32>, vector<16xi32>], vector<16xf32>,
        %parallel_loop3A_403 = arith.constant 11 : i32
        %parallel_loop3A_404 = vector.broadcast %parallel_loop3A_403 : i32 to vector<16xi32>
        %parallel_loop3A_405 = arith.constant 1 : i32
        %parallel_loop3A_406 = arith.constant 0 : i32
        %parallel_loop3A_407 = arith.constant 0 : i32
        %parallel_loop3A_408 = tpu.memref_slice %arg6[%parallel_loop3A_405, %parallel_loop3A_406, %parallel_loop3A_407] : memref<2x512x56xf32, #tpu.memory_space<vmem>> -> memref<1x512x56xf32, #tpu.memory_space<vmem>>
        %parallel_loop3A_409 = tpu.memref_squeeze %parallel_loop3A_408 : memref<1x512x56xf32, #tpu.memory_space<vmem>> -> memref<512x56xf32, #tpu.memory_space<vmem>>
        %parallel_loop3A_410 = tpu.vector_load_idx %parallel_loop3A_409[%parallel_loop3A_314, %parallel_loop3A_404] : memref<512x56xf32, #tpu.memory_space<vmem>>[vector<16xi32>, vector<16xi32>], vector<16xf32>,
        %parallel_loop3A_411 = arith.constant 12 : i32
        %parallel_loop3A_412 = vector.broadcast %parallel_loop3A_411 : i32 to vector<16xi32>
        %parallel_loop3A_413 = arith.constant 1 : i32
        %parallel_loop3A_414 = arith.constant 0 : i32
        %parallel_loop3A_415 = arith.constant 0 : i32
        %parallel_loop3A_416 = tpu.memref_slice %arg6[%parallel_loop3A_413, %parallel_loop3A_414, %parallel_loop3A_415] : memref<2x512x56xf32, #tpu.memory_space<vmem>> -> memref<1x512x56xf32, #tpu.memory_space<vmem>>
        %parallel_loop3A_417 = tpu.memref_squeeze %parallel_loop3A_416 : memref<1x512x56xf32, #tpu.memory_space<vmem>> -> memref<512x56xf32, #tpu.memory_space<vmem>>
        %parallel_loop3A_418 = tpu.vector_load_idx %parallel_loop3A_417[%parallel_loop3A_314, %parallel_loop3A_412] : memref<512x56xf32, #tpu.memory_space<vmem>>[vector<16xi32>, vector<16xi32>], vector<16xf32>,
        %parallel_loop3A_419 = arith.constant 13 : i32
        %parallel_loop3A_420 = vector.broadcast %parallel_loop3A_419 : i32 to vector<16xi32>
        %parallel_loop3A_421 = arith.constant 1 : i32
        %parallel_loop3A_422 = arith.constant 0 : i32
        %parallel_loop3A_423 = arith.constant 0 : i32
        %parallel_loop3A_424 = tpu.memref_slice %arg6[%parallel_loop3A_421, %parallel_loop3A_422, %parallel_loop3A_423] : memref<2x512x56xf32, #tpu.memory_space<vmem>> -> memref<1x512x56xf32, #tpu.memory_space<vmem>>
        %parallel_loop3A_425 = tpu.memref_squeeze %parallel_loop3A_424 : memref<1x512x56xf32, #tpu.memory_space<vmem>> -> memref<512x56xf32, #tpu.memory_space<vmem>>
        %parallel_loop3A_426 = tpu.vector_load_idx %parallel_loop3A_425[%parallel_loop3A_314, %parallel_loop3A_420] : memref<512x56xf32, #tpu.memory_space<vmem>>[vector<16xi32>, vector<16xi32>], vector<16xf32>,
        %parallel_loop3A_427 = arith.constant 14 : i32
        %parallel_loop3A_428 = vector.broadcast %parallel_loop3A_427 : i32 to vector<16xi32>
        %parallel_loop3A_429 = arith.constant 1 : i32
        %parallel_loop3A_430 = arith.constant 0 : i32
        %parallel_loop3A_431 = arith.constant 0 : i32
        %parallel_loop3A_432 = tpu.memref_slice %arg6[%parallel_loop3A_429, %parallel_loop3A_430, %parallel_loop3A_431] : memref<2x512x56xf32, #tpu.memory_space<vmem>> -> memref<1x512x56xf32, #tpu.memory_space<vmem>>
        %parallel_loop3A_433 = tpu.memref_squeeze %parallel_loop3A_432 : memref<1x512x56xf32, #tpu.memory_space<vmem>> -> memref<512x56xf32, #tpu.memory_space<vmem>>
        %parallel_loop3A_434 = tpu.vector_load_idx %parallel_loop3A_433[%parallel_loop3A_314, %parallel_loop3A_428] : memref<512x56xf32, #tpu.memory_space<vmem>>[vector<16xi32>, vector<16xi32>], vector<16xf32>,
        %parallel_loop3A_435 = arith.constant 15 : i32
        %parallel_loop3A_436 = vector.broadcast %parallel_loop3A_435 : i32 to vector<16xi32>
        %parallel_loop3A_437 = arith.constant 1 : i32
        %parallel_loop3A_438 = arith.constant 0 : i32
        %parallel_loop3A_439 = arith.constant 0 : i32
        %parallel_loop3A_440 = tpu.memref_slice %arg6[%parallel_loop3A_437, %parallel_loop3A_438, %parallel_loop3A_439] : memref<2x512x56xf32, #tpu.memory_space<vmem>> -> memref<1x512x56xf32, #tpu.memory_space<vmem>>
        %parallel_loop3A_441 = tpu.memref_squeeze %parallel_loop3A_440 : memref<1x512x56xf32, #tpu.memory_space<vmem>> -> memref<512x56xf32, #tpu.memory_space<vmem>>
        %parallel_loop3A_442 = tpu.vector_load_idx %parallel_loop3A_441[%parallel_loop3A_314, %parallel_loop3A_436] : memref<512x56xf32, #tpu.memory_space<vmem>>[vector<16xi32>, vector<16xi32>], vector<16xf32>,
        %parallel_loop3A_443 = arith.constant 16 : i32
        %parallel_loop3A_444 = vector.broadcast %parallel_loop3A_443 : i32 to vector<16xi32>
        %parallel_loop3A_445 = arith.constant 1 : i32
        %parallel_loop3A_446 = arith.constant 0 : i32
        %parallel_loop3A_447 = arith.constant 0 : i32
        %parallel_loop3A_448 = tpu.memref_slice %arg6[%parallel_loop3A_445, %parallel_loop3A_446, %parallel_loop3A_447] : memref<2x512x56xf32, #tpu.memory_space<vmem>> -> memref<1x512x56xf32, #tpu.memory_space<vmem>>
        %parallel_loop3A_449 = tpu.memref_squeeze %parallel_loop3A_448 : memref<1x512x56xf32, #tpu.memory_space<vmem>> -> memref<512x56xf32, #tpu.memory_space<vmem>>
        %parallel_loop3A_450 = tpu.vector_load_idx %parallel_loop3A_449[%parallel_loop3A_314, %parallel_loop3A_444] : memref<512x56xf32, #tpu.memory_space<vmem>>[vector<16xi32>, vector<16xi32>], vector<16xf32>,
        %parallel_loop3A_451 = arith.constant 17 : i32
        %parallel_loop3A_452 = vector.broadcast %parallel_loop3A_451 : i32 to vector<16xi32>
        %parallel_loop3A_453 = arith.constant 1 : i32
        %parallel_loop3A_454 = arith.constant 0 : i32
        %parallel_loop3A_455 = arith.constant 0 : i32
        %parallel_loop3A_456 = tpu.memref_slice %arg6[%parallel_loop3A_453, %parallel_loop3A_454, %parallel_loop3A_455] : memref<2x512x56xf32, #tpu.memory_space<vmem>> -> memref<1x512x56xf32, #tpu.memory_space<vmem>>
        %parallel_loop3A_457 = tpu.memref_squeeze %parallel_loop3A_456 : memref<1x512x56xf32, #tpu.memory_space<vmem>> -> memref<512x56xf32, #tpu.memory_space<vmem>>
        %parallel_loop3A_458 = tpu.vector_load_idx %parallel_loop3A_457[%parallel_loop3A_314, %parallel_loop3A_452] : memref<512x56xf32, #tpu.memory_space<vmem>>[vector<16xi32>, vector<16xi32>], vector<16xf32>,
        %parallel_loop3A_459 = arith.constant 18 : i32
        %parallel_loop3A_460 = vector.broadcast %parallel_loop3A_459 : i32 to vector<16xi32>
        %parallel_loop3A_461 = arith.constant 1 : i32
        %parallel_loop3A_462 = arith.constant 0 : i32
        %parallel_loop3A_463 = arith.constant 0 : i32
        %parallel_loop3A_464 = tpu.memref_slice %arg6[%parallel_loop3A_461, %parallel_loop3A_462, %parallel_loop3A_463] : memref<2x512x56xf32, #tpu.memory_space<vmem>> -> memref<1x512x56xf32, #tpu.memory_space<vmem>>
        %parallel_loop3A_465 = tpu.memref_squeeze %parallel_loop3A_464 : memref<1x512x56xf32, #tpu.memory_space<vmem>> -> memref<512x56xf32, #tpu.memory_space<vmem>>
        %parallel_loop3A_466 = tpu.vector_load_idx %parallel_loop3A_465[%parallel_loop3A_314, %parallel_loop3A_460] : memref<512x56xf32, #tpu.memory_space<vmem>>[vector<16xi32>, vector<16xi32>], vector<16xf32>,
        %parallel_loop3A_467 = arith.constant 19 : i32
        %parallel_loop3A_468 = vector.broadcast %parallel_loop3A_467 : i32 to vector<16xi32>
        %parallel_loop3A_469 = arith.constant 1 : i32
        %parallel_loop3A_470 = arith.constant 0 : i32
        %parallel_loop3A_471 = arith.constant 0 : i32
        %parallel_loop3A_472 = tpu.memref_slice %arg6[%parallel_loop3A_469, %parallel_loop3A_470, %parallel_loop3A_471] : memref<2x512x56xf32, #tpu.memory_space<vmem>> -> memref<1x512x56xf32, #tpu.memory_space<vmem>>
        %parallel_loop3A_473 = tpu.memref_squeeze %parallel_loop3A_472 : memref<1x512x56xf32, #tpu.memory_space<vmem>> -> memref<512x56xf32, #tpu.memory_space<vmem>>
        %parallel_loop3A_474 = tpu.vector_load_idx %parallel_loop3A_473[%parallel_loop3A_314, %parallel_loop3A_468] : memref<512x56xf32, #tpu.memory_space<vmem>>[vector<16xi32>, vector<16xi32>], vector<16xf32>,
        %parallel_loop3A_475 = arith.constant 20 : i32
        %parallel_loop3A_476 = vector.broadcast %parallel_loop3A_475 : i32 to vector<16xi32>
        %parallel_loop3A_477 = arith.constant 1 : i32
        %parallel_loop3A_478 = arith.constant 0 : i32
        %parallel_loop3A_479 = arith.constant 0 : i32
        %parallel_loop3A_480 = tpu.memref_slice %arg6[%parallel_loop3A_477, %parallel_loop3A_478, %parallel_loop3A_479] : memref<2x512x56xf32, #tpu.memory_space<vmem>> -> memref<1x512x56xf32, #tpu.memory_space<vmem>>
        %parallel_loop3A_481 = tpu.memref_squeeze %parallel_loop3A_480 : memref<1x512x56xf32, #tpu.memory_space<vmem>> -> memref<512x56xf32, #tpu.memory_space<vmem>>
        %parallel_loop3A_482 = tpu.vector_load_idx %parallel_loop3A_481[%parallel_loop3A_314, %parallel_loop3A_476] : memref<512x56xf32, #tpu.memory_space<vmem>>[vector<16xi32>, vector<16xi32>], vector<16xf32>,
        %parallel_loop3A_483 = arith.constant 21 : i32
        %parallel_loop3A_484 = vector.broadcast %parallel_loop3A_483 : i32 to vector<16xi32>
        %parallel_loop3A_485 = arith.constant 1 : i32
        %parallel_loop3A_486 = arith.constant 0 : i32
        %parallel_loop3A_487 = arith.constant 0 : i32
        %parallel_loop3A_488 = tpu.memref_slice %arg6[%parallel_loop3A_485, %parallel_loop3A_486, %parallel_loop3A_487] : memref<2x512x56xf32, #tpu.memory_space<vmem>> -> memref<1x512x56xf32, #tpu.memory_space<vmem>>
        %parallel_loop3A_489 = tpu.memref_squeeze %parallel_loop3A_488 : memref<1x512x56xf32, #tpu.memory_space<vmem>> -> memref<512x56xf32, #tpu.memory_space<vmem>>
        %parallel_loop3A_490 = tpu.vector_load_idx %parallel_loop3A_489[%parallel_loop3A_314, %parallel_loop3A_484] : memref<512x56xf32, #tpu.memory_space<vmem>>[vector<16xi32>, vector<16xi32>], vector<16xf32>,
        %parallel_loop3A_491 = arith.constant 22 : i32
        %parallel_loop3A_492 = vector.broadcast %parallel_loop3A_491 : i32 to vector<16xi32>
        %parallel_loop3A_493 = arith.constant 1 : i32
        %parallel_loop3A_494 = arith.constant 0 : i32
        %parallel_loop3A_495 = arith.constant 0 : i32
        %parallel_loop3A_496 = tpu.memref_slice %arg6[%parallel_loop3A_493, %parallel_loop3A_494, %parallel_loop3A_495] : memref<2x512x56xf32, #tpu.memory_space<vmem>> -> memref<1x512x56xf32, #tpu.memory_space<vmem>>
        %parallel_loop3A_497 = tpu.memref_squeeze %parallel_loop3A_496 : memref<1x512x56xf32, #tpu.memory_space<vmem>> -> memref<512x56xf32, #tpu.memory_space<vmem>>
        %parallel_loop3A_498 = tpu.vector_load_idx %parallel_loop3A_497[%parallel_loop3A_314, %parallel_loop3A_492] : memref<512x56xf32, #tpu.memory_space<vmem>>[vector<16xi32>, vector<16xi32>], vector<16xf32>,
        %parallel_loop3A_499 = arith.constant 23 : i32
        %parallel_loop3A_500 = vector.broadcast %parallel_loop3A_499 : i32 to vector<16xi32>
        %parallel_loop3A_501 = arith.constant 1 : i32
        %parallel_loop3A_502 = arith.constant 0 : i32
        %parallel_loop3A_503 = arith.constant 0 : i32
        %parallel_loop3A_504 = tpu.memref_slice %arg6[%parallel_loop3A_501, %parallel_loop3A_502, %parallel_loop3A_503] : memref<2x512x56xf32, #tpu.memory_space<vmem>> -> memref<1x512x56xf32, #tpu.memory_space<vmem>>
        %parallel_loop3A_505 = tpu.memref_squeeze %parallel_loop3A_504 : memref<1x512x56xf32, #tpu.memory_space<vmem>> -> memref<512x56xf32, #tpu.memory_space<vmem>>
        %parallel_loop3A_506 = tpu.vector_load_idx %parallel_loop3A_505[%parallel_loop3A_314, %parallel_loop3A_500] : memref<512x56xf32, #tpu.memory_space<vmem>>[vector<16xi32>, vector<16xi32>], vector<16xf32>,
        %parallel_loop3A_507 = arith.constant 24 : i32
        %parallel_loop3A_508 = vector.broadcast %parallel_loop3A_507 : i32 to vector<16xi32>
        %parallel_loop3A_509 = arith.constant 1 : i32
        %parallel_loop3A_510 = arith.constant 0 : i32
        %parallel_loop3A_511 = arith.constant 0 : i32
        %parallel_loop3A_512 = tpu.memref_slice %arg6[%parallel_loop3A_509, %parallel_loop3A_510, %parallel_loop3A_511] : memref<2x512x56xf32, #tpu.memory_space<vmem>> -> memref<1x512x56xf32, #tpu.memory_space<vmem>>
        %parallel_loop3A_513 = tpu.memref_squeeze %parallel_loop3A_512 : memref<1x512x56xf32, #tpu.memory_space<vmem>> -> memref<512x56xf32, #tpu.memory_space<vmem>>
        %parallel_loop3A_514 = tpu.vector_load_idx %parallel_loop3A_513[%parallel_loop3A_314, %parallel_loop3A_508] : memref<512x56xf32, #tpu.memory_space<vmem>>[vector<16xi32>, vector<16xi32>], vector<16xf32>,
        %parallel_loop3A_515 = arith.constant 16 : i32
        %parallel_loop3A_516 = arith.muli %parallel_loop3A_310, %parallel_loop3A_515 : i32
        %parallel_loop3A_517 = arith.constant 1 : i32
        %parallel_loop3A_518 = arith.constant 0 : i32
        %parallel_loop3A_519 = arith.index_cast %parallel_loop3A_517 : i32 to index
        %parallel_loop3A_520 = arith.index_cast %parallel_loop3A_518 : i32 to index
        %parallel_loop3A_521 = arith.index_cast %parallel_loop3A_516 : i32 to index
        %parallel_loop3A_522 = tpu.vector_load %arg7[%parallel_loop3A_519, %parallel_loop3A_520, %parallel_loop3A_521] {strides = array<i32>} : memref<2x50x512xf32, #tpu.memory_space<vmem>>, vector<16xf32>,
        tpu.vector_store %arg7[%parallel_loop3A_519, %parallel_loop3A_520, %parallel_loop3A_521], %parallel_loop3A_322 {strides = array<i32>} : memref<2x50x512xf32, #tpu.memory_space<vmem>>, vector<16xf32>,
        %parallel_loop3A_523 = arith.constant 16 : i32
        %parallel_loop3A_524 = arith.muli %parallel_loop3A_310, %parallel_loop3A_523 : i32
        %parallel_loop3A_525 = arith.constant 1 : i32
        %parallel_loop3A_526 = arith.constant 1 : i32
        %parallel_loop3A_527 = arith.index_cast %parallel_loop3A_525 : i32 to index
        %parallel_loop3A_528 = arith.index_cast %parallel_loop3A_526 : i32 to index
        %parallel_loop3A_529 = arith.index_cast %parallel_loop3A_524 : i32 to index
        %parallel_loop3A_530 = tpu.vector_load %arg7[%parallel_loop3A_527, %parallel_loop3A_528, %parallel_loop3A_529] {strides = array<i32>} : memref<2x50x512xf32, #tpu.memory_space<vmem>>, vector<16xf32>,
        tpu.vector_store %arg7[%parallel_loop3A_527, %parallel_loop3A_528, %parallel_loop3A_529], %parallel_loop3A_330 {strides = array<i32>} : memref<2x50x512xf32, #tpu.memory_space<vmem>>, vector<16xf32>,
        %parallel_loop3A_531 = arith.constant 16 : i32
        %parallel_loop3A_532 = arith.muli %parallel_loop3A_310, %parallel_loop3A_531 : i32
        %parallel_loop3A_533 = arith.constant 1 : i32
        %parallel_loop3A_534 = arith.constant 2 : i32
        %parallel_loop3A_535 = arith.index_cast %parallel_loop3A_533 : i32 to index
        %parallel_loop3A_536 = arith.index_cast %parallel_loop3A_534 : i32 to index
        %parallel_loop3A_537 = arith.index_cast %parallel_loop3A_532 : i32 to index
        %parallel_loop3A_538 = tpu.vector_load %arg7[%parallel_loop3A_535, %parallel_loop3A_536, %parallel_loop3A_537] {strides = array<i32>} : memref<2x50x512xf32, #tpu.memory_space<vmem>>, vector<16xf32>,
        tpu.vector_store %arg7[%parallel_loop3A_535, %parallel_loop3A_536, %parallel_loop3A_537], %parallel_loop3A_338 {strides = array<i32>} : memref<2x50x512xf32, #tpu.memory_space<vmem>>, vector<16xf32>,
        %parallel_loop3A_539 = arith.constant 16 : i32
        %parallel_loop3A_540 = arith.muli %parallel_loop3A_310, %parallel_loop3A_539 : i32
        %parallel_loop3A_541 = arith.constant 1 : i32
        %parallel_loop3A_542 = arith.constant 3 : i32
        %parallel_loop3A_543 = arith.index_cast %parallel_loop3A_541 : i32 to index
        %parallel_loop3A_544 = arith.index_cast %parallel_loop3A_542 : i32 to index
        %parallel_loop3A_545 = arith.index_cast %parallel_loop3A_540 : i32 to index
        %parallel_loop3A_546 = tpu.vector_load %arg7[%parallel_loop3A_543, %parallel_loop3A_544, %parallel_loop3A_545] {strides = array<i32>} : memref<2x50x512xf32, #tpu.memory_space<vmem>>, vector<16xf32>,
        tpu.vector_store %arg7[%parallel_loop3A_543, %parallel_loop3A_544, %parallel_loop3A_545], %parallel_loop3A_346 {strides = array<i32>} : memref<2x50x512xf32, #tpu.memory_space<vmem>>, vector<16xf32>,
        %parallel_loop3A_547 = arith.constant 16 : i32
        %parallel_loop3A_548 = arith.muli %parallel_loop3A_310, %parallel_loop3A_547 : i32
        %parallel_loop3A_549 = arith.constant 1 : i32
        %parallel_loop3A_550 = arith.constant 4 : i32
        %parallel_loop3A_551 = arith.index_cast %parallel_loop3A_549 : i32 to index
        %parallel_loop3A_552 = arith.index_cast %parallel_loop3A_550 : i32 to index
        %parallel_loop3A_553 = arith.index_cast %parallel_loop3A_548 : i32 to index
        %parallel_loop3A_554 = tpu.vector_load %arg7[%parallel_loop3A_551, %parallel_loop3A_552, %parallel_loop3A_553] {strides = array<i32>} : memref<2x50x512xf32, #tpu.memory_space<vmem>>, vector<16xf32>,
        tpu.vector_store %arg7[%parallel_loop3A_551, %parallel_loop3A_552, %parallel_loop3A_553], %parallel_loop3A_354 {strides = array<i32>} : memref<2x50x512xf32, #tpu.memory_space<vmem>>, vector<16xf32>,
        %parallel_loop3A_555 = arith.constant 16 : i32
        %parallel_loop3A_556 = arith.muli %parallel_loop3A_310, %parallel_loop3A_555 : i32
        %parallel_loop3A_557 = arith.constant 1 : i32
        %parallel_loop3A_558 = arith.constant 5 : i32
        %parallel_loop3A_559 = arith.index_cast %parallel_loop3A_557 : i32 to index
        %parallel_loop3A_560 = arith.index_cast %parallel_loop3A_558 : i32 to index
        %parallel_loop3A_561 = arith.index_cast %parallel_loop3A_556 : i32 to index
        %parallel_loop3A_562 = tpu.vector_load %arg7[%parallel_loop3A_559, %parallel_loop3A_560, %parallel_loop3A_561] {strides = array<i32>} : memref<2x50x512xf32, #tpu.memory_space<vmem>>, vector<16xf32>,
        tpu.vector_store %arg7[%parallel_loop3A_559, %parallel_loop3A_560, %parallel_loop3A_561], %parallel_loop3A_362 {strides = array<i32>} : memref<2x50x512xf32, #tpu.memory_space<vmem>>, vector<16xf32>,
        %parallel_loop3A_563 = arith.constant 16 : i32
        %parallel_loop3A_564 = arith.muli %parallel_loop3A_310, %parallel_loop3A_563 : i32
        %parallel_loop3A_565 = arith.constant 1 : i32
        %parallel_loop3A_566 = arith.constant 6 : i32
        %parallel_loop3A_567 = arith.index_cast %parallel_loop3A_565 : i32 to index
        %parallel_loop3A_568 = arith.index_cast %parallel_loop3A_566 : i32 to index
        %parallel_loop3A_569 = arith.index_cast %parallel_loop3A_564 : i32 to index
        %parallel_loop3A_570 = tpu.vector_load %arg7[%parallel_loop3A_567, %parallel_loop3A_568, %parallel_loop3A_569] {strides = array<i32>} : memref<2x50x512xf32, #tpu.memory_space<vmem>>, vector<16xf32>,
        tpu.vector_store %arg7[%parallel_loop3A_567, %parallel_loop3A_568, %parallel_loop3A_569], %parallel_loop3A_370 {strides = array<i32>} : memref<2x50x512xf32, #tpu.memory_space<vmem>>, vector<16xf32>,
        %parallel_loop3A_571 = arith.constant 16 : i32
        %parallel_loop3A_572 = arith.muli %parallel_loop3A_310, %parallel_loop3A_571 : i32
        %parallel_loop3A_573 = arith.constant 1 : i32
        %parallel_loop3A_574 = arith.constant 7 : i32
        %parallel_loop3A_575 = arith.index_cast %parallel_loop3A_573 : i32 to index
        %parallel_loop3A_576 = arith.index_cast %parallel_loop3A_574 : i32 to index
        %parallel_loop3A_577 = arith.index_cast %parallel_loop3A_572 : i32 to index
        %parallel_loop3A_578 = tpu.vector_load %arg7[%parallel_loop3A_575, %parallel_loop3A_576, %parallel_loop3A_577] {strides = array<i32>} : memref<2x50x512xf32, #tpu.memory_space<vmem>>, vector<16xf32>,
        tpu.vector_store %arg7[%parallel_loop3A_575, %parallel_loop3A_576, %parallel_loop3A_577], %parallel_loop3A_378 {strides = array<i32>} : memref<2x50x512xf32, #tpu.memory_space<vmem>>, vector<16xf32>,
        %parallel_loop3A_579 = arith.constant 16 : i32
        %parallel_loop3A_580 = arith.muli %parallel_loop3A_310, %parallel_loop3A_579 : i32
        %parallel_loop3A_581 = arith.constant 1 : i32
        %parallel_loop3A_582 = arith.constant 8 : i32
        %parallel_loop3A_583 = arith.index_cast %parallel_loop3A_581 : i32 to index
        %parallel_loop3A_584 = arith.index_cast %parallel_loop3A_582 : i32 to index
        %parallel_loop3A_585 = arith.index_cast %parallel_loop3A_580 : i32 to index
        %parallel_loop3A_586 = tpu.vector_load %arg7[%parallel_loop3A_583, %parallel_loop3A_584, %parallel_loop3A_585] {strides = array<i32>} : memref<2x50x512xf32, #tpu.memory_space<vmem>>, vector<16xf32>,
        tpu.vector_store %arg7[%parallel_loop3A_583, %parallel_loop3A_584, %parallel_loop3A_585], %parallel_loop3A_386 {strides = array<i32>} : memref<2x50x512xf32, #tpu.memory_space<vmem>>, vector<16xf32>,
        %parallel_loop3A_587 = arith.constant 16 : i32
        %parallel_loop3A_588 = arith.muli %parallel_loop3A_310, %parallel_loop3A_587 : i32
        %parallel_loop3A_589 = arith.constant 1 : i32
        %parallel_loop3A_590 = arith.constant 9 : i32
        %parallel_loop3A_591 = arith.index_cast %parallel_loop3A_589 : i32 to index
        %parallel_loop3A_592 = arith.index_cast %parallel_loop3A_590 : i32 to index
        %parallel_loop3A_593 = arith.index_cast %parallel_loop3A_588 : i32 to index
        %parallel_loop3A_594 = tpu.vector_load %arg7[%parallel_loop3A_591, %parallel_loop3A_592, %parallel_loop3A_593] {strides = array<i32>} : memref<2x50x512xf32, #tpu.memory_space<vmem>>, vector<16xf32>,
        tpu.vector_store %arg7[%parallel_loop3A_591, %parallel_loop3A_592, %parallel_loop3A_593], %parallel_loop3A_394 {strides = array<i32>} : memref<2x50x512xf32, #tpu.memory_space<vmem>>, vector<16xf32>,
        %parallel_loop3A_595 = arith.constant 16 : i32
        %parallel_loop3A_596 = arith.muli %parallel_loop3A_310, %parallel_loop3A_595 : i32
        %parallel_loop3A_597 = arith.constant 1 : i32
        %parallel_loop3A_598 = arith.constant 10 : i32
        %parallel_loop3A_599 = arith.index_cast %parallel_loop3A_597 : i32 to index
        %parallel_loop3A_600 = arith.index_cast %parallel_loop3A_598 : i32 to index
        %parallel_loop3A_601 = arith.index_cast %parallel_loop3A_596 : i32 to index
        %parallel_loop3A_602 = tpu.vector_load %arg7[%parallel_loop3A_599, %parallel_loop3A_600, %parallel_loop3A_601] {strides = array<i32>} : memref<2x50x512xf32, #tpu.memory_space<vmem>>, vector<16xf32>,
        tpu.vector_store %arg7[%parallel_loop3A_599, %parallel_loop3A_600, %parallel_loop3A_601], %parallel_loop3A_402 {strides = array<i32>} : memref<2x50x512xf32, #tpu.memory_space<vmem>>, vector<16xf32>,
        %parallel_loop3A_603 = arith.constant 16 : i32
        %parallel_loop3A_604 = arith.muli %parallel_loop3A_310, %parallel_loop3A_603 : i32
        %parallel_loop3A_605 = arith.constant 1 : i32
        %parallel_loop3A_606 = arith.constant 11 : i32
        %parallel_loop3A_607 = arith.index_cast %parallel_loop3A_605 : i32 to index
        %parallel_loop3A_608 = arith.index_cast %parallel_loop3A_606 : i32 to index
        %parallel_loop3A_609 = arith.index_cast %parallel_loop3A_604 : i32 to index
        %parallel_loop3A_610 = tpu.vector_load %arg7[%parallel_loop3A_607, %parallel_loop3A_608, %parallel_loop3A_609] {strides = array<i32>} : memref<2x50x512xf32, #tpu.memory_space<vmem>>, vector<16xf32>,
        tpu.vector_store %arg7[%parallel_loop3A_607, %parallel_loop3A_608, %parallel_loop3A_609], %parallel_loop3A_410 {strides = array<i32>} : memref<2x50x512xf32, #tpu.memory_space<vmem>>, vector<16xf32>,
        %parallel_loop3A_611 = arith.constant 16 : i32
        %parallel_loop3A_612 = arith.muli %parallel_loop3A_310, %parallel_loop3A_611 : i32
        %parallel_loop3A_613 = arith.constant 1 : i32
        %parallel_loop3A_614 = arith.constant 12 : i32
        %parallel_loop3A_615 = arith.index_cast %parallel_loop3A_613 : i32 to index
        %parallel_loop3A_616 = arith.index_cast %parallel_loop3A_614 : i32 to index
        %parallel_loop3A_617 = arith.index_cast %parallel_loop3A_612 : i32 to index
        %parallel_loop3A_618 = tpu.vector_load %arg7[%parallel_loop3A_615, %parallel_loop3A_616, %parallel_loop3A_617] {strides = array<i32>} : memref<2x50x512xf32, #tpu.memory_space<vmem>>, vector<16xf32>,
        tpu.vector_store %arg7[%parallel_loop3A_615, %parallel_loop3A_616, %parallel_loop3A_617], %parallel_loop3A_418 {strides = array<i32>} : memref<2x50x512xf32, #tpu.memory_space<vmem>>, vector<16xf32>,
        %parallel_loop3A_619 = arith.constant 16 : i32
        %parallel_loop3A_620 = arith.muli %parallel_loop3A_310, %parallel_loop3A_619 : i32
        %parallel_loop3A_621 = arith.constant 1 : i32
        %parallel_loop3A_622 = arith.constant 13 : i32
        %parallel_loop3A_623 = arith.index_cast %parallel_loop3A_621 : i32 to index
        %parallel_loop3A_624 = arith.index_cast %parallel_loop3A_622 : i32 to index
        %parallel_loop3A_625 = arith.index_cast %parallel_loop3A_620 : i32 to index
        %parallel_loop3A_626 = tpu.vector_load %arg7[%parallel_loop3A_623, %parallel_loop3A_624, %parallel_loop3A_625] {strides = array<i32>} : memref<2x50x512xf32, #tpu.memory_space<vmem>>, vector<16xf32>,
        tpu.vector_store %arg7[%parallel_loop3A_623, %parallel_loop3A_624, %parallel_loop3A_625], %parallel_loop3A_426 {strides = array<i32>} : memref<2x50x512xf32, #tpu.memory_space<vmem>>, vector<16xf32>,
        %parallel_loop3A_627 = arith.constant 16 : i32
        %parallel_loop3A_628 = arith.muli %parallel_loop3A_310, %parallel_loop3A_627 : i32
        %parallel_loop3A_629 = arith.constant 1 : i32
        %parallel_loop3A_630 = arith.constant 14 : i32
        %parallel_loop3A_631 = arith.index_cast %parallel_loop3A_629 : i32 to index
        %parallel_loop3A_632 = arith.index_cast %parallel_loop3A_630 : i32 to index
        %parallel_loop3A_633 = arith.index_cast %parallel_loop3A_628 : i32 to index
        %parallel_loop3A_634 = tpu.vector_load %arg7[%parallel_loop3A_631, %parallel_loop3A_632, %parallel_loop3A_633] {strides = array<i32>} : memref<2x50x512xf32, #tpu.memory_space<vmem>>, vector<16xf32>,
        tpu.vector_store %arg7[%parallel_loop3A_631, %parallel_loop3A_632, %parallel_loop3A_633], %parallel_loop3A_434 {strides = array<i32>} : memref<2x50x512xf32, #tpu.memory_space<vmem>>, vector<16xf32>,
        %parallel_loop3A_635 = arith.constant 16 : i32
        %parallel_loop3A_636 = arith.muli %parallel_loop3A_310, %parallel_loop3A_635 : i32
        %parallel_loop3A_637 = arith.constant 1 : i32
        %parallel_loop3A_638 = arith.constant 15 : i32
        %parallel_loop3A_639 = arith.index_cast %parallel_loop3A_637 : i32 to index
        %parallel_loop3A_640 = arith.index_cast %parallel_loop3A_638 : i32 to index
        %parallel_loop3A_641 = arith.index_cast %parallel_loop3A_636 : i32 to index
        %parallel_loop3A_642 = tpu.vector_load %arg7[%parallel_loop3A_639, %parallel_loop3A_640, %parallel_loop3A_641] {strides = array<i32>} : memref<2x50x512xf32, #tpu.memory_space<vmem>>, vector<16xf32>,
        tpu.vector_store %arg7[%parallel_loop3A_639, %parallel_loop3A_640, %parallel_loop3A_641], %parallel_loop3A_442 {strides = array<i32>} : memref<2x50x512xf32, #tpu.memory_space<vmem>>, vector<16xf32>,
        %parallel_loop3A_643 = arith.constant 16 : i32
        %parallel_loop3A_644 = arith.muli %parallel_loop3A_310, %parallel_loop3A_643 : i32
        %parallel_loop3A_645 = arith.constant 1 : i32
        %parallel_loop3A_646 = arith.constant 16 : i32
        %parallel_loop3A_647 = arith.index_cast %parallel_loop3A_645 : i32 to index
        %parallel_loop3A_648 = arith.index_cast %parallel_loop3A_646 : i32 to index
        %parallel_loop3A_649 = arith.index_cast %parallel_loop3A_644 : i32 to index
        %parallel_loop3A_650 = tpu.vector_load %arg7[%parallel_loop3A_647, %parallel_loop3A_648, %parallel_loop3A_649] {strides = array<i32>} : memref<2x50x512xf32, #tpu.memory_space<vmem>>, vector<16xf32>,
        tpu.vector_store %arg7[%parallel_loop3A_647, %parallel_loop3A_648, %parallel_loop3A_649], %parallel_loop3A_450 {strides = array<i32>} : memref<2x50x512xf32, #tpu.memory_space<vmem>>, vector<16xf32>,
        %parallel_loop3A_651 = arith.constant 16 : i32
        %parallel_loop3A_652 = arith.muli %parallel_loop3A_310, %parallel_loop3A_651 : i32
        %parallel_loop3A_653 = arith.constant 1 : i32
        %parallel_loop3A_654 = arith.constant 17 : i32
        %parallel_loop3A_655 = arith.index_cast %parallel_loop3A_653 : i32 to index
        %parallel_loop3A_656 = arith.index_cast %parallel_loop3A_654 : i32 to index
        %parallel_loop3A_657 = arith.index_cast %parallel_loop3A_652 : i32 to index
        %parallel_loop3A_658 = tpu.vector_load %arg7[%parallel_loop3A_655, %parallel_loop3A_656, %parallel_loop3A_657] {strides = array<i32>} : memref<2x50x512xf32, #tpu.memory_space<vmem>>, vector<16xf32>,
        tpu.vector_store %arg7[%parallel_loop3A_655, %parallel_loop3A_656, %parallel_loop3A_657], %parallel_loop3A_458 {strides = array<i32>} : memref<2x50x512xf32, #tpu.memory_space<vmem>>, vector<16xf32>,
        %parallel_loop3A_659 = arith.constant 16 : i32
        %parallel_loop3A_660 = arith.muli %parallel_loop3A_310, %parallel_loop3A_659 : i32
        %parallel_loop3A_661 = arith.constant 1 : i32
        %parallel_loop3A_662 = arith.constant 18 : i32
        %parallel_loop3A_663 = arith.index_cast %parallel_loop3A_661 : i32 to index
        %parallel_loop3A_664 = arith.index_cast %parallel_loop3A_662 : i32 to index
        %parallel_loop3A_665 = arith.index_cast %parallel_loop3A_660 : i32 to index
        %parallel_loop3A_666 = tpu.vector_load %arg7[%parallel_loop3A_663, %parallel_loop3A_664, %parallel_loop3A_665] {strides = array<i32>} : memref<2x50x512xf32, #tpu.memory_space<vmem>>, vector<16xf32>,
        tpu.vector_store %arg7[%parallel_loop3A_663, %parallel_loop3A_664, %parallel_loop3A_665], %parallel_loop3A_466 {strides = array<i32>} : memref<2x50x512xf32, #tpu.memory_space<vmem>>, vector<16xf32>,
        %parallel_loop3A_667 = arith.constant 16 : i32
        %parallel_loop3A_668 = arith.muli %parallel_loop3A_310, %parallel_loop3A_667 : i32
        %parallel_loop3A_669 = arith.constant 1 : i32
        %parallel_loop3A_670 = arith.constant 19 : i32
        %parallel_loop3A_671 = arith.index_cast %parallel_loop3A_669 : i32 to index
        %parallel_loop3A_672 = arith.index_cast %parallel_loop3A_670 : i32 to index
        %parallel_loop3A_673 = arith.index_cast %parallel_loop3A_668 : i32 to index
        %parallel_loop3A_674 = tpu.vector_load %arg7[%parallel_loop3A_671, %parallel_loop3A_672, %parallel_loop3A_673] {strides = array<i32>} : memref<2x50x512xf32, #tpu.memory_space<vmem>>, vector<16xf32>,
        tpu.vector_store %arg7[%parallel_loop3A_671, %parallel_loop3A_672, %parallel_loop3A_673], %parallel_loop3A_474 {strides = array<i32>} : memref<2x50x512xf32, #tpu.memory_space<vmem>>, vector<16xf32>,
        %parallel_loop3A_675 = arith.constant 16 : i32
        %parallel_loop3A_676 = arith.muli %parallel_loop3A_310, %parallel_loop3A_675 : i32
        %parallel_loop3A_677 = arith.constant 1 : i32
        %parallel_loop3A_678 = arith.constant 20 : i32
        %parallel_loop3A_679 = arith.index_cast %parallel_loop3A_677 : i32 to index
        %parallel_loop3A_680 = arith.index_cast %parallel_loop3A_678 : i32 to index
        %parallel_loop3A_681 = arith.index_cast %parallel_loop3A_676 : i32 to index
        %parallel_loop3A_682 = tpu.vector_load %arg7[%parallel_loop3A_679, %parallel_loop3A_680, %parallel_loop3A_681] {strides = array<i32>} : memref<2x50x512xf32, #tpu.memory_space<vmem>>, vector<16xf32>,
        tpu.vector_store %arg7[%parallel_loop3A_679, %parallel_loop3A_680, %parallel_loop3A_681], %parallel_loop3A_482 {strides = array<i32>} : memref<2x50x512xf32, #tpu.memory_space<vmem>>, vector<16xf32>,
        %parallel_loop3A_683 = arith.constant 16 : i32
        %parallel_loop3A_684 = arith.muli %parallel_loop3A_310, %parallel_loop3A_683 : i32
        %parallel_loop3A_685 = arith.constant 1 : i32
        %parallel_loop3A_686 = arith.constant 21 : i32
        %parallel_loop3A_687 = arith.index_cast %parallel_loop3A_685 : i32 to index
        %parallel_loop3A_688 = arith.index_cast %parallel_loop3A_686 : i32 to index
        %parallel_loop3A_689 = arith.index_cast %parallel_loop3A_684 : i32 to index
        %parallel_loop3A_690 = tpu.vector_load %arg7[%parallel_loop3A_687, %parallel_loop3A_688, %parallel_loop3A_689] {strides = array<i32>} : memref<2x50x512xf32, #tpu.memory_space<vmem>>, vector<16xf32>,
        tpu.vector_store %arg7[%parallel_loop3A_687, %parallel_loop3A_688, %parallel_loop3A_689], %parallel_loop3A_490 {strides = array<i32>} : memref<2x50x512xf32, #tpu.memory_space<vmem>>, vector<16xf32>,
        %parallel_loop3A_691 = arith.constant 16 : i32
        %parallel_loop3A_692 = arith.muli %parallel_loop3A_310, %parallel_loop3A_691 : i32
        %parallel_loop3A_693 = arith.constant 1 : i32
        %parallel_loop3A_694 = arith.constant 22 : i32
        %parallel_loop3A_695 = arith.index_cast %parallel_loop3A_693 : i32 to index
        %parallel_loop3A_696 = arith.index_cast %parallel_loop3A_694 : i32 to index
        %parallel_loop3A_697 = arith.index_cast %parallel_loop3A_692 : i32 to index
        %parallel_loop3A_698 = tpu.vector_load %arg7[%parallel_loop3A_695, %parallel_loop3A_696, %parallel_loop3A_697] {strides = array<i32>} : memref<2x50x512xf32, #tpu.memory_space<vmem>>, vector<16xf32>,
        tpu.vector_store %arg7[%parallel_loop3A_695, %parallel_loop3A_696, %parallel_loop3A_697], %parallel_loop3A_498 {strides = array<i32>} : memref<2x50x512xf32, #tpu.memory_space<vmem>>, vector<16xf32>,
        %parallel_loop3A_699 = arith.constant 16 : i32
        %parallel_loop3A_700 = arith.muli %parallel_loop3A_310, %parallel_loop3A_699 : i32
        %parallel_loop3A_701 = arith.constant 1 : i32
        %parallel_loop3A_702 = arith.constant 23 : i32
        %parallel_loop3A_703 = arith.index_cast %parallel_loop3A_701 : i32 to index
        %parallel_loop3A_704 = arith.index_cast %parallel_loop3A_702 : i32 to index
        %parallel_loop3A_705 = arith.index_cast %parallel_loop3A_700 : i32 to index
        %parallel_loop3A_706 = tpu.vector_load %arg7[%parallel_loop3A_703, %parallel_loop3A_704, %parallel_loop3A_705] {strides = array<i32>} : memref<2x50x512xf32, #tpu.memory_space<vmem>>, vector<16xf32>,
        tpu.vector_store %arg7[%parallel_loop3A_703, %parallel_loop3A_704, %parallel_loop3A_705], %parallel_loop3A_506 {strides = array<i32>} : memref<2x50x512xf32, #tpu.memory_space<vmem>>, vector<16xf32>,
        %parallel_loop3A_707 = arith.constant 16 : i32
        %parallel_loop3A_708 = arith.muli %parallel_loop3A_310, %parallel_loop3A_707 : i32
        %parallel_loop3A_709 = arith.constant 1 : i32
        %parallel_loop3A_710 = arith.constant 24 : i32
        %parallel_loop3A_711 = arith.index_cast %parallel_loop3A_709 : i32 to index
        %parallel_loop3A_712 = arith.index_cast %parallel_loop3A_710 : i32 to index
        %parallel_loop3A_713 = arith.index_cast %parallel_loop3A_708 : i32 to index
        %parallel_loop3A_714 = tpu.vector_load %arg7[%parallel_loop3A_711, %parallel_loop3A_712, %parallel_loop3A_713] {strides = array<i32>} : memref<2x50x512xf32, #tpu.memory_space<vmem>>, vector<16xf32>,
        tpu.vector_store %arg7[%parallel_loop3A_711, %parallel_loop3A_712, %parallel_loop3A_713], %parallel_loop3A_514 {strides = array<i32>} : memref<2x50x512xf32, #tpu.memory_space<vmem>>, vector<16xf32>,
        %parallel_loop3A_715 = arith.constant 25 : i32
        %parallel_loop3A_716 = vector.broadcast %parallel_loop3A_715 : i32 to vector<16xi32>
        %parallel_loop3A_717 = arith.constant 1 : i32
        %parallel_loop3A_718 = arith.constant 0 : i32
        %parallel_loop3A_719 = arith.constant 0 : i32
        %parallel_loop3A_720 = tpu.memref_slice %arg6[%parallel_loop3A_717, %parallel_loop3A_718, %parallel_loop3A_719] : memref<2x512x56xf32, #tpu.memory_space<vmem>> -> memref<1x512x56xf32, #tpu.memory_space<vmem>>
        %parallel_loop3A_721 = tpu.memref_squeeze %parallel_loop3A_720 : memref<1x512x56xf32, #tpu.memory_space<vmem>> -> memref<512x56xf32, #tpu.memory_space<vmem>>
        %parallel_loop3A_722 = tpu.vector_load_idx %parallel_loop3A_721[%parallel_loop3A_314, %parallel_loop3A_716] : memref<512x56xf32, #tpu.memory_space<vmem>>[vector<16xi32>, vector<16xi32>], vector<16xf32>,
        %parallel_loop3A_723 = arith.constant 26 : i32
        %parallel_loop3A_724 = vector.broadcast %parallel_loop3A_723 : i32 to vector<16xi32>
        %parallel_loop3A_725 = arith.constant 1 : i32
        %parallel_loop3A_726 = arith.constant 0 : i32
        %parallel_loop3A_727 = arith.constant 0 : i32
        %parallel_loop3A_728 = tpu.memref_slice %arg6[%parallel_loop3A_725, %parallel_loop3A_726, %parallel_loop3A_727] : memref<2x512x56xf32, #tpu.memory_space<vmem>> -> memref<1x512x56xf32, #tpu.memory_space<vmem>>
        %parallel_loop3A_729 = tpu.memref_squeeze %parallel_loop3A_728 : memref<1x512x56xf32, #tpu.memory_space<vmem>> -> memref<512x56xf32, #tpu.memory_space<vmem>>
        %parallel_loop3A_730 = tpu.vector_load_idx %parallel_loop3A_729[%parallel_loop3A_314, %parallel_loop3A_724] : memref<512x56xf32, #tpu.memory_space<vmem>>[vector<16xi32>, vector<16xi32>], vector<16xf32>,
        %parallel_loop3A_731 = arith.constant 27 : i32
        %parallel_loop3A_732 = vector.broadcast %parallel_loop3A_731 : i32 to vector<16xi32>
        %parallel_loop3A_733 = arith.constant 1 : i32
        %parallel_loop3A_734 = arith.constant 0 : i32
        %parallel_loop3A_735 = arith.constant 0 : i32
        %parallel_loop3A_736 = tpu.memref_slice %arg6[%parallel_loop3A_733, %parallel_loop3A_734, %parallel_loop3A_735] : memref<2x512x56xf32, #tpu.memory_space<vmem>> -> memref<1x512x56xf32, #tpu.memory_space<vmem>>
        %parallel_loop3A_737 = tpu.memref_squeeze %parallel_loop3A_736 : memref<1x512x56xf32, #tpu.memory_space<vmem>> -> memref<512x56xf32, #tpu.memory_space<vmem>>
        %parallel_loop3A_738 = tpu.vector_load_idx %parallel_loop3A_737[%parallel_loop3A_314, %parallel_loop3A_732] : memref<512x56xf32, #tpu.memory_space<vmem>>[vector<16xi32>, vector<16xi32>], vector<16xf32>,
        %parallel_loop3A_739 = arith.constant 28 : i32
        %parallel_loop3A_740 = vector.broadcast %parallel_loop3A_739 : i32 to vector<16xi32>
        %parallel_loop3A_741 = arith.constant 1 : i32
        %parallel_loop3A_742 = arith.constant 0 : i32
        %parallel_loop3A_743 = arith.constant 0 : i32
        %parallel_loop3A_744 = tpu.memref_slice %arg6[%parallel_loop3A_741, %parallel_loop3A_742, %parallel_loop3A_743] : memref<2x512x56xf32, #tpu.memory_space<vmem>> -> memref<1x512x56xf32, #tpu.memory_space<vmem>>
        %parallel_loop3A_745 = tpu.memref_squeeze %parallel_loop3A_744 : memref<1x512x56xf32, #tpu.memory_space<vmem>> -> memref<512x56xf32, #tpu.memory_space<vmem>>
        %parallel_loop3A_746 = tpu.vector_load_idx %parallel_loop3A_745[%parallel_loop3A_314, %parallel_loop3A_740] : memref<512x56xf32, #tpu.memory_space<vmem>>[vector<16xi32>, vector<16xi32>], vector<16xf32>,
        %parallel_loop3A_747 = arith.constant 29 : i32
        %parallel_loop3A_748 = vector.broadcast %parallel_loop3A_747 : i32 to vector<16xi32>
        %parallel_loop3A_749 = arith.constant 1 : i32
        %parallel_loop3A_750 = arith.constant 0 : i32
        %parallel_loop3A_751 = arith.constant 0 : i32
        %parallel_loop3A_752 = tpu.memref_slice %arg6[%parallel_loop3A_749, %parallel_loop3A_750, %parallel_loop3A_751] : memref<2x512x56xf32, #tpu.memory_space<vmem>> -> memref<1x512x56xf32, #tpu.memory_space<vmem>>
        %parallel_loop3A_753 = tpu.memref_squeeze %parallel_loop3A_752 : memref<1x512x56xf32, #tpu.memory_space<vmem>> -> memref<512x56xf32, #tpu.memory_space<vmem>>
        %parallel_loop3A_754 = tpu.vector_load_idx %parallel_loop3A_753[%parallel_loop3A_314, %parallel_loop3A_748] : memref<512x56xf32, #tpu.memory_space<vmem>>[vector<16xi32>, vector<16xi32>], vector<16xf32>,
        %parallel_loop3A_755 = arith.constant 30 : i32
        %parallel_loop3A_756 = vector.broadcast %parallel_loop3A_755 : i32 to vector<16xi32>
        %parallel_loop3A_757 = arith.constant 1 : i32
        %parallel_loop3A_758 = arith.constant 0 : i32
        %parallel_loop3A_759 = arith.constant 0 : i32
        %parallel_loop3A_760 = tpu.memref_slice %arg6[%parallel_loop3A_757, %parallel_loop3A_758, %parallel_loop3A_759] : memref<2x512x56xf32, #tpu.memory_space<vmem>> -> memref<1x512x56xf32, #tpu.memory_space<vmem>>
        %parallel_loop3A_761 = tpu.memref_squeeze %parallel_loop3A_760 : memref<1x512x56xf32, #tpu.memory_space<vmem>> -> memref<512x56xf32, #tpu.memory_space<vmem>>
        %parallel_loop3A_762 = tpu.vector_load_idx %parallel_loop3A_761[%parallel_loop3A_314, %parallel_loop3A_756] : memref<512x56xf32, #tpu.memory_space<vmem>>[vector<16xi32>, vector<16xi32>], vector<16xf32>,
        %parallel_loop3A_763 = arith.constant 31 : i32
        %parallel_loop3A_764 = vector.broadcast %parallel_loop3A_763 : i32 to vector<16xi32>
        %parallel_loop3A_765 = arith.constant 1 : i32
        %parallel_loop3A_766 = arith.constant 0 : i32
        %parallel_loop3A_767 = arith.constant 0 : i32
        %parallel_loop3A_768 = tpu.memref_slice %arg6[%parallel_loop3A_765, %parallel_loop3A_766, %parallel_loop3A_767] : memref<2x512x56xf32, #tpu.memory_space<vmem>> -> memref<1x512x56xf32, #tpu.memory_space<vmem>>
        %parallel_loop3A_769 = tpu.memref_squeeze %parallel_loop3A_768 : memref<1x512x56xf32, #tpu.memory_space<vmem>> -> memref<512x56xf32, #tpu.memory_space<vmem>>
        %parallel_loop3A_770 = tpu.vector_load_idx %parallel_loop3A_769[%parallel_loop3A_314, %parallel_loop3A_764] : memref<512x56xf32, #tpu.memory_space<vmem>>[vector<16xi32>, vector<16xi32>], vector<16xf32>,
        %parallel_loop3A_771 = arith.constant 32 : i32
        %parallel_loop3A_772 = vector.broadcast %parallel_loop3A_771 : i32 to vector<16xi32>
        %parallel_loop3A_773 = arith.constant 1 : i32
        %parallel_loop3A_774 = arith.constant 0 : i32
        %parallel_loop3A_775 = arith.constant 0 : i32
        %parallel_loop3A_776 = tpu.memref_slice %arg6[%parallel_loop3A_773, %parallel_loop3A_774, %parallel_loop3A_775] : memref<2x512x56xf32, #tpu.memory_space<vmem>> -> memref<1x512x56xf32, #tpu.memory_space<vmem>>
        %parallel_loop3A_777 = tpu.memref_squeeze %parallel_loop3A_776 : memref<1x512x56xf32, #tpu.memory_space<vmem>> -> memref<512x56xf32, #tpu.memory_space<vmem>>
        %parallel_loop3A_778 = tpu.vector_load_idx %parallel_loop3A_777[%parallel_loop3A_314, %parallel_loop3A_772] : memref<512x56xf32, #tpu.memory_space<vmem>>[vector<16xi32>, vector<16xi32>], vector<16xf32>,
        %parallel_loop3A_779 = arith.constant 33 : i32
        %parallel_loop3A_780 = vector.broadcast %parallel_loop3A_779 : i32 to vector<16xi32>
        %parallel_loop3A_781 = arith.constant 1 : i32
        %parallel_loop3A_782 = arith.constant 0 : i32
        %parallel_loop3A_783 = arith.constant 0 : i32
        %parallel_loop3A_784 = tpu.memref_slice %arg6[%parallel_loop3A_781, %parallel_loop3A_782, %parallel_loop3A_783] : memref<2x512x56xf32, #tpu.memory_space<vmem>> -> memref<1x512x56xf32, #tpu.memory_space<vmem>>
        %parallel_loop3A_785 = tpu.memref_squeeze %parallel_loop3A_784 : memref<1x512x56xf32, #tpu.memory_space<vmem>> -> memref<512x56xf32, #tpu.memory_space<vmem>>
        %parallel_loop3A_786 = tpu.vector_load_idx %parallel_loop3A_785[%parallel_loop3A_314, %parallel_loop3A_780] : memref<512x56xf32, #tpu.memory_space<vmem>>[vector<16xi32>, vector<16xi32>], vector<16xf32>,
        %parallel_loop3A_787 = arith.constant 34 : i32
        %parallel_loop3A_788 = vector.broadcast %parallel_loop3A_787 : i32 to vector<16xi32>
        %parallel_loop3A_789 = arith.constant 1 : i32
        %parallel_loop3A_790 = arith.constant 0 : i32
        %parallel_loop3A_791 = arith.constant 0 : i32
        %parallel_loop3A_792 = tpu.memref_slice %arg6[%parallel_loop3A_789, %parallel_loop3A_790, %parallel_loop3A_791] : memref<2x512x56xf32, #tpu.memory_space<vmem>> -> memref<1x512x56xf32, #tpu.memory_space<vmem>>
        %parallel_loop3A_793 = tpu.memref_squeeze %parallel_loop3A_792 : memref<1x512x56xf32, #tpu.memory_space<vmem>> -> memref<512x56xf32, #tpu.memory_space<vmem>>
        %parallel_loop3A_794 = tpu.vector_load_idx %parallel_loop3A_793[%parallel_loop3A_314, %parallel_loop3A_788] : memref<512x56xf32, #tpu.memory_space<vmem>>[vector<16xi32>, vector<16xi32>], vector<16xf32>,
        %parallel_loop3A_795 = arith.constant 35 : i32
        %parallel_loop3A_796 = vector.broadcast %parallel_loop3A_795 : i32 to vector<16xi32>
        %parallel_loop3A_797 = arith.constant 1 : i32
        %parallel_loop3A_798 = arith.constant 0 : i32
        %parallel_loop3A_799 = arith.constant 0 : i32
        %parallel_loop3A_800 = tpu.memref_slice %arg6[%parallel_loop3A_797, %parallel_loop3A_798, %parallel_loop3A_799] : memref<2x512x56xf32, #tpu.memory_space<vmem>> -> memref<1x512x56xf32, #tpu.memory_space<vmem>>
        %parallel_loop3A_801 = tpu.memref_squeeze %parallel_loop3A_800 : memref<1x512x56xf32, #tpu.memory_space<vmem>> -> memref<512x56xf32, #tpu.memory_space<vmem>>
        %parallel_loop3A_802 = tpu.vector_load_idx %parallel_loop3A_801[%parallel_loop3A_314, %parallel_loop3A_796] : memref<512x56xf32, #tpu.memory_space<vmem>>[vector<16xi32>, vector<16xi32>], vector<16xf32>,
        %parallel_loop3A_803 = arith.constant 36 : i32
        %parallel_loop3A_804 = vector.broadcast %parallel_loop3A_803 : i32 to vector<16xi32>
        %parallel_loop3A_805 = arith.constant 1 : i32
        %parallel_loop3A_806 = arith.constant 0 : i32
        %parallel_loop3A_807 = arith.constant 0 : i32
        %parallel_loop3A_808 = tpu.memref_slice %arg6[%parallel_loop3A_805, %parallel_loop3A_806, %parallel_loop3A_807] : memref<2x512x56xf32, #tpu.memory_space<vmem>> -> memref<1x512x56xf32, #tpu.memory_space<vmem>>
        %parallel_loop3A_809 = tpu.memref_squeeze %parallel_loop3A_808 : memref<1x512x56xf32, #tpu.memory_space<vmem>> -> memref<512x56xf32, #tpu.memory_space<vmem>>
        %parallel_loop3A_810 = tpu.vector_load_idx %parallel_loop3A_809[%parallel_loop3A_314, %parallel_loop3A_804] : memref<512x56xf32, #tpu.memory_space<vmem>>[vector<16xi32>, vector<16xi32>], vector<16xf32>,
        %parallel_loop3A_811 = arith.constant 37 : i32
        %parallel_loop3A_812 = vector.broadcast %parallel_loop3A_811 : i32 to vector<16xi32>
        %parallel_loop3A_813 = arith.constant 1 : i32
        %parallel_loop3A_814 = arith.constant 0 : i32
        %parallel_loop3A_815 = arith.constant 0 : i32
        %parallel_loop3A_816 = tpu.memref_slice %arg6[%parallel_loop3A_813, %parallel_loop3A_814, %parallel_loop3A_815] : memref<2x512x56xf32, #tpu.memory_space<vmem>> -> memref<1x512x56xf32, #tpu.memory_space<vmem>>
        %parallel_loop3A_817 = tpu.memref_squeeze %parallel_loop3A_816 : memref<1x512x56xf32, #tpu.memory_space<vmem>> -> memref<512x56xf32, #tpu.memory_space<vmem>>
        %parallel_loop3A_818 = tpu.vector_load_idx %parallel_loop3A_817[%parallel_loop3A_314, %parallel_loop3A_812] : memref<512x56xf32, #tpu.memory_space<vmem>>[vector<16xi32>, vector<16xi32>], vector<16xf32>,
        %parallel_loop3A_819 = arith.constant 38 : i32
        %parallel_loop3A_820 = vector.broadcast %parallel_loop3A_819 : i32 to vector<16xi32>
        %parallel_loop3A_821 = arith.constant 1 : i32
        %parallel_loop3A_822 = arith.constant 0 : i32
        %parallel_loop3A_823 = arith.constant 0 : i32
        %parallel_loop3A_824 = tpu.memref_slice %arg6[%parallel_loop3A_821, %parallel_loop3A_822, %parallel_loop3A_823] : memref<2x512x56xf32, #tpu.memory_space<vmem>> -> memref<1x512x56xf32, #tpu.memory_space<vmem>>
        %parallel_loop3A_825 = tpu.memref_squeeze %parallel_loop3A_824 : memref<1x512x56xf32, #tpu.memory_space<vmem>> -> memref<512x56xf32, #tpu.memory_space<vmem>>
        %parallel_loop3A_826 = tpu.vector_load_idx %parallel_loop3A_825[%parallel_loop3A_314, %parallel_loop3A_820] : memref<512x56xf32, #tpu.memory_space<vmem>>[vector<16xi32>, vector<16xi32>], vector<16xf32>,
        %parallel_loop3A_827 = arith.constant 39 : i32
        %parallel_loop3A_828 = vector.broadcast %parallel_loop3A_827 : i32 to vector<16xi32>
        %parallel_loop3A_829 = arith.constant 1 : i32
        %parallel_loop3A_830 = arith.constant 0 : i32
        %parallel_loop3A_831 = arith.constant 0 : i32
        %parallel_loop3A_832 = tpu.memref_slice %arg6[%parallel_loop3A_829, %parallel_loop3A_830, %parallel_loop3A_831] : memref<2x512x56xf32, #tpu.memory_space<vmem>> -> memref<1x512x56xf32, #tpu.memory_space<vmem>>
        %parallel_loop3A_833 = tpu.memref_squeeze %parallel_loop3A_832 : memref<1x512x56xf32, #tpu.memory_space<vmem>> -> memref<512x56xf32, #tpu.memory_space<vmem>>
        %parallel_loop3A_834 = tpu.vector_load_idx %parallel_loop3A_833[%parallel_loop3A_314, %parallel_loop3A_828] : memref<512x56xf32, #tpu.memory_space<vmem>>[vector<16xi32>, vector<16xi32>], vector<16xf32>,
        %parallel_loop3A_835 = arith.constant 40 : i32
        %parallel_loop3A_836 = vector.broadcast %parallel_loop3A_835 : i32 to vector<16xi32>
        %parallel_loop3A_837 = arith.constant 1 : i32
        %parallel_loop3A_838 = arith.constant 0 : i32
        %parallel_loop3A_839 = arith.constant 0 : i32
        %parallel_loop3A_840 = tpu.memref_slice %arg6[%parallel_loop3A_837, %parallel_loop3A_838, %parallel_loop3A_839] : memref<2x512x56xf32, #tpu.memory_space<vmem>> -> memref<1x512x56xf32, #tpu.memory_space<vmem>>
        %parallel_loop3A_841 = tpu.memref_squeeze %parallel_loop3A_840 : memref<1x512x56xf32, #tpu.memory_space<vmem>> -> memref<512x56xf32, #tpu.memory_space<vmem>>
        %parallel_loop3A_842 = tpu.vector_load_idx %parallel_loop3A_841[%parallel_loop3A_314, %parallel_loop3A_836] : memref<512x56xf32, #tpu.memory_space<vmem>>[vector<16xi32>, vector<16xi32>], vector<16xf32>,
        %parallel_loop3A_843 = arith.constant 41 : i32
        %parallel_loop3A_844 = vector.broadcast %parallel_loop3A_843 : i32 to vector<16xi32>
        %parallel_loop3A_845 = arith.constant 1 : i32
        %parallel_loop3A_846 = arith.constant 0 : i32
        %parallel_loop3A_847 = arith.constant 0 : i32
        %parallel_loop3A_848 = tpu.memref_slice %arg6[%parallel_loop3A_845, %parallel_loop3A_846, %parallel_loop3A_847] : memref<2x512x56xf32, #tpu.memory_space<vmem>> -> memref<1x512x56xf32, #tpu.memory_space<vmem>>
        %parallel_loop3A_849 = tpu.memref_squeeze %parallel_loop3A_848 : memref<1x512x56xf32, #tpu.memory_space<vmem>> -> memref<512x56xf32, #tpu.memory_space<vmem>>
        %parallel_loop3A_850 = tpu.vector_load_idx %parallel_loop3A_849[%parallel_loop3A_314, %parallel_loop3A_844] : memref<512x56xf32, #tpu.memory_space<vmem>>[vector<16xi32>, vector<16xi32>], vector<16xf32>,
        %parallel_loop3A_851 = arith.constant 42 : i32
        %parallel_loop3A_852 = vector.broadcast %parallel_loop3A_851 : i32 to vector<16xi32>
        %parallel_loop3A_853 = arith.constant 1 : i32
        %parallel_loop3A_854 = arith.constant 0 : i32
        %parallel_loop3A_855 = arith.constant 0 : i32
        %parallel_loop3A_856 = tpu.memref_slice %arg6[%parallel_loop3A_853, %parallel_loop3A_854, %parallel_loop3A_855] : memref<2x512x56xf32, #tpu.memory_space<vmem>> -> memref<1x512x56xf32, #tpu.memory_space<vmem>>
        %parallel_loop3A_857 = tpu.memref_squeeze %parallel_loop3A_856 : memref<1x512x56xf32, #tpu.memory_space<vmem>> -> memref<512x56xf32, #tpu.memory_space<vmem>>
        %parallel_loop3A_858 = tpu.vector_load_idx %parallel_loop3A_857[%parallel_loop3A_314, %parallel_loop3A_852] : memref<512x56xf32, #tpu.memory_space<vmem>>[vector<16xi32>, vector<16xi32>], vector<16xf32>,
        %parallel_loop3A_859 = arith.constant 43 : i32
        %parallel_loop3A_860 = vector.broadcast %parallel_loop3A_859 : i32 to vector<16xi32>
        %parallel_loop3A_861 = arith.constant 1 : i32
        %parallel_loop3A_862 = arith.constant 0 : i32
        %parallel_loop3A_863 = arith.constant 0 : i32
        %parallel_loop3A_864 = tpu.memref_slice %arg6[%parallel_loop3A_861, %parallel_loop3A_862, %parallel_loop3A_863] : memref<2x512x56xf32, #tpu.memory_space<vmem>> -> memref<1x512x56xf32, #tpu.memory_space<vmem>>
        %parallel_loop3A_865 = tpu.memref_squeeze %parallel_loop3A_864 : memref<1x512x56xf32, #tpu.memory_space<vmem>> -> memref<512x56xf32, #tpu.memory_space<vmem>>
        %parallel_loop3A_866 = tpu.vector_load_idx %parallel_loop3A_865[%parallel_loop3A_314, %parallel_loop3A_860] : memref<512x56xf32, #tpu.memory_space<vmem>>[vector<16xi32>, vector<16xi32>], vector<16xf32>,
        %parallel_loop3A_867 = arith.constant 44 : i32
        %parallel_loop3A_868 = vector.broadcast %parallel_loop3A_867 : i32 to vector<16xi32>
        %parallel_loop3A_869 = arith.constant 1 : i32
        %parallel_loop3A_870 = arith.constant 0 : i32
        %parallel_loop3A_871 = arith.constant 0 : i32
        %parallel_loop3A_872 = tpu.memref_slice %arg6[%parallel_loop3A_869, %parallel_loop3A_870, %parallel_loop3A_871] : memref<2x512x56xf32, #tpu.memory_space<vmem>> -> memref<1x512x56xf32, #tpu.memory_space<vmem>>
        %parallel_loop3A_873 = tpu.memref_squeeze %parallel_loop3A_872 : memref<1x512x56xf32, #tpu.memory_space<vmem>> -> memref<512x56xf32, #tpu.memory_space<vmem>>
        %parallel_loop3A_874 = tpu.vector_load_idx %parallel_loop3A_873[%parallel_loop3A_314, %parallel_loop3A_868] : memref<512x56xf32, #tpu.memory_space<vmem>>[vector<16xi32>, vector<16xi32>], vector<16xf32>,
        %parallel_loop3A_875 = arith.constant 45 : i32
        %parallel_loop3A_876 = vector.broadcast %parallel_loop3A_875 : i32 to vector<16xi32>
        %parallel_loop3A_877 = arith.constant 1 : i32
        %parallel_loop3A_878 = arith.constant 0 : i32
        %parallel_loop3A_879 = arith.constant 0 : i32
        %parallel_loop3A_880 = tpu.memref_slice %arg6[%parallel_loop3A_877, %parallel_loop3A_878, %parallel_loop3A_879] : memref<2x512x56xf32, #tpu.memory_space<vmem>> -> memref<1x512x56xf32, #tpu.memory_space<vmem>>
        %parallel_loop3A_881 = tpu.memref_squeeze %parallel_loop3A_880 : memref<1x512x56xf32, #tpu.memory_space<vmem>> -> memref<512x56xf32, #tpu.memory_space<vmem>>
        %parallel_loop3A_882 = tpu.vector_load_idx %parallel_loop3A_881[%parallel_loop3A_314, %parallel_loop3A_876] : memref<512x56xf32, #tpu.memory_space<vmem>>[vector<16xi32>, vector<16xi32>], vector<16xf32>,
        %parallel_loop3A_883 = arith.constant 46 : i32
        %parallel_loop3A_884 = vector.broadcast %parallel_loop3A_883 : i32 to vector<16xi32>
        %parallel_loop3A_885 = arith.constant 1 : i32
        %parallel_loop3A_886 = arith.constant 0 : i32
        %parallel_loop3A_887 = arith.constant 0 : i32
        %parallel_loop3A_888 = tpu.memref_slice %arg6[%parallel_loop3A_885, %parallel_loop3A_886, %parallel_loop3A_887] : memref<2x512x56xf32, #tpu.memory_space<vmem>> -> memref<1x512x56xf32, #tpu.memory_space<vmem>>
        %parallel_loop3A_889 = tpu.memref_squeeze %parallel_loop3A_888 : memref<1x512x56xf32, #tpu.memory_space<vmem>> -> memref<512x56xf32, #tpu.memory_space<vmem>>
        %parallel_loop3A_890 = tpu.vector_load_idx %parallel_loop3A_889[%parallel_loop3A_314, %parallel_loop3A_884] : memref<512x56xf32, #tpu.memory_space<vmem>>[vector<16xi32>, vector<16xi32>], vector<16xf32>,
        %parallel_loop3A_891 = arith.constant 47 : i32
        %parallel_loop3A_892 = vector.broadcast %parallel_loop3A_891 : i32 to vector<16xi32>
        %parallel_loop3A_893 = arith.constant 1 : i32
        %parallel_loop3A_894 = arith.constant 0 : i32
        %parallel_loop3A_895 = arith.constant 0 : i32
        %parallel_loop3A_896 = tpu.memref_slice %arg6[%parallel_loop3A_893, %parallel_loop3A_894, %parallel_loop3A_895] : memref<2x512x56xf32, #tpu.memory_space<vmem>> -> memref<1x512x56xf32, #tpu.memory_space<vmem>>
        %parallel_loop3A_897 = tpu.memref_squeeze %parallel_loop3A_896 : memref<1x512x56xf32, #tpu.memory_space<vmem>> -> memref<512x56xf32, #tpu.memory_space<vmem>>
        %parallel_loop3A_898 = tpu.vector_load_idx %parallel_loop3A_897[%parallel_loop3A_314, %parallel_loop3A_892] : memref<512x56xf32, #tpu.memory_space<vmem>>[vector<16xi32>, vector<16xi32>], vector<16xf32>,
        %parallel_loop3A_899 = arith.constant 48 : i32
        %parallel_loop3A_900 = vector.broadcast %parallel_loop3A_899 : i32 to vector<16xi32>
        %parallel_loop3A_901 = arith.constant 1 : i32
        %parallel_loop3A_902 = arith.constant 0 : i32
        %parallel_loop3A_903 = arith.constant 0 : i32
        %parallel_loop3A_904 = tpu.memref_slice %arg6[%parallel_loop3A_901, %parallel_loop3A_902, %parallel_loop3A_903] : memref<2x512x56xf32, #tpu.memory_space<vmem>> -> memref<1x512x56xf32, #tpu.memory_space<vmem>>
        %parallel_loop3A_905 = tpu.memref_squeeze %parallel_loop3A_904 : memref<1x512x56xf32, #tpu.memory_space<vmem>> -> memref<512x56xf32, #tpu.memory_space<vmem>>
        %parallel_loop3A_906 = tpu.vector_load_idx %parallel_loop3A_905[%parallel_loop3A_314, %parallel_loop3A_900] : memref<512x56xf32, #tpu.memory_space<vmem>>[vector<16xi32>, vector<16xi32>], vector<16xf32>,
        %parallel_loop3A_907 = arith.constant 49 : i32
        %parallel_loop3A_908 = vector.broadcast %parallel_loop3A_907 : i32 to vector<16xi32>
        %parallel_loop3A_909 = arith.constant 1 : i32
        %parallel_loop3A_910 = arith.constant 0 : i32
        %parallel_loop3A_911 = arith.constant 0 : i32
        %parallel_loop3A_912 = tpu.memref_slice %arg6[%parallel_loop3A_909, %parallel_loop3A_910, %parallel_loop3A_911] : memref<2x512x56xf32, #tpu.memory_space<vmem>> -> memref<1x512x56xf32, #tpu.memory_space<vmem>>
        %parallel_loop3A_913 = tpu.memref_squeeze %parallel_loop3A_912 : memref<1x512x56xf32, #tpu.memory_space<vmem>> -> memref<512x56xf32, #tpu.memory_space<vmem>>
        %parallel_loop3A_914 = tpu.vector_load_idx %parallel_loop3A_913[%parallel_loop3A_314, %parallel_loop3A_908] : memref<512x56xf32, #tpu.memory_space<vmem>>[vector<16xi32>, vector<16xi32>], vector<16xf32>,
        %parallel_loop3A_915 = arith.constant 16 : i32
        %parallel_loop3A_916 = arith.muli %parallel_loop3A_310, %parallel_loop3A_915 : i32
        %parallel_loop3A_917 = arith.constant 1 : i32
        %parallel_loop3A_918 = arith.constant 25 : i32
        %parallel_loop3A_919 = arith.index_cast %parallel_loop3A_917 : i32 to index
        %parallel_loop3A_920 = arith.index_cast %parallel_loop3A_918 : i32 to index
        %parallel_loop3A_921 = arith.index_cast %parallel_loop3A_916 : i32 to index
        %parallel_loop3A_922 = tpu.vector_load %arg7[%parallel_loop3A_919, %parallel_loop3A_920, %parallel_loop3A_921] {strides = array<i32>} : memref<2x50x512xf32, #tpu.memory_space<vmem>>, vector<16xf32>,
        tpu.vector_store %arg7[%parallel_loop3A_919, %parallel_loop3A_920, %parallel_loop3A_921], %parallel_loop3A_722 {strides = array<i32>} : memref<2x50x512xf32, #tpu.memory_space<vmem>>, vector<16xf32>,
        %parallel_loop3A_923 = arith.constant 16 : i32
        %parallel_loop3A_924 = arith.muli %parallel_loop3A_310, %parallel_loop3A_923 : i32
        %parallel_loop3A_925 = arith.constant 1 : i32
        %parallel_loop3A_926 = arith.constant 26 : i32
        %parallel_loop3A_927 = arith.index_cast %parallel_loop3A_925 : i32 to index
        %parallel_loop3A_928 = arith.index_cast %parallel_loop3A_926 : i32 to index
        %parallel_loop3A_929 = arith.index_cast %parallel_loop3A_924 : i32 to index
        %parallel_loop3A_930 = tpu.vector_load %arg7[%parallel_loop3A_927, %parallel_loop3A_928, %parallel_loop3A_929] {strides = array<i32>} : memref<2x50x512xf32, #tpu.memory_space<vmem>>, vector<16xf32>,
        tpu.vector_store %arg7[%parallel_loop3A_927, %parallel_loop3A_928, %parallel_loop3A_929], %parallel_loop3A_730 {strides = array<i32>} : memref<2x50x512xf32, #tpu.memory_space<vmem>>, vector<16xf32>,
        %parallel_loop3A_931 = arith.constant 16 : i32
        %parallel_loop3A_932 = arith.muli %parallel_loop3A_310, %parallel_loop3A_931 : i32
        %parallel_loop3A_933 = arith.constant 1 : i32
        %parallel_loop3A_934 = arith.constant 27 : i32
        %parallel_loop3A_935 = arith.index_cast %parallel_loop3A_933 : i32 to index
        %parallel_loop3A_936 = arith.index_cast %parallel_loop3A_934 : i32 to index
        %parallel_loop3A_937 = arith.index_cast %parallel_loop3A_932 : i32 to index
        %parallel_loop3A_938 = tpu.vector_load %arg7[%parallel_loop3A_935, %parallel_loop3A_936, %parallel_loop3A_937] {strides = array<i32>} : memref<2x50x512xf32, #tpu.memory_space<vmem>>, vector<16xf32>,
        tpu.vector_store %arg7[%parallel_loop3A_935, %parallel_loop3A_936, %parallel_loop3A_937], %parallel_loop3A_738 {strides = array<i32>} : memref<2x50x512xf32, #tpu.memory_space<vmem>>, vector<16xf32>,
        %parallel_loop3A_939 = arith.constant 16 : i32
        %parallel_loop3A_940 = arith.muli %parallel_loop3A_310, %parallel_loop3A_939 : i32
        %parallel_loop3A_941 = arith.constant 1 : i32
        %parallel_loop3A_942 = arith.constant 28 : i32
        %parallel_loop3A_943 = arith.index_cast %parallel_loop3A_941 : i32 to index
        %parallel_loop3A_944 = arith.index_cast %parallel_loop3A_942 : i32 to index
        %parallel_loop3A_945 = arith.index_cast %parallel_loop3A_940 : i32 to index
        %parallel_loop3A_946 = tpu.vector_load %arg7[%parallel_loop3A_943, %parallel_loop3A_944, %parallel_loop3A_945] {strides = array<i32>} : memref<2x50x512xf32, #tpu.memory_space<vmem>>, vector<16xf32>,
        tpu.vector_store %arg7[%parallel_loop3A_943, %parallel_loop3A_944, %parallel_loop3A_945], %parallel_loop3A_746 {strides = array<i32>} : memref<2x50x512xf32, #tpu.memory_space<vmem>>, vector<16xf32>,
        %parallel_loop3A_947 = arith.constant 16 : i32
        %parallel_loop3A_948 = arith.muli %parallel_loop3A_310, %parallel_loop3A_947 : i32
        %parallel_loop3A_949 = arith.constant 1 : i32
        %parallel_loop3A_950 = arith.constant 29 : i32
        %parallel_loop3A_951 = arith.index_cast %parallel_loop3A_949 : i32 to index
        %parallel_loop3A_952 = arith.index_cast %parallel_loop3A_950 : i32 to index
        %parallel_loop3A_953 = arith.index_cast %parallel_loop3A_948 : i32 to index
        %parallel_loop3A_954 = tpu.vector_load %arg7[%parallel_loop3A_951, %parallel_loop3A_952, %parallel_loop3A_953] {strides = array<i32>} : memref<2x50x512xf32, #tpu.memory_space<vmem>>, vector<16xf32>,
        tpu.vector_store %arg7[%parallel_loop3A_951, %parallel_loop3A_952, %parallel_loop3A_953], %parallel_loop3A_754 {strides = array<i32>} : memref<2x50x512xf32, #tpu.memory_space<vmem>>, vector<16xf32>,
        %parallel_loop3A_955 = arith.constant 16 : i32
        %parallel_loop3A_956 = arith.muli %parallel_loop3A_310, %parallel_loop3A_955 : i32
        %parallel_loop3A_957 = arith.constant 1 : i32
        %parallel_loop3A_958 = arith.constant 30 : i32
        %parallel_loop3A_959 = arith.index_cast %parallel_loop3A_957 : i32 to index
        %parallel_loop3A_960 = arith.index_cast %parallel_loop3A_958 : i32 to index
        %parallel_loop3A_961 = arith.index_cast %parallel_loop3A_956 : i32 to index
        %parallel_loop3A_962 = tpu.vector_load %arg7[%parallel_loop3A_959, %parallel_loop3A_960, %parallel_loop3A_961] {strides = array<i32>} : memref<2x50x512xf32, #tpu.memory_space<vmem>>, vector<16xf32>,
        tpu.vector_store %arg7[%parallel_loop3A_959, %parallel_loop3A_960, %parallel_loop3A_961], %parallel_loop3A_762 {strides = array<i32>} : memref<2x50x512xf32, #tpu.memory_space<vmem>>, vector<16xf32>,
        %parallel_loop3A_963 = arith.constant 16 : i32
        %parallel_loop3A_964 = arith.muli %parallel_loop3A_310, %parallel_loop3A_963 : i32
        %parallel_loop3A_965 = arith.constant 1 : i32
        %parallel_loop3A_966 = arith.constant 31 : i32
        %parallel_loop3A_967 = arith.index_cast %parallel_loop3A_965 : i32 to index
        %parallel_loop3A_968 = arith.index_cast %parallel_loop3A_966 : i32 to index
        %parallel_loop3A_969 = arith.index_cast %parallel_loop3A_964 : i32 to index
        %parallel_loop3A_970 = tpu.vector_load %arg7[%parallel_loop3A_967, %parallel_loop3A_968, %parallel_loop3A_969] {strides = array<i32>} : memref<2x50x512xf32, #tpu.memory_space<vmem>>, vector<16xf32>,
        tpu.vector_store %arg7[%parallel_loop3A_967, %parallel_loop3A_968, %parallel_loop3A_969], %parallel_loop3A_770 {strides = array<i32>} : memref<2x50x512xf32, #tpu.memory_space<vmem>>, vector<16xf32>,
        %parallel_loop3A_971 = arith.constant 16 : i32
        %parallel_loop3A_972 = arith.muli %parallel_loop3A_310, %parallel_loop3A_971 : i32
        %parallel_loop3A_973 = arith.constant 1 : i32
        %parallel_loop3A_974 = arith.constant 32 : i32
        %parallel_loop3A_975 = arith.index_cast %parallel_loop3A_973 : i32 to index
        %parallel_loop3A_976 = arith.index_cast %parallel_loop3A_974 : i32 to index
        %parallel_loop3A_977 = arith.index_cast %parallel_loop3A_972 : i32 to index
        %parallel_loop3A_978 = tpu.vector_load %arg7[%parallel_loop3A_975, %parallel_loop3A_976, %parallel_loop3A_977] {strides = array<i32>} : memref<2x50x512xf32, #tpu.memory_space<vmem>>, vector<16xf32>,
        tpu.vector_store %arg7[%parallel_loop3A_975, %parallel_loop3A_976, %parallel_loop3A_977], %parallel_loop3A_778 {strides = array<i32>} : memref<2x50x512xf32, #tpu.memory_space<vmem>>, vector<16xf32>,
        %parallel_loop3A_979 = arith.constant 16 : i32
        %parallel_loop3A_980 = arith.muli %parallel_loop3A_310, %parallel_loop3A_979 : i32
        %parallel_loop3A_981 = arith.constant 1 : i32
        %parallel_loop3A_982 = arith.constant 33 : i32
        %parallel_loop3A_983 = arith.index_cast %parallel_loop3A_981 : i32 to index
        %parallel_loop3A_984 = arith.index_cast %parallel_loop3A_982 : i32 to index
        %parallel_loop3A_985 = arith.index_cast %parallel_loop3A_980 : i32 to index
        %parallel_loop3A_986 = tpu.vector_load %arg7[%parallel_loop3A_983, %parallel_loop3A_984, %parallel_loop3A_985] {strides = array<i32>} : memref<2x50x512xf32, #tpu.memory_space<vmem>>, vector<16xf32>,
        tpu.vector_store %arg7[%parallel_loop3A_983, %parallel_loop3A_984, %parallel_loop3A_985], %parallel_loop3A_786 {strides = array<i32>} : memref<2x50x512xf32, #tpu.memory_space<vmem>>, vector<16xf32>,
        %parallel_loop3A_987 = arith.constant 16 : i32
        %parallel_loop3A_988 = arith.muli %parallel_loop3A_310, %parallel_loop3A_987 : i32
        %parallel_loop3A_989 = arith.constant 1 : i32
        %parallel_loop3A_990 = arith.constant 34 : i32
        %parallel_loop3A_991 = arith.index_cast %parallel_loop3A_989 : i32 to index
        %parallel_loop3A_992 = arith.index_cast %parallel_loop3A_990 : i32 to index
        %parallel_loop3A_993 = arith.index_cast %parallel_loop3A_988 : i32 to index
        %parallel_loop3A_994 = tpu.vector_load %arg7[%parallel_loop3A_991, %parallel_loop3A_992, %parallel_loop3A_993] {strides = array<i32>} : memref<2x50x512xf32, #tpu.memory_space<vmem>>, vector<16xf32>,
        tpu.vector_store %arg7[%parallel_loop3A_991, %parallel_loop3A_992, %parallel_loop3A_993], %parallel_loop3A_794 {strides = array<i32>} : memref<2x50x512xf32, #tpu.memory_space<vmem>>, vector<16xf32>,
        %parallel_loop3A_995 = arith.constant 16 : i32
        %parallel_loop3A_996 = arith.muli %parallel_loop3A_310, %parallel_loop3A_995 : i32
        %parallel_loop3A_997 = arith.constant 1 : i32
        %parallel_loop3A_998 = arith.constant 35 : i32
        %parallel_loop3A_999 = arith.index_cast %parallel_loop3A_997 : i32 to index
        %parallel_loop3A_1000 = arith.index_cast %parallel_loop3A_998 : i32 to index
        %parallel_loop3A_1001 = arith.index_cast %parallel_loop3A_996 : i32 to index
        %parallel_loop3A_1002 = tpu.vector_load %arg7[%parallel_loop3A_999, %parallel_loop3A_1000, %parallel_loop3A_1001] {strides = array<i32>} : memref<2x50x512xf32, #tpu.memory_space<vmem>>, vector<16xf32>,
        tpu.vector_store %arg7[%parallel_loop3A_999, %parallel_loop3A_1000, %parallel_loop3A_1001], %parallel_loop3A_802 {strides = array<i32>} : memref<2x50x512xf32, #tpu.memory_space<vmem>>, vector<16xf32>,
        %parallel_loop3A_1003 = arith.constant 16 : i32
        %parallel_loop3A_1004 = arith.muli %parallel_loop3A_310, %parallel_loop3A_1003 : i32
        %parallel_loop3A_1005 = arith.constant 1 : i32
        %parallel_loop3A_1006 = arith.constant 36 : i32
        %parallel_loop3A_1007 = arith.index_cast %parallel_loop3A_1005 : i32 to index
        %parallel_loop3A_1008 = arith.index_cast %parallel_loop3A_1006 : i32 to index
        %parallel_loop3A_1009 = arith.index_cast %parallel_loop3A_1004 : i32 to index
        %parallel_loop3A_1010 = tpu.vector_load %arg7[%parallel_loop3A_1007, %parallel_loop3A_1008, %parallel_loop3A_1009] {strides = array<i32>} : memref<2x50x512xf32, #tpu.memory_space<vmem>>, vector<16xf32>,
        tpu.vector_store %arg7[%parallel_loop3A_1007, %parallel_loop3A_1008, %parallel_loop3A_1009], %parallel_loop3A_810 {strides = array<i32>} : memref<2x50x512xf32, #tpu.memory_space<vmem>>, vector<16xf32>,
        %parallel_loop3A_1011 = arith.constant 16 : i32
        %parallel_loop3A_1012 = arith.muli %parallel_loop3A_310, %parallel_loop3A_1011 : i32
        %parallel_loop3A_1013 = arith.constant 1 : i32
        %parallel_loop3A_1014 = arith.constant 37 : i32
        %parallel_loop3A_1015 = arith.index_cast %parallel_loop3A_1013 : i32 to index
        %parallel_loop3A_1016 = arith.index_cast %parallel_loop3A_1014 : i32 to index
        %parallel_loop3A_1017 = arith.index_cast %parallel_loop3A_1012 : i32 to index
        %parallel_loop3A_1018 = tpu.vector_load %arg7[%parallel_loop3A_1015, %parallel_loop3A_1016, %parallel_loop3A_1017] {strides = array<i32>} : memref<2x50x512xf32, #tpu.memory_space<vmem>>, vector<16xf32>,
        tpu.vector_store %arg7[%parallel_loop3A_1015, %parallel_loop3A_1016, %parallel_loop3A_1017], %parallel_loop3A_818 {strides = array<i32>} : memref<2x50x512xf32, #tpu.memory_space<vmem>>, vector<16xf32>,
        %parallel_loop3A_1019 = arith.constant 16 : i32
        %parallel_loop3A_1020 = arith.muli %parallel_loop3A_310, %parallel_loop3A_1019 : i32
        %parallel_loop3A_1021 = arith.constant 1 : i32
        %parallel_loop3A_1022 = arith.constant 38 : i32
        %parallel_loop3A_1023 = arith.index_cast %parallel_loop3A_1021 : i32 to index
        %parallel_loop3A_1024 = arith.index_cast %parallel_loop3A_1022 : i32 to index
        %parallel_loop3A_1025 = arith.index_cast %parallel_loop3A_1020 : i32 to index
        %parallel_loop3A_1026 = tpu.vector_load %arg7[%parallel_loop3A_1023, %parallel_loop3A_1024, %parallel_loop3A_1025] {strides = array<i32>} : memref<2x50x512xf32, #tpu.memory_space<vmem>>, vector<16xf32>,
        tpu.vector_store %arg7[%parallel_loop3A_1023, %parallel_loop3A_1024, %parallel_loop3A_1025], %parallel_loop3A_826 {strides = array<i32>} : memref<2x50x512xf32, #tpu.memory_space<vmem>>, vector<16xf32>,
        %parallel_loop3A_1027 = arith.constant 16 : i32
        %parallel_loop3A_1028 = arith.muli %parallel_loop3A_310, %parallel_loop3A_1027 : i32
        %parallel_loop3A_1029 = arith.constant 1 : i32
        %parallel_loop3A_1030 = arith.constant 39 : i32
        %parallel_loop3A_1031 = arith.index_cast %parallel_loop3A_1029 : i32 to index
        %parallel_loop3A_1032 = arith.index_cast %parallel_loop3A_1030 : i32 to index
        %parallel_loop3A_1033 = arith.index_cast %parallel_loop3A_1028 : i32 to index
        %parallel_loop3A_1034 = tpu.vector_load %arg7[%parallel_loop3A_1031, %parallel_loop3A_1032, %parallel_loop3A_1033] {strides = array<i32>} : memref<2x50x512xf32, #tpu.memory_space<vmem>>, vector<16xf32>,
        tpu.vector_store %arg7[%parallel_loop3A_1031, %parallel_loop3A_1032, %parallel_loop3A_1033], %parallel_loop3A_834 {strides = array<i32>} : memref<2x50x512xf32, #tpu.memory_space<vmem>>, vector<16xf32>,
        %parallel_loop3A_1035 = arith.constant 16 : i32
        %parallel_loop3A_1036 = arith.muli %parallel_loop3A_310, %parallel_loop3A_1035 : i32
        %parallel_loop3A_1037 = arith.constant 1 : i32
        %parallel_loop3A_1038 = arith.constant 40 : i32
        %parallel_loop3A_1039 = arith.index_cast %parallel_loop3A_1037 : i32 to index
        %parallel_loop3A_1040 = arith.index_cast %parallel_loop3A_1038 : i32 to index
        %parallel_loop3A_1041 = arith.index_cast %parallel_loop3A_1036 : i32 to index
        %parallel_loop3A_1042 = tpu.vector_load %arg7[%parallel_loop3A_1039, %parallel_loop3A_1040, %parallel_loop3A_1041] {strides = array<i32>} : memref<2x50x512xf32, #tpu.memory_space<vmem>>, vector<16xf32>,
        tpu.vector_store %arg7[%parallel_loop3A_1039, %parallel_loop3A_1040, %parallel_loop3A_1041], %parallel_loop3A_842 {strides = array<i32>} : memref<2x50x512xf32, #tpu.memory_space<vmem>>, vector<16xf32>,
        %parallel_loop3A_1043 = arith.constant 16 : i32
        %parallel_loop3A_1044 = arith.muli %parallel_loop3A_310, %parallel_loop3A_1043 : i32
        %parallel_loop3A_1045 = arith.constant 1 : i32
        %parallel_loop3A_1046 = arith.constant 41 : i32
        %parallel_loop3A_1047 = arith.index_cast %parallel_loop3A_1045 : i32 to index
        %parallel_loop3A_1048 = arith.index_cast %parallel_loop3A_1046 : i32 to index
        %parallel_loop3A_1049 = arith.index_cast %parallel_loop3A_1044 : i32 to index
        %parallel_loop3A_1050 = tpu.vector_load %arg7[%parallel_loop3A_1047, %parallel_loop3A_1048, %parallel_loop3A_1049] {strides = array<i32>} : memref<2x50x512xf32, #tpu.memory_space<vmem>>, vector<16xf32>,
        tpu.vector_store %arg7[%parallel_loop3A_1047, %parallel_loop3A_1048, %parallel_loop3A_1049], %parallel_loop3A_850 {strides = array<i32>} : memref<2x50x512xf32, #tpu.memory_space<vmem>>, vector<16xf32>,
        %parallel_loop3A_1051 = arith.constant 16 : i32
        %parallel_loop3A_1052 = arith.muli %parallel_loop3A_310, %parallel_loop3A_1051 : i32
        %parallel_loop3A_1053 = arith.constant 1 : i32
        %parallel_loop3A_1054 = arith.constant 42 : i32
        %parallel_loop3A_1055 = arith.index_cast %parallel_loop3A_1053 : i32 to index
        %parallel_loop3A_1056 = arith.index_cast %parallel_loop3A_1054 : i32 to index
        %parallel_loop3A_1057 = arith.index_cast %parallel_loop3A_1052 : i32 to index
        %parallel_loop3A_1058 = tpu.vector_load %arg7[%parallel_loop3A_1055, %parallel_loop3A_1056, %parallel_loop3A_1057] {strides = array<i32>} : memref<2x50x512xf32, #tpu.memory_space<vmem>>, vector<16xf32>,
        tpu.vector_store %arg7[%parallel_loop3A_1055, %parallel_loop3A_1056, %parallel_loop3A_1057], %parallel_loop3A_858 {strides = array<i32>} : memref<2x50x512xf32, #tpu.memory_space<vmem>>, vector<16xf32>,
        %parallel_loop3A_1059 = arith.constant 16 : i32
        %parallel_loop3A_1060 = arith.muli %parallel_loop3A_310, %parallel_loop3A_1059 : i32
        %parallel_loop3A_1061 = arith.constant 1 : i32
        %parallel_loop3A_1062 = arith.constant 43 : i32
        %parallel_loop3A_1063 = arith.index_cast %parallel_loop3A_1061 : i32 to index
        %parallel_loop3A_1064 = arith.index_cast %parallel_loop3A_1062 : i32 to index
        %parallel_loop3A_1065 = arith.index_cast %parallel_loop3A_1060 : i32 to index
        %parallel_loop3A_1066 = tpu.vector_load %arg7[%parallel_loop3A_1063, %parallel_loop3A_1064, %parallel_loop3A_1065] {strides = array<i32>} : memref<2x50x512xf32, #tpu.memory_space<vmem>>, vector<16xf32>,
        tpu.vector_store %arg7[%parallel_loop3A_1063, %parallel_loop3A_1064, %parallel_loop3A_1065], %parallel_loop3A_866 {strides = array<i32>} : memref<2x50x512xf32, #tpu.memory_space<vmem>>, vector<16xf32>,
        %parallel_loop3A_1067 = arith.constant 16 : i32
        %parallel_loop3A_1068 = arith.muli %parallel_loop3A_310, %parallel_loop3A_1067 : i32
        %parallel_loop3A_1069 = arith.constant 1 : i32
        %parallel_loop3A_1070 = arith.constant 44 : i32
        %parallel_loop3A_1071 = arith.index_cast %parallel_loop3A_1069 : i32 to index
        %parallel_loop3A_1072 = arith.index_cast %parallel_loop3A_1070 : i32 to index
        %parallel_loop3A_1073 = arith.index_cast %parallel_loop3A_1068 : i32 to index
        %parallel_loop3A_1074 = tpu.vector_load %arg7[%parallel_loop3A_1071, %parallel_loop3A_1072, %parallel_loop3A_1073] {strides = array<i32>} : memref<2x50x512xf32, #tpu.memory_space<vmem>>, vector<16xf32>,
        tpu.vector_store %arg7[%parallel_loop3A_1071, %parallel_loop3A_1072, %parallel_loop3A_1073], %parallel_loop3A_874 {strides = array<i32>} : memref<2x50x512xf32, #tpu.memory_space<vmem>>, vector<16xf32>,
        %parallel_loop3A_1075 = arith.constant 16 : i32
        %parallel_loop3A_1076 = arith.muli %parallel_loop3A_310, %parallel_loop3A_1075 : i32
        %parallel_loop3A_1077 = arith.constant 1 : i32
        %parallel_loop3A_1078 = arith.constant 45 : i32
        %parallel_loop3A_1079 = arith.index_cast %parallel_loop3A_1077 : i32 to index
        %parallel_loop3A_1080 = arith.index_cast %parallel_loop3A_1078 : i32 to index
        %parallel_loop3A_1081 = arith.index_cast %parallel_loop3A_1076 : i32 to index
        %parallel_loop3A_1082 = tpu.vector_load %arg7[%parallel_loop3A_1079, %parallel_loop3A_1080, %parallel_loop3A_1081] {strides = array<i32>} : memref<2x50x512xf32, #tpu.memory_space<vmem>>, vector<16xf32>,
        tpu.vector_store %arg7[%parallel_loop3A_1079, %parallel_loop3A_1080, %parallel_loop3A_1081], %parallel_loop3A_882 {strides = array<i32>} : memref<2x50x512xf32, #tpu.memory_space<vmem>>, vector<16xf32>,
        %parallel_loop3A_1083 = arith.constant 16 : i32
        %parallel_loop3A_1084 = arith.muli %parallel_loop3A_310, %parallel_loop3A_1083 : i32
        %parallel_loop3A_1085 = arith.constant 1 : i32
        %parallel_loop3A_1086 = arith.constant 46 : i32
        %parallel_loop3A_1087 = arith.index_cast %parallel_loop3A_1085 : i32 to index
        %parallel_loop3A_1088 = arith.index_cast %parallel_loop3A_1086 : i32 to index
        %parallel_loop3A_1089 = arith.index_cast %parallel_loop3A_1084 : i32 to index
        %parallel_loop3A_1090 = tpu.vector_load %arg7[%parallel_loop3A_1087, %parallel_loop3A_1088, %parallel_loop3A_1089] {strides = array<i32>} : memref<2x50x512xf32, #tpu.memory_space<vmem>>, vector<16xf32>,
        tpu.vector_store %arg7[%parallel_loop3A_1087, %parallel_loop3A_1088, %parallel_loop3A_1089], %parallel_loop3A_890 {strides = array<i32>} : memref<2x50x512xf32, #tpu.memory_space<vmem>>, vector<16xf32>,
        %parallel_loop3A_1091 = arith.constant 16 : i32
        %parallel_loop3A_1092 = arith.muli %parallel_loop3A_310, %parallel_loop3A_1091 : i32
        %parallel_loop3A_1093 = arith.constant 1 : i32
        %parallel_loop3A_1094 = arith.constant 47 : i32
        %parallel_loop3A_1095 = arith.index_cast %parallel_loop3A_1093 : i32 to index
        %parallel_loop3A_1096 = arith.index_cast %parallel_loop3A_1094 : i32 to index
        %parallel_loop3A_1097 = arith.index_cast %parallel_loop3A_1092 : i32 to index
        %parallel_loop3A_1098 = tpu.vector_load %arg7[%parallel_loop3A_1095, %parallel_loop3A_1096, %parallel_loop3A_1097] {strides = array<i32>} : memref<2x50x512xf32, #tpu.memory_space<vmem>>, vector<16xf32>,
        tpu.vector_store %arg7[%parallel_loop3A_1095, %parallel_loop3A_1096, %parallel_loop3A_1097], %parallel_loop3A_898 {strides = array<i32>} : memref<2x50x512xf32, #tpu.memory_space<vmem>>, vector<16xf32>,
        %parallel_loop3A_1099 = arith.constant 16 : i32
        %parallel_loop3A_1100 = arith.muli %parallel_loop3A_310, %parallel_loop3A_1099 : i32
        %parallel_loop3A_1101 = arith.constant 1 : i32
        %parallel_loop3A_1102 = arith.constant 48 : i32
        %parallel_loop3A_1103 = arith.index_cast %parallel_loop3A_1101 : i32 to index
        %parallel_loop3A_1104 = arith.index_cast %parallel_loop3A_1102 : i32 to index
        %parallel_loop3A_1105 = arith.index_cast %parallel_loop3A_1100 : i32 to index
        %parallel_loop3A_1106 = tpu.vector_load %arg7[%parallel_loop3A_1103, %parallel_loop3A_1104, %parallel_loop3A_1105] {strides = array<i32>} : memref<2x50x512xf32, #tpu.memory_space<vmem>>, vector<16xf32>,
        tpu.vector_store %arg7[%parallel_loop3A_1103, %parallel_loop3A_1104, %parallel_loop3A_1105], %parallel_loop3A_906 {strides = array<i32>} : memref<2x50x512xf32, #tpu.memory_space<vmem>>, vector<16xf32>,
        %parallel_loop3A_1107 = arith.constant 16 : i32
        %parallel_loop3A_1108 = arith.muli %parallel_loop3A_310, %parallel_loop3A_1107 : i32
        %parallel_loop3A_1109 = arith.constant 1 : i32
        %parallel_loop3A_1110 = arith.constant 49 : i32
        %parallel_loop3A_1111 = arith.index_cast %parallel_loop3A_1109 : i32 to index
        %parallel_loop3A_1112 = arith.index_cast %parallel_loop3A_1110 : i32 to index
        %parallel_loop3A_1113 = arith.index_cast %parallel_loop3A_1108 : i32 to index
        %parallel_loop3A_1114 = tpu.vector_load %arg7[%parallel_loop3A_1111, %parallel_loop3A_1112, %parallel_loop3A_1113] {strides = array<i32>} : memref<2x50x512xf32, #tpu.memory_space<vmem>>, vector<16xf32>,
        tpu.vector_store %arg7[%parallel_loop3A_1111, %parallel_loop3A_1112, %parallel_loop3A_1113], %parallel_loop3A_914 {strides = array<i32>} : memref<2x50x512xf32, #tpu.memory_space<vmem>>, vector<16xf32>,
      } {sc.loop_unroll_factor = 4 : i64, sc.parallel_access}
      %mul3A_294 = arith.constant 512 : i32
      %mul3A_295 = arith.muli %add3A_232, %mul3A_294 : i32
      %add3A_296 = arith.addi %mul3A_2, %mul3A_295 : i32
      %dma_start3A_297 = arith.constant 1 : i32
      %dma_start3A_298 = arith.constant 0 : i32
      %dma_start3A_299 = arith.constant 0 : i32
      %dma_start3A_300 = tpu.memref_slice %arg7[%dma_start3A_297, %dma_start3A_298, %dma_start3A_299] : memref<2x50x512xf32, #tpu.memory_space<vmem>> -> memref<1x50x512xf32, #tpu.memory_space<vmem>>
      %dma_start3A_301 = tpu.memref_squeeze %dma_start3A_300 : memref<1x50x512xf32, #tpu.memory_space<vmem>> -> memref<50x512xf32, #tpu.memory_space<vmem>>
      %dma_start3A_302 = arith.constant 0 : i32
      %dma_start3A_303 = tpu.memref_slice %arg4[%dma_start3A_302, %add3A_296] : memref<50x524288xf32, #tpu.memory_space<hbm>> -> memref<50x512xf32, #tpu.memory_space<hbm>>
      %dma_start3A_304 = arith.constant 0 : i32
      %dma_start3A_305 = tpu.memref_slice %arg4[%dma_start3A_304, %add3A_296] : memref<50x524288xf32, #tpu.memory_space<hbm>> -> memref<50x512xf32, #tpu.memory_space<hbm>>
      %dma_start3A_306 = arith.constant 0 : i32
      %dma_start3A_307 = arith.constant 0 : i32
      %dma_start3A_308 = tpu.memref_slice %arg7[%dma_start3A_297, %dma_start3A_306, %dma_start3A_307] : memref<2x50x512xf32, #tpu.memory_space<vmem>> -> memref<1x50x512xf32, #tpu.memory_space<vmem>>
      %dma_start3A_309 = tpu.memref_squeeze %dma_start3A_308 : memref<1x50x512xf32, #tpu.memory_space<vmem>> -> memref<50x512xf32, #tpu.memory_space<vmem>>
      tpu.enqueue_dma source(%dma_start3A_309 : memref<50x512xf32, #tpu.memory_space<vmem>>) target(%dma_start3A_305 : memref<50x512xf32, #tpu.memory_space<hbm>>) target_semaphore(%arg11 : memref<!tpu.dma_semaphore, #tpu.memory_space<semaphore_mem>>)
    }
    %scan3A_63 = arith.constant 16 : i32
    %dma_wait3A_64 = arith.constant 0 : i32
    %dma_wait3A_65 = arith.constant 0 : i32
    %dma_wait3A_66 = arith.constant 0 : i32
    %dma_wait3A_67 = tpu.memref_slice %arg7[%dma_wait3A_64, %dma_wait3A_65, %dma_wait3A_66] : memref<2x50x512xf32, #tpu.memory_space<vmem>> -> memref<1x50x512xf32, #tpu.memory_space<vmem>>
    %dma_wait3A_68 = tpu.memref_squeeze %dma_wait3A_67 : memref<1x50x512xf32, #tpu.memory_space<vmem>> -> memref<50x512xf32, #tpu.memory_space<vmem>>
    %dma_wait3A_69 = arith.constant 0 : i32
    %dma_wait3A_70 = arith.constant 0 : i32
    %dma_wait3A_71 = tpu.memref_slice %arg4[%dma_wait3A_69, %dma_wait3A_70] : memref<50x524288xf32, #tpu.memory_space<hbm>> -> memref<50x512xf32, #tpu.memory_space<hbm>>
    %dma_wait3A_72 = arith.constant 0 : i32
    %dma_wait3A_73 = arith.constant 0 : i32
    %dma_wait3A_74 = tpu.memref_slice %arg4[%dma_wait3A_72, %dma_wait3A_73] : memref<50x524288xf32, #tpu.memory_space<hbm>> -> memref<50x512xf32, #tpu.memory_space<hbm>>
    %dma_wait3A_75 = arith.constant 0 : i32
    %dma_wait3A_76 = arith.constant 0 : i32
    %dma_wait3A_77 = tpu.memref_slice %arg7[%dma_wait3A_64, %dma_wait3A_75, %dma_wait3A_76] : memref<2x50x512xf32, #tpu.memory_space<vmem>> -> memref<1x50x512xf32, #tpu.memory_space<vmem>>
    %dma_wait3A_78 = tpu.memref_squeeze %dma_wait3A_77 : memref<1x50x512xf32, #tpu.memory_space<vmem>> -> memref<50x512xf32, #tpu.memory_space<vmem>>
    tpu.wait_dma2 semaphore(%arg10 : memref<!tpu.dma_semaphore, #tpu.memory_space<semaphore_mem>>) src(%dma_wait3A_78 : memref<50x512xf32, #tpu.memory_space<vmem>>) dst(%dma_wait3A_74 : memref<50x512xf32, #tpu.memory_space<hbm>>)
    %dma_wait3A_79 = arith.constant 1 : i32
    %dma_wait3A_80 = arith.constant 0 : i32
    %dma_wait3A_81 = arith.constant 0 : i32
    %dma_wait3A_82 = tpu.memref_slice %arg7[%dma_wait3A_79, %dma_wait3A_80, %dma_wait3A_81] : memref<2x50x512xf32, #tpu.memory_space<vmem>> -> memref<1x50x512xf32, #tpu.memory_space<vmem>>
    %dma_wait3A_83 = tpu.memref_squeeze %dma_wait3A_82 : memref<1x50x512xf32, #tpu.memory_space<vmem>> -> memref<50x512xf32, #tpu.memory_space<vmem>>
    %dma_wait3A_84 = arith.constant 0 : i32
    %dma_wait3A_85 = arith.constant 0 : i32
    %dma_wait3A_86 = tpu.memref_slice %arg4[%dma_wait3A_84, %dma_wait3A_85] : memref<50x524288xf32, #tpu.memory_space<hbm>> -> memref<50x512xf32, #tpu.memory_space<hbm>>
    %dma_wait3A_87 = arith.constant 0 : i32
    %dma_wait3A_88 = arith.constant 0 : i32
    %dma_wait3A_89 = tpu.memref_slice %arg4[%dma_wait3A_87, %dma_wait3A_88] : memref<50x524288xf32, #tpu.memory_space<hbm>> -> memref<50x512xf32, #tpu.memory_space<hbm>>
    %dma_wait3A_90 = arith.constant 0 : i32
    %dma_wait3A_91 = arith.constant 0 : i32
    %dma_wait3A_92 = tpu.memref_slice %arg7[%dma_wait3A_79, %dma_wait3A_90, %dma_wait3A_91] : memref<2x50x512xf32, #tpu.memory_space<vmem>> -> memref<1x50x512xf32, #tpu.memory_space<vmem>>
    %dma_wait3A_93 = tpu.memref_squeeze %dma_wait3A_92 : memref<1x50x512xf32, #tpu.memory_space<vmem>> -> memref<50x512xf32, #tpu.memory_space<vmem>>
    tpu.wait_dma2 semaphore(%arg11 : memref<!tpu.dma_semaphore, #tpu.memory_space<semaphore_mem>>) src(%dma_wait3A_93 : memref<50x512xf32, #tpu.memory_space<vmem>>) dst(%dma_wait3A_89 : memref<50x512xf32, #tpu.memory_space<hbm>>)
    return
  }
}

</mosaic_0001>

<sc_bundles>
// kernel: _gather.3.cloned.1.call-start
scs
__scs_entry_jumppad:
0x0: {  	(pc) =	sbr.rel $0x88, $3  }
0x1: {  	(tag) =	ssettag $0x0;
	lr =	simm.s32 $0x1  }
0x2: {  	[smem:$0x3F9F] =	sst lr;
	_ =	strace $0xD0000000  }
0x3: {  	_ = 	snop  }
0x4: {  	_ = 	snop  }
0x5: {  	_ = 	snop  }
0x6: {  	_ = 	snop  }
0x7: {  	_ = 	snop  }
__scs_overlays_trampoline_lowered:
0x8: {  	[smem:$0x3FAE] =	sst s0  }
0x9: {  	[smem:$0x3FAF] =	sst s1  }
0xa: {  	[smem:$0x3FB0] =	sst s2  }
0xb: {  	[smem:$0x3FB1] =	sst s3  }
0xc: {  	[smem:$0x3FB2] =	sst s4  }
0xd: {  	[smem:$0x3FB3] =	sst s5  }
0xe: {  	[smem:$0x3FB4] =	sst s6  }
0xf: {  	[smem:$0x3FB5] =	sst s7  }
0x10: {  	[smem:$0x3FB6] =	sst s8  }
0x11: {  	[smem:$0x3FB7] =	sst s9;
	s0 =	simm.s32 @!p0 $0x0  }
0x12: {  	s1 =	sld [smem:$0x3F9D];
	s0 =	simm.s32 @p0 $0x1  }
0x13: {  	[smem:$0x3FB8] =	sst s0;
	s0 =	simm.s32 @!p1 $0x0  }
0x14: {  	s2 =	sld [smem:$0x3F9C];
	s0 =	simm.s32 @p1 $0x1  }
0x15: {  	[smem:$0x3FB9] =	sst s0;
	s0 =	simm.s32 @!p2 $0x0  }
0x16: {  	s3 =	sld [smem:$0x3FDB];
	s0 =	simm.s32 @p2 $0x1  }
0x17: {  	s4 =	simm.s32 $0x1BF5;
	[smem:$0x3FBB] =	sst s0  }
0x18: {  	s0 =	sld [smem:$0x3F9E];
	_ =	swait.ge [sflag:s4], $0x0  }
0x19: {  	s7 =	sld [smem:$0x3F9F]  }
0x1a: {  	s8 =	sadd.s32 $0xFFFFE003, lr  }
0x1b: {  	s9 =	sadd.s32 $0xFFFFFEF7, lr;
	s5 =	simm.s32 $0xFFFFFFFF;
	p2 =	slt.u32 s8, $0xFFFFF086  }
0x1c: {  	p1 =	slt.u32 s9, $0xF7A;
	s5 =	simm.s32 @!p2 $0x0  }
0x1d: {  	s5 =	simm.s32 @p1 $0x1;
	p0 =	seq.s32 s7, s2  }
0x1e: {  	s7 =	smul.u32 @!p0 $0xF7A, s2;
	p2 =	seq.s32 @!p0 s5, $0x0  }
0x1f: {  	s9 =	smul.u32 $0xF7A, s1;
	s8 =	simm.s32 @!p0 $0x1BF5;
	p2 =	por !p2, p0  }
0x20: {  	[sflag:s8] =	ssyncset.s32 @!p0 $0xFFFFF086;
	s6 =	sadd.s32 @!p0 s3, s7;
	s7 =	simm.s32 @!p0 $0x108  }
0x21: {  	s3 =	sadd.s32 s3, s9;
	s6 =	sadd.s32 @!p0 $0x88, s6;
	s7 =	simm.s32 @p2 $0x1082  }
0x22: {  	[simem:s7], [sflag:s8] =	dma.local @!p0 [hbm:s6], $0xF7A  }
0x23: {  	s9 =	sor.u32 $0xD0000000, s2;
	s6 =	simm.s32 $0x108;
	_ =	swait.ge @!p0 [sflag:s8], $0x0  }
0x24: {  	s3 =	sadd.s32 $0x88, s3;
	s6 =	simm.s32 @!p1 $0x1082;
	[sflag:s4] =	ssyncset.s32 $0xFFFFF086  }
0x25: {  	[simem:s6], [sflag:s4] =	dma.local [hbm:s3], $0xF7A  }
0x26: {  	[smem:$0x3F9F] =	sst s1;
	(tag) =	ssettag s2;
	_ =	strace s9  }
0x27: {  	s1 =	sld [smem:$0x3FAF]  }
0x28: {  	s2 =	sld [smem:$0x3FB0]  }
0x29: {  	s4 =	sld [smem:$0x3FB2]  }
0x2a: {  	p0 =	seq.s32 s5, $0x0;
	s5 =	sld [smem:$0x3FB3]  }
0x2b: {  	s6 =	sld [smem:$0x3FB4]  }
0x2c: {  	s7 =	sld [smem:$0x3FB5]  }
0x2d: {  	s3 =	simm.s32 $0x108;
	s8 =	sld [smem:$0x3FB6]  }
0x2e: {  	s3 =	simm.s32 @!p0 $0x1082;
	s9 =	sld [smem:$0x3FB7]  }
0x2f: {  	lr =	sadd.s32 s0, s3;
	s0 =	sld [smem:$0x3FAE]  }
0x30: {  	s3 =	sld [smem:$0x3FB1]  }
0x31: {  	[smem:$0x3FBA] =	sst s10  }
0x32: {  	s10 =	sld [smem:$0x3FB8];
	_ =	sdelay $0x3  }
0x33: {  	p0 =	seq.s32 s10, $0x1;
	s10 =	sld [smem:$0x3FBA];
	_ =	sdelay $0x3  }
0x34: {  	[smem:$0x3FBA] =	sst s10  }
0x35: {  	s10 =	sld [smem:$0x3FB9];
	_ =	sdelay $0x3  }
0x36: {  	p1 =	seq.s32 s10, $0x1;
	s10 =	sld [smem:$0x3FBA];
	_ =	sdelay $0x3  }
0x37: {  	[smem:$0x3FBA] =	sst s10  }
0x38: {  	s10 =	sld [smem:$0x3FBB]  }
0x39: {  	_ = 	snop;
	(pc) =	sbr.ind lr, $3  }
0x3a: {  	_ = 	snop  }
0x3b: {  	_ = 	snop  }
0x3c: {  	p2 =	seq.s32 s10, $0x1;
	s10 =	sld [smem:$0x3FBA]  }
0x3d: {  	_ =	shalt  }
0x3e: {  	_ =	shalt  }
0x3f: {  	_ =	shalt  }
0x40: {  	_ =	shalt  }
0x41: {  	_ =	shalt  }
0x42: {  	_ =	shalt  }
0x43: {  	_ =	shalt  }
0x44: {  	_ =	shalt  }
0x45: {  	_ =	shalt  }
0x46: {  	_ =	shalt  }
0x47: {  	_ =	shalt  }
0x48: {  	_ =	shalt  }
0x49: {  	_ =	shalt  }
0x4a: {  	_ =	shalt  }
0x4b: {  	_ =	shalt  }
0x4c: {  	_ =	shalt  }
0x4d: {  	_ =	shalt  }
0x4e: {  	_ =	shalt  }
0x4f: {  	_ =	shalt  }
0x50: {  	_ =	shalt  }
0x51: {  	_ =	shalt  }
0x52: {  	_ =	shalt  }
0x53: {  	_ =	shalt  }
0x54: {  	_ =	shalt  }
0x55: {  	_ =	shalt  }
0x56: {  	_ =	shalt  }
0x57: {  	_ =	shalt  }
0x58: {  	_ =	shalt  }
0x59: {  	_ =	shalt  }
0x5a: {  	_ =	shalt  }
0x5b: {  	_ =	shalt  }
0x5c: {  	_ =	shalt  }
0x5d: {  	_ =	shalt  }
0x5e: {  	_ =	shalt  }
0x5f: {  	_ =	shalt  }
0x60: {  	_ =	shalt  }
0x61: {  	_ =	shalt  }
0x62: {  	_ =	shalt  }
0x63: {  	_ =	shalt  }
0x64: {  	_ =	shalt  }
0x65: {  	_ =	shalt  }
0x66: {  	_ =	shalt  }
0x67: {  	_ =	shalt  }
0x68: {  	_ =	shalt  }
0x69: {  	_ =	shalt  }
0x6a: {  	_ =	shalt  }
0x6b: {  	_ =	shalt  }
0x6c: {  	_ =	shalt  }
0x6d: {  	_ =	shalt  }
0x6e: {  	_ =	shalt  }
0x6f: {  	_ =	shalt  }
0x70: {  	_ =	shalt  }
0x71: {  	_ =	shalt  }
0x72: {  	_ =	shalt  }
0x73: {  	_ =	shalt  }
0x74: {  	_ =	shalt  }
0x75: {  	_ =	shalt  }
0x76: {  	_ =	shalt  }
0x77: {  	_ =	shalt  }
0x78: {  	_ =	shalt  }
0x79: {  	_ =	shalt  }
0x7a: {  	_ =	shalt  }
0x7b: {  	_ =	shalt  }
0x7c: {  	_ =	shalt  }
0x7d: {  	_ =	shalt  }
0x7e: {  	_ =	shalt  }
0x7f: {  	_ =	shalt  }
0x80: {  	_ =	shalt  }
0x81: {  	_ =	shalt  }
0x82: {  	_ =	shalt  }
0x83: {  	_ =	shalt  }
0x84: {  	_ =	shalt  }
0x85: {  	_ =	shalt  }
0x86: {  	_ =	shalt  }
0x87: {  	_ =	shalt  }
.Lfunc_end0:
.L_simem_size_0:
called_computation_lowered:
.L_overlay_start_0:
0x88: {  	s2 =	sld [smem:$0x3FD9]  }
0x89: {  	s3 =	sld [smem:$0x3FFE];
	_ =	sdelay $0x1  }
0x8a: {  	s1 =	srdreg.scid  }
0x8b: {  	s0 =	sand.u32 $0x1, s1  }
0x8c: {  	s17 =	sshll.u32 s0, $0xA;
	s2 =	sadd.s32 s3, s2  }
0x8d: {  	s2 =	sadd.s32 s2, s17  }
0x8e: {  	[smem:$0x3FC6] =	sst s2  }
0x8f: {  	_ = 	snop  }
0x90: {  	s2 =	sld [smem:$0x3FC9]  }
0x91: {  	s18 =	sld [smem:$0x3FD0];
	(tm) =	ssettm $0x1  }
0x92: {  	s4 =	sld [smem:$0x3FFB];
	_ =	sdelay $0x3  }
0x93: {  	_ =	strace s4  }
0x94: {  	s4 =	sld [smem:$0x3FFC];
	_ =	sdelay $0x3  }
0x95: {  	_ =	strace s4  }
0x96: {  	s4 =	sld [smem:$0x3FFD];
	_ =	sdelay $0x3  }
0x97: {  	_ =	strace s4  }
0x98: {  	_ =	strace $0x8FFFFFFF  }
0x99: {  	s19 =	sld [smem:$0x3FDB];
	_ =	sdelay $0x1  }
0x9a: {  	s5 =	simm.s32 $_scs_section_size  }
0x9b: {  	s6 =	simm.s32 $_size__tile_overlayer_lowered;
	s7 =	simm.s32 $_tile_overlayer_lowered  }
0x9c: {  	s22 =	simm.s32 $0x1BFF;
	s21 =	sshll.u32 s7, $0x1;
	s4 =	sadd.s32 s5, s19  }
0x9d: {  	s8 =	simm.s32 $0x0;
	s20 =	sshll.u32 s6, $0x1;
	s6 =	sadd.s32 s21, s4  }
0x9e: {  	[timem:s8], [sflag:s22] =	dma.local [hbm:s6], s20  }
0x9f: {  	_ =	swait.ge [sflag:s22], s20  }
0xa0: {  	s5 =	ssub.s32 $0x0, s20;
	[sflag:s22] =	ssyncset.done $0x0  }
0xa1: {  	[sflag:s22] =	ssyncadd.s32 s5;
	_ =	sdelay $0x1  }
0xa2: {  	s23 =	simm.s32 $0x1B8B  }
0xa3: {  	_ =	swait.ge [sflag:s23], $0x1  }
0xa4: {  	[sflag:s23] =	ssyncset.done $0x0  }
0xa5: {  	s25 =	simm.s32 $0x1B8E;
	s24 =	sld [smem:$0x3FFE];
	[sflag:s23] =	ssyncadd.s32 $0xFFFFFFFF  }
0xa6: {  	s26 =	simm.s32 $execute0_lowered;
	[smem:$0x3FD2] =	sst s25  }
0xa7: {  	s6 =	sshll.u32 s26, $0x1;
	_ =	strace $0x80000046;
	[dreg:$0x1] =	wrdreg $0xFFFFFFFF  }
0xa8: {  	s28 =	simm.s32 $_size_execute0_lowered;
	s4 =	sadd.s32 s4, s6;
	[dreg:$0x0] =	wrdreg $0x0  }
0xa9: {  	s6 =	sshll.u32 s28, $0x1;
	[dreg:$0x2] =	wrdreg s4  }
0xaa: {  	[dreg:$0x3] =	wrdreg s6  }
0xab: {  	[dreg:$0x4] =	wrdreg $0xC0  }
0xac: {  	_ =	task [dreg:s8], $0x5FFFF  }
0xad: {  	[dreg:$0x1] =	wrdreg $0xFFFFFFFF  }
0xae: {  	[dreg:$0x0] =	wrdreg $0x60  }
0xaf: {  	[dreg:$0x2] =	wrdreg s2  }
0xb0: {  	[dreg:$0x3] =	wrdreg s18  }
0xb1: {  	[dreg:$0x4] =	wrdreg s24  }
0xb2: {  	[dreg:$0x5] =	wrdreg $0x9  }
0xb3: {  	_ =	task.clear_ibuf [dreg:s8], $0x6FFFF;
	_ =	strace $0x90000046  }
0xb4: {  	s29 =	simm.s32 $0x9;
	_ =	strace $0x80000048  }
0xb5: {  	_ =	swait.ge [sflag:s29], $0x1  }
0xb6: {  	[sflag:s29] =	ssyncadd.s32 $0xFFFFFFFF  }
0xb7: {  	_ =	strace $0x90000048  }
0xb8: {  	_ =	sfence  }
0xb9: {  	s30 =	sld [smem:$0x0];
	_ =	sdelay $0x2  }
0xba: {  	s31 =	sshll.u32 s1, $0xD;
	s1 =	sshrl.u32 s1, $0x2  }
0xbb: {  	s3 =	sand.u32 $0x4000, s31;
	s1 =	sadd.s32 s1, s30  }
0xbc: {  	s0 =	sor.u32 s3, s0;
	s1 =	sshll.u32 s1, $0x11  }
0xbd: {  	s0 =	sor.u32 s1, s0  }
0xbe: {  	s0 =	sadd.s32 $0x8F2B, s0  }
0xbf: {  	[sflag:s0] =	ssyncadd.remote.s32 $0x1  }
0xc0: {  	_ =	sfence.sel $0xFFFF  }
0xc1: {  	[dreg:$0x0] =	wrdreg $0xFFFFFFFF;
	(pc) =	sbr.abs _section_cstart, $3  }
0xc2: {  	[dreg:$0x1] =	wrdreg $0xFFFFFFFF  }
0xc3: {  	_ =	task.clear_ibuf [dreg:s8], $0x2FFFF;
	_ =	strace $0x9FFFFFFF  }
0xc4: {  	(tm) =	ssettm $0x7FFFFFFF  }
0xc5: {  	_ =	shalt  }
tec
execute0_lowered:
.L_overlay_start_1:
0x0: {  	(tag) =	ssettag $0x1  }
0x1: {  	v0 =	vlaneseq.u32;
	s1 =	rddreg [dreg:$0x0]  }
0x2: {  	s0 =	rddreg [dreg:$0x1];
	s3 =	simm.s32 $0x0;
	v0 =	vmul.u32 $0x38, v0  }
0x3: {  	[smem:$0x7FF] =	sst s3  }
0x4: {  	s4 =	rddreg [dreg:$0x2];
	_ =	strace $0x80000047;
	v18 =	vadd.s32 $0x19, v0;
	[tilespmem:$0x1FFC0] =	vst v0  }
0x5: {  	v51 =	vor.u32 $0x1, v0;
	[tilespmem:$0x1FCE0] =	vst v18  }
0x6: {  	v59 =	vadd.s32 $0x18, v0;
	[tilespmem:$0x1FE50] =	vst v51  }
0x7: {  	v16 =	vadd.s32 $0x11, v0;
	[tilespmem:$0x1FE60] =	vst v59  }
0x8: {  	v3 =	vor.u32 $0x4, v0;
	[tilespmem:$0x1FE70] =	vst v16  }
0x9: {  	v7 =	vadd.s32 $0x8, v0;
	[tilespmem:$0x1FE80] =	vst v3  }
0xa: {  	v11 =	vadd.s32 $0xC, v0;
	[tilespmem:$0x1FE90] =	vst v7  }
0xb: {  	v13 =	vadd.s32 $0xE, v0;
	[tilespmem:$0x1FEA0] =	vst v11  }
0xc: {  	v14 =	vadd.s32 $0xF, v0;
	[tilespmem:$0x1FEB0] =	vst v13  }
0xd: {  	v15 =	vadd.s32 $0x10, v0;
	[tilespmem:$0x1FEC0] =	vst v14  }
0xe: {  	v17 =	vadd.s32 $0x12, v0;
	[tilespmem:$0x1FED0] =	vst v15  }
0xf: {  	v12 =	vadd.s32 $0xD, v0;
	[tilespmem:$0x1FEE0] =	vst v17  }
0x10: {  	v1 =	vor.u32 $0x2, v0;
	[tilespmem:$0x1FEF0] =	vst v12  }
0x11: {  	v5 =	vor.u32 $0x6, v0;
	[tilespmem:$0x1FF00] =	vst v1  }
0x12: {  	v9 =	vadd.s32 $0xA, v0;
	[tilespmem:$0x1FF10] =	vst v5  }
0x13: {  	v10 =	vadd.s32 $0xB, v0;
	[tilespmem:$0x1FF20] =	vst v9  }
0x14: {  	v8 =	vadd.s32 $0x9, v0;
	[tilespmem:$0x1FF30] =	vst v10  }
0x15: {  	v19 =	vadd.s32 $0x17, v0;
	[tilespmem:$0x1FF40] =	vst v8  }
0x16: {  	v21 =	vadd.s32 $0x15, v0;
	[tilespmem:$0x1FF50] =	vst v19  }
0x17: {  	v23 =	vadd.s32 $0x16, v0;
	[tilespmem:$0x1FF60] =	vst v21  }
0x18: {  	v30 =	vadd.s32 $0x13, v0;
	[tilespmem:$0x1FF70] =	vst v23  }
0x19: {  	v32 =	vadd.s32 $0x14, v0;
	[tilespmem:$0x1FF80] =	vst v30  }
0x1a: {  	v6 =	vor.u32 $0x7, v0;
	[tilespmem:$0x1FF90] =	vst v32  }
0x1b: {  	v4 =	vor.u32 $0x5, v0;
	[tilespmem:$0x1FFA0] =	vst v6  }
0x1c: {  	v2 =	vor.u32 $0x3, v0;
	[tilespmem:$0x1FFB0] =	vst v4  }
0x1d: {  	v42 =	vadd.s32 $0x31, v0;
	[tilespmem:$0x1FFD0] =	vst v2  }
0x1e: {  	v43 =	vadd.s32 $0x1D, v0;
	[tilespmem:$0x1FFE0] =	vst v42  }
0x1f: {  	v18 =	vadd.s32 $0x1A, v0;
	[tilespmem:$0x1FFF0] =	vst v43  }
0x20: {  	[tilespmem:$0x1FCF0] =	vst v18;
	v18 =	vadd.s32 $0x1B, v0  }
0x21: {  	[tilespmem:$0x1FD00] =	vst v18;
	v18 =	vadd.s32 $0x1C, v0  }
0x22: {  	[tilespmem:$0x1FD10] =	vst v18;
	v18 =	vadd.s32 $0x1E, v0  }
0x23: {  	[tilespmem:$0x1FD20] =	vst v18;
	v18 =	vadd.s32 $0x1F, v0  }
0x24: {  	[tilespmem:$0x1FD30] =	vst v18;
	v18 =	vadd.s32 $0x20, v0  }
0x25: {  	[tilespmem:$0x1FD40] =	vst v18;
	v18 =	vadd.s32 $0x21, v0  }
0x26: {  	[tilespmem:$0x1FD50] =	vst v18;
	v18 =	vadd.s32 $0x22, v0  }
0x27: {  	[tilespmem:$0x1FD60] =	vst v18;
	v18 =	vadd.s32 $0x23, v0  }
0x28: {  	[tilespmem:$0x1FD70] =	vst v18;
	v18 =	vadd.s32 $0x24, v0  }
0x29: {  	[tilespmem:$0x1FD80] =	vst v18;
	v18 =	vadd.s32 $0x25, v0  }
0x2a: {  	[tilespmem:$0x1FD90] =	vst v18;
	v18 =	vadd.s32 $0x26, v0  }
0x2b: {  	s5 =	srdreg.scid;
	s2 =	stileid.u32;
	[tilespmem:$0x1FDA0] =	vst v18;
	v18 =	vadd.s32 $0x27, v0  }
0x2c: {  	s9 =	simm.s32 $0x80;
	s10 =	simm.s32 $0x4000;
	s12 =	simm.s32 $0x100;
	[tilespmem:$0x1FDB0] =	vst v18;
	v18 =	vadd.s32 $0x28, v0  }
0x2d: {  	s13 =	simm.s32 $0x7800;
	s14 =	simm.s32 $0x180;
	s15 =	simm.s32 $0x9400;
	[tilespmem:$0x1FDC0] =	vst v18;
	v18 =	vadd.s32 $0x29, v0  }
0x2e: {  	s16 =	simm.s32 $0x2;
	s17 =	simm.s32 $0xB000;
	s18 =	simm.s32 $0xCC00;
	[tilespmem:$0x1FDD0] =	vst v18;
	v18 =	vadd.s32 $0x2A, v0  }
0x2f: {  	s19 =	simm.s32 $0xE800;
	s20 =	simm.s32 $0x10400;
	s21 =	simm.s32 $0x200;
	[tilespmem:$0x1FDE0] =	vst v18;
	v18 =	vadd.s32 $0x2B, v0  }
0x30: {  	s22 =	simm.s32 $0x80000;
	s23 =	simm.s32 $0x12000;
	s24 =	simm.s32 $0x18400;
	[tilespmem:$0x1FDF0] =	vst v18;
	v18 =	vadd.s32 $0x2C, v0  }
0x31: {  	s25 =	simm.s32 $0x3;
	s26 =	simm.s32 $0x4;
	s5 =	sand.u32 $0x1, s5;
	[tilespmem:$0x1FE00] =	vst v18;
	v18 =	vadd.s32 $0x2D, v0  }
0x32: {  	s28 =	simm.s32 $0x0;
	s6 =	sshll.u32 s2, $0x1;
	s7 =	ssub.s32 $0x2, s5;
	[tilespmem:$0x1FE10] =	vst v18;
	v18 =	vadd.s32 $0x2E, v0  }
0x33: {  	s4 =	sadd.s32 $0x400, s4;
	s5 =	sor.u32 s5, s6;
	s31 =	sshrl.u32 s7, $0x1;
	[tilespmem:$0x1FE20] =	vst v18;
	v18 =	vadd.s32 $0x2F, v0  }
0x34: {  	s8 =	sshll.u32 s5, $0xB;
	s5 =	sshll.u32 s5, $0xE;
	s7 =	ssub.s32 s7, s31;
	[tilespmem:$0x1FE30] =	vst v18;
	v18 =	vadd.s32 $0x30, v0  }
0x35: {  	s6 =	sadd.s32 s1, s8;
	s8 =	simm.s32 $0x1;
	s7 =	smax.u32 s7, $0x1;
	[tilespmem:$0x1FE40] =	vst v18  }
.LBB2_1:
0x36: {  	[tilespmem:s3], [sflag:$0x1] =	stream.linear.gather [hbm4b:s6+s3], $0x4000, $0x38;
	[tilespmem:$0x1E800] =	vst v63  }
0x37: {  	_ =	swait.ge [sflag:s8], $0x4000  }
0x38: {  	[sflag:s8] =	ssyncset.done $0x0  }
0x39: {  	[sflag:s8] =	ssyncadd.s32 $0xFFFFC000  }
0x3a: {  	[tilespmem:s10], [sflag:$0x2] =	stream.indirect.gather [hbm4b:s0+s9], $0x38, s3, s9, $0xb8;
	[tilespmem:$0x1E800] =	vst v63  }
0x3b: {  	s1 =	simm.s32 $0x5C00  }
0x3c: {  	[tilespmem:s1], [sflag:$0x2] =	stream.indirect.gather [hbm4b:s0+s9], $0x38, s9, s9, $0xb8;
	[tilespmem:$0x1E800] =	vst v63  }
0x3d: {  	_ = 	snop  }
0x3e: {  	[tilespmem:s13], [sflag:$0x2] =	stream.indirect.gather [hbm4b:s0+s9], $0x38, s12, s9, $0xb8;
	[tilespmem:$0x1E800] =	vst v63  }
0x3f: {  	s29 =	simm.s32 $0x0  }
0x40: {  	[tilespmem:s15], [sflag:$0x2] =	stream.indirect.gather [hbm4b:s0+s9], $0x38, s14, s9, $0xb8;
	[tilespmem:$0x1E800] =	vst v63  }
.LBB2_2:
0x41: {  	_ =	swait.ge [sflag:s16], $0x1C00  }
0x42: {  	[sflag:s16] =	ssyncset.done $0x0  }
0x43: {  	[sflag:s16] =	ssyncadd.s32 $0xFFFFE400  }
0x44: {  	_ =	swait.ge [sflag:s16], $0x1C00  }
0x45: {  	[sflag:s16] =	ssyncset.done $0x0  }
0x46: {  	[sflag:s16] =	ssyncadd.s32 $0xFFFFE400  }
0x47: {  	_ =	swait.ge [sflag:s16], $0x1C00  }
0x48: {  	[sflag:s16] =	ssyncset.done $0x0  }
0x49: {  	[sflag:s16] =	ssyncadd.s32 $0xFFFFE400  }
0x4a: {  	s1 =	sshllo.u32 s29, $0x1;
	_ =	swait.ge [sflag:s16], $0x1C00  }
0x4b: {  	s30 =	sshll.u32 s1, $0x9;
	[sflag:s16] =	ssyncset.done $0x0  }
0x4c: {  	s1 =	sand.u32 $0x3FFFFE00, s30;
	[sflag:s16] =	ssyncadd.s32 $0xFFFFE400  }
0x4d: {  	[tilespmem:s17], [sflag:$0x2] =	stream.indirect.gather [hbm4b:s0+s9], $0x38, s1, s9, $0xb8;
	[tilespmem:$0x1E800] =	vst v63  }
0x4e: {  	s31 =	sor.u32 $0x80, s1  }
0x4f: {  	[tilespmem:s18], [sflag:$0x2] =	stream.indirect.gather [hbm4b:s0+s9], $0x38, s31, s9, $0xb8;
	[tilespmem:$0x1E800] =	vst v63  }
0x50: {  	s31 =	sor.u32 $0x100, s1  }
0x51: {  	[tilespmem:s19], [sflag:$0x2] =	stream.indirect.gather [hbm4b:s0+s9], $0x38, s31, s9, $0xb8;
	[tilespmem:$0x1E800] =	vst v63  }
0x52: {  	p0 =	seq.s32 s29, $0x0;
	s1 =	sor.u32 $0x180, s1  }
0x53: {  	[tilespmem:s20], [sflag:$0x2] =	stream.indirect.gather [hbm4b:s0+s9], $0x38, s1, s9, $0xb8;
	[tilespmem:$0x1E800] =	vst v63  }
0x54: {  	s1 =	simm.s32 @!p0 $0x3  }
0x55: {  	_ =	swait.ge @!p0 [sflag:s1], $0x6400  }
0x56: {  	[sflag:s1] =	ssyncset.done @!p0 $0x0  }
0x57: {  	s31 =	simm.s32 $0x0;
	[sflag:s1] =	ssyncadd.s32 @!p0 $0xFFFF9C00  }
.LBB2_3:
0x58: {  	s1 =	sshll.u32 s31, $0x4  }
0x59: {  	v50 =	vmov s1  }
0x5a: {  	v49 =	vld [tilespmem:$0x1FE50];
	v50 =	vmul.u32 $0x38, v50;
	_ =	sdelay $0x1  }
0x5b: {  	v50 =	vbroadcast v50, $0x0;
	_ =	sdelay $0x1  }
0x5c: {  	v51 =	vadd.s32 v0, v50  }
0x5d: {  	v52 =	vadd.s32 v49, v50  }
0x5e: {  	v53 =	vadd.s32 v1, v50  }
0x5f: {  	v54 =	vadd.s32 v2, v50  }
0x60: {  	v55 =	vadd.s32 v3, v50  }
0x61: {  	v29 =	vadd.s32 v4, v50;
	v56 =	vld.idx.msk [tilespmem:v51+s10+$0x0], $0xffff  }
0x62: {  	v57 =	vadd.s32 v5, v50;
	v52 =	vld.idx.msk [tilespmem:v52+s10+$0x0], $0xffff  }
0x63: {  	v58 =	vadd.s32 v6, v50;
	v53 =	vld.idx.msk [tilespmem:v53+s10+$0x0], $0xffff  }
0x64: {  	v59 =	vadd.s32 v7, v50;
	v54 =	vld.idx.msk [tilespmem:v54+s10+$0x0], $0xffff  }
0x65: {  	v60 =	vadd.s32 v8, v50;
	v55 =	vld.idx.msk [tilespmem:v55+s10+$0x0], $0xffff  }
0x66: {  	v30 =	vadd.s32 v9, v50;
	v61 =	vld.idx.msk [tilespmem:v29+s10+$0x0], $0xffff  }
0x67: {  	v62 =	vadd.s32 v10, v50;
	v57 =	vld.idx.msk [tilespmem:v57+s10+$0x0], $0xffff  }
0x68: {  	v63 =	vadd.s32 v11, v50;
	v58 =	vld.idx.msk [tilespmem:v58+s10+$0x0], $0xffff  }
0x69: {  	v0 =	vadd.s32 v12, v50;
	v59 =	vld.idx.msk [tilespmem:v59+s10+$0x0], $0xffff  }
0x6a: {  	v1 =	vadd.s32 v13, v50;
	v60 =	vld.idx.msk [tilespmem:v60+s10+$0x0], $0xffff  }
0x6b: {  	v2 =	vld.idx.msk [tilespmem:v30+s10+$0x0], $0xffff  }
0x6c: {  	v31 =	vadd.s32 v14, v50;
	v62 =	vld.idx.msk [tilespmem:v62+s10+$0x0], $0xffff  }
0x6d: {  	v63 =	vld.idx.msk [tilespmem:v63+s10+$0x0], $0xffff  }
0x6e: {  	v3 =	vadd.s32 v15, v50;
	v0 =	vld.idx.msk [tilespmem:v0+s10+$0x0], $0xffff  }
0x6f: {  	v1 =	vld.idx.msk [tilespmem:v1+s10+$0x0], $0xffff  }
0x70: {  	v4 =	vadd.s32 v16, v50;
	v37 =	vld [tilespmem:$0x1FF80]  }
0x71: {  	v7 =	vld.idx.msk [tilespmem:v31+s10+$0x0], $0xffff  }
0x72: {  	v5 =	vadd.s32 v17, v50;
	v38 =	vld [tilespmem:$0x1FF90]  }
0x73: {  	v3 =	vld.idx.msk [tilespmem:v3+s10+$0x0], $0xffff  }
0x74: {  	v43 =	vld [tilespmem:$0x1FF60]  }
0x75: {  	v4 =	vld.idx.msk [tilespmem:v4+s10+$0x0], $0xffff  }
0x76: {  	s2 =	sor.u32 $0x10, s1;
	v41 =	vld [tilespmem:$0x1FF70]  }
0x77: {  	v32 =	vmov s2;
	v5 =	vld.idx.msk [tilespmem:v5+s10+$0x0], $0xffff  }
0x78: {  	v51 =	vmul.u32 $0x38, v32;
	v19 =	vld [tilespmem:$0x1FF50]  }
0x79: {  	v45 =	vld [tilespmem:$0x1FE60]  }
0x7a: {  	v18 =	vld [tilespmem:$0x1FFB0];
	v51 =	vbroadcast v51, $0x0  }
0x7b: {  	v13 =	vld [tilespmem:$0x1FFC0]  }
0x7c: {  	v15 =	vld [tilespmem:$0x1FF00];
	v14 =	vadd.s32 v49, v51  }
0x7d: {  	v16 =	vld [tilespmem:$0x1FFD0];
	v6 =	vadd.s32 v37, v50  }
0x7e: {  	v36 =	vmov v17;
	v17 =	vld [tilespmem:$0x1FE80];
	v8 =	vadd.s32 v38, v50  }
0x7f: {  	v33 =	vadd.s32 v18, v51;
	v18 =	vld [tilespmem:$0x1FF10]  }
0x80: {  	v20 =	vld [tilespmem:$0x1FD50];
	v9 =	vadd.s32 v43, v50  }
0x81: {  	v10 =	vadd.s32 v41, v50;
	v14 =	vld.idx.msk [tilespmem:v14+s10+$0x0], $0xffff  }
0x82: {  	v11 =	vadd.s32 v19, v50;
	v6 =	vld.idx.msk [tilespmem:v6+s10+$0x0], $0xffff  }
0x83: {  	v12 =	vadd.s32 v45, v50;
	v8 =	vld.idx.msk [tilespmem:v8+s10+$0x0], $0xffff  }
0x84: {  	v34 =	vadd.s32 v18, v51;
	v18 =	vld [tilespmem:$0x1FFA0]  }
0x85: {  	v13 =	vadd.s32 v13, v51;
	v9 =	vld.idx.msk [tilespmem:v9+s10+$0x0], $0xffff  }
0x86: {  	v15 =	vadd.s32 v15, v51;
	v10 =	vld.idx.msk [tilespmem:v10+s10+$0x0], $0xffff  }
0x87: {  	v16 =	vadd.s32 v16, v51;
	v11 =	vld.idx.msk [tilespmem:v11+s10+$0x0], $0xffff  }
0x88: {  	v17 =	vadd.s32 v17, v51;
	v12 =	vld.idx.msk [tilespmem:v12+s10+$0x0], $0xffff  }
0x89: {  	v35 =	vadd.s32 v18, v51;
	v18 =	vld [tilespmem:$0x1FE90]  }
0x8a: {  	v13 =	vld.idx.msk [tilespmem:v13+s10+$0x0], $0xffff  }
0x8b: {  	v24 =	vadd.s32 v36, v51;
	v15 =	vld.idx.msk [tilespmem:v15+s10+$0x0], $0xffff  }
0x8c: {  	v26 =	vadd.s32 v38, v51;
	v16 =	vld.idx.msk [tilespmem:v16+s10+$0x0], $0xffff  }
0x8d: {  	v27 =	vadd.s32 v43, v51;
	v17 =	vld.idx.msk [tilespmem:v17+s10+$0x0], $0xffff  }
0x8e: {  	v39 =	vadd.s32 v18, v51;
	v18 =	vld [tilespmem:$0x1FF40]  }
0x8f: {  	v28 =	vadd.s32 v41, v51;
	[tilespmem:s1+$0x12000] =	vst v56;
	v56 =	vld.idx.msk [tilespmem:v33+s10+$0x0], $0xffff  }
0x90: {  	v29 =	vadd.s32 v19, v51;
	[tilespmem:s1+$0x14400] =	vst v5;
	v5 =	vld.idx.msk [tilespmem:v24+s10+$0x0], $0xffff  }
0x91: {  	v30 =	vadd.s32 v45, v51;
	[tilespmem:s1+$0x12A00] =	vst v61;
	v61 =	vld.idx.msk [tilespmem:v26+s10+$0x0], $0xffff  }
0x92: {  	[tilespmem:s1+$0x13600] =	vst v62;
	v62 =	vld.idx.msk [tilespmem:v27+s10+$0x0], $0xffff  }
0x93: {  	[tilespmem:s1+$0x12200] =	vst v52;
	v40 =	vadd.s32 v18, v51;
	v18 =	vld [tilespmem:$0x1FF20]  }
0x94: {  	[tilespmem:s1+$0x13800] =	vst v63;
	v63 =	vld.idx.msk [tilespmem:v28+s10+$0x0], $0xffff  }
0x95: {  	[tilespmem:s1+$0x13000] =	vst v59;
	v59 =	vld.idx.msk [tilespmem:v29+s10+$0x0], $0xffff  }
0x96: {  	[tilespmem:s1+$0x13200] =	vst v60;
	v60 =	vld.idx.msk [tilespmem:v30+s10+$0x0], $0xffff  }
0x97: {  	[tilespmem:s1+$0x12400] =	vst v53;
	v24 =	vld [tilespmem:$0x1FD90]  }
0x98: {  	[tilespmem:s1+$0x12600] =	vst v54;
	v42 =	vadd.s32 v18, v51;
	v18 =	vld [tilespmem:$0x1FF30]  }
0x99: {  	[tilespmem:s1+$0x12800] =	vst v55;
	v26 =	vld [tilespmem:$0x1FDB0]  }
0x9a: {  	[tilespmem:s1+$0x12C00] =	vst v57;
	v27 =	vld [tilespmem:$0x1FDC0]  }
0x9b: {  	[tilespmem:s1+$0x12E00] =	vst v58;
	v28 =	vld [tilespmem:$0x1FDD0]  }
0x9c: {  	v25 =	vadd.s32 v37, v51;
	[tilespmem:s1+$0x13400] =	vst v2;
	v29 =	vld [tilespmem:$0x1FDE0]  }
0x9d: {  	[tilespmem:s1+$0x13A00] =	vst v0;
	v44 =	vadd.s32 v18, v51;
	v18 =	vld [tilespmem:$0x1FEA0]  }
0x9e: {  	[tilespmem:s1+$0x15000] =	vst v12;
	v12 =	vld [tilespmem:$0x1FFF0]  }
0x9f: {  	[tilespmem:s1+$0x13C00] =	vst v1;
	v30 =	vld [tilespmem:$0x1FDF0]  }
0xa0: {  	[tilespmem:s1+$0x13E00] =	vst v7;
	v52 =	vld.idx.msk [tilespmem:v34+s10+$0x0], $0xffff  }
0xa1: {  	[tilespmem:s1+$0x14600] =	vst v6;
	v6 =	vld.idx.msk [tilespmem:v25+s10+$0x0], $0xffff  }
0xa2: {  	[tilespmem:s1+$0x14000] =	vst v3;
	v46 =	vadd.s32 v18, v51;
	v18 =	vld [tilespmem:$0x1FEF0]  }
0xa3: {  	[tilespmem:s1+$0x14200] =	vst v4;
	v25 =	vld [tilespmem:$0x1FDA0];
	v12 =	vadd.s32 v12, v50  }
0xa4: {  	[tilespmem:s1+$0x14800] =	vst v8;
	v53 =	vld.idx.msk [tilespmem:v35+s10+$0x0], $0xffff  }
0xa5: {  	[tilespmem:s1+$0x14A00] =	vst v9;
	v54 =	vld.idx.msk [tilespmem:v39+s10+$0x0], $0xffff  }
0xa6: {  	[tilespmem:s1+$0x14C00] =	vst v10;
	v39 =	vld [tilespmem:$0x1FCF0]  }
0xa7: {  	[tilespmem:s1+$0x14E00] =	vst v11;
	v47 =	vadd.s32 v18, v51;
	v18 =	vld [tilespmem:$0x1FEB0]  }
0xa8: {  	v12 =	vld.idx.msk [tilespmem:v12+s10+$0x0], $0xffff  }
0xa9: {  	v55 =	vld.idx.msk [tilespmem:v40+s10+$0x0], $0xffff  }
0xaa: {  	v40 =	vld [tilespmem:$0x1FD00]  }
0xab: {  	v9 =	vadd.s32 v39, v50;
	v2 =	vld.idx.msk [tilespmem:v42+s10+$0x0], $0xffff  }
0xac: {  	v48 =	vadd.s32 v18, v51;
	v18 =	vld [tilespmem:$0x1FEC0]  }
0xad: {  	v42 =	vld [tilespmem:$0x1FD20]  }
0xae: {  	v58 =	vld.idx.msk [tilespmem:v46+s10+$0x0], $0xffff  }
0xaf: {  	v46 =	vld [tilespmem:$0x1FCE0]  }
0xb0: {  	v9 =	vld.idx.msk [tilespmem:v9+s10+$0x0], $0xffff  }
0xb1: {  	v21 =	vadd.s32 v18, v51;
	v18 =	vld [tilespmem:$0x1FED0]  }
0xb2: {  	v10 =	vadd.s32 v40, v50;
	v57 =	vld.idx.msk [tilespmem:v44+s10+$0x0], $0xffff  }
0xb3: {  	v1 =	vld.idx.msk [tilespmem:v48+s10+$0x0], $0xffff  }
0xb4: {  	v8 =	vadd.s32 v46, v50;
	v48 =	vld [tilespmem:$0x1FD10]  }
0xb5: {  	v44 =	vld [tilespmem:$0x1FD30]  }
0xb6: {  	v22 =	vadd.s32 v18, v51;
	v18 =	vld [tilespmem:$0x1FE70]  }
0xb7: {  	v10 =	vld.idx.msk [tilespmem:v10+s10+$0x0], $0xffff  }
0xb8: {  	v0 =	vld.idx.msk [tilespmem:v47+s10+$0x0], $0xffff  }
0xb9: {  	v8 =	vld.idx.msk [tilespmem:v8+s10+$0x0], $0xffff;
	v11 =	vadd.s32 v48, v50  }
0xba: {  	v7 =	vld.idx.msk [tilespmem:v21+s10+$0x0], $0xffff  }
0xbb: {  	v21 =	vld [tilespmem:$0x1FD60];
	v23 =	vadd.s32 v18, v51  }
0xbc: {  	v3 =	vld.idx.msk [tilespmem:v22+s10+$0x0], $0xffff  }
0xbd: {  	v33 =	vadd.s32 v24, v50;
	v18 =	vld [tilespmem:$0x1FD40]  }
0xbe: {  	v34 =	vadd.s32 v25, v50;
	v11 =	vld.idx.msk [tilespmem:v11+s10+$0x0], $0xffff  }
0xbf: {  	v35 =	vadd.s32 v26, v50;
	v22 =	vld [tilespmem:$0x1FD70]  }
0xc0: {  	v4 =	vld.idx.msk [tilespmem:v23+s10+$0x0], $0xffff  }
0xc1: {  	v47 =	vadd.s32 v29, v50;
	v23 =	vld [tilespmem:$0x1FD80]  }
0xc2: {  	[tilespmem:s1+$0x12E10] =	vst v53;
	v53 =	vld.idx.msk [tilespmem:v33+s10+$0x0], $0xffff  }
0xc3: {  	[tilespmem:s1+$0x13010] =	vst v54;
	v54 =	vld.idx.msk [tilespmem:v34+s10+$0x0], $0xffff  }
0xc4: {  	[tilespmem:s1+$0x13210] =	vst v55;
	v55 =	vld.idx.msk [tilespmem:v35+s10+$0x0], $0xffff  }
0xc5: {  	[tilespmem:s1+$0x12010] =	vst v13;
	v33 =	vld [tilespmem:$0x1FE20]  }
0xc6: {  	v13 =	vadd.s32 v42, v50;
	[tilespmem:s1+$0x13810] =	vst v58;
	v58 =	vld.idx.msk [tilespmem:v47+s10+$0x0], $0xffff  }
0xc7: {  	[tilespmem:s1+$0x12210] =	vst v14;
	v14 =	vadd.s32 v44, v50;
	v34 =	vld [tilespmem:$0x1FE30]  }
0xc8: {  	[tilespmem:s1+$0x12410] =	vst v15;
	v15 =	vadd.s32 v18, v50;
	v35 =	vld [tilespmem:$0x1FE40]  }
0xc9: {  	v31 =	vadd.s32 v22, v50;
	v47 =	vld [tilespmem:$0x1FFE0]  }
0xca: {  	[tilespmem:s1+$0x15010] =	vst v60;
	v60 =	vld [tilespmem:$0x1FFF0]  }
0xcb: {  	[tilespmem:s1+$0x12610] =	vst v16;
	v13 =	vld.idx.msk [tilespmem:v13+s10+$0x0], $0xffff;
	v32 =	vadd.s32 v23, v50  }
0xcc: {  	[tilespmem:s1+$0x12810] =	vst v17;
	v14 =	vld.idx.msk [tilespmem:v14+s10+$0x0], $0xffff  }
0xcd: {  	v16 =	vadd.s32 v20, v50;
	[tilespmem:s1+$0x12A10] =	vst v56;
	v15 =	vld.idx.msk [tilespmem:v15+s10+$0x0], $0xffff  }
0xce: {  	v17 =	vadd.s32 v21, v50;
	[tilespmem:s1+$0x12C10] =	vst v52;
	v56 =	vld.idx.msk [tilespmem:v31+s10+$0x0], $0xffff  }
0xcf: {  	[tilespmem:s1+$0x13410] =	vst v2;
	v2 =	vadd.s32 v27, v50;
	v31 =	vld [tilespmem:$0x1FE00]  }
0xd0: {  	[tilespmem:s1+$0x13610] =	vst v57;
	v57 =	vadd.s32 v28, v50;
	v52 =	vld.idx.msk [tilespmem:v32+s10+$0x0], $0xffff  }
0xd1: {  	[tilespmem:s1+$0x13A10] =	vst v0;
	v0 =	vadd.s32 v30, v50;
	v32 =	vld [tilespmem:$0x1FE10]  }
0xd2: {  	[tilespmem:s1+$0x14010] =	vst v3;
	v16 =	vld.idx.msk [tilespmem:v16+s10+$0x0], $0xffff;
	v3 =	vadd.s32 v33, v50  }
0xd3: {  	v17 =	vld.idx.msk [tilespmem:v17+s10+$0x0], $0xffff;
	[tilespmem:s1+$0x14210] =	vst v4;
	v4 =	vadd.s32 v34, v50  }
0xd4: {  	[tilespmem:s1+$0x14410] =	vst v5;
	v2 =	vld.idx.msk [tilespmem:v2+s10+$0x0], $0xffff;
	v5 =	vadd.s32 v35, v50  }
0xd5: {  	[tilespmem:s1+$0x13C10] =	vst v1;
	v57 =	vld.idx.msk [tilespmem:v57+s10+$0x0], $0xffff;
	v1 =	vadd.s32 v31, v50  }
0xd6: {  	[tilespmem:s1+$0x13E10] =	vst v7;
	v0 =	vld.idx.msk [tilespmem:v0+s10+$0x0], $0xffff;
	v7 =	vadd.s32 v32, v50  }
0xd7: {  	[tilespmem:s1+$0x14610] =	vst v6;
	v3 =	vld.idx.msk [tilespmem:v3+s10+$0x0], $0xffff;
	v50 =	vadd.s32 v47, v50  }
0xd8: {  	[tilespmem:s1+$0x14810] =	vst v61;
	v61 =	vadd.s32 v39, v51;
	v4 =	vld.idx.msk [tilespmem:v4+s10+$0x0], $0xffff  }
0xd9: {  	[tilespmem:s1+$0x14A10] =	vst v62;
	v62 =	vadd.s32 v40, v51;
	v5 =	vld.idx.msk [tilespmem:v5+s10+$0x0], $0xffff  }
0xda: {  	[tilespmem:s1+$0x14E10] =	vst v59;
	v59 =	vadd.s32 v48, v51;
	v1 =	vld.idx.msk [tilespmem:v1+s10+$0x0], $0xffff  }
0xdb: {  	[tilespmem:s1+$0x14C10] =	vst v63;
	v47 =	vadd.s32 v60, v51;
	v6 =	vld.idx.msk [tilespmem:v7+s10+$0x0], $0xffff  }
0xdc: {  	v60 =	vadd.s32 v44, v51;
	v63 =	vld.idx.msk [tilespmem:v50+s10+$0x0], $0xffff;
	[tilespmem:s1+$0x15200] =	vst v8  }
0xdd: {  	v7 =	vadd.s32 v46, v51;
	[tilespmem:s1+$0x15400] =	vst v9;
	v9 =	vld.idx.msk [tilespmem:v61+s10+$0x0], $0xffff  }
0xde: {  	v8 =	vadd.s32 v42, v51;
	[tilespmem:s1+$0x15600] =	vst v10;
	v10 =	vld.idx.msk [tilespmem:v62+s10+$0x0], $0xffff  }
0xdf: {  	v61 =	vadd.s32 v18, v51;
	[tilespmem:s1+$0x15800] =	vst v11;
	v11 =	vld.idx.msk [tilespmem:v59+s10+$0x0], $0xffff  }
0xe0: {  	v59 =	vadd.s32 v20, v51;
	[tilespmem:s1+$0x15A00] =	vst v12;
	v12 =	vld.idx.msk [tilespmem:v47+s10+$0x0], $0xffff  }
0xe1: {  	v47 =	vadd.s32 v21, v51;
	[tilespmem:s1+$0x15E00] =	vst v14;
	v14 =	vld.idx.msk [tilespmem:v60+s10+$0x0], $0xffff  }
0xe2: {  	[tilespmem:s1+$0x15C00] =	vst v13;
	v13 =	vadd.s32 v22, v51;
	v7 =	vld.idx.msk [tilespmem:v7+s10+$0x0], $0xffff  }
0xe3: {  	v60 =	vadd.s32 v23, v51;
	[tilespmem:s1+$0x16000] =	vst v15;
	v8 =	vld.idx.msk [tilespmem:v8+s10+$0x0], $0xffff  }
0xe4: {  	[tilespmem:s1+$0x16200] =	vst v16;
	v62 =	vadd.s32 v31, v51;
	v15 =	vld.idx.msk [tilespmem:v61+s10+$0x0], $0xffff  }
0xe5: {  	[tilespmem:s1+$0x16400] =	vst v17;
	v16 =	vld.idx.msk [tilespmem:v59+s10+$0x0], $0xffff  }
0xe6: {  	[tilespmem:s1+$0x16600] =	vst v56;
	v56 =	vadd.s32 v32, v51;
	v17 =	vld.idx.msk [tilespmem:v47+s10+$0x0], $0xffff  }
0xe7: {  	v61 =	vadd.s32 v24, v51;
	v13 =	vld.idx.msk [tilespmem:v13+s10+$0x0], $0xffff  }
0xe8: {  	[tilespmem:s1+$0x16800] =	vst v52;
	v52 =	vld.idx.msk [tilespmem:v60+s10+$0x0], $0xffff  }
0xe9: {  	[tilespmem:s1+$0x17800] =	vst v1;
	v59 =	vadd.s32 v25, v51;
	v1 =	vld.idx.msk [tilespmem:v62+s10+$0x0], $0xffff  }
0xea: {  	v47 =	vadd.s32 v27, v51;
	v62 =	vld [tilespmem:$0x1FFE0]  }
0xeb: {  	v60 =	vadd.s32 v28, v51;
	[tilespmem:s1+$0x17A00] =	vst v6;
	v6 =	vld.idx.msk [tilespmem:v56+s10+$0x0], $0xffff  }
0xec: {  	[tilespmem:s1+$0x16A00] =	vst v53;
	v53 =	vld.idx.msk [tilespmem:v61+s10+$0x0], $0xffff;
	v61 =	vadd.s32 v29, v51  }
0xed: {  	v50 =	vadd.s32 v26, v51;
	v56 =	vld [tilespmem:$0x1FFC0]  }
0xee: {  	[tilespmem:s1+$0x16C00] =	vst v54;
	v54 =	vld.idx.msk [tilespmem:v59+s10+$0x0], $0xffff;
	v59 =	vadd.s32 v30, v51  }
0xef: {  	[tilespmem:s1+$0x17000] =	vst v2;
	v2 =	vld.idx.msk [tilespmem:v47+s10+$0x0], $0xffff  }
0xf0: {  	s11 =	sor.u32 $0x20, s1;
	[tilespmem:s1+$0x17200] =	vst v57;
	v57 =	vld.idx.msk [tilespmem:v60+s10+$0x0], $0xffff;
	v60 =	vadd.s32 v33, v51  }
0xf1: {  	[tilespmem:s1+$0x17400] =	vst v58;
	v47 =	vmov s11;
	v58 =	vld.idx.msk [tilespmem:v61+s10+$0x0], $0xffff;
	v61 =	vadd.s32 v34, v51  }
0xf2: {  	[tilespmem:s1+$0x16E00] =	vst v55;
	v55 =	vld.idx.msk [tilespmem:v50+s10+$0x0], $0xffff;
	v50 =	vmul.u32 $0x38, v47  }
0xf3: {  	[tilespmem:s1+$0x17600] =	vst v0;
	v0 =	vld.idx.msk [tilespmem:v59+s10+$0x0], $0xffff;
	v59 =	vadd.s32 v35, v51  }
0xf4: {  	v50 =	vbroadcast v50, $0x0;
	v51 =	vadd.s32 v62, v51;
	v62 =	vld [tilespmem:$0x1FFD0]  }
0xf5: {  	[tilespmem:s1+$0x17C00] =	vst v3;
	v3 =	vld.idx.msk [tilespmem:v60+s10+$0x0], $0xffff  }
0xf6: {  	[tilespmem:s1+$0x17E00] =	vst v4;
	v56 =	vadd.s32 v56, v50;
	v4 =	vld.idx.msk [tilespmem:v61+s10+$0x0], $0xffff  }
0xf7: {  	v61 =	vld [tilespmem:$0x1FF00]  }
0xf8: {  	[tilespmem:s1+$0x18000] =	vst v5;
	v60 =	vadd.s32 v49, v50;
	v5 =	vld.idx.msk [tilespmem:v59+s10+$0x0], $0xffff  }
0xf9: {  	v59 =	vadd.s32 v62, v50;
	v62 =	vld.idx.msk [tilespmem:v51+s10+$0x0], $0xffff  }
0xfa: {  	v51 =	vld [tilespmem:$0x1FE80]  }
0xfb: {  	[tilespmem:s1+$0x15210] =	vst v7;
	v7 =	vld.idx.msk [tilespmem:v56+s10+$0x0], $0xffff  }
0xfc: {  	v56 =	vld [tilespmem:$0x1FFB0]  }
0xfd: {  	[tilespmem:s1+$0x15410] =	vst v9;
	v9 =	vld.idx.msk [tilespmem:v60+s10+$0x0], $0xffff;
	v61 =	vadd.s32 v61, v50  }
0xfe: {  	v60 =	vld [tilespmem:$0x1FF10]  }
0xff: {  	v51 =	vadd.s32 v51, v50  }
0x100: {  	[tilespmem:s1+$0x18200] =	vst v63;
	v63 =	vld [tilespmem:$0x1FE90]  }
0x101: {  	[tilespmem:s1+$0x15810] =	vst v11;
	v56 =	vadd.s32 v56, v50;
	v11 =	vld.idx.msk [tilespmem:v59+s10+$0x0], $0xffff  }
0x102: {  	[tilespmem:s1+$0x15610] =	vst v10;
	v10 =	vld.idx.msk [tilespmem:v61+s10+$0x0], $0xffff  }
0x103: {  	v60 =	vadd.s32 v60, v50;
	v61 =	vld [tilespmem:$0x1FFA0]  }
0x104: {  	[tilespmem:s1+$0x15A10] =	vst v12;
	v12 =	vld.idx.msk [tilespmem:v51+s10+$0x0], $0xffff  }
0x105: {  	v51 =	vld [tilespmem:$0x1FF40]  }
0x106: {  	[tilespmem:s1+$0x15C10] =	vst v8;
	v8 =	vld.idx.msk [tilespmem:v56+s10+$0x0], $0xffff  }
0x107: {  	v59 =	vadd.s32 v63, v50;
	v56 =	vld [tilespmem:$0x1FF20]  }
0x108: {  	[tilespmem:s1+$0x15E10] =	vst v14;
	v14 =	vld.idx.msk [tilespmem:v60+s10+$0x0], $0xffff;
	v61 =	vadd.s32 v61, v50  }
0x109: {  	v60 =	vld [tilespmem:$0x1FF30]  }
0x10a: {  	v51 =	vadd.s32 v51, v50  }
0x10b: {  	v63 =	vld [tilespmem:$0x1FEF0]  }
0x10c: {  	[tilespmem:s1+$0x16210] =	vst v16;
	v16 =	vld.idx.msk [tilespmem:v59+s10+$0x0], $0xffff;
	v56 =	vadd.s32 v56, v50  }
0x10d: {  	[tilespmem:s1+$0x16010] =	vst v15;
	v15 =	vld.idx.msk [tilespmem:v61+s10+$0x0], $0xffff  }
0x10e: {  	v60 =	vadd.s32 v60, v50;
	v61 =	vld [tilespmem:$0x1FEA0]  }
0x10f: {  	[tilespmem:s1+$0x16410] =	vst v17;
	v17 =	vld.idx.msk [tilespmem:v51+s10+$0x0], $0xffff  }
0x110: {  	v51 =	vld [tilespmem:$0x1FEB0]  }
0x111: {  	[tilespmem:s1+$0x16610] =	vst v13;
	v59 =	vadd.s32 v63, v50;
	v13 =	vld.idx.msk [tilespmem:v56+s10+$0x0], $0xffff  }
0x112: {  	v56 =	vld [tilespmem:$0x1FEC0]  }
0x113: {  	[tilespmem:s1+$0x16810] =	vst v52;
	v52 =	vld.idx.msk [tilespmem:v60+s10+$0x0], $0xffff  }
0x114: {  	v60 =	vld [tilespmem:$0x1FED0]  }
0x115: {  	v63 =	vld [tilespmem:$0x1FE70];
	v61 =	vadd.s32 v61, v50  }
0x116: {  	[tilespmem:s1+$0x16C10] =	vst v54;
	v54 =	vld.idx.msk [tilespmem:v59+s10+$0x0], $0xffff;
	v59 =	vadd.s32 v36, v50  }
0x117: {  	v56 =	vadd.s32 v56, v50  }
0x118: {  	v51 =	vadd.s32 v51, v50  }
0x119: {  	v60 =	vadd.s32 v60, v50  }
0x11a: {  	[tilespmem:s1+$0x16A10] =	vst v53;
	v53 =	vld.idx.msk [tilespmem:v61+s10+$0x0], $0xffff;
	v61 =	vadd.s32 v63, v50  }
0x11b: {  	[tilespmem:s1+$0x17610] =	vst v0;
	v0 =	vld.idx.msk [tilespmem:v59+s10+$0x0], $0xffff;
	v63 =	vadd.s32 v37, v50  }
0x11c: {  	[tilespmem:s1+$0x17010] =	vst v2;
	v2 =	vld.idx.msk [tilespmem:v56+s10+$0x0], $0xffff;
	v56 =	vadd.s32 v38, v50  }
0x11d: {  	[tilespmem:s1+$0x16E10] =	vst v55;
	v55 =	vld.idx.msk [tilespmem:v51+s10+$0x0], $0xffff  }
0x11e: {  	s11 =	sor.u32 $0x30, s1;
	[tilespmem:s1+$0x17210] =	vst v57;
	v57 =	vld.idx.msk [tilespmem:v60+s10+$0x0], $0xffff;
	v60 =	vadd.s32 v43, v50  }
0x11f: {  	v47 =	vmov s11;
	[tilespmem:s1+$0x17410] =	vst v58;
	v58 =	vld.idx.msk [tilespmem:v61+s10+$0x0], $0xffff  }
0x120: {  	[tilespmem:s1+$0x17810] =	vst v1;
	v59 =	vadd.s32 v19, v50;
	v51 =	vmul.u32 $0x38, v47;
	v1 =	vld.idx.msk [tilespmem:v63+s10+$0x0], $0xffff  }
0x121: {  	[tilespmem:s1+$0x17A10] =	vst v6;
	v6 =	vld.idx.msk [tilespmem:v56+s10+$0x0], $0xffff  }
0x122: {  	v51 =	vbroadcast v51, $0x0;
	v61 =	vadd.s32 v41, v50;
	v56 =	vld [tilespmem:$0x1FFC0]  }
0x123: {  	[tilespmem:s1+$0x17C10] =	vst v3;
	v63 =	vadd.s32 v45, v50;
	v3 =	vld.idx.msk [tilespmem:v60+s10+$0x0], $0xffff  }
0x124: {  	v60 =	vadd.s32 v49, v51;
	v49 =	vld [tilespmem:$0x1FF00]  }
0x125: {  	[tilespmem:s1+$0x18010] =	vst v5;
	v5 =	vld.idx.msk [tilespmem:v59+s10+$0x0], $0xffff  }
0x126: {  	v59 =	vld [tilespmem:$0x1FFD0]  }
0x127: {  	[tilespmem:s1+$0x17E10] =	vst v4;
	v56 =	vadd.s32 v56, v51;
	v4 =	vld.idx.msk [tilespmem:v61+s10+$0x0], $0xffff  }
0x128: {  	[tilespmem:s1+$0x18210] =	vst v62;
	v62 =	vld.idx.msk [tilespmem:v63+s10+$0x0], $0xffff  }
0x129: {  	v61 =	vadd.s32 v49, v51;
	v49 =	vld [tilespmem:$0x1FE80]  }
0x12a: {  	[tilespmem:s1+$0x12220] =	vst v9;
	v9 =	vld.idx.msk [tilespmem:v60+s10+$0x0], $0xffff  }
0x12b: {  	v59 =	vadd.s32 v59, v51;
	v60 =	vld [tilespmem:$0x1FF10]  }
0x12c: {  	[tilespmem:s1+$0x12020] =	vst v7;
	v7 =	vld.idx.msk [tilespmem:v56+s10+$0x0], $0xffff  }
0x12d: {  	v56 =	vld [tilespmem:$0x1FFB0];
	_ =	sdelay $0x1  }
0x12e: {  	v63 =	vadd.s32 v49, v51;
	v49 =	vld [tilespmem:$0x1FFA0]  }
0x12f: {  	[tilespmem:s1+$0x12620] =	vst v11;
	v11 =	vld.idx.msk [tilespmem:v59+s10+$0x0], $0xffff;
	v60 =	vadd.s32 v60, v51  }
0x130: {  	[tilespmem:s1+$0x12420] =	vst v10;
	v59 =	vld [tilespmem:$0x1FE90]  }
0x131: {  	[tilespmem:s1+$0x12820] =	vst v12;
	v56 =	vadd.s32 v56, v51  }
0x132: {  	[tilespmem:s1+$0x12A20] =	vst v8;
	v10 =	vld.idx.msk [tilespmem:v61+s10+$0x0], $0xffff  }
0x133: {  	[tilespmem:s1+$0x12C20] =	vst v14;
	v61 =	vadd.s32 v49, v51;
	v49 =	vld [tilespmem:$0x1FF40]  }
0x134: {  	[tilespmem:s1+$0x12E20] =	vst v15;
	v14 =	vld.idx.msk [tilespmem:v60+s10+$0x0], $0xffff  }
0x135: {  	[tilespmem:s1+$0x13020] =	vst v16;
	v59 =	vadd.s32 v59, v51;
	v60 =	vld [tilespmem:$0x1FF30]  }
0x136: {  	[tilespmem:s1+$0x13220] =	vst v17;
	v8 =	vld.idx.msk [tilespmem:v56+s10+$0x0], $0xffff  }
0x137: {  	[tilespmem:s1+$0x13420] =	vst v13;
	v56 =	vld [tilespmem:$0x1FF20]  }
0x138: {  	[tilespmem:s1+$0x13620] =	vst v52;
	v12 =	vld.idx.msk [tilespmem:v63+s10+$0x0], $0xffff;
	v63 =	vadd.s32 v49, v51  }
0x139: {  	[tilespmem:s1+$0x13820] =	vst v53;
	v49 =	vld [tilespmem:$0x1FEA0]  }
0x13a: {  	[tilespmem:s1+$0x13A20] =	vst v54;
	v16 =	vld.idx.msk [tilespmem:v59+s10+$0x0], $0xffff;
	v60 =	vadd.s32 v60, v51  }
0x13b: {  	[tilespmem:s1+$0x13C20] =	vst v55;
	v59 =	vld [tilespmem:$0x1FEF0]  }
0x13c: {  	[tilespmem:s1+$0x13E20] =	vst v2;
	v15 =	vld.idx.msk [tilespmem:v61+s10+$0x0], $0xffff;
	v56 =	vadd.s32 v56, v51  }
0x13d: {  	[tilespmem:s1+$0x14020] =	vst v57;
	v17 =	vld.idx.msk [tilespmem:v63+s10+$0x0], $0xffff  }
0x13e: {  	[tilespmem:s1+$0x14220] =	vst v58;
	v61 =	vadd.s32 v49, v51;
	v63 =	vld [tilespmem:$0x1FEB0]  }
0x13f: {  	[tilespmem:s1+$0x14420] =	vst v0;
	v52 =	vld.idx.msk [tilespmem:v60+s10+$0x0], $0xffff  }
0x140: {  	v47 =	vadd.s32 v36, v51;
	[tilespmem:s1+$0x14620] =	vst v1;
	v60 =	vld [tilespmem:$0x1FED0]  }
0x141: {  	[tilespmem:s1+$0x14820] =	vst v6;
	v6 =	vadd.s32 v46, v50;
	v13 =	vld.idx.msk [tilespmem:v56+s10+$0x0], $0xffff  }
0x142: {  	[tilespmem:s1+$0x14A20] =	vst v3;
	v3 =	vadd.s32 v39, v50;
	v56 =	vld [tilespmem:$0x1FEC0]  }
0x143: {  	[tilespmem:s1+$0x14E20] =	vst v5;
	v59 =	vadd.s32 v59, v51;
	v53 =	vld.idx.msk [tilespmem:v61+s10+$0x0], $0xffff  }
0x144: {  	v45 =	vadd.s32 v45, v51;
	[tilespmem:s1+$0x14C20] =	vst v4;
	v61 =	vld [tilespmem:$0x1FE70]  }
0x145: {  	v0 =	vld.idx.msk [tilespmem:v47+s10+$0x0], $0xffff;
	[tilespmem:s1+$0x15020] =	vst v62;
	v49 =	vadd.s32 v63, v51  }
0x146: {  	v6 =	vld.idx.msk [tilespmem:v6+s10+$0x0], $0xffff;
	v60 =	vadd.s32 v60, v51  }
0x147: {  	v3 =	vld.idx.msk [tilespmem:v3+s10+$0x0], $0xffff  }
0x148: {  	v54 =	vld.idx.msk [tilespmem:v59+s10+$0x0], $0xffff;
	v56 =	vadd.s32 v56, v51  }
0x149: {  	v63 =	vld.idx.msk [tilespmem:v45+s10+$0x0], $0xffff;
	v61 =	vadd.s32 v61, v51  }
0x14a: {  	v55 =	vld.idx.msk [tilespmem:v49+s10+$0x0], $0xffff;
	v49 =	vadd.s32 v37, v51  }
0x14b: {  	v37 =	vadd.s32 v38, v51;
	v57 =	vld.idx.msk [tilespmem:v60+s10+$0x0], $0xffff  }
0x14c: {  	v38 =	vadd.s32 v43, v51;
	v43 =	vadd.s32 v19, v51;
	v19 =	vld [tilespmem:$0x1FFF0]  }
0x14d: {  	v41 =	vadd.s32 v41, v51;
	v2 =	vld.idx.msk [tilespmem:v56+s10+$0x0], $0xffff  }
0x14e: {  	v58 =	vld.idx.msk [tilespmem:v61+s10+$0x0], $0xffff  }
0x14f: {  	v5 =	vadd.s32 v48, v50;
	v1 =	vld.idx.msk [tilespmem:v49+s10+$0x0], $0xffff  }
0x150: {  	v4 =	vadd.s32 v40, v50;
	v56 =	vld.idx.msk [tilespmem:v37+s10+$0x0], $0xffff  }
0x151: {  	v60 =	vld.idx.msk [tilespmem:v38+s10+$0x0], $0xffff  }
0x152: {  	v61 =	vld.idx.msk [tilespmem:v41+s10+$0x0], $0xffff;
	v47 =	vadd.s32 v19, v50  }
0x153: {  	v59 =	vld.idx.msk [tilespmem:v43+s10+$0x0], $0xffff;
	[tilespmem:s1+$0x12030] =	vst v7;
	v7 =	vadd.s32 v42, v50  }
0x154: {  	v5 =	vld.idx.msk [tilespmem:v5+s10+$0x0], $0xffff;
	[tilespmem:s1+$0x12230] =	vst v9;
	v9 =	vadd.s32 v44, v50  }
0x155: {  	v4 =	vld.idx.msk [tilespmem:v4+s10+$0x0], $0xffff;
	[tilespmem:s1+$0x12430] =	vst v10;
	v10 =	vadd.s32 v18, v50  }
0x156: {  	[tilespmem:s1+$0x12630] =	vst v11;
	v11 =	vadd.s32 v20, v50;
	v19 =	vld [tilespmem:$0x1FFE0]  }
0x157: {  	[tilespmem:s1+$0x12830] =	vst v12;
	v12 =	vadd.s32 v21, v50;
	v62 =	vld.idx.msk [tilespmem:v47+s10+$0x0], $0xffff  }
0x158: {  	[tilespmem:s1+$0x12A30] =	vst v8;
	v8 =	vadd.s32 v22, v50;
	v7 =	vld.idx.msk [tilespmem:v7+s10+$0x0], $0xffff  }
0x159: {  	[tilespmem:s1+$0x12C30] =	vst v14;
	v14 =	vadd.s32 v23, v50;
	v9 =	vld.idx.msk [tilespmem:v9+s10+$0x0], $0xffff  }
0x15a: {  	[tilespmem:s1+$0x12E30] =	vst v15;
	v15 =	vadd.s32 v24, v50;
	v10 =	vld.idx.msk [tilespmem:v10+s10+$0x0], $0xffff  }
0x15b: {  	[tilespmem:s1+$0x13030] =	vst v16;
	v16 =	vadd.s32 v25, v50;
	v11 =	vld.idx.msk [tilespmem:v11+s10+$0x0], $0xffff  }
0x15c: {  	[tilespmem:s1+$0x13230] =	vst v17;
	v17 =	vadd.s32 v26, v50;
	v12 =	vld.idx.msk [tilespmem:v12+s10+$0x0], $0xffff  }
0x15d: {  	[tilespmem:s1+$0x13430] =	vst v13;
	v13 =	vadd.s32 v27, v50;
	v8 =	vld.idx.msk [tilespmem:v8+s10+$0x0], $0xffff  }
0x15e: {  	v49 =	vadd.s32 v28, v50;
	v14 =	vld.idx.msk [tilespmem:v14+s10+$0x0], $0xffff  }
0x15f: {  	[tilespmem:s1+$0x13630] =	vst v52;
	v37 =	vadd.s32 v29, v50;
	v15 =	vld.idx.msk [tilespmem:v15+s10+$0x0], $0xffff  }
0x160: {  	[tilespmem:s1+$0x13830] =	vst v53;
	v38 =	vadd.s32 v30, v50;
	v16 =	vld.idx.msk [tilespmem:v16+s10+$0x0], $0xffff  }
0x161: {  	[tilespmem:s1+$0x13A30] =	vst v54;
	v41 =	vadd.s32 v31, v50;
	v17 =	vld.idx.msk [tilespmem:v17+s10+$0x0], $0xffff  }
0x162: {  	[tilespmem:s1+$0x13C30] =	vst v55;
	v43 =	vadd.s32 v33, v50;
	v13 =	vld.idx.msk [tilespmem:v13+s10+$0x0], $0xffff  }
0x163: {  	v45 =	vadd.s32 v34, v50;
	[tilespmem:s1+$0x14030] =	vst v57;
	v52 =	vld.idx.msk [tilespmem:v49+s10+$0x0], $0xffff  }
0x164: {  	[tilespmem:s1+$0x14430] =	vst v0;
	v0 =	vadd.s32 v35, v50;
	v53 =	vld.idx.msk [tilespmem:v37+s10+$0x0], $0xffff  }
0x165: {  	[tilespmem:s1+$0x13E30] =	vst v2;
	v54 =	vld.idx.msk [tilespmem:v38+s10+$0x0], $0xffff  }
0x166: {  	v2 =	vadd.s32 v32, v50;
	[tilespmem:s1+$0x14630] =	vst v1;
	v1 =	vld.idx.msk [tilespmem:v41+s10+$0x0], $0xffff  }
0x167: {  	v50 =	vadd.s32 v19, v50;
	[tilespmem:s1+$0x14830] =	vst v56;
	v56 =	vld.idx.msk [tilespmem:v43+s10+$0x0], $0xffff  }
0x168: {  	v46 =	vadd.s32 v46, v51;
	[tilespmem:s1+$0x14230] =	vst v58;
	v58 =	vld.idx.msk [tilespmem:v45+s10+$0x0], $0xffff  }
0x169: {  	[tilespmem:s1+$0x15030] =	vst v63;
	v47 =	vadd.s32 v39, v51;
	v0 =	vld.idx.msk [tilespmem:v0+s10+$0x0], $0xffff  }
0x16a: {  	[tilespmem:s1+$0x14A30] =	vst v60;
	v37 =	vadd.s32 v40, v51;
	v39 =	vld [tilespmem:$0x1FFF0]  }
0x16b: {  	[tilespmem:s1+$0x14C30] =	vst v61;
	v38 =	vadd.s32 v48, v51;
	v2 =	vld.idx.msk [tilespmem:v2+s10+$0x0], $0xffff  }
0x16c: {  	[tilespmem:s1+$0x14E30] =	vst v59;
	v48 =	vadd.s32 v18, v51;
	v50 =	vld.idx.msk [tilespmem:v50+s10+$0x0], $0xffff  }
0x16d: {  	v49 =	vadd.s32 v20, v51;
	[tilespmem:s1+$0x15220] =	vst v6;
	v6 =	vld.idx.msk [tilespmem:v46+s10+$0x0], $0xffff  }
0x16e: {  	v20 =	vadd.s32 v21, v51;
	[tilespmem:s1+$0x15420] =	vst v3;
	v3 =	vld.idx.msk [tilespmem:v47+s10+$0x0], $0xffff  }
0x16f: {  	v21 =	vadd.s32 v22, v51;
	[tilespmem:s1+$0x15620] =	vst v4;
	v4 =	vld.idx.msk [tilespmem:v37+s10+$0x0], $0xffff  }
0x170: {  	v22 =	vadd.s32 v23, v51;
	[tilespmem:s1+$0x15820] =	vst v5;
	v5 =	vld.idx.msk [tilespmem:v38+s10+$0x0], $0xffff  }
0x171: {  	v23 =	vadd.s32 v24, v51;
	[tilespmem:s1+$0x16020] =	vst v10;
	v10 =	vld.idx.msk [tilespmem:v48+s10+$0x0], $0xffff  }
0x172: {  	v24 =	vadd.s32 v25, v51;
	[tilespmem:s1+$0x16220] =	vst v11;
	v11 =	vld.idx.msk [tilespmem:v49+s10+$0x0], $0xffff  }
0x173: {  	v25 =	vadd.s32 v26, v51;
	[tilespmem:s1+$0x16420] =	vst v12;
	v12 =	vld.idx.msk [tilespmem:v20+s10+$0x0], $0xffff  }
0x174: {  	v26 =	vadd.s32 v27, v51;
	[tilespmem:s1+$0x16620] =	vst v8;
	v8 =	vld.idx.msk [tilespmem:v21+s10+$0x0], $0xffff  }
0x175: {  	v27 =	vadd.s32 v28, v51;
	[tilespmem:s1+$0x16820] =	vst v14;
	v14 =	vld.idx.msk [tilespmem:v22+s10+$0x0], $0xffff  }
0x176: {  	v46 =	vadd.s32 v42, v51;
	[tilespmem:s1+$0x16A20] =	vst v15;
	v15 =	vld.idx.msk [tilespmem:v23+s10+$0x0], $0xffff  }
0x177: {  	[tilespmem:s1+$0x16C20] =	vst v16;
	v16 =	vld.idx.msk [tilespmem:v24+s10+$0x0], $0xffff  }
0x178: {  	v28 =	vadd.s32 v29, v51;
	[tilespmem:s1+$0x16E20] =	vst v17;
	v17 =	vld.idx.msk [tilespmem:v25+s10+$0x0], $0xffff  }
0x179: {  	v29 =	vadd.s32 v30, v51;
	[tilespmem:s1+$0x17020] =	vst v13;
	v13 =	vld.idx.msk [tilespmem:v26+s10+$0x0], $0xffff  }
0x17a: {  	v30 =	vadd.s32 v31, v51;
	v31 =	vadd.s32 v32, v51;
	[tilespmem:s1+$0x15A20] =	vst v62;
	v32 =	vld.idx.msk [tilespmem:v27+s10+$0x0], $0xffff  }
0x17b: {  	v45 =	vadd.s32 v39, v51;
	[tilespmem:s1+$0x15C20] =	vst v7;
	v7 =	vld.idx.msk [tilespmem:v46+s10+$0x0], $0xffff  }
0x17c: {  	v47 =	vadd.s32 v44, v51;
	[tilespmem:s1+$0x15E20] =	vst v9;
	v46 =	vld [tilespmem:$0x1FFE0]  }
0x17d: {  	[tilespmem:s1+$0x17220] =	vst v52;
	v37 =	vld.idx.msk [tilespmem:v28+s10+$0x0], $0xffff  }
0x17e: {  	v33 =	vadd.s32 v33, v51;
	[tilespmem:s1+$0x17420] =	vst v53;
	v39 =	vld.idx.msk [tilespmem:v29+s10+$0x0], $0xffff  }
0x17f: {  	v38 =	vadd.s32 v34, v51;
	[tilespmem:s1+$0x17820] =	vst v1;
	v1 =	vld.idx.msk [tilespmem:v30+s10+$0x0], $0xffff  }
0x180: {  	[tilespmem:s1+$0x17620] =	vst v54;
	v61 =	vld.idx.msk [tilespmem:v45+s10+$0x0], $0xffff;
	v45 =	vadd.s32 v35, v51  }
0x181: {  	[tilespmem:s1+$0x17C20] =	vst v56;
	v9 =	vld.idx.msk [tilespmem:v47+s10+$0x0], $0xffff;
	v51 =	vadd.s32 v46, v51  }
0x182: {  	[tilespmem:s1+$0x17A20] =	vst v2;
	v2 =	vld.idx.msk [tilespmem:v31+s10+$0x0], $0xffff  }
0x183: {  	[tilespmem:s1+$0x17E20] =	vst v58;
	v47 =	vld.idx.msk [tilespmem:v33+s10+$0x0], $0xffff  }
0x184: {  	[tilespmem:s1+$0x18020] =	vst v0;
	v62 =	vld.idx.msk [tilespmem:v38+s10+$0x0], $0xffff  }
0x185: {  	[tilespmem:s1+$0x18220] =	vst v50;
	v0 =	vld.idx.msk [tilespmem:v45+s10+$0x0], $0xffff  }
0x186: {  	v63 =	vld.idx.msk [tilespmem:v51+s10+$0x0], $0xffff;
	[tilespmem:s1+$0x15230] =	vst v6  }
0x187: {  	[tilespmem:s1+$0x15430] =	vst v3  }
0x188: {  	[tilespmem:s1+$0x15630] =	vst v4  }
0x189: {  	[tilespmem:s1+$0x15830] =	vst v5  }
0x18a: {  	[tilespmem:s1+$0x15A30] =	vst v61  }
0x18b: {  	[tilespmem:s1+$0x15C30] =	vst v7  }
0x18c: {  	[tilespmem:s1+$0x15E30] =	vst v9  }
0x18d: {  	[tilespmem:s1+$0x16030] =	vst v10  }
0x18e: {  	v6 =	vld [tilespmem:$0x1FFA0];
	[tilespmem:s1+$0x16230] =	vst v11  }
0x18f: {  	v3 =	vld [tilespmem:$0x1FE80];
	[tilespmem:s1+$0x16430] =	vst v12  }
0x190: {  	v4 =	vld [tilespmem:$0x1FFB0];
	[tilespmem:s1+$0x16630] =	vst v8  }
0x191: {  	v5 =	vld [tilespmem:$0x1FF10];
	[tilespmem:s1+$0x16830] =	vst v14  }
0x192: {  	v7 =	vld [tilespmem:$0x1FE90];
	[tilespmem:s1+$0x16A30] =	vst v15  }
0x193: {  	v9 =	vld [tilespmem:$0x1FF20];
	[tilespmem:s1+$0x16C30] =	vst v16  }
0x194: {  	v10 =	vld [tilespmem:$0x1FF30];
	[tilespmem:s1+$0x16E30] =	vst v17  }
0x195: {  	v11 =	vld [tilespmem:$0x1FEA0];
	[tilespmem:s1+$0x17030] =	vst v13  }
0x196: {  	v12 =	vld [tilespmem:$0x1FEF0];
	[tilespmem:s1+$0x17230] =	vst v32  }
0x197: {  	v8 =	vld [tilespmem:$0x1FF40];
	[tilespmem:s1+$0x17430] =	vst v37  }
0x198: {  	v14 =	vld [tilespmem:$0x1FEC0];
	[tilespmem:s1+$0x17630] =	vst v39  }
0x199: {  	p0 =	slt.u32 s31, $0x1C;
	v15 =	vld [tilespmem:$0x1FED0];
	[tilespmem:s1+$0x17830] =	vst v1  }
.Ltmp0:
0x19a: {  	v16 =	vld [tilespmem:$0x1FE70];
	[tilespmem:s1+$0x17A30] =	vst v2;
	(pc) =	sbr.rel @p0 .LBB2_3-.Ltmp0, $4  }
0x19b: {  	v13 =	vld [tilespmem:$0x1FEB0];
	[tilespmem:s1+$0x17C30] =	vst v47  }
0x19c: {  	v1 =	vld [tilespmem:$0x1FF00];
	[tilespmem:s1+$0x17E30] =	vst v62  }
0x19d: {  	s11 =	sadd.s32 $0x4, s31;
	v2 =	vld [tilespmem:$0x1FFD0];
	[tilespmem:s1+$0x18030] =	vst v0  }
0x19e: {  	s31 =	smov.u32 s11;
	v17 =	vmov v36;
	v0 =	vld [tilespmem:$0x1FFC0];
	[tilespmem:s1+$0x18230] =	vst v63  }
0x19f: {  	s1 =	sshll.u32 s29, $0xA  }
0x1a0: {  	s1 =	sadd.s32 s5, s1  }
0x1a1: {  	s1 =	sshrl.u32 s1, $0x3  }
0x1a2: {  	s1 =	sadd.s32 s4, s1  }
0x1a3: {  	[hbm4b:s1+s21] =	stream.strided.scatter [tilespmem:s23], [sflag:$0x3], $0x6400, s22, s21, $0x38;
	[tilespmem:$0x1E800] =	vst v63  }
0x1a4: {  	_ =	swait.ge [sflag:s16], $0x1C00  }
0x1a5: {  	[sflag:s16] =	ssyncset.done $0x0  }
0x1a6: {  	[sflag:s16] =	ssyncadd.s32 $0xFFFFE400  }
0x1a7: {  	_ =	swait.ge [sflag:s16], $0x1C00  }
0x1a8: {  	[sflag:s16] =	ssyncset.done $0x0  }
0x1a9: {  	[sflag:s16] =	ssyncadd.s32 $0xFFFFE400  }
0x1aa: {  	_ =	swait.ge [sflag:s16], $0x1C00  }
0x1ab: {  	[sflag:s16] =	ssyncset.done $0x0  }
0x1ac: {  	p0 =	seq.s32 s29, $0xF;
	[sflag:s16] =	ssyncadd.s32 $0xFFFFE400  }
0x1ad: {  	s1 =	sshll.u32 @!p0 s29, $0xA;
	_ =	swait.ge [sflag:s16], $0x1C00  }
0x1ae: {  	s31 =	simm.s32 @!p0 $0x80;
	s1 =	sand.u32 @!p0 $0x3FFFFC00, s1;
	[sflag:s16] =	ssyncset.done $0x0  }
0x1af: {  	s11 =	simm.s32 @!p0 $0x4000;
	s2 =	sadd.s32 @!p0 $0x400, s1;
	[sflag:s16] =	ssyncadd.s32 $0xFFFFE400  }
0x1b0: {  	[tilespmem:s11], [sflag:$0x2] =	stream.indirect.gather @!p0 [hbm4b:s0+s31], $0x38, s2, s31, $0xb8;
	[tilespmem:$0x1E800] =	vst v63  }
0x1b1: {  	s2 =	sadd.s32 @!p0 $0x480, s1;
	s11 =	simm.s32 @!p0 $0x5C00  }
0x1b2: {  	[tilespmem:s11], [sflag:$0x2] =	stream.indirect.gather @!p0 [hbm4b:s0+s31], $0x38, s2, s31, $0xb8;
	[tilespmem:$0x1E800] =	vst v63  }
0x1b3: {  	s2 =	sadd.s32 @!p0 $0x500, s1;
	s11 =	simm.s32 @!p0 $0x7800  }
0x1b4: {  	[tilespmem:s11], [sflag:$0x2] =	stream.indirect.gather @!p0 [hbm4b:s0+s31], $0x38, s2, s31, $0xb8;
	[tilespmem:$0x1E800] =	vst v63  }
0x1b5: {  	p1 =	seq.s32 @!p0 s29, $0x0;
	s1 =	sadd.s32 @!p0 $0x580, s1;
	s2 =	simm.s32 @!p0 $0x9400  }
0x1b6: {  	[tilespmem:s2], [sflag:$0x2] =	stream.indirect.gather @!p0 [hbm4b:s0+s31], $0x38, s1, s31, $0xb8;
	[tilespmem:$0x1E800] =	vst v63  }
0x1b7: {  	p0 =	por p0, !p1  }
0x1b8: {  	_ =	swait.ge @p0 [sflag:s26], $0x6400  }
0x1b9: {  	[sflag:s26] =	ssyncset.done @p0 $0x0;
	v51 =	vld [tilespmem:$0x1FE50]  }
0x1ba: {  	s31 =	simm.s32 $0x0;
	v59 =	vld [tilespmem:$0x1FE60];
	[sflag:s26] =	ssyncadd.s32 @p0 $0xFFFF9C00  }
.LBB2_5:
0x1bb: {  	s1 =	sshll.u32 s31, $0x4  }
0x1bc: {  	v41 =	vld [tilespmem:$0x1FFC0];
	v0 =	vmov s1  }
0x1bd: {  	v0 =	vmul.u32 $0x38, v0;
	_ =	sdelay $0x1  }
0x1be: {  	v50 =	vbroadcast v0, $0x0  }
0x1bf: {  	v42 =	vld [tilespmem:$0x1FF00]  }
0x1c0: {  	v0 =	vadd.s32 v41, v50  }
0x1c1: {  	v43 =	vld [tilespmem:$0x1FFD0]  }
0x1c2: {  	v1 =	vadd.s32 v51, v50  }
0x1c3: {  	v45 =	vld [tilespmem:$0x1FE80]  }
0x1c4: {  	v2 =	vadd.s32 v42, v50  }
0x1c5: {  	v0 =	vld.idx.msk [tilespmem:v0+s17+$0x0], $0xffff  }
0x1c6: {  	v3 =	vadd.s32 v43, v50;
	v46 =	vld [tilespmem:$0x1FFB0]  }
0x1c7: {  	v1 =	vld.idx.msk [tilespmem:v1+s17+$0x0], $0xffff  }
0x1c8: {  	v4 =	vadd.s32 v45, v50;
	v47 =	vld [tilespmem:$0x1FF10]  }
0x1c9: {  	v2 =	vld.idx.msk [tilespmem:v2+s17+$0x0], $0xffff  }
0x1ca: {  	v48 =	vld [tilespmem:$0x1FFA0]  }
0x1cb: {  	v3 =	vld.idx.msk [tilespmem:v3+s17+$0x0], $0xffff  }
0x1cc: {  	v49 =	vld [tilespmem:$0x1FE90]  }
0x1cd: {  	v4 =	vld.idx.msk [tilespmem:v4+s17+$0x0], $0xffff  }
0x1ce: {  	v28 =	vld [tilespmem:$0x1FF40]  }
0x1cf: {  	v27 =	vld [tilespmem:$0x1FF20]  }
0x1d0: {  	v26 =	vld [tilespmem:$0x1FF30]  }
0x1d1: {  	v25 =	vld [tilespmem:$0x1FEA0]  }
0x1d2: {  	v24 =	vld [tilespmem:$0x1FEF0]  }
0x1d3: {  	v23 =	vld [tilespmem:$0x1FEB0]  }
0x1d4: {  	v22 =	vld [tilespmem:$0x1FEC0]  }
0x1d5: {  	v21 =	vld [tilespmem:$0x1FED0]  }
0x1d6: {  	v19 =	vld [tilespmem:$0x1FE70]  }
0x1d7: {  	v18 =	vld [tilespmem:$0x1FEE0]  }
0x1d8: {  	v20 =	vld [tilespmem:$0x1FF80]  }
0x1d9: {  	s2 =	sor.u32 $0x10, s1;
	v35 =	vadd.s32 v59, v50;
	v31 =	vld [tilespmem:$0x1FF90]  }
0x1da: {  	v54 =	vmov s2;
	v34 =	vld [tilespmem:$0x1FF50]  }
0x1db: {  	v54 =	vmul.u32 $0x38, v54;
	v32 =	vld [tilespmem:$0x1FF60]  }
0x1dc: {  	v33 =	vld [tilespmem:$0x1FF70]  }
0x1dd: {  	v51 =	vbroadcast v54, $0x0;
	v60 =	vld [tilespmem:$0x1FE50];
	v5 =	vadd.s32 v46, v50;
	v6 =	vadd.s32 v47, v50  }
0x1de: {  	v54 =	vld.idx.msk [tilespmem:v35+s17+$0x0], $0xffff;
	v7 =	vadd.s32 v48, v50;
	v8 =	vadd.s32 v49, v50;
	v9 =	vadd.s32 v28, v50  }
0x1df: {  	v10 =	vadd.s32 v27, v50;
	v12 =	vadd.s32 v25, v50;
	v58 =	vadd.s32 v34, v50;
	v34 =	vld [tilespmem:$0x1FF80]  }
0x1e0: {  	v52 =	vadd.s32 v20, v50;
	v20 =	vadd.s32 v27, v51;
	v27 =	vadd.s32 v25, v51;
	v25 =	vld [tilespmem:$0x1FCE0]  }
0x1e1: {  	v30 =	vadd.s32 v18, v50;
	v56 =	vadd.s32 v33, v50;
	v33 =	vadd.s32 v18, v51;
	v18 =	vld [tilespmem:$0x1FD20]  }
0x1e2: {  	v5 =	vld.idx.msk [tilespmem:v5+s17+$0x0], $0xffff  }
0x1e3: {  	v11 =	vadd.s32 v26, v50;
	v6 =	vld.idx.msk [tilespmem:v6+s17+$0x0], $0xffff  }
0x1e4: {  	v7 =	vld.idx.msk [tilespmem:v7+s17+$0x0], $0xffff  }
0x1e5: {  	v13 =	vadd.s32 v24, v50;
	v8 =	vld.idx.msk [tilespmem:v8+s17+$0x0], $0xffff  }
0x1e6: {  	v14 =	vadd.s32 v23, v50;
	v9 =	vld.idx.msk [tilespmem:v9+s17+$0x0], $0xffff  }
0x1e7: {  	v15 =	vadd.s32 v22, v50;
	v10 =	vld.idx.msk [tilespmem:v10+s17+$0x0], $0xffff  }
0x1e8: {  	v16 =	vadd.s32 v21, v50;
	v11 =	vld.idx.msk [tilespmem:v11+s17+$0x0], $0xffff  }
0x1e9: {  	v17 =	vadd.s32 v19, v50;
	v12 =	vld.idx.msk [tilespmem:v12+s17+$0x0], $0xffff  }
0x1ea: {  	v13 =	vld.idx.msk [tilespmem:v13+s17+$0x0], $0xffff  }
0x1eb: {  	v14 =	vld.idx.msk [tilespmem:v14+s17+$0x0], $0xffff  }
0x1ec: {  	v53 =	vadd.s32 v31, v50;
	v15 =	vld.idx.msk [tilespmem:v15+s17+$0x0], $0xffff  }
0x1ed: {  	v55 =	vadd.s32 v32, v50;
	v16 =	vld.idx.msk [tilespmem:v16+s17+$0x0], $0xffff  }
0x1ee: {  	v17 =	vld.idx.msk [tilespmem:v17+s17+$0x0], $0xffff  }
0x1ef: {  	v57 =	vld.idx.msk [tilespmem:v30+s17+$0x0], $0xffff  }
0x1f0: {  	v36 =	vadd.s32 v41, v51;
	v52 =	vld.idx.msk [tilespmem:v52+s17+$0x0], $0xffff  }
0x1f1: {  	v60 =	vadd.s32 v60, v51;
	v53 =	vld.idx.msk [tilespmem:v53+s17+$0x0], $0xffff  }
0x1f2: {  	v61 =	vadd.s32 v42, v51;
	v55 =	vld.idx.msk [tilespmem:v55+s17+$0x0], $0xffff  }
0x1f3: {  	v62 =	vadd.s32 v43, v51;
	v56 =	vld.idx.msk [tilespmem:v56+s17+$0x0], $0xffff  }
0x1f4: {  	v63 =	vadd.s32 v45, v51;
	v58 =	vld.idx.msk [tilespmem:v58+s17+$0x0], $0xffff  }
0x1f5: {  	[tilespmem:s1+$0x18400] =	vst v0;
	v0 =	vld.idx.msk [tilespmem:v36+s17+$0x0], $0xffff  }
0x1f6: {  	[tilespmem:s1+$0x18600] =	vst v1;
	v1 =	vld.idx.msk [tilespmem:v60+s17+$0x0], $0xffff  }
0x1f7: {  	[tilespmem:s1+$0x18800] =	vst v2;
	v2 =	vld.idx.msk [tilespmem:v61+s17+$0x0], $0xffff  }
0x1f8: {  	v37 =	vadd.s32 v46, v51;
	[tilespmem:s1+$0x18A00] =	vst v3;
	v3 =	vld.idx.msk [tilespmem:v62+s17+$0x0], $0xffff  }
0x1f9: {  	v38 =	vadd.s32 v47, v51;
	[tilespmem:s1+$0x18C00] =	vst v4;
	v4 =	vld.idx.msk [tilespmem:v63+s17+$0x0], $0xffff  }
0x1fa: {  	v39 =	vadd.s32 v48, v51;
	v36 =	vld [tilespmem:$0x1FF90]  }
0x1fb: {  	v40 =	vadd.s32 v49, v51;
	v62 =	vld [tilespmem:$0x1FF50]  }
0x1fc: {  	v44 =	vadd.s32 v28, v51;
	v35 =	vadd.s32 v34, v51;
	v34 =	vld [tilespmem:$0x1FDA0]  }
0x1fd: {  	[tilespmem:s1+$0x18E00] =	vst v5;
	v5 =	vld.idx.msk [tilespmem:v37+s17+$0x0], $0xffff  }
0x1fe: {  	v26 =	vadd.s32 v26, v51;
	[tilespmem:s1+$0x19000] =	vst v6;
	v6 =	vld.idx.msk [tilespmem:v38+s17+$0x0], $0xffff  }
0x1ff: {  	[tilespmem:s1+$0x19200] =	vst v7;
	v7 =	vld.idx.msk [tilespmem:v39+s17+$0x0], $0xffff  }
0x200: {  	v28 =	vadd.s32 v24, v51;
	[tilespmem:s1+$0x19400] =	vst v8;
	v8 =	vld.idx.msk [tilespmem:v40+s17+$0x0], $0xffff  }
0x201: {  	v29 =	vadd.s32 v23, v51;
	[tilespmem:s1+$0x19600] =	vst v9;
	v9 =	vld.idx.msk [tilespmem:v44+s17+$0x0], $0xffff  }
0x202: {  	v30 =	vadd.s32 v22, v51;
	[tilespmem:s1+$0x19800] =	vst v10;
	v10 =	vld.idx.msk [tilespmem:v20+s17+$0x0], $0xffff  }
0x203: {  	v31 =	vadd.s32 v21, v51;
	[tilespmem:s1+$0x19A00] =	vst v11;
	v11 =	vld.idx.msk [tilespmem:v26+s17+$0x0], $0xffff  }
0x204: {  	[tilespmem:s1+$0x19C00] =	vst v12;
	v12 =	vld.idx.msk [tilespmem:v27+s17+$0x0], $0xffff  }
0x205: {  	v32 =	vadd.s32 v19, v51;
	[tilespmem:s1+$0x19E00] =	vst v13;
	v13 =	vld.idx.msk [tilespmem:v28+s17+$0x0], $0xffff  }
0x206: {  	[tilespmem:s1+$0x1A000] =	vst v14;
	v14 =	vld.idx.msk [tilespmem:v29+s17+$0x0], $0xffff  }
0x207: {  	[tilespmem:s1+$0x1A200] =	vst v15;
	v15 =	vld.idx.msk [tilespmem:v30+s17+$0x0], $0xffff  }
0x208: {  	[tilespmem:s1+$0x1A400] =	vst v16;
	v16 =	vld.idx.msk [tilespmem:v31+s17+$0x0], $0xffff  }
0x209: {  	v38 =	vld [tilespmem:$0x1FF60]  }
0x20a: {  	[tilespmem:s1+$0x1A600] =	vst v17;
	v17 =	vld.idx.msk [tilespmem:v32+s17+$0x0], $0xffff  }
0x20b: {  	v40 =	vld [tilespmem:$0x1FF70]  }
0x20c: {  	[tilespmem:s1+$0x1A800] =	vst v57;
	v57 =	vld.idx.msk [tilespmem:v33+s17+$0x0], $0xffff  }
0x20d: {  	[tilespmem:s1+$0x1AA00] =	vst v52;
	v52 =	vld.idx.msk [tilespmem:v35+s17+$0x0], $0xffff  }
0x20e: {  	v21 =	vadd.s32 v25, v50;
	[tilespmem:s1+$0x1B400] =	vst v54;
	v20 =	vld [tilespmem:$0x1FE60]  }
0x20f: {  	[tilespmem:s1+$0x1AC00] =	vst v53;
	v28 =	vld [tilespmem:$0x1FCF0]  }
0x210: {  	v37 =	vadd.s32 v36, v51;
	[tilespmem:s1+$0x1AE00] =	vst v55;
	v33 =	vld [tilespmem:$0x1FD00]  }
0x211: {  	v19 =	vadd.s32 v62, v51;
	[tilespmem:s1+$0x1B000] =	vst v56;
	v26 =	vld [tilespmem:$0x1FD10]  }
0x212: {  	[tilespmem:s1+$0x1B200] =	vst v58;
	v32 =	vld [tilespmem:$0x1FD90]  }
0x213: {  	v53 =	vld.idx.msk [tilespmem:v21+s17+$0x0], $0xffff;
	v39 =	vadd.s32 v38, v51  }
0x214: {  	v21 =	vld [tilespmem:$0x1FD40];
	v44 =	vadd.s32 v40, v51  }
0x215: {  	v63 =	vadd.s32 v20, v51;
	v59 =	vld.idx.msk [tilespmem:v37+s17+$0x0], $0xffff  }
0x216: {  	v62 =	vld.idx.msk [tilespmem:v19+s17+$0x0], $0xffff  }
0x217: {  	v29 =	vadd.s32 v18, v50;
	v19 =	vld [tilespmem:$0x1FD30]  }
0x218: {  	v60 =	vld.idx.msk [tilespmem:v39+s17+$0x0], $0xffff  }
0x219: {  	v61 =	vld.idx.msk [tilespmem:v44+s17+$0x0], $0xffff  }
0x21a: {  	v22 =	vadd.s32 v28, v50;
	v63 =	vld.idx.msk [tilespmem:v63+s17+$0x0], $0xffff;
	[tilespmem:s1+$0x18410] =	vst v0  }
0x21b: {  	v23 =	vadd.s32 v33, v50;
	v20 =	vld [tilespmem:$0x1FD60];
	[tilespmem:s1+$0x18610] =	vst v1  }
0x21c: {  	v24 =	vadd.s32 v26, v50;
	v35 =	vld.idx.msk [tilespmem:v29+s17+$0x0], $0xffff;
	[tilespmem:s1+$0x18810] =	vst v2  }
0x21d: {  	v29 =	vld [tilespmem:$0x1FDB0];
	[tilespmem:s1+$0x18A10] =	vst v3  }
0x21e: {  	v44 =	vld [tilespmem:$0x1FFF0];
	[tilespmem:s1+$0x18C10] =	vst v4  }
0x21f: {  	v55 =	vld.idx.msk [tilespmem:v22+s17+$0x0], $0xffff;
	[tilespmem:s1+$0x18E10] =	vst v5  }
0x220: {  	v56 =	vld.idx.msk [tilespmem:v23+s17+$0x0], $0xffff;
	[tilespmem:s1+$0x19010] =	vst v6  }
0x221: {  	v58 =	vld.idx.msk [tilespmem:v24+s17+$0x0], $0xffff;
	[tilespmem:s1+$0x19210] =	vst v7  }
0x222: {  	v22 =	vld [tilespmem:$0x1FD50];
	[tilespmem:s1+$0x19410] =	vst v8  }
0x223: {  	v31 =	vadd.s32 v21, v50;
	v23 =	vld [tilespmem:$0x1FD70];
	[tilespmem:s1+$0x19610] =	vst v9  }
0x224: {  	v24 =	vld [tilespmem:$0x1FD80];
	[tilespmem:s1+$0x19810] =	vst v10  }
0x225: {  	v30 =	vadd.s32 v19, v50;
	[tilespmem:s1+$0x19A10] =	vst v11;
	v4 =	vld [tilespmem:$0x1FE30]  }
0x226: {  	[tilespmem:s1+$0x19C10] =	vst v12;
	v5 =	vld [tilespmem:$0x1FE40]  }
0x227: {  	v2 =	vadd.s32 v32, v50;
	[tilespmem:s1+$0x1AA10] =	vst v52;
	v52 =	vadd.s32 v25, v51;
	v25 =	vadd.s32 v26, v51;
	v26 =	vld [tilespmem:$0x1FFF0]  }
0x228: {  	v3 =	vadd.s32 v34, v50;
	[tilespmem:s1+$0x19E10] =	vst v13;
	v36 =	vld.idx.msk [tilespmem:v31+s17+$0x0], $0xffff  }
0x229: {  	[tilespmem:s1+$0x1A010] =	vst v14;
	v31 =	vld [tilespmem:$0x1FDE0]  }
0x22a: {  	[tilespmem:s1+$0x1A210] =	vst v15;
	v27 =	vadd.s32 v44, v50;
	v44 =	vadd.s32 v20, v50;
	v37 =	vld.idx.msk [tilespmem:v30+s17+$0x0], $0xffff  }
0x22b: {  	[tilespmem:s1+$0x1A410] =	vst v16;
	v1 =	vadd.s32 v24, v50;
	v30 =	vld [tilespmem:$0x1FDD0]  }
0x22c: {  	[tilespmem:s1+$0x1A610] =	vst v17;
	v7 =	vld.idx.msk [tilespmem:v2+s17+$0x0], $0xffff  }
0x22d: {  	[tilespmem:s1+$0x1A810] =	vst v57;
	v8 =	vld.idx.msk [tilespmem:v3+s17+$0x0], $0xffff  }
0x22e: {  	[tilespmem:s1+$0x1AC10] =	vst v59;
	v2 =	vld [tilespmem:$0x1FE10]  }
0x22f: {  	v21 =	vadd.s32 v21, v51;
	[tilespmem:s1+$0x1B210] =	vst v62;
	v39 =	vld.idx.msk [tilespmem:v44+s17+$0x0], $0xffff  }
0x230: {  	[tilespmem:s1+$0x1AE10] =	vst v60;
	v6 =	vld.idx.msk [tilespmem:v1+s17+$0x0], $0xffff  }
0x231: {  	[tilespmem:s1+$0x1B010] =	vst v61;
	v44 =	vadd.s32 v29, v50;
	v1 =	vld [tilespmem:$0x1FE00]  }
0x232: {  	v40 =	vadd.s32 v22, v50;
	v3 =	vld [tilespmem:$0x1FE20];
	[tilespmem:s1+$0x1B410] =	vst v63  }
0x233: {  	v0 =	vadd.s32 v23, v50;
	v52 =	vld.idx.msk [tilespmem:v52+s17+$0x0], $0xffff  }
0x234: {  	v59 =	vadd.s32 v28, v51;
	v28 =	vadd.s32 v26, v51;
	v26 =	vadd.s32 v20, v51;
	v20 =	vld.idx.msk [tilespmem:v21+s17+$0x0], $0xffff  }
0x235: {  	v54 =	vld.idx.msk [tilespmem:v27+s17+$0x0], $0xffff  }
0x236: {  	v9 =	vld.idx.msk [tilespmem:v44+s17+$0x0], $0xffff;
	v44 =	vadd.s32 v1, v50  }
0x237: {  	v38 =	vld.idx.msk [tilespmem:v40+s17+$0x0], $0xffff  }
0x238: {  	v17 =	vadd.s32 v4, v50;
	v40 =	vld.idx.msk [tilespmem:v0+s17+$0x0], $0xffff  }
0x239: {  	v57 =	vadd.s32 v5, v50;
	v27 =	vld [tilespmem:$0x1FDC0]  }
0x23a: {  	v60 =	vadd.s32 v33, v51;
	v33 =	vadd.s32 v18, v51;
	v0 =	vld [tilespmem:$0x1FDF0]  }
0x23b: {  	v12 =	vadd.s32 v31, v50;
	v14 =	vld.idx.msk [tilespmem:v44+s17+$0x0], $0xffff  }
0x23c: {  	v11 =	vadd.s32 v30, v50;
	v44 =	vld [tilespmem:$0x1FFE0]  }
0x23d: {  	v15 =	vadd.s32 v2, v50;
	v17 =	vld.idx.msk [tilespmem:v17+s17+$0x0], $0xffff  }
0x23e: {  	v16 =	vadd.s32 v3, v50;
	v57 =	vld.idx.msk [tilespmem:v57+s17+$0x0], $0xffff  }
0x23f: {  	v18 =	vld.idx.msk [tilespmem:v33+s17+$0x0], $0xffff;
	v10 =	vadd.s32 v27, v50  }
0x240: {  	v12 =	vld.idx.msk [tilespmem:v12+s17+$0x0], $0xffff;
	v13 =	vadd.s32 v0, v50  }
0x241: {  	v11 =	vld.idx.msk [tilespmem:v11+s17+$0x0], $0xffff;
	v50 =	vadd.s32 v44, v50  }
0x242: {  	v15 =	vld.idx.msk [tilespmem:v15+s17+$0x0], $0xffff  }
0x243: {  	v16 =	vld.idx.msk [tilespmem:v16+s17+$0x0], $0xffff  }
0x244: {  	v10 =	vld.idx.msk [tilespmem:v10+s17+$0x0], $0xffff  }
0x245: {  	v13 =	vld.idx.msk [tilespmem:v13+s17+$0x0], $0xffff  }
0x246: {  	v44 =	vadd.s32 v19, v51;
	v62 =	vld.idx.msk [tilespmem:v50+s17+$0x0], $0xffff;
	[tilespmem:s1+$0x1B800] =	vst v55  }
0x247: {  	v55 =	vld.idx.msk [tilespmem:v59+s17+$0x0], $0xffff;
	[tilespmem:s1+$0x1BA00] =	vst v56  }
0x248: {  	v33 =	vadd.s32 v24, v51;
	v56 =	vld.idx.msk [tilespmem:v60+s17+$0x0], $0xffff;
	[tilespmem:s1+$0x1BC00] =	vst v58  }
0x249: {  	v3 =	vadd.s32 v3, v51;
	v58 =	vld.idx.msk [tilespmem:v25+s17+$0x0], $0xffff;
	[tilespmem:s1+$0x1BE00] =	vst v54  }
0x24a: {  	v4 =	vadd.s32 v4, v51;
	v54 =	vld.idx.msk [tilespmem:v28+s17+$0x0], $0xffff;
	[tilespmem:s1+$0x1C000] =	vst v35  }
0x24b: {  	v24 =	vadd.s32 v5, v51;
	[tilespmem:s1+$0x1C200] =	vst v37;
	v19 =	vld.idx.msk [tilespmem:v44+s17+$0x0], $0xffff  }
0x24c: {  	v25 =	vadd.s32 v22, v51;
	[tilespmem:s1+$0x1C400] =	vst v36;
	v22 =	vld.idx.msk [tilespmem:v26+s17+$0x0], $0xffff  }
0x24d: {  	[tilespmem:s1+$0x1CC00] =	vst v6;
	v6 =	vld.idx.msk [tilespmem:v33+s17+$0x0], $0xffff  }
0x24e: {  	v28 =	vadd.s32 v23, v51;
	[tilespmem:s1+$0x1E000] =	vst v16;
	v16 =	vld.idx.msk [tilespmem:v3+s17+$0x0], $0xffff  }
0x24f: {  	v35 =	vadd.s32 v32, v51;
	[tilespmem:s1+$0x1E200] =	vst v17;
	v17 =	vld.idx.msk [tilespmem:v4+s17+$0x0], $0xffff  }
0x250: {  	v36 =	vadd.s32 v34, v51;
	[tilespmem:s1+$0x1E400] =	vst v57;
	v57 =	vld.idx.msk [tilespmem:v24+s17+$0x0], $0xffff  }
0x251: {  	[tilespmem:s1+$0x1C600] =	vst v38;
	v37 =	vadd.s32 v29, v51;
	v24 =	vld [tilespmem:$0x1FEF0]  }
0x252: {  	[tilespmem:s1+$0x1C800] =	vst v39;
	v38 =	vadd.s32 v27, v51;
	v21 =	vld.idx.msk [tilespmem:v25+s17+$0x0], $0xffff  }
0x253: {  	[tilespmem:s1+$0x1CA00] =	vst v40;
	v39 =	vadd.s32 v30, v51;
	v23 =	vld.idx.msk [tilespmem:v28+s17+$0x0], $0xffff  }
0x254: {  	s11 =	sor.u32 $0x20, s1;
	[tilespmem:s1+$0x1CE00] =	vst v7;
	v40 =	vadd.s32 v31, v51;
	v44 =	vadd.s32 v0, v51;
	v7 =	vld.idx.msk [tilespmem:v35+s17+$0x0], $0xffff  }
0x255: {  	[tilespmem:s1+$0x1D000] =	vst v8;
	v0 =	vadd.s32 v1, v51;
	v1 =	vadd.s32 v2, v51;
	v2 =	vmov s11;
	v8 =	vld.idx.msk [tilespmem:v36+s17+$0x0], $0xffff  }
0x256: {  	[tilespmem:s1+$0x1D200] =	vst v9;
	v50 =	vmul.u32 $0x38, v2;
	v9 =	vld.idx.msk [tilespmem:v37+s17+$0x0], $0xffff  }
0x257: {  	[tilespmem:s1+$0x1D400] =	vst v10;
	v10 =	vld.idx.msk [tilespmem:v38+s17+$0x0], $0xffff  }
0x258: {  	[tilespmem:s1+$0x1D600] =	vst v11;
	v50 =	vbroadcast v50, $0x0;
	v11 =	vld.idx.msk [tilespmem:v39+s17+$0x0], $0xffff  }
0x259: {  	[tilespmem:s1+$0x1D800] =	vst v12;
	v12 =	vld.idx.msk [tilespmem:v40+s17+$0x0], $0xffff  }
0x25a: {  	v25 =	vld [tilespmem:$0x1FFE0];
	v37 =	vadd.s32 v46, v50  }
0x25b: {  	v28 =	vld [tilespmem:$0x1FE50]  }
0x25c: {  	[tilespmem:s1+$0x1DA00] =	vst v13;
	v13 =	vld.idx.msk [tilespmem:v44+s17+$0x0], $0xffff;
	v38 =	vadd.s32 v47, v50  }
0x25d: {  	[tilespmem:s1+$0x1DC00] =	vst v14;
	v14 =	vld.idx.msk [tilespmem:v0+s17+$0x0], $0xffff;
	v39 =	vadd.s32 v48, v50  }
0x25e: {  	[tilespmem:s1+$0x1DE00] =	vst v15;
	v15 =	vld.idx.msk [tilespmem:v1+s17+$0x0], $0xffff  }
0x25f: {  	v40 =	vadd.s32 v49, v50;
	v0 =	vld.idx.msk [tilespmem:v37+s17+$0x0], $0xffff  }
0x260: {  	v51 =	vadd.s32 v25, v51;
	v59 =	vadd.s32 v28, v50;
	v28 =	vld [tilespmem:$0x1FF20]  }
0x261: {  	v26 =	vadd.s32 v41, v50;
	v1 =	vld.idx.msk [tilespmem:v38+s17+$0x0], $0xffff  }
0x262: {  	v2 =	vld.idx.msk [tilespmem:v39+s17+$0x0], $0xffff  }
0x263: {  	v33 =	vadd.s32 v42, v50;
	v25 =	vld [tilespmem:$0x1FEA0]  }
0x264: {  	v35 =	vadd.s32 v43, v50;
	v3 =	vld.idx.msk [tilespmem:v40+s17+$0x0], $0xffff  }
0x265: {  	[tilespmem:s1+$0x1E600] =	vst v62;
	v36 =	vadd.s32 v45, v50;
	v62 =	vld.idx.msk [tilespmem:v51+s17+$0x0], $0xffff  }
0x266: {  	[tilespmem:s1+$0x1B610] =	vst v52;
	v52 =	vld.idx.msk [tilespmem:v26+s17+$0x0], $0xffff  }
0x267: {  	[tilespmem:s1+$0x1B810] =	vst v55;
	v55 =	vld.idx.msk [tilespmem:v59+s17+$0x0], $0xffff  }
0x268: {  	[tilespmem:s1+$0x1BA10] =	vst v56;
	v56 =	vld.idx.msk [tilespmem:v33+s17+$0x0], $0xffff  }
0x269: {  	[tilespmem:s1+$0x1BC10] =	vst v58;
	v58 =	vld.idx.msk [tilespmem:v35+s17+$0x0], $0xffff  }
0x26a: {  	[tilespmem:s1+$0x1BE10] =	vst v54;
	v54 =	vld.idx.msk [tilespmem:v36+s17+$0x0], $0xffff  }
0x26b: {  	v33 =	vld [tilespmem:$0x1FF40]  }
0x26c: {  	v38 =	vadd.s32 v24, v50;
	v26 =	vld [tilespmem:$0x1FF30]  }
0x26d: {  	[tilespmem:s1+$0x1C810] =	vst v22;
	v22 =	vld [tilespmem:$0x1FEB0]  }
0x26e: {  	[tilespmem:s1+$0x1C610] =	vst v21;
	v21 =	vld [tilespmem:$0x1FEC0]  }
0x26f: {  	[tilespmem:s1+$0x1C410] =	vst v20;
	v20 =	vld [tilespmem:$0x1FED0]  }
0x270: {  	v35 =	vadd.s32 v28, v50;
	[tilespmem:s1+$0x1C210] =	vst v19;
	v19 =	vld [tilespmem:$0x1FE70]  }
0x271: {  	v37 =	vadd.s32 v25, v50;
	[tilespmem:s1+$0x1D010] =	vst v8;
	v8 =	vld.idx.msk [tilespmem:v38+s17+$0x0], $0xffff  }
0x272: {  	[tilespmem:s1+$0x1C010] =	vst v18;
	v18 =	vld [tilespmem:$0x1FEE0];
	v44 =	vadd.s32 v33, v50  }
0x273: {  	v38 =	vld [tilespmem:$0x1FF80];
	v36 =	vadd.s32 v26, v50  }
0x274: {  	v59 =	vld [tilespmem:$0x1FF60];
	v39 =	vadd.s32 v22, v50  }
0x275: {  	v5 =	vld.idx.msk [tilespmem:v35+s17+$0x0], $0xffff  }
0x276: {  	[tilespmem:s1+$0x1CE10] =	vst v7;
	v35 =	vadd.s32 v20, v50;
	v7 =	vld.idx.msk [tilespmem:v37+s17+$0x0], $0xffff  }
0x277: {  	v4 =	vld.idx.msk [tilespmem:v44+s17+$0x0], $0xffff  }
0x278: {  	[tilespmem:s1+$0x1CC10] =	vst v6;
	v37 =	vadd.s32 v18, v50;
	v6 =	vld.idx.msk [tilespmem:v36+s17+$0x0], $0xffff  }
0x279: {  	[tilespmem:s1+$0x1D210] =	vst v9;
	v9 =	vld.idx.msk [tilespmem:v39+s17+$0x0], $0xffff  }
0x27a: {  	v40 =	vadd.s32 v21, v50;
	v39 =	vld [tilespmem:$0x1FF90]  }
0x27b: {  	[tilespmem:s1+$0x1D610] =	vst v11;
	v63 =	vadd.s32 v38, v50;
	v11 =	vld.idx.msk [tilespmem:v35+s17+$0x0], $0xffff  }
0x27c: {  	[tilespmem:s1+$0x1B600] =	vst v53;
	v36 =	vadd.s32 v19, v50;
	v35 =	vld [tilespmem:$0x1FF70]  }
0x27d: {  	[tilespmem:s1+$0x1DA10] =	vst v13;
	v13 =	vld.idx.msk [tilespmem:v37+s17+$0x0], $0xffff  }
0x27e: {  	s11 =	sor.u32 $0x30, s1;
	[tilespmem:s1+$0x1CA10] =	vst v23;
	v23 =	vadd.s32 v59, v50;
	v37 =	vld [tilespmem:$0x1FF50]  }
0x27f: {  	[tilespmem:s1+$0x1D410] =	vst v10;
	v10 =	vld.idx.msk [tilespmem:v40+s17+$0x0], $0xffff;
	v40 =	vmov s11  }
0x280: {  	[tilespmem:s1+$0x1DC10] =	vst v14;
	v14 =	vld.idx.msk [tilespmem:v63+s17+$0x0], $0xffff;
	v51 =	vmul.u32 $0x38, v40  }
0x281: {  	[tilespmem:s1+$0x1D810] =	vst v12;
	v53 =	vadd.s32 v39, v50;
	v12 =	vld.idx.msk [tilespmem:v36+s17+$0x0], $0xffff  }
0x282: {  	v51 =	vbroadcast v51, $0x0;
	v36 =	vadd.s32 v35, v50;
	v39 =	vld [tilespmem:$0x1FE60]  }
0x283: {  	[tilespmem:s1+$0x1E010] =	vst v16;
	v16 =	vld.idx.msk [tilespmem:v23+s17+$0x0], $0xffff;
	v38 =	vadd.s32 v37, v50  }
0x284: {  	v40 =	vadd.s32 v41, v51;
	v41 =	vld [tilespmem:$0x1FE50]  }
0x285: {  	v44 =	vadd.s32 v43, v51;
	v43 =	vadd.s32 v18, v51;
	v18 =	vld [tilespmem:$0x1FDF0]  }
0x286: {  	[tilespmem:s1+$0x1DE10] =	vst v15;
	v15 =	vld.idx.msk [tilespmem:v53+s17+$0x0], $0xffff  }
0x287: {  	[tilespmem:s1+$0x1E210] =	vst v17;
	v63 =	vadd.s32 v39, v50;
	v17 =	vld.idx.msk [tilespmem:v36+s17+$0x0], $0xffff  }
0x288: {  	[tilespmem:s1+$0x1E410] =	vst v57;
	v57 =	vld.idx.msk [tilespmem:v38+s17+$0x0], $0xffff  }
0x289: {  	v59 =	vadd.s32 v41, v51;
	v38 =	vadd.s32 v24, v51;
	v24 =	vld [tilespmem:$0x1FF70]  }
0x28a: {  	v42 =	vadd.s32 v42, v51;
	v36 =	vadd.s32 v26, v51;
	v26 =	vld [tilespmem:$0x1FF50]  }
0x28b: {  	v39 =	vadd.s32 v22, v51;
	v22 =	vld [tilespmem:$0x1FD20]  }
0x28c: {  	[tilespmem:s1+$0x1E610] =	vst v62;
	v45 =	vadd.s32 v45, v51;
	v62 =	vld.idx.msk [tilespmem:v63+s17+$0x0], $0xffff  }
0x28d: {  	v46 =	vadd.s32 v46, v51;
	[tilespmem:s1+$0x18420] =	vst v52;
	v52 =	vld.idx.msk [tilespmem:v40+s17+$0x0], $0xffff  }
0x28e: {  	v47 =	vadd.s32 v47, v51;
	[tilespmem:s1+$0x18620] =	vst v55;
	v55 =	vld.idx.msk [tilespmem:v59+s17+$0x0], $0xffff  }
0x28f: {  	v48 =	vadd.s32 v48, v51;
	[tilespmem:s1+$0x18820] =	vst v56;
	v56 =	vld.idx.msk [tilespmem:v42+s17+$0x0], $0xffff  }
0x290: {  	v23 =	vadd.s32 v49, v51;
	[tilespmem:s1+$0x18A20] =	vst v58;
	v58 =	vld.idx.msk [tilespmem:v44+s17+$0x0], $0xffff  }
0x291: {  	v33 =	vadd.s32 v33, v51;
	[tilespmem:s1+$0x18C20] =	vst v54;
	v54 =	vld.idx.msk [tilespmem:v45+s17+$0x0], $0xffff  }
0x292: {  	v35 =	vadd.s32 v28, v51;
	[tilespmem:s1+$0x18E20] =	vst v0;
	v0 =	vld.idx.msk [tilespmem:v46+s17+$0x0], $0xffff  }
0x293: {  	[tilespmem:s1+$0x19020] =	vst v1;
	v1 =	vld.idx.msk [tilespmem:v47+s17+$0x0], $0xffff  }
0x294: {  	v37 =	vadd.s32 v25, v51;
	[tilespmem:s1+$0x19220] =	vst v2;
	v2 =	vld.idx.msk [tilespmem:v48+s17+$0x0], $0xffff  }
0x295: {  	[tilespmem:s1+$0x19420] =	vst v3;
	v3 =	vld.idx.msk [tilespmem:v23+s17+$0x0], $0xffff  }
0x296: {  	[tilespmem:s1+$0x19620] =	vst v4;
	v4 =	vld.idx.msk [tilespmem:v33+s17+$0x0], $0xffff  }
0x297: {  	[tilespmem:s1+$0x19820] =	vst v5;
	v5 =	vld.idx.msk [tilespmem:v35+s17+$0x0], $0xffff  }
0x298: {  	[tilespmem:s1+$0x19A20] =	vst v6;
	v6 =	vld.idx.msk [tilespmem:v36+s17+$0x0], $0xffff  }
0x299: {  	v41 =	vadd.s32 v20, v51;
	[tilespmem:s1+$0x19C20] =	vst v7;
	v7 =	vld.idx.msk [tilespmem:v37+s17+$0x0], $0xffff  }
0x29a: {  	[tilespmem:s1+$0x19E20] =	vst v8;
	v8 =	vld.idx.msk [tilespmem:v38+s17+$0x0], $0xffff  }
0x29b: {  	[tilespmem:s1+$0x1A020] =	vst v9;
	v9 =	vld.idx.msk [tilespmem:v39+s17+$0x0], $0xffff  }
0x29c: {  	v44 =	vld [tilespmem:$0x1FF80]  }
0x29d: {  	v46 =	vld [tilespmem:$0x1FF90]  }
0x29e: {  	[tilespmem:s1+$0x1A420] =	vst v11;
	v11 =	vld.idx.msk [tilespmem:v41+s17+$0x0], $0xffff  }
0x29f: {  	v48 =	vld [tilespmem:$0x1FF60]  }
0x2a0: {  	[tilespmem:s1+$0x1A820] =	vst v13;
	v13 =	vld.idx.msk [tilespmem:v43+s17+$0x0], $0xffff  }
0x2a1: {  	v33 =	vld [tilespmem:$0x1FE60]  }
0x2a2: {  	v23 =	vld [tilespmem:$0x1FCE0]  }
0x2a3: {  	v40 =	vadd.s32 v21, v51;
	v42 =	vadd.s32 v19, v51;
	v19 =	vld [tilespmem:$0x1FCF0]  }
0x2a4: {  	v21 =	vld [tilespmem:$0x1FD00]  }
0x2a5: {  	v25 =	vadd.s32 v24, v51;
	v39 =	vld [tilespmem:$0x1FFF0]  }
0x2a6: {  	v24 =	vld [tilespmem:$0x1FD30]  }
0x2a7: {  	v28 =	vadd.s32 v26, v51;
	v26 =	vld [tilespmem:$0x1FD40]  }
0x2a8: {  	[tilespmem:s1+$0x1A220] =	vst v10;
	v10 =	vld.idx.msk [tilespmem:v40+s17+$0x0], $0xffff  }
0x2a9: {  	[tilespmem:s1+$0x1A620] =	vst v12;
	v12 =	vld.idx.msk [tilespmem:v42+s17+$0x0], $0xffff  }
0x2aa: {  	v45 =	vadd.s32 v44, v51;
	v60 =	vld.idx.msk [tilespmem:v25+s17+$0x0], $0xffff  }
0x2ab: {  	v47 =	vadd.s32 v46, v51;
	v25 =	vld [tilespmem:$0x1FD10]  }
0x2ac: {  	v49 =	vadd.s32 v48, v51;
	v61 =	vld.idx.msk [tilespmem:v28+s17+$0x0], $0xffff  }
0x2ad: {  	[tilespmem:s1+$0x1AA20] =	vst v14;
	v63 =	vadd.s32 v33, v51;
	v28 =	vld [tilespmem:$0x1FD50]  }
0x2ae: {  	[tilespmem:s1+$0x1AC20] =	vst v15;
	v35 =	vadd.s32 v23, v50;
	v40 =	vadd.s32 v39, v50;
	v39 =	vld [tilespmem:$0x1FD80]  }
0x2af: {  	[tilespmem:s1+$0x1AE20] =	vst v16;
	v36 =	vadd.s32 v19, v50;
	v14 =	vld.idx.msk [tilespmem:v45+s17+$0x0], $0xffff  }
0x2b0: {  	[tilespmem:s1+$0x1B020] =	vst v17;
	v37 =	vadd.s32 v21, v50;
	v53 =	vld.idx.msk [tilespmem:v47+s17+$0x0], $0xffff  }
0x2b1: {  	[tilespmem:s1+$0x1B220] =	vst v57;
	v59 =	vld.idx.msk [tilespmem:v49+s17+$0x0], $0xffff  }
0x2b2: {  	[tilespmem:s1+$0x1B420] =	vst v62;
	v63 =	vld.idx.msk [tilespmem:v63+s17+$0x0], $0xffff  }
0x2b3: {  	v41 =	vadd.s32 v22, v50;
	v15 =	vld.idx.msk [tilespmem:v35+s17+$0x0], $0xffff  }
0x2b4: {  	v16 =	vld.idx.msk [tilespmem:v36+s17+$0x0], $0xffff  }
0x2b5: {  	v42 =	vadd.s32 v24, v50;
	v17 =	vld.idx.msk [tilespmem:v37+s17+$0x0], $0xffff  }
0x2b6: {  	v43 =	vadd.s32 v26, v50;
	v62 =	vld.idx.msk [tilespmem:v40+s17+$0x0], $0xffff  }
0x2b7: {  	v48 =	vadd.s32 v32, v50;
	v35 =	vld [tilespmem:$0x1FD60]  }
0x2b8: {  	v20 =	vmov v29;
	v29 =	vadd.s32 v29, v50;
	[tilespmem:s1+$0x18430] =	vst v52;
	v52 =	vld.idx.msk [tilespmem:v41+s17+$0x0], $0xffff  }
0x2b9: {  	v37 =	vld [tilespmem:$0x1FD70]  }
0x2ba: {  	[tilespmem:s1+$0x18630] =	vst v55;
	v55 =	vld.idx.msk [tilespmem:v42+s17+$0x0], $0xffff  }
0x2bb: {  	v38 =	vadd.s32 v25, v50;
	[tilespmem:s1+$0x18830] =	vst v56;
	v56 =	vld.idx.msk [tilespmem:v43+s17+$0x0], $0xffff  }
0x2bc: {  	v44 =	vadd.s32 v28, v50;
	[tilespmem:s1+$0x19230] =	vst v2;
	v2 =	vld.idx.msk [tilespmem:v48+s17+$0x0], $0xffff  }
0x2bd: {  	v47 =	vadd.s32 v39, v50;
	[tilespmem:s1+$0x19630] =	vst v4;
	v4 =	vld.idx.msk [tilespmem:v29+s17+$0x0], $0xffff  }
0x2be: {  	v49 =	vadd.s32 v34, v50;
	v29 =	vld [tilespmem:$0x1FE10]  }
0x2bf: {  	v36 =	vmov v32;
	v32 =	vld [tilespmem:$0x1FE40]  }
0x2c0: {  	v57 =	vld.idx.msk [tilespmem:v38+s17+$0x0], $0xffff;
	v45 =	vadd.s32 v35, v50  }
0x2c1: {  	[tilespmem:s1+$0x18A30] =	vst v58;
	v46 =	vadd.s32 v37, v50;
	v58 =	vld.idx.msk [tilespmem:v44+s17+$0x0], $0xffff  }
0x2c2: {  	[tilespmem:s1+$0x19030] =	vst v1;
	v44 =	vadd.s32 v27, v50;
	v1 =	vld.idx.msk [tilespmem:v47+s17+$0x0], $0xffff  }
0x2c3: {  	[tilespmem:s1+$0x19430] =	vst v3;
	v3 =	vld.idx.msk [tilespmem:v49+s17+$0x0], $0xffff  }
0x2c4: {  	v33 =	vmov v27;
	[tilespmem:s1+$0x18C30] =	vst v54;
	v27 =	vld [tilespmem:$0x1FE00]  }
0x2c5: {  	[tilespmem:s1+$0x18E30] =	vst v0;
	v54 =	vld.idx.msk [tilespmem:v45+s17+$0x0], $0xffff  }
0x2c6: {  	[tilespmem:s1+$0x19830] =	vst v5;
	v47 =	vadd.s32 v18, v50;
	v0 =	vld.idx.msk [tilespmem:v46+s17+$0x0], $0xffff  }
0x2c7: {  	[tilespmem:s1+$0x19A30] =	vst v6;
	v49 =	vadd.s32 v29, v50;
	v5 =	vld.idx.msk [tilespmem:v44+s17+$0x0], $0xffff  }
0x2c8: {  	[tilespmem:s1+$0x19C30] =	vst v7;
	v38 =	vmovc v34;
	v34 =	vmov v30;
	v43 =	vadd.s32 v32, v50;
	v45 =	vadd.s32 v30, v50;
	v30 =	vld [tilespmem:$0x1FE20]  }
0x2c9: {  	v40 =	vmov v31;
	[tilespmem:s1+$0x19E30] =	vst v8;
	v46 =	vadd.s32 v31, v50;
	v31 =	vld [tilespmem:$0x1FE30]  }
0x2ca: {  	[tilespmem:s1+$0x1A030] =	vst v9;
	v44 =	vld [tilespmem:$0x1FFE0]  }
0x2cb: {  	[tilespmem:s1+$0x1A230] =	vst v10;
	v48 =	vadd.s32 v27, v50;
	v8 =	vld.idx.msk [tilespmem:v47+s17+$0x0], $0xffff  }
0x2cc: {  	[tilespmem:s1+$0x1A430] =	vst v11;
	v10 =	vld.idx.msk [tilespmem:v49+s17+$0x0], $0xffff  }
0x2cd: {  	[tilespmem:s1+$0x1A830] =	vst v13;
	v13 =	vld.idx.msk [tilespmem:v43+s17+$0x0], $0xffff;
	v41 =	vadd.s32 v30, v50  }
0x2ce: {  	[tilespmem:s1+$0x1A630] =	vst v12;
	v6 =	vld.idx.msk [tilespmem:v45+s17+$0x0], $0xffff;
	v42 =	vadd.s32 v31, v50  }
0x2cf: {  	[tilespmem:s1+$0x1AA30] =	vst v14;
	v7 =	vld.idx.msk [tilespmem:v46+s17+$0x0], $0xffff;
	v14 =	vadd.s32 v44, v50  }
0x2d0: {  	[tilespmem:s1+$0x1B030] =	vst v60;
	v9 =	vld.idx.msk [tilespmem:v48+s17+$0x0], $0xffff;
	v50 =	vadd.s32 v23, v51  }
0x2d1: {  	[tilespmem:s1+$0x1B230] =	vst v61;
	v45 =	vadd.s32 v19, v51;
	v46 =	vadd.s32 v21, v51;
	v21 =	vld [tilespmem:$0x1FFF0]  }
0x2d2: {  	[tilespmem:s1+$0x1AC30] =	vst v53;
	v11 =	vld.idx.msk [tilespmem:v41+s17+$0x0], $0xffff  }
0x2d3: {  	[tilespmem:s1+$0x1AE30] =	vst v59;
	v47 =	vadd.s32 v25, v51;
	v12 =	vld.idx.msk [tilespmem:v42+s17+$0x0], $0xffff  }
0x2d4: {  	[tilespmem:s1+$0x1B430] =	vst v63;
	v25 =	vadd.s32 v22, v51;
	v14 =	vld.idx.msk [tilespmem:v14+s17+$0x0], $0xffff  }
0x2d5: {  	v43 =	vadd.s32 v28, v51;
	[tilespmem:s1+$0x1B620] =	vst v15;
	v15 =	vld.idx.msk [tilespmem:v50+s17+$0x0], $0xffff  }
0x2d6: {  	v44 =	vadd.s32 v35, v51;
	[tilespmem:s1+$0x1B820] =	vst v16;
	v16 =	vld.idx.msk [tilespmem:v45+s17+$0x0], $0xffff  }
0x2d7: {  	v48 =	vadd.s32 v38, v51;
	[tilespmem:s1+$0x1BA20] =	vst v17;
	v17 =	vld.idx.msk [tilespmem:v46+s17+$0x0], $0xffff  }
0x2d8: {  	v49 =	vadd.s32 v20, v51;
	[tilespmem:s1+$0x1BC20] =	vst v57;
	v57 =	vld.idx.msk [tilespmem:v47+s17+$0x0], $0xffff  }
0x2d9: {  	v19 =	vadd.s32 v33, v51;
	[tilespmem:s1+$0x1BE20] =	vst v62;
	v50 =	vld.idx.msk [tilespmem:v25+s17+$0x0], $0xffff  }
0x2da: {  	v27 =	vadd.s32 v27, v51;
	[tilespmem:s1+$0x1C620] =	vst v58;
	v58 =	vld.idx.msk [tilespmem:v43+s17+$0x0], $0xffff  }
0x2db: {  	v38 =	vadd.s32 v32, v51;
	[tilespmem:s1+$0x1C820] =	vst v54;
	v54 =	vld.idx.msk [tilespmem:v44+s17+$0x0], $0xffff  }
0x2dc: {  	v23 =	vadd.s32 v21, v51;
	v41 =	vadd.s32 v24, v51;
	[tilespmem:s1+$0x1C020] =	vst v52;
	v24 =	vld.idx.msk [tilespmem:v48+s17+$0x0], $0xffff  }
0x2dd: {  	v42 =	vadd.s32 v26, v51;
	[tilespmem:s1+$0x1C220] =	vst v55;
	v26 =	vld.idx.msk [tilespmem:v49+s17+$0x0], $0xffff  }
0x2de: {  	v45 =	vadd.s32 v37, v51;
	[tilespmem:s1+$0x1C420] =	vst v56;
	v28 =	vld.idx.msk [tilespmem:v19+s17+$0x0], $0xffff  }
0x2df: {  	v46 =	vadd.s32 v39, v51;
	[tilespmem:s1+$0x1CA20] =	vst v0;
	v39 =	vld.idx.msk [tilespmem:v27+s17+$0x0], $0xffff  }
0x2e0: {  	[tilespmem:s1+$0x1CC20] =	vst v1;
	v62 =	vld.idx.msk [tilespmem:v38+s17+$0x0], $0xffff  }
0x2e1: {  	[tilespmem:s1+$0x1CE20] =	vst v2;
	v61 =	vld.idx.msk [tilespmem:v23+s17+$0x0], $0xffff  }
0x2e2: {  	v47 =	vadd.s32 v36, v51;
	[tilespmem:s1+$0x1D020] =	vst v3;
	v53 =	vld.idx.msk [tilespmem:v41+s17+$0x0], $0xffff  }
0x2e3: {  	v21 =	vadd.s32 v34, v51;
	[tilespmem:s1+$0x1D220] =	vst v4;
	v0 =	vld.idx.msk [tilespmem:v45+s17+$0x0], $0xffff  }
0x2e4: {  	v25 =	vadd.s32 v18, v51;
	[tilespmem:s1+$0x1D420] =	vst v5;
	v45 =	vld [tilespmem:$0x1FFE0]  }
0x2e5: {  	v29 =	vadd.s32 v29, v51;
	[tilespmem:s1+$0x1D620] =	vst v6;
	v56 =	vld.idx.msk [tilespmem:v42+s17+$0x0], $0xffff  }
0x2e6: {  	v34 =	vadd.s32 v30, v51;
	[tilespmem:s1+$0x1D820] =	vst v7;
	v20 =	vld.idx.msk [tilespmem:v46+s17+$0x0], $0xffff  }
0x2e7: {  	v36 =	vadd.s32 v31, v51;
	[tilespmem:s1+$0x1DA20] =	vst v8;
	v22 =	vld.idx.msk [tilespmem:v47+s17+$0x0], $0xffff  }
0x2e8: {  	[tilespmem:s1+$0x1DC20] =	vst v9;
	v23 =	vadd.s32 v40, v51;
	v33 =	vld.idx.msk [tilespmem:v21+s17+$0x0], $0xffff  }
0x2e9: {  	[tilespmem:s1+$0x1DE20] =	vst v10;
	v37 =	vld.idx.msk [tilespmem:v25+s17+$0x0], $0xffff;
	v51 =	vadd.s32 v45, v51  }
0x2ea: {  	[tilespmem:s1+$0x1E420] =	vst v13;
	v46 =	vld.idx.msk [tilespmem:v29+s17+$0x0], $0xffff  }
0x2eb: {  	[tilespmem:s1+$0x1E020] =	vst v11;
	v47 =	vld.idx.msk [tilespmem:v34+s17+$0x0], $0xffff  }
0x2ec: {  	[tilespmem:s1+$0x1E220] =	vst v12;
	v55 =	vld.idx.msk [tilespmem:v36+s17+$0x0], $0xffff  }
0x2ed: {  	[tilespmem:s1+$0x1E620] =	vst v14;
	v35 =	vld.idx.msk [tilespmem:v23+s17+$0x0], $0xffff  }
0x2ee: {  	v63 =	vld.idx.msk [tilespmem:v51+s17+$0x0], $0xffff;
	[tilespmem:s1+$0x1B630] =	vst v15  }
0x2ef: {  	[tilespmem:s1+$0x1B830] =	vst v16  }
0x2f0: {  	[tilespmem:s1+$0x1BA30] =	vst v17  }
0x2f1: {  	[tilespmem:s1+$0x1BC30] =	vst v57  }
0x2f2: {  	[tilespmem:s1+$0x1BE30] =	vst v61  }
0x2f3: {  	[tilespmem:s1+$0x1C030] =	vst v50  }
0x2f4: {  	[tilespmem:s1+$0x1C230] =	vst v53  }
0x2f5: {  	[tilespmem:s1+$0x1C430] =	vst v56  }
0x2f6: {  	[tilespmem:s1+$0x1C630] =	vst v58  }
0x2f7: {  	[tilespmem:s1+$0x1C830] =	vst v54  }
0x2f8: {  	[tilespmem:s1+$0x1CA30] =	vst v0  }
0x2f9: {  	[tilespmem:s1+$0x1CC30] =	vst v20  }
0x2fa: {  	[tilespmem:s1+$0x1CE30] =	vst v22  }
0x2fb: {  	[tilespmem:s1+$0x1D030] =	vst v24  }
0x2fc: {  	[tilespmem:s1+$0x1D230] =	vst v26  }
0x2fd: {  	[tilespmem:s1+$0x1D430] =	vst v28  }
0x2fe: {  	[tilespmem:s1+$0x1D630] =	vst v33  }
0x2ff: {  	[tilespmem:s1+$0x1D830] =	vst v35  }
0x300: {  	[tilespmem:s1+$0x1DA30] =	vst v37  }
0x301: {  	p0 =	slt.u32 s31, $0x1C;
	[tilespmem:s1+$0x1DC30] =	vst v39  }
.Ltmp1:
0x302: {  	[tilespmem:s1+$0x1DE30] =	vst v46;
	(pc) =	sbr.rel @p0 .LBB2_5-.Ltmp1, $4  }
0x303: {  	[tilespmem:s1+$0x1E030] =	vst v47  }
0x304: {  	[tilespmem:s1+$0x1E230] =	vst v55  }
0x305: {  	s11 =	sadd.s32 $0x4, s31;
	v59 =	vld [tilespmem:$0x1FE60];
	[tilespmem:s1+$0x1E430] =	vst v62  }
0x306: {  	s31 =	smov.u32 s11;
	v51 =	vld [tilespmem:$0x1FE50];
	[tilespmem:s1+$0x1E630] =	vst v63  }
0x307: {  	v0 =	vld [tilespmem:$0x1FFC0]  }
0x308: {  	v1 =	vld [tilespmem:$0x1FF00]  }
0x309: {  	v2 =	vld [tilespmem:$0x1FFD0]  }
0x30a: {  	v3 =	vld [tilespmem:$0x1FE80]  }
0x30b: {  	v4 =	vld [tilespmem:$0x1FFB0]  }
0x30c: {  	v5 =	vld [tilespmem:$0x1FF10]  }
0x30d: {  	v6 =	vld [tilespmem:$0x1FFA0]  }
0x30e: {  	v7 =	vld [tilespmem:$0x1FE90]  }
0x30f: {  	v8 =	vld [tilespmem:$0x1FF40]  }
0x310: {  	v9 =	vld [tilespmem:$0x1FF20]  }
0x311: {  	v10 =	vld [tilespmem:$0x1FF30]  }
0x312: {  	s29 =	sadd.s32 $0x1, s29;
	v11 =	vld [tilespmem:$0x1FEA0]  }
0x313: {  	v12 =	vld [tilespmem:$0x1FEF0];
	p0 =	sne.s32 s29, $0x10  }
.Ltmp2:
0x314: {  	v13 =	vld [tilespmem:$0x1FEB0];
	(pc) =	sbr.rel @p0 .LBB2_2-.Ltmp2, $4  }
0x315: {  	s1 =	sadd.s32 s5, s30;
	v14 =	vld [tilespmem:$0x1FEC0]  }
0x316: {  	v15 =	vld [tilespmem:$0x1FED0];
	s1 =	sshrl.u32 s1, $0x3  }
0x317: {  	v16 =	vld [tilespmem:$0x1FE70];
	s1 =	sadd.s32 s4, s1  }
0x318: {  	v17 =	vld [tilespmem:$0x1FEE0];
	[hbm4b:s1+s21] =	stream.strided.scatter [tilespmem:s24], [sflag:$0x4], $0x6400, s22, s21, $0x38  }
0x319: {  	s28 =	sadd.s32 $0x1, s28  }
0x31a: {  	_ =	swait.ge [sflag:s25], $0x6400;
	p0 =	sne.s32 s28, s7  }
.Ltmp3:
0x31b: {  	[sflag:s25] =	ssyncset.done $0x0;
	(pc) =	sbr.rel @p0 .LBB2_1-.Ltmp3, $4  }
0x31c: {  	[sflag:s25] =	ssyncadd.s32 $0xFFFF9C00  }
0x31d: {  	_ =	swait.ge [sflag:s26], $0x6400  }
0x31e: {  	[sflag:s26] =	ssyncset.done $0x0  }
0x31f: {  	[sflag:s26] =	ssyncadd.s32 $0xFFFF9C00  }
0x320: {  	_ =	sfence.sel $0x180000  }
0x321: {  	[bflag:$0x0] =	sbarrier.arrive $0xFFFF  }
0x322: {  	_ =	strace $0x90000047  }
0x323: {  	s0 =	stileid.u32;
	[bflag:$0x2] =	sbarrier.arrive $0xFFFF  }
0x324: {  	p0 =	sne.s32 s0, $0x0;
	s0 =	rddreg [dreg:$0x3]  }
0x325: {  	s0 =	sadd.s32 @!p0 $0x100000, s0  }
0x326: {  	[sflag:s0] =	ssyncadd.tile.s32 @!p0 $0x1;
	_ =	shalt  }
.Lfunc_end2:
_tile_overlayer_lowered:
.L_overlay_start_2:
0x327: {  	(tag) =	ssettag $0x2  }
0x328: {  	s0 =	rddreg [dreg:$0x0];
	s2 =	stileid.u32  }
0x329: {  	s1 =	rddreg [dreg:$0x1];
	p0 =	sne.s32 s2, $0x0  }
0x32a: {  	s3 =	rddreg [dreg:$0x2];
	[bflag:$0x3] =	sbarrier.arrive $0xFFFF;
	s2 =	simm.s32 @!p0 $0x1C05  }
0x32b: {  	[timem:s3], [sflag:s2] =	dma.local @!p0 [hbm:s0], s1  }
0x32c: {  	s0 =	simm.s32 @!p0 $0x5  }
0x32d: {  	_ =	swait.ge @!p0 [sflag:s0], s1  }
0x32e: {  	s1 =	ssub.s32 @!p0 $0x0, s1;
	[sflag:s0] =	ssyncset.done @!p0 $0x0  }
0x32f: {  	[sflag:s0] =	ssyncadd.s32 @!p0 s1  }
0x330: {  	[bflag:$0x3] =	sbarrier.arrive $0xFFFF  }
0x331: {  	_ =	shalt  }

</sc_bundles>
